<compile_context>
chip_gen: v7x
topology: tpu7x:2x2x1
jax: 0.10.2.dev20260603
libtpu: 0.0.44.dev20260713+nightly
codegen_flags: <defaults>
</compile_context>

<pallas_src>
import functools

import jax
import jax.numpy as jnp
from jax import lax
from jax.experimental import pallas as pl
from jax.experimental.pallas import tpu as pltpu
from jax.experimental.pallas import tpu_sc as plsc

_N = 10000
_E = 320000
_F_IN = 128
_DIM = 64
_G = 64
_C = 16

_NC = 2
_NS = 16
_NW = _NC * _NS

_CHUNK = 128
_CPW = 80
_EPAD = _NW * _CPW * _CHUNK
_RPS = 632
_TPS = _N // _NS
_HD = _DIM // 2
_ACC = _NS * _RPS

_BLK = 2000
_NBLK = _N // _BLK


def _seg_sum_body(p_hbm, src_hbm, dst_hbm, out_hbm,
                  src_v, dst_v, rows_a, rows_b, zbuf_v, ptab, acc,
                  sem_a, sem_b):
    c = lax.axis_index("c")
    s = lax.axis_index("s")
    w = c * _NS + s

    def _zero(i, carry):
        for j in range(_HD // 16):
            zbuf_v[i, pl.ds(j * 16, 16)] = jnp.zeros((16,), jnp.float32)
        return carry
    lax.fori_loop(0, _RPS, _zero, 0)

    pltpu.sync_copy(src_hbm.at[w], src_v)
    pltpu.sync_copy(dst_hbm.at[w], dst_v)

    for h in range(2):
        pltpu.sync_copy(zbuf_v, acc.at[pl.ds(s * _RPS, _RPS)])
        pltpu.sync_copy(p_hbm.at[pl.ds(s * _TPS, _TPS), pl.ds(h * _HD, _HD)],
                        ptab.at[pl.ds(s * _TPS, _TPS)])
        plsc.subcore_barrier()

        pltpu.async_copy(ptab.at[src_v.at[0]], rows_a, sem_a)

        def _pair(i, carry):
            j = 2 * i
            pltpu.async_copy(ptab.at[src_v.at[j + 1]], rows_b, sem_b)
            pltpu.make_async_copy(ptab.at[src_v.at[j]], rows_a, sem_a).wait()
            pltpu.sync_copy(rows_a, acc.at[dst_v.at[j]], add=True)
            pltpu.async_copy(ptab.at[src_v.at[j + 2]], rows_a, sem_a)
            pltpu.make_async_copy(ptab.at[src_v.at[j + 1]], rows_b,
                                  sem_b).wait()
            pltpu.sync_copy(rows_b, acc.at[dst_v.at[j + 1]], add=True)
            return carry
        lax.fori_loop(0, _CPW // 2 - 1, _pair, 0)

        pltpu.async_copy(ptab.at[src_v.at[_CPW - 1]], rows_b, sem_b)
        pltpu.make_async_copy(ptab.at[src_v.at[_CPW - 2]], rows_a,
                              sem_a).wait()
        pltpu.sync_copy(rows_a, acc.at[dst_v.at[_CPW - 2]], add=True)
        pltpu.make_async_copy(ptab.at[src_v.at[_CPW - 1]], rows_b,
                              sem_b).wait()
        pltpu.sync_copy(rows_b, acc.at[dst_v.at[_CPW - 1]], add=True)
        plsc.subcore_barrier()

        pltpu.sync_copy(acc.at[pl.ds(s * _RPS, _RPS)], zbuf_v)
        pltpu.sync_copy(zbuf_v,
                        out_hbm.at[c, h, pl.ds(s * _RPS, _RPS), pl.ds(0, _HD)])
        lax.fori_loop(0, _RPS, _zero, 0)


@functools.cache
def _make_seg_sum():
    return pl.kernel(
        _seg_sum_body,
        out_type=jax.ShapeDtypeStruct((_NC, 2, _ACC, 128), jnp.float32),
        mesh=plsc.VectorSubcoreMesh(core_axis_name="c", subcore_axis_name="s",
                                    num_cores=_NC, num_subcores=_NS),
        scratch_types=[
            pltpu.VMEM((_CPW, _CHUNK), jnp.int32),
            pltpu.VMEM((_CPW, _CHUNK), jnp.int32),
            pltpu.VMEM((_CHUNK, _HD), jnp.float32),
            pltpu.VMEM((_CHUNK, _HD), jnp.float32),
            pltpu.VMEM((_RPS, _HD), jnp.float32),
            pltpu.VMEM_SHARED((_N, _HD), jnp.float32),
            pltpu.VMEM_SHARED((_ACC, _HD), jnp.float32),
            pltpu.SemaphoreType.DMA,
            pltpu.SemaphoreType.DMA,
        ],
        compiler_params=pltpu.CompilerParams(use_tc_tiling_on_sc=False),
    )


def _pad_store(o_ref, t):
    o_ref[...] = jnp.concatenate(
        [t, jnp.zeros((t.shape[0], 128 - _DIM), jnp.float32)], axis=1)


def _mm_body(x_ref, w_ref, o_ref):
    _pad_store(o_ref, jnp.dot(x_ref[...], w_ref[...],
                              preferred_element_type=jnp.float32))


def _mm(x, w):
    k = x.shape[1]
    return pl.pallas_call(
        _mm_body,
        grid=(_NBLK,),
        in_specs=[
            pl.BlockSpec((_BLK, k), lambda i: (i, 0)),
            pl.BlockSpec((k, _DIM), lambda i: (0, 0)),
        ],
        out_specs=pl.BlockSpec((_BLK, 128), lambda i: (i, 0)),
        out_shape=jax.ShapeDtypeStruct((_N, 128), jnp.float32),
    )(x, w)


def _agg_sum(agg_ref):
    return jnp.concatenate(
        [agg_ref[0, 0, :, :_HD] + agg_ref[1, 0, :, :_HD],
         agg_ref[0, 1, :, :_HD] + agg_ref[1, 1, :, :_HD]], axis=1)


def _layer_mid_body(p_ref, agg_ref, b1_ref, w2_ref, b2_ref, g_ref, bt_ref,
                    w1n_ref, pn_ref):
    t = jnp.maximum(p_ref[:, :_DIM] + _agg_sum(agg_ref) + b1_ref[...], 0.0)
    z = jnp.dot(t, w2_ref[...], preferred_element_type=jnp.float32)
    u = g_ref[...] * jnp.maximum(z + b2_ref[...], 0.0) + bt_ref[...]
    _pad_store(pn_ref, jnp.dot(u, w1n_ref[...],
                               preferred_element_type=jnp.float32))


def _layer_last_body(p_ref, agg_ref, b1_ref, w2_ref, b2_ref, g_ref, bt_ref,
                     u_ref):
    t = jnp.maximum(p_ref[:, :_DIM] + _agg_sum(agg_ref) + b1_ref[...], 0.0)
    z = jnp.dot(t, w2_ref[...], preferred_element_type=jnp.float32)
    u_ref[...] = g_ref[...] * jnp.maximum(z + b2_ref[...], 0.0) + bt_ref[...]


def _layer(p, agg, b1, w2, b2, g, bt, w1n):
    vec = pl.BlockSpec((1, _DIM), lambda i: (0, 0))
    sq = pl.BlockSpec((_DIM, _DIM), lambda i: (0, 0))
    specs = [
        pl.BlockSpec((_BLK, 128), lambda i: (i, 0)),
        pl.BlockSpec((_NC, 2, _BLK, 128), lambda i: (0, 0, i, 0)),
        vec, sq, vec, vec, vec,
    ]
    args = [p, agg, b1, w2, b2, g, bt]
    if w1n is not None:
        specs.append(sq)
        args.append(w1n)
        return pl.pallas_call(
            _layer_mid_body,
            grid=(_NBLK,),
            in_specs=specs,
            out_specs=pl.BlockSpec((_BLK, 128), lambda i: (i, 0)),
            out_shape=jax.ShapeDtypeStruct((_N, 128), jnp.float32),
            compiler_params=pltpu.CompilerParams(
                allow_input_fusion=[False, True] + [False] * 6),
        )(*args)
    return pl.pallas_call(
        _layer_last_body,
        grid=(_NBLK,),
        in_specs=specs,
        out_specs=pl.BlockSpec((_BLK, _DIM), lambda i: (i, 0)),
        out_shape=jax.ShapeDtypeStruct((_N, _DIM), jnp.float32),
        compiler_params=pltpu.CompilerParams(
            allow_input_fusion=[False, True] + [False] * 5),
    )(*args)


def _head_body(h_ref, b_ref, w1_ref, b1_ref, w2_ref, b2_ref, o_ref, acc_ref):
    i = pl.program_id(0)

    @pl.when(i == 0)
    def _():
        acc_ref[...] = jnp.zeros_like(acc_ref)

    seg = b_ref[0]
    gid = lax.broadcasted_iota(jnp.int32, (_G, _BLK), 0)
    onehot = (gid == seg).astype(jnp.float32)
    acc_ref[...] += jnp.dot(onehot, h_ref[...],
                            preferred_element_type=jnp.float32)

    @pl.when(i == _NBLK - 1)
    def _():
        pooled = acc_ref[...]
        hfc = jnp.maximum(
            jnp.dot(pooled, w1_ref[...], preferred_element_type=jnp.float32)
            + b1_ref[...], 0.0)
        logits = jnp.dot(hfc, w2_ref[...],
                         preferred_element_type=jnp.float32) + b2_ref[...]
        m = jnp.max(logits, axis=-1, keepdims=True)
        e = jnp.exp(logits - m)
        lse = jnp.log(jnp.sum(e, axis=-1, keepdims=True))
        o_ref[...] = logits - m - lse


def _head(h, batch3, w1, b1, w2, b2):
    return pl.pallas_call(
        _head_body,
        grid=(_NBLK,),
        in_specs=[
            pl.BlockSpec((_BLK, _DIM), lambda i: (i, 0)),
            pl.BlockSpec((1, 1, _BLK), lambda i: (i, 0, 0)),
            pl.BlockSpec((_DIM, _DIM), lambda i: (0, 0)),
            pl.BlockSpec((1, _DIM), lambda i: (0, 0)),
            pl.BlockSpec((_DIM, _C), lambda i: (0, 0)),
            pl.BlockSpec((1, _C), lambda i: (0, 0)),
        ],
        out_specs=pl.BlockSpec((_G, _C), lambda i: (0, 0)),
        out_shape=jax.ShapeDtypeStruct((_G, _C), jnp.float32),
        scratch_shapes=[pltpu.VMEM((_G, _DIM), jnp.float32)],
    )(h, batch3, w1, b1, w2, b2)


def kernel(x, edge_index, batch, params):
    pad = _EPAD - _E
    src_p = jnp.pad(edge_index[0], (0, pad)).reshape(_NW, _CPW, _CHUNK)
    dst_p = jnp.pad(edge_index[1], (0, pad),
                    constant_values=_N).reshape(_NW, _CPW, _CHUNK)
    batch3 = batch.reshape(_NBLK, 1, _BLK)

    bn_scale = 1.0 / jnp.sqrt(jnp.float32(1.0 + 1e-5))
    row = lambda v: v.reshape(1, _DIM)

    p = _mm(x, params['W1_0'])
    u = None
    for l in range(5):
        agg = _make_seg_sum()(p, src_p, dst_p)
        g = row(params['gamma_%d' % l] * bn_scale)
        w1n = params['W1_%d' % (l + 1)] if l < 4 else None
        out = _layer(p, agg, row(params['b1_%d' % l]), params['W2_%d' % l],
                     row(params['b2_%d' % l]), g, row(params['beta_%d' % l]),
                     w1n)
        if l < 4:
            p = out
        else:
            u = out

    return _head(u, batch3, params['fc1_W'], row(params['fc1_b']),
                 params['fc2_W'], params['fc2_b'].reshape(1, _C))

# --- scband reference (transcript-rebuilt; emitter-appended) ---
"""Pipeline reference for scband-gin-classifier-266287972761 (READ-ONLY COPY).

The authoritative reference and input builder live on the scoring server;
editing this copy changes nothing except your own understanding.
"""

import jax, jax.numpy as jnp
import numpy as np

N = 10000
E = 320000
F_IN = 128
DIM = 64
G = 64
C = 16


def _make_params(key):
    p = {}
    dims_in = [F_IN, DIM, DIM, DIM, DIM]
    k = key
    for l in range(5):
        k, k1, k2 = jax.random.split(k, 3)
        p['W1_%d' % l] = jax.random.normal(k1, (dims_in[l], DIM), dtype=jnp.float32) * 0.05
        p['b1_%d' % l] = jnp.zeros((DIM,), jnp.float32)
        p['W2_%d' % l] = jax.random.normal(k2, (DIM, DIM), dtype=jnp.float32) * 0.05
        p['b2_%d' % l] = jnp.zeros((DIM,), jnp.float32)
        p['gamma_%d' % l] = jnp.ones((DIM,), jnp.float32)
        p['beta_%d' % l] = jnp.zeros((DIM,), jnp.float32)
    k, k1, k2 = jax.random.split(k, 3)
    p['fc1_W'] = jax.random.normal(k1, (DIM, DIM), dtype=jnp.float32) * 0.05
    p['fc1_b'] = jnp.zeros((DIM,), jnp.float32)
    p['fc2_W'] = jax.random.normal(k2, (DIM, C), dtype=jnp.float32) * 0.05
    p['fc2_b'] = jnp.zeros((C,), jnp.float32)
    return p


def setup_inputs(seed: int = 0):
    key = jax.random.key(seed)
    k1, k2, k3, k4 = jax.random.split(key, 4)
    x = jax.random.normal(k1, (N, F_IN), dtype=jnp.float32)
    edge_index = jax.random.randint(k2, (2, E), 0, N, dtype=jnp.int32)
    batch = jnp.sort(jax.random.randint(k3, (N,), 0, G, dtype=jnp.int32))
    params = _make_params(k4)
    return {'x': x, 'edge_index': edge_index, 'batch': batch, 'params': params}


def reference(x, edge_index, batch, params):
    # GIN_Classifier.forward in eval mode: BatchNorm1d uses running stats
    # (mean=0, var=1 at init), dropout is identity. GINConv eps=0.
    src = edge_index[0]
    dst = edge_index[1]
    bn_eps = 1e-5
    h = x
    for l in range(5):
        # GINConv: nn((1+eps)*x + sum_{j->i} x_j), aggregated at target (dst)
        agg = jax.ops.segment_sum(h[src], dst, num_segments=N)
        z = h + agg
        z = jnp.maximum(z @ params['W1_%d' % l] + params['b1_%d' % l], 0.0)
        z = z @ params['W2_%d' % l] + params['b2_%d' % l]
        z = jnp.maximum(z, 0.0)  # F.relu after conv
        # BatchNorm1d (eval): (z - 0)/sqrt(1+eps)*gamma + beta
        z = params['gamma_%d' % l] * z / jnp.sqrt(1.0 + bn_eps) + params['beta_%d' % l]
        h = z
    pooled = jax.ops.segment_sum(h, batch, num_segments=G)  # global_add_pool
    hfc = jnp.maximum(pooled @ params['fc1_W'] + params['fc1_b'], 0.0)
    logits = hfc @ params['fc2_W'] + params['fc2_b']  # dropout identity in eval
    return jax.nn.log_softmax(logits, axis=-1)

if __name__ == "__main__":
    import jax
    _d = setup_inputs()
    print(jax.jit(kernel)(*tuple(_d.values())))

</pallas_src>

<mosaic_0001>
#map = affine_map<(d0, d1) -> (0, 0)>
#map1 = affine_map<(d0, d1) -> (0, 0, 0)>
#map2 = affine_map<(d0, d1) -> (0, 0, 0, 0)>
module attributes {stable_mosaic.version = 14 : i64} {
  func.func @_seg_sum_body(%arg0: i32, %arg1: i32, %arg2: memref<10000x128xf32, #tpu.memory_space<hbm>>, %arg3: memref<32x80x128xi32, #tpu.memory_space<hbm>>, %arg4: memref<32x80x128xi32, #tpu.memory_space<hbm>>, %arg5: memref<2x2x10112x128xf32, #tpu.memory_space<hbm>>, %arg6: memref<80x128xi32, #tpu.memory_space<vmem>>, %arg7: memref<80x128xi32, #tpu.memory_space<vmem>>, %arg8: memref<128x32xf32, #tpu.memory_space<vmem>>, %arg9: memref<128x32xf32, #tpu.memory_space<vmem>>, %arg10: memref<632x32xf32, #tpu.memory_space<vmem>>, %arg11: memref<10000x32xf32, #tpu.memory_space<vmem_shared>>, %arg12: memref<10112x32xf32, #tpu.memory_space<vmem_shared>>, %arg13: memref<!tpu.dma_semaphore, #tpu.memory_space<semaphore_mem>>, %arg14: memref<!tpu.dma_semaphore, #tpu.memory_space<semaphore_mem>>) attributes {dimension_semantics = [#tpu.dimension_semantics<core_parallel>, #tpu.dimension_semantics<subcore_parallel>], iteration_bounds = array<i64: 2, 16>, scalar_prefetch = 0 : i64, scratch_operands = 9 : i64, tpu.core_type = #tpu.core_type<sc_vector_subcore>, window_params = [{transform_indices = #map}, {transform_indices = #map1}, {transform_indices = #map1}, {transform_indices = #map2}]} {
    %mul3A = arith.constant 16 : i32
    %mul3A_0 = arith.muli %arg0, %mul3A : i32
    %add3A = arith.addi %mul3A_0, %arg1 : i32
    %scan3A = arith.constant 0 : i32
    %scan3A_1 = arith.constant 0 : i32
    %scan3A_2 = arith.constant 632 : i32
    %scan3A_3 = arith.addi %scan3A_1, %scan3A_2 : i32
    %scan3A_4 = arith.constant 1 : i32
    scf.for %scan3A_112 = %scan3A_1 to %scan3A_3 step %scan3A_4  : i32 {
      %broadcast_in_dim3A = arith.constant 0.000000e+00 : f32
      %broadcast_in_dim3A_113 = vector.broadcast %broadcast_in_dim3A : f32 to vector<16xf32>
      %swap3A = arith.index_cast %scan3A_112 : i32 to index
      %swap3A_114 = arith.constant 0 : index
      %swap3A_115 = tpu.vector_load %arg10[%swap3A, %swap3A_114] {strides = array<i32>} : memref<632x32xf32, #tpu.memory_space<vmem>>, vector<1x16xf32>,
      %swap3A_116 = vector.shape_cast %swap3A_115 : vector<1x16xf32> to vector<16xf32>
      %swap3A_117 = vector.shape_cast %broadcast_in_dim3A_113 : vector<16xf32> to vector<1x16xf32>
      tpu.vector_store %arg10[%swap3A, %swap3A_114], %swap3A_117 {strides = array<i32>} : memref<632x32xf32, #tpu.memory_space<vmem>>, vector<1x16xf32>,
      %broadcast_in_dim3A_118 = arith.constant 0.000000e+00 : f32
      %broadcast_in_dim3A_119 = vector.broadcast %broadcast_in_dim3A_118 : f32 to vector<16xf32>
      %swap3A_120 = arith.index_cast %scan3A_112 : i32 to index
      %swap3A_121 = arith.constant 16 : index
      %swap3A_122 = tpu.vector_load %arg10[%swap3A_120, %swap3A_121] {strides = array<i32>} : memref<632x32xf32, #tpu.memory_space<vmem>>, vector<1x16xf32>,
      %swap3A_123 = vector.shape_cast %swap3A_122 : vector<1x16xf32> to vector<16xf32>
      %swap3A_124 = vector.shape_cast %broadcast_in_dim3A_119 : vector<16xf32> to vector<1x16xf32>
      tpu.vector_store %arg10[%swap3A_120, %swap3A_121], %swap3A_124 {strides = array<i32>} : memref<632x32xf32, #tpu.memory_space<vmem>>, vector<1x16xf32>,
    }
    %scan3A_5 = arith.constant 632 : i32
    "tpu.region"() ({
      %run_scoped3A_112 = tpu.sem_alloc : memref<!tpu.dma_semaphore, #tpu.memory_space<semaphore_mem>>
      %dma_start3A_113 = arith.constant 0 : i32
      %dma_start3A_114 = arith.constant 0 : i32
      %dma_start3A_115 = tpu.memref_slice %arg3[%add3A, %dma_start3A_113, %dma_start3A_114] : memref<32x80x128xi32, #tpu.memory_space<hbm>> -> memref<1x80x128xi32, #tpu.memory_space<hbm>>
      %dma_start3A_116 = tpu.memref_squeeze %dma_start3A_115 : memref<1x80x128xi32, #tpu.memory_space<hbm>> -> memref<80x128xi32, #tpu.memory_space<hbm>>
      %dma_start3A_117 = arith.constant 0 : i32
      %dma_start3A_118 = arith.constant 0 : i32
      %dma_start3A_119 = tpu.memref_slice %arg3[%add3A, %dma_start3A_117, %dma_start3A_118] : memref<32x80x128xi32, #tpu.memory_space<hbm>> -> memref<1x80x128xi32, #tpu.memory_space<hbm>>
      %dma_start3A_120 = tpu.memref_squeeze %dma_start3A_119 : memref<1x80x128xi32, #tpu.memory_space<hbm>> -> memref<80x128xi32, #tpu.memory_space<hbm>>
      tpu.enqueue_dma source(%dma_start3A_120 : memref<80x128xi32, #tpu.memory_space<hbm>>) target(%arg6 : memref<80x128xi32, #tpu.memory_space<vmem>>) target_semaphore(%run_scoped3A_112 : memref<!tpu.dma_semaphore, #tpu.memory_space<semaphore_mem>>)
      %dma_wait3A_121 = arith.constant 0 : i32
      %dma_wait3A_122 = arith.constant 0 : i32
      %dma_wait3A_123 = tpu.memref_slice %arg3[%add3A, %dma_wait3A_121, %dma_wait3A_122] : memref<32x80x128xi32, #tpu.memory_space<hbm>> -> memref<1x80x128xi32, #tpu.memory_space<hbm>>
      %dma_wait3A_124 = tpu.memref_squeeze %dma_wait3A_123 : memref<1x80x128xi32, #tpu.memory_space<hbm>> -> memref<80x128xi32, #tpu.memory_space<hbm>>
      %dma_wait3A_125 = arith.constant 0 : i32
      %dma_wait3A_126 = arith.constant 0 : i32
      %dma_wait3A_127 = tpu.memref_slice %arg3[%add3A, %dma_wait3A_125, %dma_wait3A_126] : memref<32x80x128xi32, #tpu.memory_space<hbm>> -> memref<1x80x128xi32, #tpu.memory_space<hbm>>
      %dma_wait3A_128 = tpu.memref_squeeze %dma_wait3A_127 : memref<1x80x128xi32, #tpu.memory_space<hbm>> -> memref<80x128xi32, #tpu.memory_space<hbm>>
      tpu.wait_dma2 semaphore(%run_scoped3A_112 : memref<!tpu.dma_semaphore, #tpu.memory_space<semaphore_mem>>) src(%dma_wait3A_128 : memref<80x128xi32, #tpu.memory_space<hbm>>) dst(%arg6 : memref<80x128xi32, #tpu.memory_space<vmem>>)
      tpu.yield
    }) : () -> ()
    "tpu.region"() ({
      %run_scoped3A_112 = tpu.sem_alloc : memref<!tpu.dma_semaphore, #tpu.memory_space<semaphore_mem>>
      %dma_start3A_113 = arith.constant 0 : i32
      %dma_start3A_114 = arith.constant 0 : i32
      %dma_start3A_115 = tpu.memref_slice %arg4[%add3A, %dma_start3A_113, %dma_start3A_114] : memref<32x80x128xi32, #tpu.memory_space<hbm>> -> memref<1x80x128xi32, #tpu.memory_space<hbm>>
      %dma_start3A_116 = tpu.memref_squeeze %dma_start3A_115 : memref<1x80x128xi32, #tpu.memory_space<hbm>> -> memref<80x128xi32, #tpu.memory_space<hbm>>
      %dma_start3A_117 = arith.constant 0 : i32
      %dma_start3A_118 = arith.constant 0 : i32
      %dma_start3A_119 = tpu.memref_slice %arg4[%add3A, %dma_start3A_117, %dma_start3A_118] : memref<32x80x128xi32, #tpu.memory_space<hbm>> -> memref<1x80x128xi32, #tpu.memory_space<hbm>>
      %dma_start3A_120 = tpu.memref_squeeze %dma_start3A_119 : memref<1x80x128xi32, #tpu.memory_space<hbm>> -> memref<80x128xi32, #tpu.memory_space<hbm>>
      tpu.enqueue_dma source(%dma_start3A_120 : memref<80x128xi32, #tpu.memory_space<hbm>>) target(%arg7 : memref<80x128xi32, #tpu.memory_space<vmem>>) target_semaphore(%run_scoped3A_112 : memref<!tpu.dma_semaphore, #tpu.memory_space<semaphore_mem>>)
      %dma_wait3A_121 = arith.constant 0 : i32
      %dma_wait3A_122 = arith.constant 0 : i32
      %dma_wait3A_123 = tpu.memref_slice %arg4[%add3A, %dma_wait3A_121, %dma_wait3A_122] : memref<32x80x128xi32, #tpu.memory_space<hbm>> -> memref<1x80x128xi32, #tpu.memory_space<hbm>>
      %dma_wait3A_124 = tpu.memref_squeeze %dma_wait3A_123 : memref<1x80x128xi32, #tpu.memory_space<hbm>> -> memref<80x128xi32, #tpu.memory_space<hbm>>
      %dma_wait3A_125 = arith.constant 0 : i32
      %dma_wait3A_126 = arith.constant 0 : i32
      %dma_wait3A_127 = tpu.memref_slice %arg4[%add3A, %dma_wait3A_125, %dma_wait3A_126] : memref<32x80x128xi32, #tpu.memory_space<hbm>> -> memref<1x80x128xi32, #tpu.memory_space<hbm>>
      %dma_wait3A_128 = tpu.memref_squeeze %dma_wait3A_127 : memref<1x80x128xi32, #tpu.memory_space<hbm>> -> memref<80x128xi32, #tpu.memory_space<hbm>>
      tpu.wait_dma2 semaphore(%run_scoped3A_112 : memref<!tpu.dma_semaphore, #tpu.memory_space<semaphore_mem>>) src(%dma_wait3A_128 : memref<80x128xi32, #tpu.memory_space<hbm>>) dst(%arg7 : memref<80x128xi32, #tpu.memory_space<vmem>>)
      tpu.yield
    }) : () -> ()
    %mul3A_6 = arith.constant 632 : i32
    %mul3A_7 = arith.muli %arg1, %mul3A_6 : i32
    "tpu.region"() ({
      %run_scoped3A_112 = tpu.sem_alloc : memref<!tpu.dma_semaphore, #tpu.memory_space<semaphore_mem>>
      %dma_start3A_113 = arith.constant 0 : i32
      %dma_start3A_114 = tpu.memref_slice %arg12[%mul3A_7, %dma_start3A_113] : memref<10112x32xf32, #tpu.memory_space<vmem_shared>> -> memref<632x32xf32, #tpu.memory_space<vmem_shared>>
      %dma_start3A_115 = arith.constant 0 : i32
      %dma_start3A_116 = tpu.memref_slice %arg12[%mul3A_7, %dma_start3A_115] : memref<10112x32xf32, #tpu.memory_space<vmem_shared>> -> memref<632x32xf32, #tpu.memory_space<vmem_shared>>
      tpu.enqueue_dma source(%arg10 : memref<632x32xf32, #tpu.memory_space<vmem>>) target(%dma_start3A_116 : memref<632x32xf32, #tpu.memory_space<vmem_shared>>) target_semaphore(%run_scoped3A_112 : memref<!tpu.dma_semaphore, #tpu.memory_space<semaphore_mem>>)
      %dma_wait3A_117 = arith.constant 0 : i32
      %dma_wait3A_118 = tpu.memref_slice %arg12[%mul3A_7, %dma_wait3A_117] : memref<10112x32xf32, #tpu.memory_space<vmem_shared>> -> memref<632x32xf32, #tpu.memory_space<vmem_shared>>
      %dma_wait3A_119 = arith.constant 0 : i32
      %dma_wait3A_120 = tpu.memref_slice %arg12[%mul3A_7, %dma_wait3A_119] : memref<10112x32xf32, #tpu.memory_space<vmem_shared>> -> memref<632x32xf32, #tpu.memory_space<vmem_shared>>
      tpu.wait_dma2 semaphore(%run_scoped3A_112 : memref<!tpu.dma_semaphore, #tpu.memory_space<semaphore_mem>>) src(%arg10 : memref<632x32xf32, #tpu.memory_space<vmem>>) dst(%dma_wait3A_120 : memref<632x32xf32, #tpu.memory_space<vmem_shared>>)
      tpu.yield
    }) : () -> ()
    %mul3A_8 = arith.constant 625 : i32
    %mul3A_9 = arith.muli %arg1, %mul3A_8 : i32
    %mul3A_10 = arith.constant 625 : i32
    %mul3A_11 = arith.muli %arg1, %mul3A_10 : i32
    "tpu.region"() ({
      %run_scoped3A_112 = tpu.sem_alloc : memref<!tpu.dma_semaphore, #tpu.memory_space<semaphore_mem>>
      %dma_start3A_113 = arith.constant 0 : i32
      %dma_start3A_114 = tpu.memref_slice %arg11[%mul3A_11, %dma_start3A_113] : memref<10000x32xf32, #tpu.memory_space<vmem_shared>> -> memref<625x32xf32, #tpu.memory_space<vmem_shared>>
      %dma_start3A_115 = arith.constant 0 : i32
      %dma_start3A_116 = tpu.memref_slice %arg2[%mul3A_9, %dma_start3A_115] : memref<10000x128xf32, #tpu.memory_space<hbm>> -> memref<625x32xf32, #tpu.memory_space<hbm>>
      tpu.enqueue_dma source(%dma_start3A_116 : memref<625x32xf32, #tpu.memory_space<hbm>>) target(%dma_start3A_114 : memref<625x32xf32, #tpu.memory_space<vmem_shared>>) target_semaphore(%run_scoped3A_112 : memref<!tpu.dma_semaphore, #tpu.memory_space<semaphore_mem>>)
      %dma_wait3A_117 = arith.constant 0 : i32
      %dma_wait3A_118 = tpu.memref_slice %arg11[%mul3A_11, %dma_wait3A_117] : memref<10000x32xf32, #tpu.memory_space<vmem_shared>> -> memref<625x32xf32, #tpu.memory_space<vmem_shared>>
      %dma_wait3A_119 = arith.constant 0 : i32
      %dma_wait3A_120 = tpu.memref_slice %arg2[%mul3A_9, %dma_wait3A_119] : memref<10000x128xf32, #tpu.memory_space<hbm>> -> memref<625x32xf32, #tpu.memory_space<hbm>>
      tpu.wait_dma2 semaphore(%run_scoped3A_112 : memref<!tpu.dma_semaphore, #tpu.memory_space<semaphore_mem>>) src(%dma_wait3A_120 : memref<625x32xf32, #tpu.memory_space<hbm>>) dst(%dma_wait3A_118 : memref<625x32xf32, #tpu.memory_space<vmem_shared>>)
      tpu.yield
    }) : () -> ()
    %barrier3A = arith.constant 0 : index
    tpu.barrier barrier_id(%barrier3A)
    %dma_start3A = arith.constant 0 : i32
    %dma_start3A_12 = arith.constant 0 : i32
    %dma_start3A_13 = tpu.memref_slice %arg6[%dma_start3A, %dma_start3A_12] : memref<80x128xi32, #tpu.memory_space<vmem>> -> memref<1x128xi32, #tpu.memory_space<vmem>>
    %dma_start3A_14 = tpu.memref_squeeze %dma_start3A_13 : memref<1x128xi32, #tpu.memory_space<vmem>> -> memref<128xi32, #tpu.memory_space<vmem>>
    %dma_start3A_15 = arith.constant 0 : i32
    %dma_start3A_16 = arith.constant 0 : i32
    %dma_start3A_17 = tpu.memref_slice %arg11[%dma_start3A_15, %dma_start3A_16] : memref<10000x32xf32, #tpu.memory_space<vmem_shared>> -> memref<10000x32xf32, #tpu.memory_space<vmem_shared>>
    tpu.enqueue_indirect_dma source(%dma_start3A_17 : memref<10000x32xf32, #tpu.memory_space<vmem_shared>>) target(%arg8 : memref<128x32xf32, #tpu.memory_space<vmem>>) offsets(%dma_start3A_14 : memref<128xi32, #tpu.memory_space<vmem>>) semaphore(%arg13 : memref<!tpu.dma_semaphore, #tpu.memory_space<semaphore_mem>>)
    %scan3A_18 = arith.constant 0 : i32
    %scan3A_19 = arith.constant 0 : i32
    %scan3A_20 = arith.constant 39 : i32
    %scan3A_21 = arith.addi %scan3A_19, %scan3A_20 : i32
    %scan3A_22 = arith.constant 1 : i32
    scf.for %scan3A_112 = %scan3A_19 to %scan3A_21 step %scan3A_22  : i32 {
      %mul3A_113 = arith.constant 2 : i32
      %mul3A_114 = arith.muli %mul3A_113, %scan3A_112 : i32
      %add3A_115 = arith.constant 1 : i32
      %add3A_116 = arith.addi %mul3A_114, %add3A_115 : i32
      %dma_start3A_117 = arith.constant 0 : i32
      %dma_start3A_118 = tpu.memref_slice %arg6[%add3A_116, %dma_start3A_117] : memref<80x128xi32, #tpu.memory_space<vmem>> -> memref<1x128xi32, #tpu.memory_space<vmem>>
      %dma_start3A_119 = tpu.memref_squeeze %dma_start3A_118 : memref<1x128xi32, #tpu.memory_space<vmem>> -> memref<128xi32, #tpu.memory_space<vmem>>
      %dma_start3A_120 = arith.constant 0 : i32
      %dma_start3A_121 = arith.constant 0 : i32
      %dma_start3A_122 = tpu.memref_slice %arg11[%dma_start3A_120, %dma_start3A_121] : memref<10000x32xf32, #tpu.memory_space<vmem_shared>> -> memref<10000x32xf32, #tpu.memory_space<vmem_shared>>
      tpu.enqueue_indirect_dma source(%dma_start3A_122 : memref<10000x32xf32, #tpu.memory_space<vmem_shared>>) target(%arg9 : memref<128x32xf32, #tpu.memory_space<vmem>>) offsets(%dma_start3A_119 : memref<128xi32, #tpu.memory_space<vmem>>) semaphore(%arg14 : memref<!tpu.dma_semaphore, #tpu.memory_space<semaphore_mem>>)
      %dma_wait3A_123 = arith.constant 0 : i32
      %dma_wait3A_124 = tpu.memref_slice %arg6[%mul3A_114, %dma_wait3A_123] : memref<80x128xi32, #tpu.memory_space<vmem>> -> memref<1x128xi32, #tpu.memory_space<vmem>>
      %dma_wait3A_125 = tpu.memref_squeeze %dma_wait3A_124 : memref<1x128xi32, #tpu.memory_space<vmem>> -> memref<128xi32, #tpu.memory_space<vmem>>
      %dma_wait3A_126 = arith.constant 0 : i32
      %dma_wait3A_127 = arith.constant 0 : i32
      %dma_wait3A_128 = tpu.memref_slice %arg11[%dma_wait3A_126, %dma_wait3A_127] : memref<10000x32xf32, #tpu.memory_space<vmem_shared>> -> memref<10000x32xf32, #tpu.memory_space<vmem_shared>>
      tpu.wait_indirect_dma semaphore(%arg13 : memref<!tpu.dma_semaphore, #tpu.memory_space<semaphore_mem>>) src(%dma_wait3A_128 : memref<10000x32xf32, #tpu.memory_space<vmem_shared>>) dst(%arg8 : memref<128x32xf32, #tpu.memory_space<vmem>>)
      "tpu.region"() ({
        %run_scoped3A_147 = tpu.sem_alloc : memref<!tpu.dma_semaphore, #tpu.memory_space<semaphore_mem>>
        %dma_start3A_148 = arith.constant 0 : i32
        %dma_start3A_149 = tpu.memref_slice %arg7[%mul3A_114, %dma_start3A_148] : memref<80x128xi32, #tpu.memory_space<vmem>> -> memref<1x128xi32, #tpu.memory_space<vmem>>
        %dma_start3A_150 = tpu.memref_squeeze %dma_start3A_149 : memref<1x128xi32, #tpu.memory_space<vmem>> -> memref<128xi32, #tpu.memory_space<vmem>>
        %dma_start3A_151 = arith.constant 0 : i32
        %dma_start3A_152 = arith.constant 0 : i32
        %dma_start3A_153 = tpu.memref_slice %arg12[%dma_start3A_151, %dma_start3A_152] : memref<10112x32xf32, #tpu.memory_space<vmem_shared>> -> memref<10112x32xf32, #tpu.memory_space<vmem_shared>>
        tpu.enqueue_indirect_dma source(%arg8 : memref<128x32xf32, #tpu.memory_space<vmem>>) target(%dma_start3A_153 : memref<10112x32xf32, #tpu.memory_space<vmem_shared>>) offsets(%dma_start3A_150 : memref<128xi32, #tpu.memory_space<vmem>>) semaphore(%run_scoped3A_147 : memref<!tpu.dma_semaphore, #tpu.memory_space<semaphore_mem>>) {add = true}
        %dma_wait3A_154 = arith.constant 0 : i32
        %dma_wait3A_155 = tpu.memref_slice %arg7[%mul3A_114, %dma_wait3A_154] : memref<80x128xi32, #tpu.memory_space<vmem>> -> memref<1x128xi32, #tpu.memory_space<vmem>>
        %dma_wait3A_156 = tpu.memref_squeeze %dma_wait3A_155 : memref<1x128xi32, #tpu.memory_space<vmem>> -> memref<128xi32, #tpu.memory_space<vmem>>
        %dma_wait3A_157 = arith.constant 0 : i32
        %dma_wait3A_158 = arith.constant 0 : i32
        %dma_wait3A_159 = tpu.memref_slice %arg12[%dma_wait3A_157, %dma_wait3A_158] : memref<10112x32xf32, #tpu.memory_space<vmem_shared>> -> memref<10112x32xf32, #tpu.memory_space<vmem_shared>>
        tpu.wait_indirect_dma semaphore(%run_scoped3A_147 : memref<!tpu.dma_semaphore, #tpu.memory_space<semaphore_mem>>) src(%arg8 : memref<128x32xf32, #tpu.memory_space<vmem>>) dst(%dma_wait3A_159 : memref<10112x32xf32, #tpu.memory_space<vmem_shared>>)
        tpu.yield
      }) : () -> ()
      %add3A_129 = arith.constant 2 : i32
      %add3A_130 = arith.addi %mul3A_114, %add3A_129 : i32
      %dma_start3A_131 = arith.constant 0 : i32
      %dma_start3A_132 = tpu.memref_slice %arg6[%add3A_130, %dma_start3A_131] : memref<80x128xi32, #tpu.memory_space<vmem>> -> memref<1x128xi32, #tpu.memory_space<vmem>>
      %dma_start3A_133 = tpu.memref_squeeze %dma_start3A_132 : memref<1x128xi32, #tpu.memory_space<vmem>> -> memref<128xi32, #tpu.memory_space<vmem>>
      %dma_start3A_134 = arith.constant 0 : i32
      %dma_start3A_135 = arith.constant 0 : i32
      %dma_start3A_136 = tpu.memref_slice %arg11[%dma_start3A_134, %dma_start3A_135] : memref<10000x32xf32, #tpu.memory_space<vmem_shared>> -> memref<10000x32xf32, #tpu.memory_space<vmem_shared>>
      tpu.enqueue_indirect_dma source(%dma_start3A_136 : memref<10000x32xf32, #tpu.memory_space<vmem_shared>>) target(%arg8 : memref<128x32xf32, #tpu.memory_space<vmem>>) offsets(%dma_start3A_133 : memref<128xi32, #tpu.memory_space<vmem>>) semaphore(%arg13 : memref<!tpu.dma_semaphore, #tpu.memory_space<semaphore_mem>>)
      %add3A_137 = arith.constant 1 : i32
      %add3A_138 = arith.addi %mul3A_114, %add3A_137 : i32
      %dma_wait3A_139 = arith.constant 0 : i32
      %dma_wait3A_140 = tpu.memref_slice %arg6[%add3A_138, %dma_wait3A_139] : memref<80x128xi32, #tpu.memory_space<vmem>> -> memref<1x128xi32, #tpu.memory_space<vmem>>
      %dma_wait3A_141 = tpu.memref_squeeze %dma_wait3A_140 : memref<1x128xi32, #tpu.memory_space<vmem>> -> memref<128xi32, #tpu.memory_space<vmem>>
      %dma_wait3A_142 = arith.constant 0 : i32
      %dma_wait3A_143 = arith.constant 0 : i32
      %dma_wait3A_144 = tpu.memref_slice %arg11[%dma_wait3A_142, %dma_wait3A_143] : memref<10000x32xf32, #tpu.memory_space<vmem_shared>> -> memref<10000x32xf32, #tpu.memory_space<vmem_shared>>
      tpu.wait_indirect_dma semaphore(%arg14 : memref<!tpu.dma_semaphore, #tpu.memory_space<semaphore_mem>>) src(%dma_wait3A_144 : memref<10000x32xf32, #tpu.memory_space<vmem_shared>>) dst(%arg9 : memref<128x32xf32, #tpu.memory_space<vmem>>)
      %add3A_145 = arith.constant 1 : i32
      %add3A_146 = arith.addi %mul3A_114, %add3A_145 : i32
      "tpu.region"() ({
        %run_scoped3A_147 = tpu.sem_alloc : memref<!tpu.dma_semaphore, #tpu.memory_space<semaphore_mem>>
        %dma_start3A_148 = arith.constant 0 : i32
        %dma_start3A_149 = tpu.memref_slice %arg7[%add3A_146, %dma_start3A_148] : memref<80x128xi32, #tpu.memory_space<vmem>> -> memref<1x128xi32, #tpu.memory_space<vmem>>
        %dma_start3A_150 = tpu.memref_squeeze %dma_start3A_149 : memref<1x128xi32, #tpu.memory_space<vmem>> -> memref<128xi32, #tpu.memory_space<vmem>>
        %dma_start3A_151 = arith.constant 0 : i32
        %dma_start3A_152 = arith.constant 0 : i32
        %dma_start3A_153 = tpu.memref_slice %arg12[%dma_start3A_151, %dma_start3A_152] : memref<10112x32xf32, #tpu.memory_space<vmem_shared>> -> memref<10112x32xf32, #tpu.memory_space<vmem_shared>>
        tpu.enqueue_indirect_dma source(%arg9 : memref<128x32xf32, #tpu.memory_space<vmem>>) target(%dma_start3A_153 : memref<10112x32xf32, #tpu.memory_space<vmem_shared>>) offsets(%dma_start3A_150 : memref<128xi32, #tpu.memory_space<vmem>>) semaphore(%run_scoped3A_147 : memref<!tpu.dma_semaphore, #tpu.memory_space<semaphore_mem>>) {add = true}
        %dma_wait3A_154 = arith.constant 0 : i32
        %dma_wait3A_155 = tpu.memref_slice %arg7[%add3A_146, %dma_wait3A_154] : memref<80x128xi32, #tpu.memory_space<vmem>> -> memref<1x128xi32, #tpu.memory_space<vmem>>
        %dma_wait3A_156 = tpu.memref_squeeze %dma_wait3A_155 : memref<1x128xi32, #tpu.memory_space<vmem>> -> memref<128xi32, #tpu.memory_space<vmem>>
        %dma_wait3A_157 = arith.constant 0 : i32
        %dma_wait3A_158 = arith.constant 0 : i32
        %dma_wait3A_159 = tpu.memref_slice %arg12[%dma_wait3A_157, %dma_wait3A_158] : memref<10112x32xf32, #tpu.memory_space<vmem_shared>> -> memref<10112x32xf32, #tpu.memory_space<vmem_shared>>
        tpu.wait_indirect_dma semaphore(%run_scoped3A_147 : memref<!tpu.dma_semaphore, #tpu.memory_space<semaphore_mem>>) src(%arg9 : memref<128x32xf32, #tpu.memory_space<vmem>>) dst(%dma_wait3A_159 : memref<10112x32xf32, #tpu.memory_space<vmem_shared>>)
        tpu.yield
      }) : () -> ()
    }
    %scan3A_23 = arith.constant 39 : i32
    %dma_start3A_24 = arith.constant 79 : i32
    %dma_start3A_25 = arith.constant 0 : i32
    %dma_start3A_26 = tpu.memref_slice %arg6[%dma_start3A_24, %dma_start3A_25] : memref<80x128xi32, #tpu.memory_space<vmem>> -> memref<1x128xi32, #tpu.memory_space<vmem>>
    %dma_start3A_27 = tpu.memref_squeeze %dma_start3A_26 : memref<1x128xi32, #tpu.memory_space<vmem>> -> memref<128xi32, #tpu.memory_space<vmem>>
    %dma_start3A_28 = arith.constant 0 : i32
    %dma_start3A_29 = arith.constant 0 : i32
    %dma_start3A_30 = tpu.memref_slice %arg11[%dma_start3A_28, %dma_start3A_29] : memref<10000x32xf32, #tpu.memory_space<vmem_shared>> -> memref<10000x32xf32, #tpu.memory_space<vmem_shared>>
    tpu.enqueue_indirect_dma source(%dma_start3A_30 : memref<10000x32xf32, #tpu.memory_space<vmem_shared>>) target(%arg9 : memref<128x32xf32, #tpu.memory_space<vmem>>) offsets(%dma_start3A_27 : memref<128xi32, #tpu.memory_space<vmem>>) semaphore(%arg14 : memref<!tpu.dma_semaphore, #tpu.memory_space<semaphore_mem>>)
    %dma_wait3A = arith.constant 78 : i32
    %dma_wait3A_31 = arith.constant 0 : i32
    %dma_wait3A_32 = tpu.memref_slice %arg6[%dma_wait3A, %dma_wait3A_31] : memref<80x128xi32, #tpu.memory_space<vmem>> -> memref<1x128xi32, #tpu.memory_space<vmem>>
    %dma_wait3A_33 = tpu.memref_squeeze %dma_wait3A_32 : memref<1x128xi32, #tpu.memory_space<vmem>> -> memref<128xi32, #tpu.memory_space<vmem>>
    %dma_wait3A_34 = arith.constant 0 : i32
    %dma_wait3A_35 = arith.constant 0 : i32
    %dma_wait3A_36 = tpu.memref_slice %arg11[%dma_wait3A_34, %dma_wait3A_35] : memref<10000x32xf32, #tpu.memory_space<vmem_shared>> -> memref<10000x32xf32, #tpu.memory_space<vmem_shared>>
    tpu.wait_indirect_dma semaphore(%arg13 : memref<!tpu.dma_semaphore, #tpu.memory_space<semaphore_mem>>) src(%dma_wait3A_36 : memref<10000x32xf32, #tpu.memory_space<vmem_shared>>) dst(%arg8 : memref<128x32xf32, #tpu.memory_space<vmem>>)
    %run_scoped3A = arith.constant 78 : i32
    "tpu.region"() ({
      %run_scoped3A_112 = tpu.sem_alloc : memref<!tpu.dma_semaphore, #tpu.memory_space<semaphore_mem>>
      %dma_start3A_113 = arith.constant 0 : i32
      %dma_start3A_114 = tpu.memref_slice %arg7[%run_scoped3A, %dma_start3A_113] : memref<80x128xi32, #tpu.memory_space<vmem>> -> memref<1x128xi32, #tpu.memory_space<vmem>>
      %dma_start3A_115 = tpu.memref_squeeze %dma_start3A_114 : memref<1x128xi32, #tpu.memory_space<vmem>> -> memref<128xi32, #tpu.memory_space<vmem>>
      %dma_start3A_116 = arith.constant 0 : i32
      %dma_start3A_117 = arith.constant 0 : i32
      %dma_start3A_118 = tpu.memref_slice %arg12[%dma_start3A_116, %dma_start3A_117] : memref<10112x32xf32, #tpu.memory_space<vmem_shared>> -> memref<10112x32xf32, #tpu.memory_space<vmem_shared>>
      tpu.enqueue_indirect_dma source(%arg8 : memref<128x32xf32, #tpu.memory_space<vmem>>) target(%dma_start3A_118 : memref<10112x32xf32, #tpu.memory_space<vmem_shared>>) offsets(%dma_start3A_115 : memref<128xi32, #tpu.memory_space<vmem>>) semaphore(%run_scoped3A_112 : memref<!tpu.dma_semaphore, #tpu.memory_space<semaphore_mem>>) {add = true}
      %dma_wait3A_119 = arith.constant 0 : i32
      %dma_wait3A_120 = tpu.memref_slice %arg7[%run_scoped3A, %dma_wait3A_119] : memref<80x128xi32, #tpu.memory_space<vmem>> -> memref<1x128xi32, #tpu.memory_space<vmem>>
      %dma_wait3A_121 = tpu.memref_squeeze %dma_wait3A_120 : memref<1x128xi32, #tpu.memory_space<vmem>> -> memref<128xi32, #tpu.memory_space<vmem>>
      %dma_wait3A_122 = arith.constant 0 : i32
      %dma_wait3A_123 = arith.constant 0 : i32
      %dma_wait3A_124 = tpu.memref_slice %arg12[%dma_wait3A_122, %dma_wait3A_123] : memref<10112x32xf32, #tpu.memory_space<vmem_shared>> -> memref<10112x32xf32, #tpu.memory_space<vmem_shared>>
      tpu.wait_indirect_dma semaphore(%run_scoped3A_112 : memref<!tpu.dma_semaphore, #tpu.memory_space<semaphore_mem>>) src(%arg8 : memref<128x32xf32, #tpu.memory_space<vmem>>) dst(%dma_wait3A_124 : memref<10112x32xf32, #tpu.memory_space<vmem_shared>>)
      tpu.yield
    }) : () -> ()
    %dma_wait3A_37 = arith.constant 79 : i32
    %dma_wait3A_38 = arith.constant 0 : i32
    %dma_wait3A_39 = tpu.memref_slice %arg6[%dma_wait3A_37, %dma_wait3A_38] : memref<80x128xi32, #tpu.memory_space<vmem>> -> memref<1x128xi32, #tpu.memory_space<vmem>>
    %dma_wait3A_40 = tpu.memref_squeeze %dma_wait3A_39 : memref<1x128xi32, #tpu.memory_space<vmem>> -> memref<128xi32, #tpu.memory_space<vmem>>
    %dma_wait3A_41 = arith.constant 0 : i32
    %dma_wait3A_42 = arith.constant 0 : i32
    %dma_wait3A_43 = tpu.memref_slice %arg11[%dma_wait3A_41, %dma_wait3A_42] : memref<10000x32xf32, #tpu.memory_space<vmem_shared>> -> memref<10000x32xf32, #tpu.memory_space<vmem_shared>>
    tpu.wait_indirect_dma semaphore(%arg14 : memref<!tpu.dma_semaphore, #tpu.memory_space<semaphore_mem>>) src(%dma_wait3A_43 : memref<10000x32xf32, #tpu.memory_space<vmem_shared>>) dst(%arg9 : memref<128x32xf32, #tpu.memory_space<vmem>>)
    %run_scoped3A_44 = arith.constant 79 : i32
    "tpu.region"() ({
      %run_scoped3A_112 = tpu.sem_alloc : memref<!tpu.dma_semaphore, #tpu.memory_space<semaphore_mem>>
      %dma_start3A_113 = arith.constant 0 : i32
      %dma_start3A_114 = tpu.memref_slice %arg7[%run_scoped3A_44, %dma_start3A_113] : memref<80x128xi32, #tpu.memory_space<vmem>> -> memref<1x128xi32, #tpu.memory_space<vmem>>
      %dma_start3A_115 = tpu.memref_squeeze %dma_start3A_114 : memref<1x128xi32, #tpu.memory_space<vmem>> -> memref<128xi32, #tpu.memory_space<vmem>>
      %dma_start3A_116 = arith.constant 0 : i32
      %dma_start3A_117 = arith.constant 0 : i32
      %dma_start3A_118 = tpu.memref_slice %arg12[%dma_start3A_116, %dma_start3A_117] : memref<10112x32xf32, #tpu.memory_space<vmem_shared>> -> memref<10112x32xf32, #tpu.memory_space<vmem_shared>>
      tpu.enqueue_indirect_dma source(%arg9 : memref<128x32xf32, #tpu.memory_space<vmem>>) target(%dma_start3A_118 : memref<10112x32xf32, #tpu.memory_space<vmem_shared>>) offsets(%dma_start3A_115 : memref<128xi32, #tpu.memory_space<vmem>>) semaphore(%run_scoped3A_112 : memref<!tpu.dma_semaphore, #tpu.memory_space<semaphore_mem>>) {add = true}
      %dma_wait3A_119 = arith.constant 0 : i32
      %dma_wait3A_120 = tpu.memref_slice %arg7[%run_scoped3A_44, %dma_wait3A_119] : memref<80x128xi32, #tpu.memory_space<vmem>> -> memref<1x128xi32, #tpu.memory_space<vmem>>
      %dma_wait3A_121 = tpu.memref_squeeze %dma_wait3A_120 : memref<1x128xi32, #tpu.memory_space<vmem>> -> memref<128xi32, #tpu.memory_space<vmem>>
      %dma_wait3A_122 = arith.constant 0 : i32
      %dma_wait3A_123 = arith.constant 0 : i32
      %dma_wait3A_124 = tpu.memref_slice %arg12[%dma_wait3A_122, %dma_wait3A_123] : memref<10112x32xf32, #tpu.memory_space<vmem_shared>> -> memref<10112x32xf32, #tpu.memory_space<vmem_shared>>
      tpu.wait_indirect_dma semaphore(%run_scoped3A_112 : memref<!tpu.dma_semaphore, #tpu.memory_space<semaphore_mem>>) src(%arg9 : memref<128x32xf32, #tpu.memory_space<vmem>>) dst(%dma_wait3A_124 : memref<10112x32xf32, #tpu.memory_space<vmem_shared>>)
      tpu.yield
    }) : () -> ()
    %barrier3A_45 = arith.constant 0 : index
    tpu.barrier barrier_id(%barrier3A_45)
    %mul3A_46 = arith.constant 632 : i32
    %mul3A_47 = arith.muli %arg1, %mul3A_46 : i32
    "tpu.region"() ({
      %run_scoped3A_112 = tpu.sem_alloc : memref<!tpu.dma_semaphore, #tpu.memory_space<semaphore_mem>>
      %dma_start3A_113 = arith.constant 0 : i32
      %dma_start3A_114 = tpu.memref_slice %arg12[%mul3A_47, %dma_start3A_113] : memref<10112x32xf32, #tpu.memory_space<vmem_shared>> -> memref<632x32xf32, #tpu.memory_space<vmem_shared>>
      %dma_start3A_115 = arith.constant 0 : i32
      %dma_start3A_116 = tpu.memref_slice %arg12[%mul3A_47, %dma_start3A_115] : memref<10112x32xf32, #tpu.memory_space<vmem_shared>> -> memref<632x32xf32, #tpu.memory_space<vmem_shared>>
      tpu.enqueue_dma source(%dma_start3A_116 : memref<632x32xf32, #tpu.memory_space<vmem_shared>>) target(%arg10 : memref<632x32xf32, #tpu.memory_space<vmem>>) target_semaphore(%run_scoped3A_112 : memref<!tpu.dma_semaphore, #tpu.memory_space<semaphore_mem>>)
      %dma_wait3A_117 = arith.constant 0 : i32
      %dma_wait3A_118 = tpu.memref_slice %arg12[%mul3A_47, %dma_wait3A_117] : memref<10112x32xf32, #tpu.memory_space<vmem_shared>> -> memref<632x32xf32, #tpu.memory_space<vmem_shared>>
      %dma_wait3A_119 = arith.constant 0 : i32
      %dma_wait3A_120 = tpu.memref_slice %arg12[%mul3A_47, %dma_wait3A_119] : memref<10112x32xf32, #tpu.memory_space<vmem_shared>> -> memref<632x32xf32, #tpu.memory_space<vmem_shared>>
      tpu.wait_dma2 semaphore(%run_scoped3A_112 : memref<!tpu.dma_semaphore, #tpu.memory_space<semaphore_mem>>) src(%dma_wait3A_120 : memref<632x32xf32, #tpu.memory_space<vmem_shared>>) dst(%arg10 : memref<632x32xf32, #tpu.memory_space<vmem>>)
      tpu.yield
    }) : () -> ()
    %mul3A_48 = arith.constant 632 : i32
    %mul3A_49 = arith.muli %arg1, %mul3A_48 : i32
    %run_scoped3A_50 = arith.constant 0 : i32
    "tpu.region"() ({
      %run_scoped3A_112 = tpu.sem_alloc : memref<!tpu.dma_semaphore, #tpu.memory_space<semaphore_mem>>
      %dma_start3A_113 = arith.constant 0 : i32
      %dma_start3A_114 = tpu.memref_slice %arg5[%arg0, %run_scoped3A_50, %mul3A_49, %dma_start3A_113] : memref<2x2x10112x128xf32, #tpu.memory_space<hbm>> -> memref<1x1x632x32xf32, #tpu.memory_space<hbm>>
      %dma_start3A_115 = tpu.memref_squeeze %dma_start3A_114 : memref<1x1x632x32xf32, #tpu.memory_space<hbm>> -> memref<632x32xf32, #tpu.memory_space<hbm>>
      %dma_start3A_116 = arith.constant 0 : i32
      %dma_start3A_117 = tpu.memref_slice %arg5[%arg0, %run_scoped3A_50, %mul3A_49, %dma_start3A_116] : memref<2x2x10112x128xf32, #tpu.memory_space<hbm>> -> memref<1x1x632x32xf32, #tpu.memory_space<hbm>>
      %dma_start3A_118 = tpu.memref_squeeze %dma_start3A_117 : memref<1x1x632x32xf32, #tpu.memory_space<hbm>> -> memref<632x32xf32, #tpu.memory_space<hbm>>
      tpu.enqueue_dma source(%arg10 : memref<632x32xf32, #tpu.memory_space<vmem>>) target(%dma_start3A_118 : memref<632x32xf32, #tpu.memory_space<hbm>>) target_semaphore(%run_scoped3A_112 : memref<!tpu.dma_semaphore, #tpu.memory_space<semaphore_mem>>)
      %dma_wait3A_119 = arith.constant 0 : i32
      %dma_wait3A_120 = tpu.memref_slice %arg5[%arg0, %run_scoped3A_50, %mul3A_49, %dma_wait3A_119] : memref<2x2x10112x128xf32, #tpu.memory_space<hbm>> -> memref<1x1x632x32xf32, #tpu.memory_space<hbm>>
      %dma_wait3A_121 = tpu.memref_squeeze %dma_wait3A_120 : memref<1x1x632x32xf32, #tpu.memory_space<hbm>> -> memref<632x32xf32, #tpu.memory_space<hbm>>
      %dma_wait3A_122 = arith.constant 0 : i32
      %dma_wait3A_123 = tpu.memref_slice %arg5[%arg0, %run_scoped3A_50, %mul3A_49, %dma_wait3A_122] : memref<2x2x10112x128xf32, #tpu.memory_space<hbm>> -> memref<1x1x632x32xf32, #tpu.memory_space<hbm>>
      %dma_wait3A_124 = tpu.memref_squeeze %dma_wait3A_123 : memref<1x1x632x32xf32, #tpu.memory_space<hbm>> -> memref<632x32xf32, #tpu.memory_space<hbm>>
      tpu.wait_dma2 semaphore(%run_scoped3A_112 : memref<!tpu.dma_semaphore, #tpu.memory_space<semaphore_mem>>) src(%arg10 : memref<632x32xf32, #tpu.memory_space<vmem>>) dst(%dma_wait3A_124 : memref<632x32xf32, #tpu.memory_space<hbm>>)
      tpu.yield
    }) : () -> ()
    %scan3A_51 = arith.constant 0 : i32
    %scan3A_52 = arith.constant 0 : i32
    %scan3A_53 = arith.constant 632 : i32
    %scan3A_54 = arith.addi %scan3A_52, %scan3A_53 : i32
    %scan3A_55 = arith.constant 1 : i32
    scf.for %scan3A_112 = %scan3A_52 to %scan3A_54 step %scan3A_55  : i32 {
      %broadcast_in_dim3A = arith.constant 0.000000e+00 : f32
      %broadcast_in_dim3A_113 = vector.broadcast %broadcast_in_dim3A : f32 to vector<16xf32>
      %swap3A = arith.index_cast %scan3A_112 : i32 to index
      %swap3A_114 = arith.constant 0 : index
      %swap3A_115 = tpu.vector_load %arg10[%swap3A, %swap3A_114] {strides = array<i32>} : memref<632x32xf32, #tpu.memory_space<vmem>>, vector<1x16xf32>,
      %swap3A_116 = vector.shape_cast %swap3A_115 : vector<1x16xf32> to vector<16xf32>
      %swap3A_117 = vector.shape_cast %broadcast_in_dim3A_113 : vector<16xf32> to vector<1x16xf32>
      tpu.vector_store %arg10[%swap3A, %swap3A_114], %swap3A_117 {strides = array<i32>} : memref<632x32xf32, #tpu.memory_space<vmem>>, vector<1x16xf32>,
      %broadcast_in_dim3A_118 = arith.constant 0.000000e+00 : f32
      %broadcast_in_dim3A_119 = vector.broadcast %broadcast_in_dim3A_118 : f32 to vector<16xf32>
      %swap3A_120 = arith.index_cast %scan3A_112 : i32 to index
      %swap3A_121 = arith.constant 16 : index
      %swap3A_122 = tpu.vector_load %arg10[%swap3A_120, %swap3A_121] {strides = array<i32>} : memref<632x32xf32, #tpu.memory_space<vmem>>, vector<1x16xf32>,
      %swap3A_123 = vector.shape_cast %swap3A_122 : vector<1x16xf32> to vector<16xf32>
      %swap3A_124 = vector.shape_cast %broadcast_in_dim3A_119 : vector<16xf32> to vector<1x16xf32>
      tpu.vector_store %arg10[%swap3A_120, %swap3A_121], %swap3A_124 {strides = array<i32>} : memref<632x32xf32, #tpu.memory_space<vmem>>, vector<1x16xf32>,
    }
    %scan3A_56 = arith.constant 632 : i32
    %mul3A_57 = arith.constant 632 : i32
    %mul3A_58 = arith.muli %arg1, %mul3A_57 : i32
    "tpu.region"() ({
      %run_scoped3A_112 = tpu.sem_alloc : memref<!tpu.dma_semaphore, #tpu.memory_space<semaphore_mem>>
      %dma_start3A_113 = arith.constant 0 : i32
      %dma_start3A_114 = tpu.memref_slice %arg12[%mul3A_58, %dma_start3A_113] : memref<10112x32xf32, #tpu.memory_space<vmem_shared>> -> memref<632x32xf32, #tpu.memory_space<vmem_shared>>
      %dma_start3A_115 = arith.constant 0 : i32
      %dma_start3A_116 = tpu.memref_slice %arg12[%mul3A_58, %dma_start3A_115] : memref<10112x32xf32, #tpu.memory_space<vmem_shared>> -> memref<632x32xf32, #tpu.memory_space<vmem_shared>>
      tpu.enqueue_dma source(%arg10 : memref<632x32xf32, #tpu.memory_space<vmem>>) target(%dma_start3A_116 : memref<632x32xf32, #tpu.memory_space<vmem_shared>>) target_semaphore(%run_scoped3A_112 : memref<!tpu.dma_semaphore, #tpu.memory_space<semaphore_mem>>)
      %dma_wait3A_117 = arith.constant 0 : i32
      %dma_wait3A_118 = tpu.memref_slice %arg12[%mul3A_58, %dma_wait3A_117] : memref<10112x32xf32, #tpu.memory_space<vmem_shared>> -> memref<632x32xf32, #tpu.memory_space<vmem_shared>>
      %dma_wait3A_119 = arith.constant 0 : i32
      %dma_wait3A_120 = tpu.memref_slice %arg12[%mul3A_58, %dma_wait3A_119] : memref<10112x32xf32, #tpu.memory_space<vmem_shared>> -> memref<632x32xf32, #tpu.memory_space<vmem_shared>>
      tpu.wait_dma2 semaphore(%run_scoped3A_112 : memref<!tpu.dma_semaphore, #tpu.memory_space<semaphore_mem>>) src(%arg10 : memref<632x32xf32, #tpu.memory_space<vmem>>) dst(%dma_wait3A_120 : memref<632x32xf32, #tpu.memory_space<vmem_shared>>)
      tpu.yield
    }) : () -> ()
    %mul3A_59 = arith.constant 625 : i32
    %mul3A_60 = arith.muli %arg1, %mul3A_59 : i32
    %mul3A_61 = arith.constant 625 : i32
    %mul3A_62 = arith.muli %arg1, %mul3A_61 : i32
    "tpu.region"() ({
      %run_scoped3A_112 = tpu.sem_alloc : memref<!tpu.dma_semaphore, #tpu.memory_space<semaphore_mem>>
      %dma_start3A_113 = arith.constant 0 : i32
      %dma_start3A_114 = tpu.memref_slice %arg11[%mul3A_62, %dma_start3A_113] : memref<10000x32xf32, #tpu.memory_space<vmem_shared>> -> memref<625x32xf32, #tpu.memory_space<vmem_shared>>
      %dma_start3A_115 = arith.constant 32 : i32
      %dma_start3A_116 = tpu.memref_slice %arg2[%mul3A_60, %dma_start3A_115] : memref<10000x128xf32, #tpu.memory_space<hbm>> -> memref<625x32xf32, #tpu.memory_space<hbm>>
      tpu.enqueue_dma source(%dma_start3A_116 : memref<625x32xf32, #tpu.memory_space<hbm>>) target(%dma_start3A_114 : memref<625x32xf32, #tpu.memory_space<vmem_shared>>) target_semaphore(%run_scoped3A_112 : memref<!tpu.dma_semaphore, #tpu.memory_space<semaphore_mem>>)
      %dma_wait3A_117 = arith.constant 0 : i32
      %dma_wait3A_118 = tpu.memref_slice %arg11[%mul3A_62, %dma_wait3A_117] : memref<10000x32xf32, #tpu.memory_space<vmem_shared>> -> memref<625x32xf32, #tpu.memory_space<vmem_shared>>
      %dma_wait3A_119 = arith.constant 32 : i32
      %dma_wait3A_120 = tpu.memref_slice %arg2[%mul3A_60, %dma_wait3A_119] : memref<10000x128xf32, #tpu.memory_space<hbm>> -> memref<625x32xf32, #tpu.memory_space<hbm>>
      tpu.wait_dma2 semaphore(%run_scoped3A_112 : memref<!tpu.dma_semaphore, #tpu.memory_space<semaphore_mem>>) src(%dma_wait3A_120 : memref<625x32xf32, #tpu.memory_space<hbm>>) dst(%dma_wait3A_118 : memref<625x32xf32, #tpu.memory_space<vmem_shared>>)
      tpu.yield
    }) : () -> ()
    %barrier3A_63 = arith.constant 0 : index
    tpu.barrier barrier_id(%barrier3A_63)
    %dma_start3A_64 = arith.constant 0 : i32
    %dma_start3A_65 = arith.constant 0 : i32
    %dma_start3A_66 = tpu.memref_slice %arg6[%dma_start3A_64, %dma_start3A_65] : memref<80x128xi32, #tpu.memory_space<vmem>> -> memref<1x128xi32, #tpu.memory_space<vmem>>
    %dma_start3A_67 = tpu.memref_squeeze %dma_start3A_66 : memref<1x128xi32, #tpu.memory_space<vmem>> -> memref<128xi32, #tpu.memory_space<vmem>>
    %dma_start3A_68 = arith.constant 0 : i32
    %dma_start3A_69 = arith.constant 0 : i32
    %dma_start3A_70 = tpu.memref_slice %arg11[%dma_start3A_68, %dma_start3A_69] : memref<10000x32xf32, #tpu.memory_space<vmem_shared>> -> memref<10000x32xf32, #tpu.memory_space<vmem_shared>>
    tpu.enqueue_indirect_dma source(%dma_start3A_70 : memref<10000x32xf32, #tpu.memory_space<vmem_shared>>) target(%arg8 : memref<128x32xf32, #tpu.memory_space<vmem>>) offsets(%dma_start3A_67 : memref<128xi32, #tpu.memory_space<vmem>>) semaphore(%arg13 : memref<!tpu.dma_semaphore, #tpu.memory_space<semaphore_mem>>)
    %scan3A_71 = arith.constant 0 : i32
    %scan3A_72 = arith.constant 0 : i32
    %scan3A_73 = arith.constant 39 : i32
    %scan3A_74 = arith.addi %scan3A_72, %scan3A_73 : i32
    %scan3A_75 = arith.constant 1 : i32
    scf.for %scan3A_112 = %scan3A_72 to %scan3A_74 step %scan3A_75  : i32 {
      %mul3A_113 = arith.constant 2 : i32
      %mul3A_114 = arith.muli %mul3A_113, %scan3A_112 : i32
      %add3A_115 = arith.constant 1 : i32
      %add3A_116 = arith.addi %mul3A_114, %add3A_115 : i32
      %dma_start3A_117 = arith.constant 0 : i32
      %dma_start3A_118 = tpu.memref_slice %arg6[%add3A_116, %dma_start3A_117] : memref<80x128xi32, #tpu.memory_space<vmem>> -> memref<1x128xi32, #tpu.memory_space<vmem>>
      %dma_start3A_119 = tpu.memref_squeeze %dma_start3A_118 : memref<1x128xi32, #tpu.memory_space<vmem>> -> memref<128xi32, #tpu.memory_space<vmem>>
      %dma_start3A_120 = arith.constant 0 : i32
      %dma_start3A_121 = arith.constant 0 : i32
      %dma_start3A_122 = tpu.memref_slice %arg11[%dma_start3A_120, %dma_start3A_121] : memref<10000x32xf32, #tpu.memory_space<vmem_shared>> -> memref<10000x32xf32, #tpu.memory_space<vmem_shared>>
      tpu.enqueue_indirect_dma source(%dma_start3A_122 : memref<10000x32xf32, #tpu.memory_space<vmem_shared>>) target(%arg9 : memref<128x32xf32, #tpu.memory_space<vmem>>) offsets(%dma_start3A_119 : memref<128xi32, #tpu.memory_space<vmem>>) semaphore(%arg14 : memref<!tpu.dma_semaphore, #tpu.memory_space<semaphore_mem>>)
      %dma_wait3A_123 = arith.constant 0 : i32
      %dma_wait3A_124 = tpu.memref_slice %arg6[%mul3A_114, %dma_wait3A_123] : memref<80x128xi32, #tpu.memory_space<vmem>> -> memref<1x128xi32, #tpu.memory_space<vmem>>
      %dma_wait3A_125 = tpu.memref_squeeze %dma_wait3A_124 : memref<1x128xi32, #tpu.memory_space<vmem>> -> memref<128xi32, #tpu.memory_space<vmem>>
      %dma_wait3A_126 = arith.constant 0 : i32
      %dma_wait3A_127 = arith.constant 0 : i32
      %dma_wait3A_128 = tpu.memref_slice %arg11[%dma_wait3A_126, %dma_wait3A_127] : memref<10000x32xf32, #tpu.memory_space<vmem_shared>> -> memref<10000x32xf32, #tpu.memory_space<vmem_shared>>
      tpu.wait_indirect_dma semaphore(%arg13 : memref<!tpu.dma_semaphore, #tpu.memory_space<semaphore_mem>>) src(%dma_wait3A_128 : memref<10000x32xf32, #tpu.memory_space<vmem_shared>>) dst(%arg8 : memref<128x32xf32, #tpu.memory_space<vmem>>)
      "tpu.region"() ({
        %run_scoped3A_147 = tpu.sem_alloc : memref<!tpu.dma_semaphore, #tpu.memory_space<semaphore_mem>>
        %dma_start3A_148 = arith.constant 0 : i32
        %dma_start3A_149 = tpu.memref_slice %arg7[%mul3A_114, %dma_start3A_148] : memref<80x128xi32, #tpu.memory_space<vmem>> -> memref<1x128xi32, #tpu.memory_space<vmem>>
        %dma_start3A_150 = tpu.memref_squeeze %dma_start3A_149 : memref<1x128xi32, #tpu.memory_space<vmem>> -> memref<128xi32, #tpu.memory_space<vmem>>
        %dma_start3A_151 = arith.constant 0 : i32
        %dma_start3A_152 = arith.constant 0 : i32
        %dma_start3A_153 = tpu.memref_slice %arg12[%dma_start3A_151, %dma_start3A_152] : memref<10112x32xf32, #tpu.memory_space<vmem_shared>> -> memref<10112x32xf32, #tpu.memory_space<vmem_shared>>
        tpu.enqueue_indirect_dma source(%arg8 : memref<128x32xf32, #tpu.memory_space<vmem>>) target(%dma_start3A_153 : memref<10112x32xf32, #tpu.memory_space<vmem_shared>>) offsets(%dma_start3A_150 : memref<128xi32, #tpu.memory_space<vmem>>) semaphore(%run_scoped3A_147 : memref<!tpu.dma_semaphore, #tpu.memory_space<semaphore_mem>>) {add = true}
        %dma_wait3A_154 = arith.constant 0 : i32
        %dma_wait3A_155 = tpu.memref_slice %arg7[%mul3A_114, %dma_wait3A_154] : memref<80x128xi32, #tpu.memory_space<vmem>> -> memref<1x128xi32, #tpu.memory_space<vmem>>
        %dma_wait3A_156 = tpu.memref_squeeze %dma_wait3A_155 : memref<1x128xi32, #tpu.memory_space<vmem>> -> memref<128xi32, #tpu.memory_space<vmem>>
        %dma_wait3A_157 = arith.constant 0 : i32
        %dma_wait3A_158 = arith.constant 0 : i32
        %dma_wait3A_159 = tpu.memref_slice %arg12[%dma_wait3A_157, %dma_wait3A_158] : memref<10112x32xf32, #tpu.memory_space<vmem_shared>> -> memref<10112x32xf32, #tpu.memory_space<vmem_shared>>
        tpu.wait_indirect_dma semaphore(%run_scoped3A_147 : memref<!tpu.dma_semaphore, #tpu.memory_space<semaphore_mem>>) src(%arg8 : memref<128x32xf32, #tpu.memory_space<vmem>>) dst(%dma_wait3A_159 : memref<10112x32xf32, #tpu.memory_space<vmem_shared>>)
        tpu.yield
      }) : () -> ()
      %add3A_129 = arith.constant 2 : i32
      %add3A_130 = arith.addi %mul3A_114, %add3A_129 : i32
      %dma_start3A_131 = arith.constant 0 : i32
      %dma_start3A_132 = tpu.memref_slice %arg6[%add3A_130, %dma_start3A_131] : memref<80x128xi32, #tpu.memory_space<vmem>> -> memref<1x128xi32, #tpu.memory_space<vmem>>
      %dma_start3A_133 = tpu.memref_squeeze %dma_start3A_132 : memref<1x128xi32, #tpu.memory_space<vmem>> -> memref<128xi32, #tpu.memory_space<vmem>>
      %dma_start3A_134 = arith.constant 0 : i32
      %dma_start3A_135 = arith.constant 0 : i32
      %dma_start3A_136 = tpu.memref_slice %arg11[%dma_start3A_134, %dma_start3A_135] : memref<10000x32xf32, #tpu.memory_space<vmem_shared>> -> memref<10000x32xf32, #tpu.memory_space<vmem_shared>>
      tpu.enqueue_indirect_dma source(%dma_start3A_136 : memref<10000x32xf32, #tpu.memory_space<vmem_shared>>) target(%arg8 : memref<128x32xf32, #tpu.memory_space<vmem>>) offsets(%dma_start3A_133 : memref<128xi32, #tpu.memory_space<vmem>>) semaphore(%arg13 : memref<!tpu.dma_semaphore, #tpu.memory_space<semaphore_mem>>)
      %add3A_137 = arith.constant 1 : i32
      %add3A_138 = arith.addi %mul3A_114, %add3A_137 : i32
      %dma_wait3A_139 = arith.constant 0 : i32
      %dma_wait3A_140 = tpu.memref_slice %arg6[%add3A_138, %dma_wait3A_139] : memref<80x128xi32, #tpu.memory_space<vmem>> -> memref<1x128xi32, #tpu.memory_space<vmem>>
      %dma_wait3A_141 = tpu.memref_squeeze %dma_wait3A_140 : memref<1x128xi32, #tpu.memory_space<vmem>> -> memref<128xi32, #tpu.memory_space<vmem>>
      %dma_wait3A_142 = arith.constant 0 : i32
      %dma_wait3A_143 = arith.constant 0 : i32
      %dma_wait3A_144 = tpu.memref_slice %arg11[%dma_wait3A_142, %dma_wait3A_143] : memref<10000x32xf32, #tpu.memory_space<vmem_shared>> -> memref<10000x32xf32, #tpu.memory_space<vmem_shared>>
      tpu.wait_indirect_dma semaphore(%arg14 : memref<!tpu.dma_semaphore, #tpu.memory_space<semaphore_mem>>) src(%dma_wait3A_144 : memref<10000x32xf32, #tpu.memory_space<vmem_shared>>) dst(%arg9 : memref<128x32xf32, #tpu.memory_space<vmem>>)
      %add3A_145 = arith.constant 1 : i32
      %add3A_146 = arith.addi %mul3A_114, %add3A_145 : i32
      "tpu.region"() ({
        %run_scoped3A_147 = tpu.sem_alloc : memref<!tpu.dma_semaphore, #tpu.memory_space<semaphore_mem>>
        %dma_start3A_148 = arith.constant 0 : i32
        %dma_start3A_149 = tpu.memref_slice %arg7[%add3A_146, %dma_start3A_148] : memref<80x128xi32, #tpu.memory_space<vmem>> -> memref<1x128xi32, #tpu.memory_space<vmem>>
        %dma_start3A_150 = tpu.memref_squeeze %dma_start3A_149 : memref<1x128xi32, #tpu.memory_space<vmem>> -> memref<128xi32, #tpu.memory_space<vmem>>
        %dma_start3A_151 = arith.constant 0 : i32
        %dma_start3A_152 = arith.constant 0 : i32
        %dma_start3A_153 = tpu.memref_slice %arg12[%dma_start3A_151, %dma_start3A_152] : memref<10112x32xf32, #tpu.memory_space<vmem_shared>> -> memref<10112x32xf32, #tpu.memory_space<vmem_shared>>
        tpu.enqueue_indirect_dma source(%arg9 : memref<128x32xf32, #tpu.memory_space<vmem>>) target(%dma_start3A_153 : memref<10112x32xf32, #tpu.memory_space<vmem_shared>>) offsets(%dma_start3A_150 : memref<128xi32, #tpu.memory_space<vmem>>) semaphore(%run_scoped3A_147 : memref<!tpu.dma_semaphore, #tpu.memory_space<semaphore_mem>>) {add = true}
        %dma_wait3A_154 = arith.constant 0 : i32
        %dma_wait3A_155 = tpu.memref_slice %arg7[%add3A_146, %dma_wait3A_154] : memref<80x128xi32, #tpu.memory_space<vmem>> -> memref<1x128xi32, #tpu.memory_space<vmem>>
        %dma_wait3A_156 = tpu.memref_squeeze %dma_wait3A_155 : memref<1x128xi32, #tpu.memory_space<vmem>> -> memref<128xi32, #tpu.memory_space<vmem>>
        %dma_wait3A_157 = arith.constant 0 : i32
        %dma_wait3A_158 = arith.constant 0 : i32
        %dma_wait3A_159 = tpu.memref_slice %arg12[%dma_wait3A_157, %dma_wait3A_158] : memref<10112x32xf32, #tpu.memory_space<vmem_shared>> -> memref<10112x32xf32, #tpu.memory_space<vmem_shared>>
        tpu.wait_indirect_dma semaphore(%run_scoped3A_147 : memref<!tpu.dma_semaphore, #tpu.memory_space<semaphore_mem>>) src(%arg9 : memref<128x32xf32, #tpu.memory_space<vmem>>) dst(%dma_wait3A_159 : memref<10112x32xf32, #tpu.memory_space<vmem_shared>>)
        tpu.yield
      }) : () -> ()
    }
    %scan3A_76 = arith.constant 39 : i32
    %dma_start3A_77 = arith.constant 79 : i32
    %dma_start3A_78 = arith.constant 0 : i32
    %dma_start3A_79 = tpu.memref_slice %arg6[%dma_start3A_77, %dma_start3A_78] : memref<80x128xi32, #tpu.memory_space<vmem>> -> memref<1x128xi32, #tpu.memory_space<vmem>>
    %dma_start3A_80 = tpu.memref_squeeze %dma_start3A_79 : memref<1x128xi32, #tpu.memory_space<vmem>> -> memref<128xi32, #tpu.memory_space<vmem>>
    %dma_start3A_81 = arith.constant 0 : i32
    %dma_start3A_82 = arith.constant 0 : i32
    %dma_start3A_83 = tpu.memref_slice %arg11[%dma_start3A_81, %dma_start3A_82] : memref<10000x32xf32, #tpu.memory_space<vmem_shared>> -> memref<10000x32xf32, #tpu.memory_space<vmem_shared>>
    tpu.enqueue_indirect_dma source(%dma_start3A_83 : memref<10000x32xf32, #tpu.memory_space<vmem_shared>>) target(%arg9 : memref<128x32xf32, #tpu.memory_space<vmem>>) offsets(%dma_start3A_80 : memref<128xi32, #tpu.memory_space<vmem>>) semaphore(%arg14 : memref<!tpu.dma_semaphore, #tpu.memory_space<semaphore_mem>>)
    %dma_wait3A_84 = arith.constant 78 : i32
    %dma_wait3A_85 = arith.constant 0 : i32
    %dma_wait3A_86 = tpu.memref_slice %arg6[%dma_wait3A_84, %dma_wait3A_85] : memref<80x128xi32, #tpu.memory_space<vmem>> -> memref<1x128xi32, #tpu.memory_space<vmem>>
    %dma_wait3A_87 = tpu.memref_squeeze %dma_wait3A_86 : memref<1x128xi32, #tpu.memory_space<vmem>> -> memref<128xi32, #tpu.memory_space<vmem>>
    %dma_wait3A_88 = arith.constant 0 : i32
    %dma_wait3A_89 = arith.constant 0 : i32
    %dma_wait3A_90 = tpu.memref_slice %arg11[%dma_wait3A_88, %dma_wait3A_89] : memref<10000x32xf32, #tpu.memory_space<vmem_shared>> -> memref<10000x32xf32, #tpu.memory_space<vmem_shared>>
    tpu.wait_indirect_dma semaphore(%arg13 : memref<!tpu.dma_semaphore, #tpu.memory_space<semaphore_mem>>) src(%dma_wait3A_90 : memref<10000x32xf32, #tpu.memory_space<vmem_shared>>) dst(%arg8 : memref<128x32xf32, #tpu.memory_space<vmem>>)
    %run_scoped3A_91 = arith.constant 78 : i32
    "tpu.region"() ({
      %run_scoped3A_112 = tpu.sem_alloc : memref<!tpu.dma_semaphore, #tpu.memory_space<semaphore_mem>>
      %dma_start3A_113 = arith.constant 0 : i32
      %dma_start3A_114 = tpu.memref_slice %arg7[%run_scoped3A_91, %dma_start3A_113] : memref<80x128xi32, #tpu.memory_space<vmem>> -> memref<1x128xi32, #tpu.memory_space<vmem>>
      %dma_start3A_115 = tpu.memref_squeeze %dma_start3A_114 : memref<1x128xi32, #tpu.memory_space<vmem>> -> memref<128xi32, #tpu.memory_space<vmem>>
      %dma_start3A_116 = arith.constant 0 : i32
      %dma_start3A_117 = arith.constant 0 : i32
      %dma_start3A_118 = tpu.memref_slice %arg12[%dma_start3A_116, %dma_start3A_117] : memref<10112x32xf32, #tpu.memory_space<vmem_shared>> -> memref<10112x32xf32, #tpu.memory_space<vmem_shared>>
      tpu.enqueue_indirect_dma source(%arg8 : memref<128x32xf32, #tpu.memory_space<vmem>>) target(%dma_start3A_118 : memref<10112x32xf32, #tpu.memory_space<vmem_shared>>) offsets(%dma_start3A_115 : memref<128xi32, #tpu.memory_space<vmem>>) semaphore(%run_scoped3A_112 : memref<!tpu.dma_semaphore, #tpu.memory_space<semaphore_mem>>) {add = true}
      %dma_wait3A_119 = arith.constant 0 : i32
      %dma_wait3A_120 = tpu.memref_slice %arg7[%run_scoped3A_91, %dma_wait3A_119] : memref<80x128xi32, #tpu.memory_space<vmem>> -> memref<1x128xi32, #tpu.memory_space<vmem>>
      %dma_wait3A_121 = tpu.memref_squeeze %dma_wait3A_120 : memref<1x128xi32, #tpu.memory_space<vmem>> -> memref<128xi32, #tpu.memory_space<vmem>>
      %dma_wait3A_122 = arith.constant 0 : i32
      %dma_wait3A_123 = arith.constant 0 : i32
      %dma_wait3A_124 = tpu.memref_slice %arg12[%dma_wait3A_122, %dma_wait3A_123] : memref<10112x32xf32, #tpu.memory_space<vmem_shared>> -> memref<10112x32xf32, #tpu.memory_space<vmem_shared>>
      tpu.wait_indirect_dma semaphore(%run_scoped3A_112 : memref<!tpu.dma_semaphore, #tpu.memory_space<semaphore_mem>>) src(%arg8 : memref<128x32xf32, #tpu.memory_space<vmem>>) dst(%dma_wait3A_124 : memref<10112x32xf32, #tpu.memory_space<vmem_shared>>)
      tpu.yield
    }) : () -> ()
    %dma_wait3A_92 = arith.constant 79 : i32
    %dma_wait3A_93 = arith.constant 0 : i32
    %dma_wait3A_94 = tpu.memref_slice %arg6[%dma_wait3A_92, %dma_wait3A_93] : memref<80x128xi32, #tpu.memory_space<vmem>> -> memref<1x128xi32, #tpu.memory_space<vmem>>
    %dma_wait3A_95 = tpu.memref_squeeze %dma_wait3A_94 : memref<1x128xi32, #tpu.memory_space<vmem>> -> memref<128xi32, #tpu.memory_space<vmem>>
    %dma_wait3A_96 = arith.constant 0 : i32
    %dma_wait3A_97 = arith.constant 0 : i32
    %dma_wait3A_98 = tpu.memref_slice %arg11[%dma_wait3A_96, %dma_wait3A_97] : memref<10000x32xf32, #tpu.memory_space<vmem_shared>> -> memref<10000x32xf32, #tpu.memory_space<vmem_shared>>
    tpu.wait_indirect_dma semaphore(%arg14 : memref<!tpu.dma_semaphore, #tpu.memory_space<semaphore_mem>>) src(%dma_wait3A_98 : memref<10000x32xf32, #tpu.memory_space<vmem_shared>>) dst(%arg9 : memref<128x32xf32, #tpu.memory_space<vmem>>)
    %run_scoped3A_99 = arith.constant 79 : i32
    "tpu.region"() ({
      %run_scoped3A_112 = tpu.sem_alloc : memref<!tpu.dma_semaphore, #tpu.memory_space<semaphore_mem>>
      %dma_start3A_113 = arith.constant 0 : i32
      %dma_start3A_114 = tpu.memref_slice %arg7[%run_scoped3A_99, %dma_start3A_113] : memref<80x128xi32, #tpu.memory_space<vmem>> -> memref<1x128xi32, #tpu.memory_space<vmem>>
      %dma_start3A_115 = tpu.memref_squeeze %dma_start3A_114 : memref<1x128xi32, #tpu.memory_space<vmem>> -> memref<128xi32, #tpu.memory_space<vmem>>
      %dma_start3A_116 = arith.constant 0 : i32
      %dma_start3A_117 = arith.constant 0 : i32
      %dma_start3A_118 = tpu.memref_slice %arg12[%dma_start3A_116, %dma_start3A_117] : memref<10112x32xf32, #tpu.memory_space<vmem_shared>> -> memref<10112x32xf32, #tpu.memory_space<vmem_shared>>
      tpu.enqueue_indirect_dma source(%arg9 : memref<128x32xf32, #tpu.memory_space<vmem>>) target(%dma_start3A_118 : memref<10112x32xf32, #tpu.memory_space<vmem_shared>>) offsets(%dma_start3A_115 : memref<128xi32, #tpu.memory_space<vmem>>) semaphore(%run_scoped3A_112 : memref<!tpu.dma_semaphore, #tpu.memory_space<semaphore_mem>>) {add = true}
      %dma_wait3A_119 = arith.constant 0 : i32
      %dma_wait3A_120 = tpu.memref_slice %arg7[%run_scoped3A_99, %dma_wait3A_119] : memref<80x128xi32, #tpu.memory_space<vmem>> -> memref<1x128xi32, #tpu.memory_space<vmem>>
      %dma_wait3A_121 = tpu.memref_squeeze %dma_wait3A_120 : memref<1x128xi32, #tpu.memory_space<vmem>> -> memref<128xi32, #tpu.memory_space<vmem>>
      %dma_wait3A_122 = arith.constant 0 : i32
      %dma_wait3A_123 = arith.constant 0 : i32
      %dma_wait3A_124 = tpu.memref_slice %arg12[%dma_wait3A_122, %dma_wait3A_123] : memref<10112x32xf32, #tpu.memory_space<vmem_shared>> -> memref<10112x32xf32, #tpu.memory_space<vmem_shared>>
      tpu.wait_indirect_dma semaphore(%run_scoped3A_112 : memref<!tpu.dma_semaphore, #tpu.memory_space<semaphore_mem>>) src(%arg9 : memref<128x32xf32, #tpu.memory_space<vmem>>) dst(%dma_wait3A_124 : memref<10112x32xf32, #tpu.memory_space<vmem_shared>>)
      tpu.yield
    }) : () -> ()
    %barrier3A_100 = arith.constant 0 : index
    tpu.barrier barrier_id(%barrier3A_100)
    %mul3A_101 = arith.constant 632 : i32
    %mul3A_102 = arith.muli %arg1, %mul3A_101 : i32
    "tpu.region"() ({
      %run_scoped3A_112 = tpu.sem_alloc : memref<!tpu.dma_semaphore, #tpu.memory_space<semaphore_mem>>
      %dma_start3A_113 = arith.constant 0 : i32
      %dma_start3A_114 = tpu.memref_slice %arg12[%mul3A_102, %dma_start3A_113] : memref<10112x32xf32, #tpu.memory_space<vmem_shared>> -> memref<632x32xf32, #tpu.memory_space<vmem_shared>>
      %dma_start3A_115 = arith.constant 0 : i32
      %dma_start3A_116 = tpu.memref_slice %arg12[%mul3A_102, %dma_start3A_115] : memref<10112x32xf32, #tpu.memory_space<vmem_shared>> -> memref<632x32xf32, #tpu.memory_space<vmem_shared>>
      tpu.enqueue_dma source(%dma_start3A_116 : memref<632x32xf32, #tpu.memory_space<vmem_shared>>) target(%arg10 : memref<632x32xf32, #tpu.memory_space<vmem>>) target_semaphore(%run_scoped3A_112 : memref<!tpu.dma_semaphore, #tpu.memory_space<semaphore_mem>>)
      %dma_wait3A_117 = arith.constant 0 : i32
      %dma_wait3A_118 = tpu.memref_slice %arg12[%mul3A_102, %dma_wait3A_117] : memref<10112x32xf32, #tpu.memory_space<vmem_shared>> -> memref<632x32xf32, #tpu.memory_space<vmem_shared>>
      %dma_wait3A_119 = arith.constant 0 : i32
      %dma_wait3A_120 = tpu.memref_slice %arg12[%mul3A_102, %dma_wait3A_119] : memref<10112x32xf32, #tpu.memory_space<vmem_shared>> -> memref<632x32xf32, #tpu.memory_space<vmem_shared>>
      tpu.wait_dma2 semaphore(%run_scoped3A_112 : memref<!tpu.dma_semaphore, #tpu.memory_space<semaphore_mem>>) src(%dma_wait3A_120 : memref<632x32xf32, #tpu.memory_space<vmem_shared>>) dst(%arg10 : memref<632x32xf32, #tpu.memory_space<vmem>>)
      tpu.yield
    }) : () -> ()
    %mul3A_103 = arith.constant 632 : i32
    %mul3A_104 = arith.muli %arg1, %mul3A_103 : i32
    %run_scoped3A_105 = arith.constant 1 : i32
    "tpu.region"() ({
      %run_scoped3A_112 = tpu.sem_alloc : memref<!tpu.dma_semaphore, #tpu.memory_space<semaphore_mem>>
      %dma_start3A_113 = arith.constant 0 : i32
      %dma_start3A_114 = tpu.memref_slice %arg5[%arg0, %run_scoped3A_105, %mul3A_104, %dma_start3A_113] : memref<2x2x10112x128xf32, #tpu.memory_space<hbm>> -> memref<1x1x632x32xf32, #tpu.memory_space<hbm>>
      %dma_start3A_115 = tpu.memref_squeeze %dma_start3A_114 : memref<1x1x632x32xf32, #tpu.memory_space<hbm>> -> memref<632x32xf32, #tpu.memory_space<hbm>>
      %dma_start3A_116 = arith.constant 0 : i32
      %dma_start3A_117 = tpu.memref_slice %arg5[%arg0, %run_scoped3A_105, %mul3A_104, %dma_start3A_116] : memref<2x2x10112x128xf32, #tpu.memory_space<hbm>> -> memref<1x1x632x32xf32, #tpu.memory_space<hbm>>
      %dma_start3A_118 = tpu.memref_squeeze %dma_start3A_117 : memref<1x1x632x32xf32, #tpu.memory_space<hbm>> -> memref<632x32xf32, #tpu.memory_space<hbm>>
      tpu.enqueue_dma source(%arg10 : memref<632x32xf32, #tpu.memory_space<vmem>>) target(%dma_start3A_118 : memref<632x32xf32, #tpu.memory_space<hbm>>) target_semaphore(%run_scoped3A_112 : memref<!tpu.dma_semaphore, #tpu.memory_space<semaphore_mem>>)
      %dma_wait3A_119 = arith.constant 0 : i32
      %dma_wait3A_120 = tpu.memref_slice %arg5[%arg0, %run_scoped3A_105, %mul3A_104, %dma_wait3A_119] : memref<2x2x10112x128xf32, #tpu.memory_space<hbm>> -> memref<1x1x632x32xf32, #tpu.memory_space<hbm>>
      %dma_wait3A_121 = tpu.memref_squeeze %dma_wait3A_120 : memref<1x1x632x32xf32, #tpu.memory_space<hbm>> -> memref<632x32xf32, #tpu.memory_space<hbm>>
      %dma_wait3A_122 = arith.constant 0 : i32
      %dma_wait3A_123 = tpu.memref_slice %arg5[%arg0, %run_scoped3A_105, %mul3A_104, %dma_wait3A_122] : memref<2x2x10112x128xf32, #tpu.memory_space<hbm>> -> memref<1x1x632x32xf32, #tpu.memory_space<hbm>>
      %dma_wait3A_124 = tpu.memref_squeeze %dma_wait3A_123 : memref<1x1x632x32xf32, #tpu.memory_space<hbm>> -> memref<632x32xf32, #tpu.memory_space<hbm>>
      tpu.wait_dma2 semaphore(%run_scoped3A_112 : memref<!tpu.dma_semaphore, #tpu.memory_space<semaphore_mem>>) src(%arg10 : memref<632x32xf32, #tpu.memory_space<vmem>>) dst(%dma_wait3A_124 : memref<632x32xf32, #tpu.memory_space<hbm>>)
      tpu.yield
    }) : () -> ()
    %scan3A_106 = arith.constant 0 : i32
    %scan3A_107 = arith.constant 0 : i32
    %scan3A_108 = arith.constant 632 : i32
    %scan3A_109 = arith.addi %scan3A_107, %scan3A_108 : i32
    %scan3A_110 = arith.constant 1 : i32
    scf.for %scan3A_112 = %scan3A_107 to %scan3A_109 step %scan3A_110  : i32 {
      %broadcast_in_dim3A = arith.constant 0.000000e+00 : f32
      %broadcast_in_dim3A_113 = vector.broadcast %broadcast_in_dim3A : f32 to vector<16xf32>
      %swap3A = arith.index_cast %scan3A_112 : i32 to index
      %swap3A_114 = arith.constant 0 : index
      %swap3A_115 = tpu.vector_load %arg10[%swap3A, %swap3A_114] {strides = array<i32>} : memref<632x32xf32, #tpu.memory_space<vmem>>, vector<1x16xf32>,
      %swap3A_116 = vector.shape_cast %swap3A_115 : vector<1x16xf32> to vector<16xf32>
      %swap3A_117 = vector.shape_cast %broadcast_in_dim3A_113 : vector<16xf32> to vector<1x16xf32>
      tpu.vector_store %arg10[%swap3A, %swap3A_114], %swap3A_117 {strides = array<i32>} : memref<632x32xf32, #tpu.memory_space<vmem>>, vector<1x16xf32>,
      %broadcast_in_dim3A_118 = arith.constant 0.000000e+00 : f32
      %broadcast_in_dim3A_119 = vector.broadcast %broadcast_in_dim3A_118 : f32 to vector<16xf32>
      %swap3A_120 = arith.index_cast %scan3A_112 : i32 to index
      %swap3A_121 = arith.constant 16 : index
      %swap3A_122 = tpu.vector_load %arg10[%swap3A_120, %swap3A_121] {strides = array<i32>} : memref<632x32xf32, #tpu.memory_space<vmem>>, vector<1x16xf32>,
      %swap3A_123 = vector.shape_cast %swap3A_122 : vector<1x16xf32> to vector<16xf32>
      %swap3A_124 = vector.shape_cast %broadcast_in_dim3A_119 : vector<16xf32> to vector<1x16xf32>
      tpu.vector_store %arg10[%swap3A_120, %swap3A_121], %swap3A_124 {strides = array<i32>} : memref<632x32xf32, #tpu.memory_space<vmem>>, vector<1x16xf32>,
    }
    %scan3A_111 = arith.constant 632 : i32
    return
  }
}

#map = affine_map<(d0, d1) -> (0, 0)>
#map1 = affine_map<(d0, d1) -> (0, 0, 0)>
#map2 = affine_map<(d0, d1) -> (0, 0, 0, 0)>
module attributes {stable_mosaic.version = 14 : i64} {
  func.func @_seg_sum_body(%arg0: i32, %arg1: i32, %arg2: memref<10000x128xf32, #tpu.memory_space<hbm>>, %arg3: memref<32x80x128xi32, #tpu.memory_space<hbm>>, %arg4: memref<32x80x128xi32, #tpu.memory_space<hbm>>, %arg5: memref<2x2x10112x128xf32, #tpu.memory_space<hbm>>, %arg6: memref<80x128xi32, #tpu.memory_space<vmem>>, %arg7: memref<80x128xi32, #tpu.memory_space<vmem>>, %arg8: memref<128x32xf32, #tpu.memory_space<vmem>>, %arg9: memref<128x32xf32, #tpu.memory_space<vmem>>, %arg10: memref<632x32xf32, #tpu.memory_space<vmem>>, %arg11: memref<10000x32xf32, #tpu.memory_space<vmem_shared>>, %arg12: memref<10112x32xf32, #tpu.memory_space<vmem_shared>>, %arg13: memref<!tpu.dma_semaphore, #tpu.memory_space<semaphore_mem>>, %arg14: memref<!tpu.dma_semaphore, #tpu.memory_space<semaphore_mem>>) attributes {dimension_semantics = [#tpu.dimension_semantics<core_parallel>, #tpu.dimension_semantics<subcore_parallel>], iteration_bounds = array<i64: 2, 16>, scalar_prefetch = 0 : i64, scratch_operands = 9 : i64, tpu.core_type = #tpu.core_type<sc_vector_subcore>, window_params = [{transform_indices = #map}, {transform_indices = #map1}, {transform_indices = #map1}, {transform_indices = #map2}]} {
    %mul3A = arith.constant 16 : i32
    %mul3A_0 = arith.muli %arg0, %mul3A : i32
    %add3A = arith.addi %mul3A_0, %arg1 : i32
    %scan3A = arith.constant 0 : i32
    %scan3A_1 = arith.constant 0 : i32
    %scan3A_2 = arith.constant 632 : i32
    %scan3A_3 = arith.addi %scan3A_1, %scan3A_2 : i32
    %scan3A_4 = arith.constant 1 : i32
    scf.for %scan3A_112 = %scan3A_1 to %scan3A_3 step %scan3A_4  : i32 {
      %broadcast_in_dim3A = arith.constant 0.000000e+00 : f32
      %broadcast_in_dim3A_113 = vector.broadcast %broadcast_in_dim3A : f32 to vector<16xf32>
      %swap3A = arith.index_cast %scan3A_112 : i32 to index
      %swap3A_114 = arith.constant 0 : index
      %swap3A_115 = tpu.vector_load %arg10[%swap3A, %swap3A_114] {strides = array<i32>} : memref<632x32xf32, #tpu.memory_space<vmem>>, vector<1x16xf32>,
      %swap3A_116 = vector.shape_cast %swap3A_115 : vector<1x16xf32> to vector<16xf32>
      %swap3A_117 = vector.shape_cast %broadcast_in_dim3A_113 : vector<16xf32> to vector<1x16xf32>
      tpu.vector_store %arg10[%swap3A, %swap3A_114], %swap3A_117 {strides = array<i32>} : memref<632x32xf32, #tpu.memory_space<vmem>>, vector<1x16xf32>,
      %broadcast_in_dim3A_118 = arith.constant 0.000000e+00 : f32
      %broadcast_in_dim3A_119 = vector.broadcast %broadcast_in_dim3A_118 : f32 to vector<16xf32>
      %swap3A_120 = arith.index_cast %scan3A_112 : i32 to index
      %swap3A_121 = arith.constant 16 : index
      %swap3A_122 = tpu.vector_load %arg10[%swap3A_120, %swap3A_121] {strides = array<i32>} : memref<632x32xf32, #tpu.memory_space<vmem>>, vector<1x16xf32>,
      %swap3A_123 = vector.shape_cast %swap3A_122 : vector<1x16xf32> to vector<16xf32>
      %swap3A_124 = vector.shape_cast %broadcast_in_dim3A_119 : vector<16xf32> to vector<1x16xf32>
      tpu.vector_store %arg10[%swap3A_120, %swap3A_121], %swap3A_124 {strides = array<i32>} : memref<632x32xf32, #tpu.memory_space<vmem>>, vector<1x16xf32>,
    }
    %scan3A_5 = arith.constant 632 : i32
    "tpu.region"() ({
      %run_scoped3A_112 = tpu.sem_alloc : memref<!tpu.dma_semaphore, #tpu.memory_space<semaphore_mem>>
      %dma_start3A_113 = arith.constant 0 : i32
      %dma_start3A_114 = arith.constant 0 : i32
      %dma_start3A_115 = tpu.memref_slice %arg3[%add3A, %dma_start3A_113, %dma_start3A_114] : memref<32x80x128xi32, #tpu.memory_space<hbm>> -> memref<1x80x128xi32, #tpu.memory_space<hbm>>
      %dma_start3A_116 = tpu.memref_squeeze %dma_start3A_115 : memref<1x80x128xi32, #tpu.memory_space<hbm>> -> memref<80x128xi32, #tpu.memory_space<hbm>>
      %dma_start3A_117 = arith.constant 0 : i32
      %dma_start3A_118 = arith.constant 0 : i32
      %dma_start3A_119 = tpu.memref_slice %arg3[%add3A, %dma_start3A_117, %dma_start3A_118] : memref<32x80x128xi32, #tpu.memory_space<hbm>> -> memref<1x80x128xi32, #tpu.memory_space<hbm>>
      %dma_start3A_120 = tpu.memref_squeeze %dma_start3A_119 : memref<1x80x128xi32, #tpu.memory_space<hbm>> -> memref<80x128xi32, #tpu.memory_space<hbm>>
      tpu.enqueue_dma source(%dma_start3A_120 : memref<80x128xi32, #tpu.memory_space<hbm>>) target(%arg6 : memref<80x128xi32, #tpu.memory_space<vmem>>) target_semaphore(%run_scoped3A_112 : memref<!tpu.dma_semaphore, #tpu.memory_space<semaphore_mem>>)
      %dma_wait3A_121 = arith.constant 0 : i32
      %dma_wait3A_122 = arith.constant 0 : i32
      %dma_wait3A_123 = tpu.memref_slice %arg3[%add3A, %dma_wait3A_121, %dma_wait3A_122] : memref<32x80x128xi32, #tpu.memory_space<hbm>> -> memref<1x80x128xi32, #tpu.memory_space<hbm>>
      %dma_wait3A_124 = tpu.memref_squeeze %dma_wait3A_123 : memref<1x80x128xi32, #tpu.memory_space<hbm>> -> memref<80x128xi32, #tpu.memory_space<hbm>>
      %dma_wait3A_125 = arith.constant 0 : i32
      %dma_wait3A_126 = arith.constant 0 : i32
      %dma_wait3A_127 = tpu.memref_slice %arg3[%add3A, %dma_wait3A_125, %dma_wait3A_126] : memref<32x80x128xi32, #tpu.memory_space<hbm>> -> memref<1x80x128xi32, #tpu.memory_space<hbm>>
      %dma_wait3A_128 = tpu.memref_squeeze %dma_wait3A_127 : memref<1x80x128xi32, #tpu.memory_space<hbm>> -> memref<80x128xi32, #tpu.memory_space<hbm>>
      tpu.wait_dma2 semaphore(%run_scoped3A_112 : memref<!tpu.dma_semaphore, #tpu.memory_space<semaphore_mem>>) src(%dma_wait3A_128 : memref<80x128xi32, #tpu.memory_space<hbm>>) dst(%arg6 : memref<80x128xi32, #tpu.memory_space<vmem>>)
      tpu.yield
    }) : () -> ()
    "tpu.region"() ({
      %run_scoped3A_112 = tpu.sem_alloc : memref<!tpu.dma_semaphore, #tpu.memory_space<semaphore_mem>>
      %dma_start3A_113 = arith.constant 0 : i32
      %dma_start3A_114 = arith.constant 0 : i32
      %dma_start3A_115 = tpu.memref_slice %arg4[%add3A, %dma_start3A_113, %dma_start3A_114] : memref<32x80x128xi32, #tpu.memory_space<hbm>> -> memref<1x80x128xi32, #tpu.memory_space<hbm>>
      %dma_start3A_116 = tpu.memref_squeeze %dma_start3A_115 : memref<1x80x128xi32, #tpu.memory_space<hbm>> -> memref<80x128xi32, #tpu.memory_space<hbm>>
      %dma_start3A_117 = arith.constant 0 : i32
      %dma_start3A_118 = arith.constant 0 : i32
      %dma_start3A_119 = tpu.memref_slice %arg4[%add3A, %dma_start3A_117, %dma_start3A_118] : memref<32x80x128xi32, #tpu.memory_space<hbm>> -> memref<1x80x128xi32, #tpu.memory_space<hbm>>
      %dma_start3A_120 = tpu.memref_squeeze %dma_start3A_119 : memref<1x80x128xi32, #tpu.memory_space<hbm>> -> memref<80x128xi32, #tpu.memory_space<hbm>>
      tpu.enqueue_dma source(%dma_start3A_120 : memref<80x128xi32, #tpu.memory_space<hbm>>) target(%arg7 : memref<80x128xi32, #tpu.memory_space<vmem>>) target_semaphore(%run_scoped3A_112 : memref<!tpu.dma_semaphore, #tpu.memory_space<semaphore_mem>>)
      %dma_wait3A_121 = arith.constant 0 : i32
      %dma_wait3A_122 = arith.constant 0 : i32
      %dma_wait3A_123 = tpu.memref_slice %arg4[%add3A, %dma_wait3A_121, %dma_wait3A_122] : memref<32x80x128xi32, #tpu.memory_space<hbm>> -> memref<1x80x128xi32, #tpu.memory_space<hbm>>
      %dma_wait3A_124 = tpu.memref_squeeze %dma_wait3A_123 : memref<1x80x128xi32, #tpu.memory_space<hbm>> -> memref<80x128xi32, #tpu.memory_space<hbm>>
      %dma_wait3A_125 = arith.constant 0 : i32
      %dma_wait3A_126 = arith.constant 0 : i32
      %dma_wait3A_127 = tpu.memref_slice %arg4[%add3A, %dma_wait3A_125, %dma_wait3A_126] : memref<32x80x128xi32, #tpu.memory_space<hbm>> -> memref<1x80x128xi32, #tpu.memory_space<hbm>>
      %dma_wait3A_128 = tpu.memref_squeeze %dma_wait3A_127 : memref<1x80x128xi32, #tpu.memory_space<hbm>> -> memref<80x128xi32, #tpu.memory_space<hbm>>
      tpu.wait_dma2 semaphore(%run_scoped3A_112 : memref<!tpu.dma_semaphore, #tpu.memory_space<semaphore_mem>>) src(%dma_wait3A_128 : memref<80x128xi32, #tpu.memory_space<hbm>>) dst(%arg7 : memref<80x128xi32, #tpu.memory_space<vmem>>)
      tpu.yield
    }) : () -> ()
    %mul3A_6 = arith.constant 632 : i32
    %mul3A_7 = arith.muli %arg1, %mul3A_6 : i32
    "tpu.region"() ({
      %run_scoped3A_112 = tpu.sem_alloc : memref<!tpu.dma_semaphore, #tpu.memory_space<semaphore_mem>>
      %dma_start3A_113 = arith.constant 0 : i32
      %dma_start3A_114 = tpu.memref_slice %arg12[%mul3A_7, %dma_start3A_113] : memref<10112x32xf32, #tpu.memory_space<vmem_shared>> -> memref<632x32xf32, #tpu.memory_space<vmem_shared>>
      %dma_start3A_115 = arith.constant 0 : i32
      %dma_start3A_116 = tpu.memref_slice %arg12[%mul3A_7, %dma_start3A_115] : memref<10112x32xf32, #tpu.memory_space<vmem_shared>> -> memref<632x32xf32, #tpu.memory_space<vmem_shared>>
      tpu.enqueue_dma source(%arg10 : memref<632x32xf32, #tpu.memory_space<vmem>>) target(%dma_start3A_116 : memref<632x32xf32, #tpu.memory_space<vmem_shared>>) target_semaphore(%run_scoped3A_112 : memref<!tpu.dma_semaphore, #tpu.memory_space<semaphore_mem>>)
      %dma_wait3A_117 = arith.constant 0 : i32
      %dma_wait3A_118 = tpu.memref_slice %arg12[%mul3A_7, %dma_wait3A_117] : memref<10112x32xf32, #tpu.memory_space<vmem_shared>> -> memref<632x32xf32, #tpu.memory_space<vmem_shared>>
      %dma_wait3A_119 = arith.constant 0 : i32
      %dma_wait3A_120 = tpu.memref_slice %arg12[%mul3A_7, %dma_wait3A_119] : memref<10112x32xf32, #tpu.memory_space<vmem_shared>> -> memref<632x32xf32, #tpu.memory_space<vmem_shared>>
      tpu.wait_dma2 semaphore(%run_scoped3A_112 : memref<!tpu.dma_semaphore, #tpu.memory_space<semaphore_mem>>) src(%arg10 : memref<632x32xf32, #tpu.memory_space<vmem>>) dst(%dma_wait3A_120 : memref<632x32xf32, #tpu.memory_space<vmem_shared>>)
      tpu.yield
    }) : () -> ()
    %mul3A_8 = arith.constant 625 : i32
    %mul3A_9 = arith.muli %arg1, %mul3A_8 : i32
    %mul3A_10 = arith.constant 625 : i32
    %mul3A_11 = arith.muli %arg1, %mul3A_10 : i32
    "tpu.region"() ({
      %run_scoped3A_112 = tpu.sem_alloc : memref<!tpu.dma_semaphore, #tpu.memory_space<semaphore_mem>>
      %dma_start3A_113 = arith.constant 0 : i32
      %dma_start3A_114 = tpu.memref_slice %arg11[%mul3A_11, %dma_start3A_113] : memref<10000x32xf32, #tpu.memory_space<vmem_shared>> -> memref<625x32xf32, #tpu.memory_space<vmem_shared>>
      %dma_start3A_115 = arith.constant 0 : i32
      %dma_start3A_116 = tpu.memref_slice %arg2[%mul3A_9, %dma_start3A_115] : memref<10000x128xf32, #tpu.memory_space<hbm>> -> memref<625x32xf32, #tpu.memory_space<hbm>>
      tpu.enqueue_dma source(%dma_start3A_116 : memref<625x32xf32, #tpu.memory_space<hbm>>) target(%dma_start3A_114 : memref<625x32xf32, #tpu.memory_space<vmem_shared>>) target_semaphore(%run_scoped3A_112 : memref<!tpu.dma_semaphore, #tpu.memory_space<semaphore_mem>>)
      %dma_wait3A_117 = arith.constant 0 : i32
      %dma_wait3A_118 = tpu.memref_slice %arg11[%mul3A_11, %dma_wait3A_117] : memref<10000x32xf32, #tpu.memory_space<vmem_shared>> -> memref<625x32xf32, #tpu.memory_space<vmem_shared>>
      %dma_wait3A_119 = arith.constant 0 : i32
      %dma_wait3A_120 = tpu.memref_slice %arg2[%mul3A_9, %dma_wait3A_119] : memref<10000x128xf32, #tpu.memory_space<hbm>> -> memref<625x32xf32, #tpu.memory_space<hbm>>
      tpu.wait_dma2 semaphore(%run_scoped3A_112 : memref<!tpu.dma_semaphore, #tpu.memory_space<semaphore_mem>>) src(%dma_wait3A_120 : memref<625x32xf32, #tpu.memory_space<hbm>>) dst(%dma_wait3A_118 : memref<625x32xf32, #tpu.memory_space<vmem_shared>>)
      tpu.yield
    }) : () -> ()
    %barrier3A = arith.constant 0 : index
    tpu.barrier barrier_id(%barrier3A)
    %dma_start3A = arith.constant 0 : i32
    %dma_start3A_12 = arith.constant 0 : i32
    %dma_start3A_13 = tpu.memref_slice %arg6[%dma_start3A, %dma_start3A_12] : memref<80x128xi32, #tpu.memory_space<vmem>> -> memref<1x128xi32, #tpu.memory_space<vmem>>
    %dma_start3A_14 = tpu.memref_squeeze %dma_start3A_13 : memref<1x128xi32, #tpu.memory_space<vmem>> -> memref<128xi32, #tpu.memory_space<vmem>>
    %dma_start3A_15 = arith.constant 0 : i32
    %dma_start3A_16 = arith.constant 0 : i32
    %dma_start3A_17 = tpu.memref_slice %arg11[%dma_start3A_15, %dma_start3A_16] : memref<10000x32xf32, #tpu.memory_space<vmem_shared>> -> memref<10000x32xf32, #tpu.memory_space<vmem_shared>>
    tpu.enqueue_indirect_dma source(%dma_start3A_17 : memref<10000x32xf32, #tpu.memory_space<vmem_shared>>) target(%arg8 : memref<128x32xf32, #tpu.memory_space<vmem>>) offsets(%dma_start3A_14 : memref<128xi32, #tpu.memory_space<vmem>>) semaphore(%arg13 : memref<!tpu.dma_semaphore, #tpu.memory_space<semaphore_mem>>)
    %scan3A_18 = arith.constant 0 : i32
    %scan3A_19 = arith.constant 0 : i32
    %scan3A_20 = arith.constant 39 : i32
    %scan3A_21 = arith.addi %scan3A_19, %scan3A_20 : i32
    %scan3A_22 = arith.constant 1 : i32
    scf.for %scan3A_112 = %scan3A_19 to %scan3A_21 step %scan3A_22  : i32 {
      %mul3A_113 = arith.constant 2 : i32
      %mul3A_114 = arith.muli %mul3A_113, %scan3A_112 : i32
      %add3A_115 = arith.constant 1 : i32
      %add3A_116 = arith.addi %mul3A_114, %add3A_115 : i32
      %dma_start3A_117 = arith.constant 0 : i32
      %dma_start3A_118 = tpu.memref_slice %arg6[%add3A_116, %dma_start3A_117] : memref<80x128xi32, #tpu.memory_space<vmem>> -> memref<1x128xi32, #tpu.memory_space<vmem>>
      %dma_start3A_119 = tpu.memref_squeeze %dma_start3A_118 : memref<1x128xi32, #tpu.memory_space<vmem>> -> memref<128xi32, #tpu.memory_space<vmem>>
      %dma_start3A_120 = arith.constant 0 : i32
      %dma_start3A_121 = arith.constant 0 : i32
      %dma_start3A_122 = tpu.memref_slice %arg11[%dma_start3A_120, %dma_start3A_121] : memref<10000x32xf32, #tpu.memory_space<vmem_shared>> -> memref<10000x32xf32, #tpu.memory_space<vmem_shared>>
      tpu.enqueue_indirect_dma source(%dma_start3A_122 : memref<10000x32xf32, #tpu.memory_space<vmem_shared>>) target(%arg9 : memref<128x32xf32, #tpu.memory_space<vmem>>) offsets(%dma_start3A_119 : memref<128xi32, #tpu.memory_space<vmem>>) semaphore(%arg14 : memref<!tpu.dma_semaphore, #tpu.memory_space<semaphore_mem>>)
      %dma_wait3A_123 = arith.constant 0 : i32
      %dma_wait3A_124 = tpu.memref_slice %arg6[%mul3A_114, %dma_wait3A_123] : memref<80x128xi32, #tpu.memory_space<vmem>> -> memref<1x128xi32, #tpu.memory_space<vmem>>
      %dma_wait3A_125 = tpu.memref_squeeze %dma_wait3A_124 : memref<1x128xi32, #tpu.memory_space<vmem>> -> memref<128xi32, #tpu.memory_space<vmem>>
      %dma_wait3A_126 = arith.constant 0 : i32
      %dma_wait3A_127 = arith.constant 0 : i32
      %dma_wait3A_128 = tpu.memref_slice %arg11[%dma_wait3A_126, %dma_wait3A_127] : memref<10000x32xf32, #tpu.memory_space<vmem_shared>> -> memref<10000x32xf32, #tpu.memory_space<vmem_shared>>
      tpu.wait_indirect_dma semaphore(%arg13 : memref<!tpu.dma_semaphore, #tpu.memory_space<semaphore_mem>>) src(%dma_wait3A_128 : memref<10000x32xf32, #tpu.memory_space<vmem_shared>>) dst(%arg8 : memref<128x32xf32, #tpu.memory_space<vmem>>)
      "tpu.region"() ({
        %run_scoped3A_147 = tpu.sem_alloc : memref<!tpu.dma_semaphore, #tpu.memory_space<semaphore_mem>>
        %dma_start3A_148 = arith.constant 0 : i32
        %dma_start3A_149 = tpu.memref_slice %arg7[%mul3A_114, %dma_start3A_148] : memref<80x128xi32, #tpu.memory_space<vmem>> -> memref<1x128xi32, #tpu.memory_space<vmem>>
        %dma_start3A_150 = tpu.memref_squeeze %dma_start3A_149 : memref<1x128xi32, #tpu.memory_space<vmem>> -> memref<128xi32, #tpu.memory_space<vmem>>
        %dma_start3A_151 = arith.constant 0 : i32
        %dma_start3A_152 = arith.constant 0 : i32
        %dma_start3A_153 = tpu.memref_slice %arg12[%dma_start3A_151, %dma_start3A_152] : memref<10112x32xf32, #tpu.memory_space<vmem_shared>> -> memref<10112x32xf32, #tpu.memory_space<vmem_shared>>
        tpu.enqueue_indirect_dma source(%arg8 : memref<128x32xf32, #tpu.memory_space<vmem>>) target(%dma_start3A_153 : memref<10112x32xf32, #tpu.memory_space<vmem_shared>>) offsets(%dma_start3A_150 : memref<128xi32, #tpu.memory_space<vmem>>) semaphore(%run_scoped3A_147 : memref<!tpu.dma_semaphore, #tpu.memory_space<semaphore_mem>>) {add = true}
        %dma_wait3A_154 = arith.constant 0 : i32
        %dma_wait3A_155 = tpu.memref_slice %arg7[%mul3A_114, %dma_wait3A_154] : memref<80x128xi32, #tpu.memory_space<vmem>> -> memref<1x128xi32, #tpu.memory_space<vmem>>
        %dma_wait3A_156 = tpu.memref_squeeze %dma_wait3A_155 : memref<1x128xi32, #tpu.memory_space<vmem>> -> memref<128xi32, #tpu.memory_space<vmem>>
        %dma_wait3A_157 = arith.constant 0 : i32
        %dma_wait3A_158 = arith.constant 0 : i32
        %dma_wait3A_159 = tpu.memref_slice %arg12[%dma_wait3A_157, %dma_wait3A_158] : memref<10112x32xf32, #tpu.memory_space<vmem_shared>> -> memref<10112x32xf32, #tpu.memory_space<vmem_shared>>
        tpu.wait_indirect_dma semaphore(%run_scoped3A_147 : memref<!tpu.dma_semaphore, #tpu.memory_space<semaphore_mem>>) src(%arg8 : memref<128x32xf32, #tpu.memory_space<vmem>>) dst(%dma_wait3A_159 : memref<10112x32xf32, #tpu.memory_space<vmem_shared>>)
        tpu.yield
      }) : () -> ()
      %add3A_129 = arith.constant 2 : i32
      %add3A_130 = arith.addi %mul3A_114, %add3A_129 : i32
      %dma_start3A_131 = arith.constant 0 : i32
      %dma_start3A_132 = tpu.memref_slice %arg6[%add3A_130, %dma_start3A_131] : memref<80x128xi32, #tpu.memory_space<vmem>> -> memref<1x128xi32, #tpu.memory_space<vmem>>
      %dma_start3A_133 = tpu.memref_squeeze %dma_start3A_132 : memref<1x128xi32, #tpu.memory_space<vmem>> -> memref<128xi32, #tpu.memory_space<vmem>>
      %dma_start3A_134 = arith.constant 0 : i32
      %dma_start3A_135 = arith.constant 0 : i32
      %dma_start3A_136 = tpu.memref_slice %arg11[%dma_start3A_134, %dma_start3A_135] : memref<10000x32xf32, #tpu.memory_space<vmem_shared>> -> memref<10000x32xf32, #tpu.memory_space<vmem_shared>>
      tpu.enqueue_indirect_dma source(%dma_start3A_136 : memref<10000x32xf32, #tpu.memory_space<vmem_shared>>) target(%arg8 : memref<128x32xf32, #tpu.memory_space<vmem>>) offsets(%dma_start3A_133 : memref<128xi32, #tpu.memory_space<vmem>>) semaphore(%arg13 : memref<!tpu.dma_semaphore, #tpu.memory_space<semaphore_mem>>)
      %add3A_137 = arith.constant 1 : i32
      %add3A_138 = arith.addi %mul3A_114, %add3A_137 : i32
      %dma_wait3A_139 = arith.constant 0 : i32
      %dma_wait3A_140 = tpu.memref_slice %arg6[%add3A_138, %dma_wait3A_139] : memref<80x128xi32, #tpu.memory_space<vmem>> -> memref<1x128xi32, #tpu.memory_space<vmem>>
      %dma_wait3A_141 = tpu.memref_squeeze %dma_wait3A_140 : memref<1x128xi32, #tpu.memory_space<vmem>> -> memref<128xi32, #tpu.memory_space<vmem>>
      %dma_wait3A_142 = arith.constant 0 : i32
      %dma_wait3A_143 = arith.constant 0 : i32
      %dma_wait3A_144 = tpu.memref_slice %arg11[%dma_wait3A_142, %dma_wait3A_143] : memref<10000x32xf32, #tpu.memory_space<vmem_shared>> -> memref<10000x32xf32, #tpu.memory_space<vmem_shared>>
      tpu.wait_indirect_dma semaphore(%arg14 : memref<!tpu.dma_semaphore, #tpu.memory_space<semaphore_mem>>) src(%dma_wait3A_144 : memref<10000x32xf32, #tpu.memory_space<vmem_shared>>) dst(%arg9 : memref<128x32xf32, #tpu.memory_space<vmem>>)
      %add3A_145 = arith.constant 1 : i32
      %add3A_146 = arith.addi %mul3A_114, %add3A_145 : i32
      "tpu.region"() ({
        %run_scoped3A_147 = tpu.sem_alloc : memref<!tpu.dma_semaphore, #tpu.memory_space<semaphore_mem>>
        %dma_start3A_148 = arith.constant 0 : i32
        %dma_start3A_149 = tpu.memref_slice %arg7[%add3A_146, %dma_start3A_148] : memref<80x128xi32, #tpu.memory_space<vmem>> -> memref<1x128xi32, #tpu.memory_space<vmem>>
        %dma_start3A_150 = tpu.memref_squeeze %dma_start3A_149 : memref<1x128xi32, #tpu.memory_space<vmem>> -> memref<128xi32, #tpu.memory_space<vmem>>
        %dma_start3A_151 = arith.constant 0 : i32
        %dma_start3A_152 = arith.constant 0 : i32
        %dma_start3A_153 = tpu.memref_slice %arg12[%dma_start3A_151, %dma_start3A_152] : memref<10112x32xf32, #tpu.memory_space<vmem_shared>> -> memref<10112x32xf32, #tpu.memory_space<vmem_shared>>
        tpu.enqueue_indirect_dma source(%arg9 : memref<128x32xf32, #tpu.memory_space<vmem>>) target(%dma_start3A_153 : memref<10112x32xf32, #tpu.memory_space<vmem_shared>>) offsets(%dma_start3A_150 : memref<128xi32, #tpu.memory_space<vmem>>) semaphore(%run_scoped3A_147 : memref<!tpu.dma_semaphore, #tpu.memory_space<semaphore_mem>>) {add = true}
        %dma_wait3A_154 = arith.constant 0 : i32
        %dma_wait3A_155 = tpu.memref_slice %arg7[%add3A_146, %dma_wait3A_154] : memref<80x128xi32, #tpu.memory_space<vmem>> -> memref<1x128xi32, #tpu.memory_space<vmem>>
        %dma_wait3A_156 = tpu.memref_squeeze %dma_wait3A_155 : memref<1x128xi32, #tpu.memory_space<vmem>> -> memref<128xi32, #tpu.memory_space<vmem>>
        %dma_wait3A_157 = arith.constant 0 : i32
        %dma_wait3A_158 = arith.constant 0 : i32
        %dma_wait3A_159 = tpu.memref_slice %arg12[%dma_wait3A_157, %dma_wait3A_158] : memref<10112x32xf32, #tpu.memory_space<vmem_shared>> -> memref<10112x32xf32, #tpu.memory_space<vmem_shared>>
        tpu.wait_indirect_dma semaphore(%run_scoped3A_147 : memref<!tpu.dma_semaphore, #tpu.memory_space<semaphore_mem>>) src(%arg9 : memref<128x32xf32, #tpu.memory_space<vmem>>) dst(%dma_wait3A_159 : memref<10112x32xf32, #tpu.memory_space<vmem_shared>>)
        tpu.yield
      }) : () -> ()
    }
    %scan3A_23 = arith.constant 39 : i32
    %dma_start3A_24 = arith.constant 79 : i32
    %dma_start3A_25 = arith.constant 0 : i32
    %dma_start3A_26 = tpu.memref_slice %arg6[%dma_start3A_24, %dma_start3A_25] : memref<80x128xi32, #tpu.memory_space<vmem>> -> memref<1x128xi32, #tpu.memory_space<vmem>>
    %dma_start3A_27 = tpu.memref_squeeze %dma_start3A_26 : memref<1x128xi32, #tpu.memory_space<vmem>> -> memref<128xi32, #tpu.memory_space<vmem>>
    %dma_start3A_28 = arith.constant 0 : i32
    %dma_start3A_29 = arith.constant 0 : i32
    %dma_start3A_30 = tpu.memref_slice %arg11[%dma_start3A_28, %dma_start3A_29] : memref<10000x32xf32, #tpu.memory_space<vmem_shared>> -> memref<10000x32xf32, #tpu.memory_space<vmem_shared>>
    tpu.enqueue_indirect_dma source(%dma_start3A_30 : memref<10000x32xf32, #tpu.memory_space<vmem_shared>>) target(%arg9 : memref<128x32xf32, #tpu.memory_space<vmem>>) offsets(%dma_start3A_27 : memref<128xi32, #tpu.memory_space<vmem>>) semaphore(%arg14 : memref<!tpu.dma_semaphore, #tpu.memory_space<semaphore_mem>>)
    %dma_wait3A = arith.constant 78 : i32
    %dma_wait3A_31 = arith.constant 0 : i32
    %dma_wait3A_32 = tpu.memref_slice %arg6[%dma_wait3A, %dma_wait3A_31] : memref<80x128xi32, #tpu.memory_space<vmem>> -> memref<1x128xi32, #tpu.memory_space<vmem>>
    %dma_wait3A_33 = tpu.memref_squeeze %dma_wait3A_32 : memref<1x128xi32, #tpu.memory_space<vmem>> -> memref<128xi32, #tpu.memory_space<vmem>>
    %dma_wait3A_34 = arith.constant 0 : i32
    %dma_wait3A_35 = arith.constant 0 : i32
    %dma_wait3A_36 = tpu.memref_slice %arg11[%dma_wait3A_34, %dma_wait3A_35] : memref<10000x32xf32, #tpu.memory_space<vmem_shared>> -> memref<10000x32xf32, #tpu.memory_space<vmem_shared>>
    tpu.wait_indirect_dma semaphore(%arg13 : memref<!tpu.dma_semaphore, #tpu.memory_space<semaphore_mem>>) src(%dma_wait3A_36 : memref<10000x32xf32, #tpu.memory_space<vmem_shared>>) dst(%arg8 : memref<128x32xf32, #tpu.memory_space<vmem>>)
    %run_scoped3A = arith.constant 78 : i32
    "tpu.region"() ({
      %run_scoped3A_112 = tpu.sem_alloc : memref<!tpu.dma_semaphore, #tpu.memory_space<semaphore_mem>>
      %dma_start3A_113 = arith.constant 0 : i32
      %dma_start3A_114 = tpu.memref_slice %arg7[%run_scoped3A, %dma_start3A_113] : memref<80x128xi32, #tpu.memory_space<vmem>> -> memref<1x128xi32, #tpu.memory_space<vmem>>
      %dma_start3A_115 = tpu.memref_squeeze %dma_start3A_114 : memref<1x128xi32, #tpu.memory_space<vmem>> -> memref<128xi32, #tpu.memory_space<vmem>>
      %dma_start3A_116 = arith.constant 0 : i32
      %dma_start3A_117 = arith.constant 0 : i32
      %dma_start3A_118 = tpu.memref_slice %arg12[%dma_start3A_116, %dma_start3A_117] : memref<10112x32xf32, #tpu.memory_space<vmem_shared>> -> memref<10112x32xf32, #tpu.memory_space<vmem_shared>>
      tpu.enqueue_indirect_dma source(%arg8 : memref<128x32xf32, #tpu.memory_space<vmem>>) target(%dma_start3A_118 : memref<10112x32xf32, #tpu.memory_space<vmem_shared>>) offsets(%dma_start3A_115 : memref<128xi32, #tpu.memory_space<vmem>>) semaphore(%run_scoped3A_112 : memref<!tpu.dma_semaphore, #tpu.memory_space<semaphore_mem>>) {add = true}
      %dma_wait3A_119 = arith.constant 0 : i32
      %dma_wait3A_120 = tpu.memref_slice %arg7[%run_scoped3A, %dma_wait3A_119] : memref<80x128xi32, #tpu.memory_space<vmem>> -> memref<1x128xi32, #tpu.memory_space<vmem>>
      %dma_wait3A_121 = tpu.memref_squeeze %dma_wait3A_120 : memref<1x128xi32, #tpu.memory_space<vmem>> -> memref<128xi32, #tpu.memory_space<vmem>>
      %dma_wait3A_122 = arith.constant 0 : i32
      %dma_wait3A_123 = arith.constant 0 : i32
      %dma_wait3A_124 = tpu.memref_slice %arg12[%dma_wait3A_122, %dma_wait3A_123] : memref<10112x32xf32, #tpu.memory_space<vmem_shared>> -> memref<10112x32xf32, #tpu.memory_space<vmem_shared>>
      tpu.wait_indirect_dma semaphore(%run_scoped3A_112 : memref<!tpu.dma_semaphore, #tpu.memory_space<semaphore_mem>>) src(%arg8 : memref<128x32xf32, #tpu.memory_space<vmem>>) dst(%dma_wait3A_124 : memref<10112x32xf32, #tpu.memory_space<vmem_shared>>)
      tpu.yield
    }) : () -> ()
    %dma_wait3A_37 = arith.constant 79 : i32
    %dma_wait3A_38 = arith.constant 0 : i32
    %dma_wait3A_39 = tpu.memref_slice %arg6[%dma_wait3A_37, %dma_wait3A_38] : memref<80x128xi32, #tpu.memory_space<vmem>> -> memref<1x128xi32, #tpu.memory_space<vmem>>
    %dma_wait3A_40 = tpu.memref_squeeze %dma_wait3A_39 : memref<1x128xi32, #tpu.memory_space<vmem>> -> memref<128xi32, #tpu.memory_space<vmem>>
    %dma_wait3A_41 = arith.constant 0 : i32
    %dma_wait3A_42 = arith.constant 0 : i32
    %dma_wait3A_43 = tpu.memref_slice %arg11[%dma_wait3A_41, %dma_wait3A_42] : memref<10000x32xf32, #tpu.memory_space<vmem_shared>> -> memref<10000x32xf32, #tpu.memory_space<vmem_shared>>
    tpu.wait_indirect_dma semaphore(%arg14 : memref<!tpu.dma_semaphore, #tpu.memory_space<semaphore_mem>>) src(%dma_wait3A_43 : memref<10000x32xf32, #tpu.memory_space<vmem_shared>>) dst(%arg9 : memref<128x32xf32, #tpu.memory_space<vmem>>)
    %run_scoped3A_44 = arith.constant 79 : i32
    "tpu.region"() ({
      %run_scoped3A_112 = tpu.sem_alloc : memref<!tpu.dma_semaphore, #tpu.memory_space<semaphore_mem>>
      %dma_start3A_113 = arith.constant 0 : i32
      %dma_start3A_114 = tpu.memref_slice %arg7[%run_scoped3A_44, %dma_start3A_113] : memref<80x128xi32, #tpu.memory_space<vmem>> -> memref<1x128xi32, #tpu.memory_space<vmem>>
      %dma_start3A_115 = tpu.memref_squeeze %dma_start3A_114 : memref<1x128xi32, #tpu.memory_space<vmem>> -> memref<128xi32, #tpu.memory_space<vmem>>
      %dma_start3A_116 = arith.constant 0 : i32
      %dma_start3A_117 = arith.constant 0 : i32
      %dma_start3A_118 = tpu.memref_slice %arg12[%dma_start3A_116, %dma_start3A_117] : memref<10112x32xf32, #tpu.memory_space<vmem_shared>> -> memref<10112x32xf32, #tpu.memory_space<vmem_shared>>
      tpu.enqueue_indirect_dma source(%arg9 : memref<128x32xf32, #tpu.memory_space<vmem>>) target(%dma_start3A_118 : memref<10112x32xf32, #tpu.memory_space<vmem_shared>>) offsets(%dma_start3A_115 : memref<128xi32, #tpu.memory_space<vmem>>) semaphore(%run_scoped3A_112 : memref<!tpu.dma_semaphore, #tpu.memory_space<semaphore_mem>>) {add = true}
      %dma_wait3A_119 = arith.constant 0 : i32
      %dma_wait3A_120 = tpu.memref_slice %arg7[%run_scoped3A_44, %dma_wait3A_119] : memref<80x128xi32, #tpu.memory_space<vmem>> -> memref<1x128xi32, #tpu.memory_space<vmem>>
      %dma_wait3A_121 = tpu.memref_squeeze %dma_wait3A_120 : memref<1x128xi32, #tpu.memory_space<vmem>> -> memref<128xi32, #tpu.memory_space<vmem>>
      %dma_wait3A_122 = arith.constant 0 : i32
      %dma_wait3A_123 = arith.constant 0 : i32
      %dma_wait3A_124 = tpu.memref_slice %arg12[%dma_wait3A_122, %dma_wait3A_123] : memref<10112x32xf32, #tpu.memory_space<vmem_shared>> -> memref<10112x32xf32, #tpu.memory_space<vmem_shared>>
      tpu.wait_indirect_dma semaphore(%run_scoped3A_112 : memref<!tpu.dma_semaphore, #tpu.memory_space<semaphore_mem>>) src(%arg9 : memref<128x32xf32, #tpu.memory_space<vmem>>) dst(%dma_wait3A_124 : memref<10112x32xf32, #tpu.memory_space<vmem_shared>>)
      tpu.yield
    }) : () -> ()
    %barrier3A_45 = arith.constant 0 : index
    tpu.barrier barrier_id(%barrier3A_45)
    %mul3A_46 = arith.constant 632 : i32
    %mul3A_47 = arith.muli %arg1, %mul3A_46 : i32
    "tpu.region"() ({
      %run_scoped3A_112 = tpu.sem_alloc : memref<!tpu.dma_semaphore, #tpu.memory_space<semaphore_mem>>
      %dma_start3A_113 = arith.constant 0 : i32
      %dma_start3A_114 = tpu.memref_slice %arg12[%mul3A_47, %dma_start3A_113] : memref<10112x32xf32, #tpu.memory_space<vmem_shared>> -> memref<632x32xf32, #tpu.memory_space<vmem_shared>>
      %dma_start3A_115 = arith.constant 0 : i32
      %dma_start3A_116 = tpu.memref_slice %arg12[%mul3A_47, %dma_start3A_115] : memref<10112x32xf32, #tpu.memory_space<vmem_shared>> -> memref<632x32xf32, #tpu.memory_space<vmem_shared>>
      tpu.enqueue_dma source(%dma_start3A_116 : memref<632x32xf32, #tpu.memory_space<vmem_shared>>) target(%arg10 : memref<632x32xf32, #tpu.memory_space<vmem>>) target_semaphore(%run_scoped3A_112 : memref<!tpu.dma_semaphore, #tpu.memory_space<semaphore_mem>>)
      %dma_wait3A_117 = arith.constant 0 : i32
      %dma_wait3A_118 = tpu.memref_slice %arg12[%mul3A_47, %dma_wait3A_117] : memref<10112x32xf32, #tpu.memory_space<vmem_shared>> -> memref<632x32xf32, #tpu.memory_space<vmem_shared>>
      %dma_wait3A_119 = arith.constant 0 : i32
      %dma_wait3A_120 = tpu.memref_slice %arg12[%mul3A_47, %dma_wait3A_119] : memref<10112x32xf32, #tpu.memory_space<vmem_shared>> -> memref<632x32xf32, #tpu.memory_space<vmem_shared>>
      tpu.wait_dma2 semaphore(%run_scoped3A_112 : memref<!tpu.dma_semaphore, #tpu.memory_space<semaphore_mem>>) src(%dma_wait3A_120 : memref<632x32xf32, #tpu.memory_space<vmem_shared>>) dst(%arg10 : memref<632x32xf32, #tpu.memory_space<vmem>>)
      tpu.yield
    }) : () -> ()
    %mul3A_48 = arith.constant 632 : i32
    %mul3A_49 = arith.muli %arg1, %mul3A_48 : i32
    %run_scoped3A_50 = arith.constant 0 : i32
    "tpu.region"() ({
      %run_scoped3A_112 = tpu.sem_alloc : memref<!tpu.dma_semaphore, #tpu.memory_space<semaphore_mem>>
      %dma_start3A_113 = arith.constant 0 : i32
      %dma_start3A_114 = tpu.memref_slice %arg5[%arg0, %run_scoped3A_50, %mul3A_49, %dma_start3A_113] : memref<2x2x10112x128xf32, #tpu.memory_space<hbm>> -> memref<1x1x632x32xf32, #tpu.memory_space<hbm>>
      %dma_start3A_115 = tpu.memref_squeeze %dma_start3A_114 : memref<1x1x632x32xf32, #tpu.memory_space<hbm>> -> memref<632x32xf32, #tpu.memory_space<hbm>>
      %dma_start3A_116 = arith.constant 0 : i32
      %dma_start3A_117 = tpu.memref_slice %arg5[%arg0, %run_scoped3A_50, %mul3A_49, %dma_start3A_116] : memref<2x2x10112x128xf32, #tpu.memory_space<hbm>> -> memref<1x1x632x32xf32, #tpu.memory_space<hbm>>
      %dma_start3A_118 = tpu.memref_squeeze %dma_start3A_117 : memref<1x1x632x32xf32, #tpu.memory_space<hbm>> -> memref<632x32xf32, #tpu.memory_space<hbm>>
      tpu.enqueue_dma source(%arg10 : memref<632x32xf32, #tpu.memory_space<vmem>>) target(%dma_start3A_118 : memref<632x32xf32, #tpu.memory_space<hbm>>) target_semaphore(%run_scoped3A_112 : memref<!tpu.dma_semaphore, #tpu.memory_space<semaphore_mem>>)
      %dma_wait3A_119 = arith.constant 0 : i32
      %dma_wait3A_120 = tpu.memref_slice %arg5[%arg0, %run_scoped3A_50, %mul3A_49, %dma_wait3A_119] : memref<2x2x10112x128xf32, #tpu.memory_space<hbm>> -> memref<1x1x632x32xf32, #tpu.memory_space<hbm>>
      %dma_wait3A_121 = tpu.memref_squeeze %dma_wait3A_120 : memref<1x1x632x32xf32, #tpu.memory_space<hbm>> -> memref<632x32xf32, #tpu.memory_space<hbm>>
      %dma_wait3A_122 = arith.constant 0 : i32
      %dma_wait3A_123 = tpu.memref_slice %arg5[%arg0, %run_scoped3A_50, %mul3A_49, %dma_wait3A_122] : memref<2x2x10112x128xf32, #tpu.memory_space<hbm>> -> memref<1x1x632x32xf32, #tpu.memory_space<hbm>>
      %dma_wait3A_124 = tpu.memref_squeeze %dma_wait3A_123 : memref<1x1x632x32xf32, #tpu.memory_space<hbm>> -> memref<632x32xf32, #tpu.memory_space<hbm>>
      tpu.wait_dma2 semaphore(%run_scoped3A_112 : memref<!tpu.dma_semaphore, #tpu.memory_space<semaphore_mem>>) src(%arg10 : memref<632x32xf32, #tpu.memory_space<vmem>>) dst(%dma_wait3A_124 : memref<632x32xf32, #tpu.memory_space<hbm>>)
      tpu.yield
    }) : () -> ()
    %scan3A_51 = arith.constant 0 : i32
    %scan3A_52 = arith.constant 0 : i32
    %scan3A_53 = arith.constant 632 : i32
    %scan3A_54 = arith.addi %scan3A_52, %scan3A_53 : i32
    %scan3A_55 = arith.constant 1 : i32
    scf.for %scan3A_112 = %scan3A_52 to %scan3A_54 step %scan3A_55  : i32 {
      %broadcast_in_dim3A = arith.constant 0.000000e+00 : f32
      %broadcast_in_dim3A_113 = vector.broadcast %broadcast_in_dim3A : f32 to vector<16xf32>
      %swap3A = arith.index_cast %scan3A_112 : i32 to index
      %swap3A_114 = arith.constant 0 : index
      %swap3A_115 = tpu.vector_load %arg10[%swap3A, %swap3A_114] {strides = array<i32>} : memref<632x32xf32, #tpu.memory_space<vmem>>, vector<1x16xf32>,
      %swap3A_116 = vector.shape_cast %swap3A_115 : vector<1x16xf32> to vector<16xf32>
      %swap3A_117 = vector.shape_cast %broadcast_in_dim3A_113 : vector<16xf32> to vector<1x16xf32>
      tpu.vector_store %arg10[%swap3A, %swap3A_114], %swap3A_117 {strides = array<i32>} : memref<632x32xf32, #tpu.memory_space<vmem>>, vector<1x16xf32>,
      %broadcast_in_dim3A_118 = arith.constant 0.000000e+00 : f32
      %broadcast_in_dim3A_119 = vector.broadcast %broadcast_in_dim3A_118 : f32 to vector<16xf32>
      %swap3A_120 = arith.index_cast %scan3A_112 : i32 to index
      %swap3A_121 = arith.constant 16 : index
      %swap3A_122 = tpu.vector_load %arg10[%swap3A_120, %swap3A_121] {strides = array<i32>} : memref<632x32xf32, #tpu.memory_space<vmem>>, vector<1x16xf32>,
      %swap3A_123 = vector.shape_cast %swap3A_122 : vector<1x16xf32> to vector<16xf32>
      %swap3A_124 = vector.shape_cast %broadcast_in_dim3A_119 : vector<16xf32> to vector<1x16xf32>
      tpu.vector_store %arg10[%swap3A_120, %swap3A_121], %swap3A_124 {strides = array<i32>} : memref<632x32xf32, #tpu.memory_space<vmem>>, vector<1x16xf32>,
    }
    %scan3A_56 = arith.constant 632 : i32
    %mul3A_57 = arith.constant 632 : i32
    %mul3A_58 = arith.muli %arg1, %mul3A_57 : i32
    "tpu.region"() ({
      %run_scoped3A_112 = tpu.sem_alloc : memref<!tpu.dma_semaphore, #tpu.memory_space<semaphore_mem>>
      %dma_start3A_113 = arith.constant 0 : i32
      %dma_start3A_114 = tpu.memref_slice %arg12[%mul3A_58, %dma_start3A_113] : memref<10112x32xf32, #tpu.memory_space<vmem_shared>> -> memref<632x32xf32, #tpu.memory_space<vmem_shared>>
      %dma_start3A_115 = arith.constant 0 : i32
      %dma_start3A_116 = tpu.memref_slice %arg12[%mul3A_58, %dma_start3A_115] : memref<10112x32xf32, #tpu.memory_space<vmem_shared>> -> memref<632x32xf32, #tpu.memory_space<vmem_shared>>
      tpu.enqueue_dma source(%arg10 : memref<632x32xf32, #tpu.memory_space<vmem>>) target(%dma_start3A_116 : memref<632x32xf32, #tpu.memory_space<vmem_shared>>) target_semaphore(%run_scoped3A_112 : memref<!tpu.dma_semaphore, #tpu.memory_space<semaphore_mem>>)
      %dma_wait3A_117 = arith.constant 0 : i32
      %dma_wait3A_118 = tpu.memref_slice %arg12[%mul3A_58, %dma_wait3A_117] : memref<10112x32xf32, #tpu.memory_space<vmem_shared>> -> memref<632x32xf32, #tpu.memory_space<vmem_shared>>
      %dma_wait3A_119 = arith.constant 0 : i32
      %dma_wait3A_120 = tpu.memref_slice %arg12[%mul3A_58, %dma_wait3A_119] : memref<10112x32xf32, #tpu.memory_space<vmem_shared>> -> memref<632x32xf32, #tpu.memory_space<vmem_shared>>
      tpu.wait_dma2 semaphore(%run_scoped3A_112 : memref<!tpu.dma_semaphore, #tpu.memory_space<semaphore_mem>>) src(%arg10 : memref<632x32xf32, #tpu.memory_space<vmem>>) dst(%dma_wait3A_120 : memref<632x32xf32, #tpu.memory_space<vmem_shared>>)
      tpu.yield
    }) : () -> ()
    %mul3A_59 = arith.constant 625 : i32
    %mul3A_60 = arith.muli %arg1, %mul3A_59 : i32
    %mul3A_61 = arith.constant 625 : i32
    %mul3A_62 = arith.muli %arg1, %mul3A_61 : i32
    "tpu.region"() ({
      %run_scoped3A_112 = tpu.sem_alloc : memref<!tpu.dma_semaphore, #tpu.memory_space<semaphore_mem>>
      %dma_start3A_113 = arith.constant 0 : i32
      %dma_start3A_114 = tpu.memref_slice %arg11[%mul3A_62, %dma_start3A_113] : memref<10000x32xf32, #tpu.memory_space<vmem_shared>> -> memref<625x32xf32, #tpu.memory_space<vmem_shared>>
      %dma_start3A_115 = arith.constant 32 : i32
      %dma_start3A_116 = tpu.memref_slice %arg2[%mul3A_60, %dma_start3A_115] : memref<10000x128xf32, #tpu.memory_space<hbm>> -> memref<625x32xf32, #tpu.memory_space<hbm>>
      tpu.enqueue_dma source(%dma_start3A_116 : memref<625x32xf32, #tpu.memory_space<hbm>>) target(%dma_start3A_114 : memref<625x32xf32, #tpu.memory_space<vmem_shared>>) target_semaphore(%run_scoped3A_112 : memref<!tpu.dma_semaphore, #tpu.memory_space<semaphore_mem>>)
      %dma_wait3A_117 = arith.constant 0 : i32
      %dma_wait3A_118 = tpu.memref_slice %arg11[%mul3A_62, %dma_wait3A_117] : memref<10000x32xf32, #tpu.memory_space<vmem_shared>> -> memref<625x32xf32, #tpu.memory_space<vmem_shared>>
      %dma_wait3A_119 = arith.constant 32 : i32
      %dma_wait3A_120 = tpu.memref_slice %arg2[%mul3A_60, %dma_wait3A_119] : memref<10000x128xf32, #tpu.memory_space<hbm>> -> memref<625x32xf32, #tpu.memory_space<hbm>>
      tpu.wait_dma2 semaphore(%run_scoped3A_112 : memref<!tpu.dma_semaphore, #tpu.memory_space<semaphore_mem>>) src(%dma_wait3A_120 : memref<625x32xf32, #tpu.memory_space<hbm>>) dst(%dma_wait3A_118 : memref<625x32xf32, #tpu.memory_space<vmem_shared>>)
      tpu.yield
    }) : () -> ()
    %barrier3A_63 = arith.constant 0 : index
    tpu.barrier barrier_id(%barrier3A_63)
    %dma_start3A_64 = arith.constant 0 : i32
    %dma_start3A_65 = arith.constant 0 : i32
    %dma_start3A_66 = tpu.memref_slice %arg6[%dma_start3A_64, %dma_start3A_65] : memref<80x128xi32, #tpu.memory_space<vmem>> -> memref<1x128xi32, #tpu.memory_space<vmem>>
    %dma_start3A_67 = tpu.memref_squeeze %dma_start3A_66 : memref<1x128xi32, #tpu.memory_space<vmem>> -> memref<128xi32, #tpu.memory_space<vmem>>
    %dma_start3A_68 = arith.constant 0 : i32
    %dma_start3A_69 = arith.constant 0 : i32
    %dma_start3A_70 = tpu.memref_slice %arg11[%dma_start3A_68, %dma_start3A_69] : memref<10000x32xf32, #tpu.memory_space<vmem_shared>> -> memref<10000x32xf32, #tpu.memory_space<vmem_shared>>
    tpu.enqueue_indirect_dma source(%dma_start3A_70 : memref<10000x32xf32, #tpu.memory_space<vmem_shared>>) target(%arg8 : memref<128x32xf32, #tpu.memory_space<vmem>>) offsets(%dma_start3A_67 : memref<128xi32, #tpu.memory_space<vmem>>) semaphore(%arg13 : memref<!tpu.dma_semaphore, #tpu.memory_space<semaphore_mem>>)
    %scan3A_71 = arith.constant 0 : i32
    %scan3A_72 = arith.constant 0 : i32
    %scan3A_73 = arith.constant 39 : i32
    %scan3A_74 = arith.addi %scan3A_72, %scan3A_73 : i32
    %scan3A_75 = arith.constant 1 : i32
    scf.for %scan3A_112 = %scan3A_72 to %scan3A_74 step %scan3A_75  : i32 {
      %mul3A_113 = arith.constant 2 : i32
      %mul3A_114 = arith.muli %mul3A_113, %scan3A_112 : i32
      %add3A_115 = arith.constant 1 : i32
      %add3A_116 = arith.addi %mul3A_114, %add3A_115 : i32
      %dma_start3A_117 = arith.constant 0 : i32
      %dma_start3A_118 = tpu.memref_slice %arg6[%add3A_116, %dma_start3A_117] : memref<80x128xi32, #tpu.memory_space<vmem>> -> memref<1x128xi32, #tpu.memory_space<vmem>>
      %dma_start3A_119 = tpu.memref_squeeze %dma_start3A_118 : memref<1x128xi32, #tpu.memory_space<vmem>> -> memref<128xi32, #tpu.memory_space<vmem>>
      %dma_start3A_120 = arith.constant 0 : i32
      %dma_start3A_121 = arith.constant 0 : i32
      %dma_start3A_122 = tpu.memref_slice %arg11[%dma_start3A_120, %dma_start3A_121] : memref<10000x32xf32, #tpu.memory_space<vmem_shared>> -> memref<10000x32xf32, #tpu.memory_space<vmem_shared>>
      tpu.enqueue_indirect_dma source(%dma_start3A_122 : memref<10000x32xf32, #tpu.memory_space<vmem_shared>>) target(%arg9 : memref<128x32xf32, #tpu.memory_space<vmem>>) offsets(%dma_start3A_119 : memref<128xi32, #tpu.memory_space<vmem>>) semaphore(%arg14 : memref<!tpu.dma_semaphore, #tpu.memory_space<semaphore_mem>>)
      %dma_wait3A_123 = arith.constant 0 : i32
      %dma_wait3A_124 = tpu.memref_slice %arg6[%mul3A_114, %dma_wait3A_123] : memref<80x128xi32, #tpu.memory_space<vmem>> -> memref<1x128xi32, #tpu.memory_space<vmem>>
      %dma_wait3A_125 = tpu.memref_squeeze %dma_wait3A_124 : memref<1x128xi32, #tpu.memory_space<vmem>> -> memref<128xi32, #tpu.memory_space<vmem>>
      %dma_wait3A_126 = arith.constant 0 : i32
      %dma_wait3A_127 = arith.constant 0 : i32
      %dma_wait3A_128 = tpu.memref_slice %arg11[%dma_wait3A_126, %dma_wait3A_127] : memref<10000x32xf32, #tpu.memory_space<vmem_shared>> -> memref<10000x32xf32, #tpu.memory_space<vmem_shared>>
      tpu.wait_indirect_dma semaphore(%arg13 : memref<!tpu.dma_semaphore, #tpu.memory_space<semaphore_mem>>) src(%dma_wait3A_128 : memref<10000x32xf32, #tpu.memory_space<vmem_shared>>) dst(%arg8 : memref<128x32xf32, #tpu.memory_space<vmem>>)
      "tpu.region"() ({
        %run_scoped3A_147 = tpu.sem_alloc : memref<!tpu.dma_semaphore, #tpu.memory_space<semaphore_mem>>
        %dma_start3A_148 = arith.constant 0 : i32
        %dma_start3A_149 = tpu.memref_slice %arg7[%mul3A_114, %dma_start3A_148] : memref<80x128xi32, #tpu.memory_space<vmem>> -> memref<1x128xi32, #tpu.memory_space<vmem>>
        %dma_start3A_150 = tpu.memref_squeeze %dma_start3A_149 : memref<1x128xi32, #tpu.memory_space<vmem>> -> memref<128xi32, #tpu.memory_space<vmem>>
        %dma_start3A_151 = arith.constant 0 : i32
        %dma_start3A_152 = arith.constant 0 : i32
        %dma_start3A_153 = tpu.memref_slice %arg12[%dma_start3A_151, %dma_start3A_152] : memref<10112x32xf32, #tpu.memory_space<vmem_shared>> -> memref<10112x32xf32, #tpu.memory_space<vmem_shared>>
        tpu.enqueue_indirect_dma source(%arg8 : memref<128x32xf32, #tpu.memory_space<vmem>>) target(%dma_start3A_153 : memref<10112x32xf32, #tpu.memory_space<vmem_shared>>) offsets(%dma_start3A_150 : memref<128xi32, #tpu.memory_space<vmem>>) semaphore(%run_scoped3A_147 : memref<!tpu.dma_semaphore, #tpu.memory_space<semaphore_mem>>) {add = true}
        %dma_wait3A_154 = arith.constant 0 : i32
        %dma_wait3A_155 = tpu.memref_slice %arg7[%mul3A_114, %dma_wait3A_154] : memref<80x128xi32, #tpu.memory_space<vmem>> -> memref<1x128xi32, #tpu.memory_space<vmem>>
        %dma_wait3A_156 = tpu.memref_squeeze %dma_wait3A_155 : memref<1x128xi32, #tpu.memory_space<vmem>> -> memref<128xi32, #tpu.memory_space<vmem>>
        %dma_wait3A_157 = arith.constant 0 : i32
        %dma_wait3A_158 = arith.constant 0 : i32
        %dma_wait3A_159 = tpu.memref_slice %arg12[%dma_wait3A_157, %dma_wait3A_158] : memref<10112x32xf32, #tpu.memory_space<vmem_shared>> -> memref<10112x32xf32, #tpu.memory_space<vmem_shared>>
        tpu.wait_indirect_dma semaphore(%run_scoped3A_147 : memref<!tpu.dma_semaphore, #tpu.memory_space<semaphore_mem>>) src(%arg8 : memref<128x32xf32, #tpu.memory_space<vmem>>) dst(%dma_wait3A_159 : memref<10112x32xf32, #tpu.memory_space<vmem_shared>>)
        tpu.yield
      }) : () -> ()
      %add3A_129 = arith.constant 2 : i32
      %add3A_130 = arith.addi %mul3A_114, %add3A_129 : i32
      %dma_start3A_131 = arith.constant 0 : i32
      %dma_start3A_132 = tpu.memref_slice %arg6[%add3A_130, %dma_start3A_131] : memref<80x128xi32, #tpu.memory_space<vmem>> -> memref<1x128xi32, #tpu.memory_space<vmem>>
      %dma_start3A_133 = tpu.memref_squeeze %dma_start3A_132 : memref<1x128xi32, #tpu.memory_space<vmem>> -> memref<128xi32, #tpu.memory_space<vmem>>
      %dma_start3A_134 = arith.constant 0 : i32
      %dma_start3A_135 = arith.constant 0 : i32
      %dma_start3A_136 = tpu.memref_slice %arg11[%dma_start3A_134, %dma_start3A_135] : memref<10000x32xf32, #tpu.memory_space<vmem_shared>> -> memref<10000x32xf32, #tpu.memory_space<vmem_shared>>
      tpu.enqueue_indirect_dma source(%dma_start3A_136 : memref<10000x32xf32, #tpu.memory_space<vmem_shared>>) target(%arg8 : memref<128x32xf32, #tpu.memory_space<vmem>>) offsets(%dma_start3A_133 : memref<128xi32, #tpu.memory_space<vmem>>) semaphore(%arg13 : memref<!tpu.dma_semaphore, #tpu.memory_space<semaphore_mem>>)
      %add3A_137 = arith.constant 1 : i32
      %add3A_138 = arith.addi %mul3A_114, %add3A_137 : i32
      %dma_wait3A_139 = arith.constant 0 : i32
      %dma_wait3A_140 = tpu.memref_slice %arg6[%add3A_138, %dma_wait3A_139] : memref<80x128xi32, #tpu.memory_space<vmem>> -> memref<1x128xi32, #tpu.memory_space<vmem>>
      %dma_wait3A_141 = tpu.memref_squeeze %dma_wait3A_140 : memref<1x128xi32, #tpu.memory_space<vmem>> -> memref<128xi32, #tpu.memory_space<vmem>>
      %dma_wait3A_142 = arith.constant 0 : i32
      %dma_wait3A_143 = arith.constant 0 : i32
      %dma_wait3A_144 = tpu.memref_slice %arg11[%dma_wait3A_142, %dma_wait3A_143] : memref<10000x32xf32, #tpu.memory_space<vmem_shared>> -> memref<10000x32xf32, #tpu.memory_space<vmem_shared>>
      tpu.wait_indirect_dma semaphore(%arg14 : memref<!tpu.dma_semaphore, #tpu.memory_space<semaphore_mem>>) src(%dma_wait3A_144 : memref<10000x32xf32, #tpu.memory_space<vmem_shared>>) dst(%arg9 : memref<128x32xf32, #tpu.memory_space<vmem>>)
      %add3A_145 = arith.constant 1 : i32
      %add3A_146 = arith.addi %mul3A_114, %add3A_145 : i32
      "tpu.region"() ({
        %run_scoped3A_147 = tpu.sem_alloc : memref<!tpu.dma_semaphore, #tpu.memory_space<semaphore_mem>>
        %dma_start3A_148 = arith.constant 0 : i32
        %dma_start3A_149 = tpu.memref_slice %arg7[%add3A_146, %dma_start3A_148] : memref<80x128xi32, #tpu.memory_space<vmem>> -> memref<1x128xi32, #tpu.memory_space<vmem>>
        %dma_start3A_150 = tpu.memref_squeeze %dma_start3A_149 : memref<1x128xi32, #tpu.memory_space<vmem>> -> memref<128xi32, #tpu.memory_space<vmem>>
        %dma_start3A_151 = arith.constant 0 : i32
        %dma_start3A_152 = arith.constant 0 : i32
        %dma_start3A_153 = tpu.memref_slice %arg12[%dma_start3A_151, %dma_start3A_152] : memref<10112x32xf32, #tpu.memory_space<vmem_shared>> -> memref<10112x32xf32, #tpu.memory_space<vmem_shared>>
        tpu.enqueue_indirect_dma source(%arg9 : memref<128x32xf32, #tpu.memory_space<vmem>>) target(%dma_start3A_153 : memref<10112x32xf32, #tpu.memory_space<vmem_shared>>) offsets(%dma_start3A_150 : memref<128xi32, #tpu.memory_space<vmem>>) semaphore(%run_scoped3A_147 : memref<!tpu.dma_semaphore, #tpu.memory_space<semaphore_mem>>) {add = true}
        %dma_wait3A_154 = arith.constant 0 : i32
        %dma_wait3A_155 = tpu.memref_slice %arg7[%add3A_146, %dma_wait3A_154] : memref<80x128xi32, #tpu.memory_space<vmem>> -> memref<1x128xi32, #tpu.memory_space<vmem>>
        %dma_wait3A_156 = tpu.memref_squeeze %dma_wait3A_155 : memref<1x128xi32, #tpu.memory_space<vmem>> -> memref<128xi32, #tpu.memory_space<vmem>>
        %dma_wait3A_157 = arith.constant 0 : i32
        %dma_wait3A_158 = arith.constant 0 : i32
        %dma_wait3A_159 = tpu.memref_slice %arg12[%dma_wait3A_157, %dma_wait3A_158] : memref<10112x32xf32, #tpu.memory_space<vmem_shared>> -> memref<10112x32xf32, #tpu.memory_space<vmem_shared>>
        tpu.wait_indirect_dma semaphore(%run_scoped3A_147 : memref<!tpu.dma_semaphore, #tpu.memory_space<semaphore_mem>>) src(%arg9 : memref<128x32xf32, #tpu.memory_space<vmem>>) dst(%dma_wait3A_159 : memref<10112x32xf32, #tpu.memory_space<vmem_shared>>)
        tpu.yield
      }) : () -> ()
    }
    %scan3A_76 = arith.constant 39 : i32
    %dma_start3A_77 = arith.constant 79 : i32
    %dma_start3A_78 = arith.constant 0 : i32
    %dma_start3A_79 = tpu.memref_slice %arg6[%dma_start3A_77, %dma_start3A_78] : memref<80x128xi32, #tpu.memory_space<vmem>> -> memref<1x128xi32, #tpu.memory_space<vmem>>
    %dma_start3A_80 = tpu.memref_squeeze %dma_start3A_79 : memref<1x128xi32, #tpu.memory_space<vmem>> -> memref<128xi32, #tpu.memory_space<vmem>>
    %dma_start3A_81 = arith.constant 0 : i32
    %dma_start3A_82 = arith.constant 0 : i32
    %dma_start3A_83 = tpu.memref_slice %arg11[%dma_start3A_81, %dma_start3A_82] : memref<10000x32xf32, #tpu.memory_space<vmem_shared>> -> memref<10000x32xf32, #tpu.memory_space<vmem_shared>>
    tpu.enqueue_indirect_dma source(%dma_start3A_83 : memref<10000x32xf32, #tpu.memory_space<vmem_shared>>) target(%arg9 : memref<128x32xf32, #tpu.memory_space<vmem>>) offsets(%dma_start3A_80 : memref<128xi32, #tpu.memory_space<vmem>>) semaphore(%arg14 : memref<!tpu.dma_semaphore, #tpu.memory_space<semaphore_mem>>)
    %dma_wait3A_84 = arith.constant 78 : i32
    %dma_wait3A_85 = arith.constant 0 : i32
    %dma_wait3A_86 = tpu.memref_slice %arg6[%dma_wait3A_84, %dma_wait3A_85] : memref<80x128xi32, #tpu.memory_space<vmem>> -> memref<1x128xi32, #tpu.memory_space<vmem>>
    %dma_wait3A_87 = tpu.memref_squeeze %dma_wait3A_86 : memref<1x128xi32, #tpu.memory_space<vmem>> -> memref<128xi32, #tpu.memory_space<vmem>>
    %dma_wait3A_88 = arith.constant 0 : i32
    %dma_wait3A_89 = arith.constant 0 : i32
    %dma_wait3A_90 = tpu.memref_slice %arg11[%dma_wait3A_88, %dma_wait3A_89] : memref<10000x32xf32, #tpu.memory_space<vmem_shared>> -> memref<10000x32xf32, #tpu.memory_space<vmem_shared>>
    tpu.wait_indirect_dma semaphore(%arg13 : memref<!tpu.dma_semaphore, #tpu.memory_space<semaphore_mem>>) src(%dma_wait3A_90 : memref<10000x32xf32, #tpu.memory_space<vmem_shared>>) dst(%arg8 : memref<128x32xf32, #tpu.memory_space<vmem>>)
    %run_scoped3A_91 = arith.constant 78 : i32
    "tpu.region"() ({
      %run_scoped3A_112 = tpu.sem_alloc : memref<!tpu.dma_semaphore, #tpu.memory_space<semaphore_mem>>
      %dma_start3A_113 = arith.constant 0 : i32
      %dma_start3A_114 = tpu.memref_slice %arg7[%run_scoped3A_91, %dma_start3A_113] : memref<80x128xi32, #tpu.memory_space<vmem>> -> memref<1x128xi32, #tpu.memory_space<vmem>>
      %dma_start3A_115 = tpu.memref_squeeze %dma_start3A_114 : memref<1x128xi32, #tpu.memory_space<vmem>> -> memref<128xi32, #tpu.memory_space<vmem>>
      %dma_start3A_116 = arith.constant 0 : i32
      %dma_start3A_117 = arith.constant 0 : i32
      %dma_start3A_118 = tpu.memref_slice %arg12[%dma_start3A_116, %dma_start3A_117] : memref<10112x32xf32, #tpu.memory_space<vmem_shared>> -> memref<10112x32xf32, #tpu.memory_space<vmem_shared>>
      tpu.enqueue_indirect_dma source(%arg8 : memref<128x32xf32, #tpu.memory_space<vmem>>) target(%dma_start3A_118 : memref<10112x32xf32, #tpu.memory_space<vmem_shared>>) offsets(%dma_start3A_115 : memref<128xi32, #tpu.memory_space<vmem>>) semaphore(%run_scoped3A_112 : memref<!tpu.dma_semaphore, #tpu.memory_space<semaphore_mem>>) {add = true}
      %dma_wait3A_119 = arith.constant 0 : i32
      %dma_wait3A_120 = tpu.memref_slice %arg7[%run_scoped3A_91, %dma_wait3A_119] : memref<80x128xi32, #tpu.memory_space<vmem>> -> memref<1x128xi32, #tpu.memory_space<vmem>>
      %dma_wait3A_121 = tpu.memref_squeeze %dma_wait3A_120 : memref<1x128xi32, #tpu.memory_space<vmem>> -> memref<128xi32, #tpu.memory_space<vmem>>
      %dma_wait3A_122 = arith.constant 0 : i32
      %dma_wait3A_123 = arith.constant 0 : i32
      %dma_wait3A_124 = tpu.memref_slice %arg12[%dma_wait3A_122, %dma_wait3A_123] : memref<10112x32xf32, #tpu.memory_space<vmem_shared>> -> memref<10112x32xf32, #tpu.memory_space<vmem_shared>>
      tpu.wait_indirect_dma semaphore(%run_scoped3A_112 : memref<!tpu.dma_semaphore, #tpu.memory_space<semaphore_mem>>) src(%arg8 : memref<128x32xf32, #tpu.memory_space<vmem>>) dst(%dma_wait3A_124 : memref<10112x32xf32, #tpu.memory_space<vmem_shared>>)
      tpu.yield
    }) : () -> ()
    %dma_wait3A_92 = arith.constant 79 : i32
    %dma_wait3A_93 = arith.constant 0 : i32
    %dma_wait3A_94 = tpu.memref_slice %arg6[%dma_wait3A_92, %dma_wait3A_93] : memref<80x128xi32, #tpu.memory_space<vmem>> -> memref<1x128xi32, #tpu.memory_space<vmem>>
    %dma_wait3A_95 = tpu.memref_squeeze %dma_wait3A_94 : memref<1x128xi32, #tpu.memory_space<vmem>> -> memref<128xi32, #tpu.memory_space<vmem>>
    %dma_wait3A_96 = arith.constant 0 : i32
    %dma_wait3A_97 = arith.constant 0 : i32
    %dma_wait3A_98 = tpu.memref_slice %arg11[%dma_wait3A_96, %dma_wait3A_97] : memref<10000x32xf32, #tpu.memory_space<vmem_shared>> -> memref<10000x32xf32, #tpu.memory_space<vmem_shared>>
    tpu.wait_indirect_dma semaphore(%arg14 : memref<!tpu.dma_semaphore, #tpu.memory_space<semaphore_mem>>) src(%dma_wait3A_98 : memref<10000x32xf32, #tpu.memory_space<vmem_shared>>) dst(%arg9 : memref<128x32xf32, #tpu.memory_space<vmem>>)
    %run_scoped3A_99 = arith.constant 79 : i32
    "tpu.region"() ({
      %run_scoped3A_112 = tpu.sem_alloc : memref<!tpu.dma_semaphore, #tpu.memory_space<semaphore_mem>>
      %dma_start3A_113 = arith.constant 0 : i32
      %dma_start3A_114 = tpu.memref_slice %arg7[%run_scoped3A_99, %dma_start3A_113] : memref<80x128xi32, #tpu.memory_space<vmem>> -> memref<1x128xi32, #tpu.memory_space<vmem>>
      %dma_start3A_115 = tpu.memref_squeeze %dma_start3A_114 : memref<1x128xi32, #tpu.memory_space<vmem>> -> memref<128xi32, #tpu.memory_space<vmem>>
      %dma_start3A_116 = arith.constant 0 : i32
      %dma_start3A_117 = arith.constant 0 : i32
      %dma_start3A_118 = tpu.memref_slice %arg12[%dma_start3A_116, %dma_start3A_117] : memref<10112x32xf32, #tpu.memory_space<vmem_shared>> -> memref<10112x32xf32, #tpu.memory_space<vmem_shared>>
      tpu.enqueue_indirect_dma source(%arg9 : memref<128x32xf32, #tpu.memory_space<vmem>>) target(%dma_start3A_118 : memref<10112x32xf32, #tpu.memory_space<vmem_shared>>) offsets(%dma_start3A_115 : memref<128xi32, #tpu.memory_space<vmem>>) semaphore(%run_scoped3A_112 : memref<!tpu.dma_semaphore, #tpu.memory_space<semaphore_mem>>) {add = true}
      %dma_wait3A_119 = arith.constant 0 : i32
      %dma_wait3A_120 = tpu.memref_slice %arg7[%run_scoped3A_99, %dma_wait3A_119] : memref<80x128xi32, #tpu.memory_space<vmem>> -> memref<1x128xi32, #tpu.memory_space<vmem>>
      %dma_wait3A_121 = tpu.memref_squeeze %dma_wait3A_120 : memref<1x128xi32, #tpu.memory_space<vmem>> -> memref<128xi32, #tpu.memory_space<vmem>>
      %dma_wait3A_122 = arith.constant 0 : i32
      %dma_wait3A_123 = arith.constant 0 : i32
      %dma_wait3A_124 = tpu.memref_slice %arg12[%dma_wait3A_122, %dma_wait3A_123] : memref<10112x32xf32, #tpu.memory_space<vmem_shared>> -> memref<10112x32xf32, #tpu.memory_space<vmem_shared>>
      tpu.wait_indirect_dma semaphore(%run_scoped3A_112 : memref<!tpu.dma_semaphore, #tpu.memory_space<semaphore_mem>>) src(%arg9 : memref<128x32xf32, #tpu.memory_space<vmem>>) dst(%dma_wait3A_124 : memref<10112x32xf32, #tpu.memory_space<vmem_shared>>)
      tpu.yield
    }) : () -> ()
    %barrier3A_100 = arith.constant 0 : index
    tpu.barrier barrier_id(%barrier3A_100)
    %mul3A_101 = arith.constant 632 : i32
    %mul3A_102 = arith.muli %arg1, %mul3A_101 : i32
    "tpu.region"() ({
      %run_scoped3A_112 = tpu.sem_alloc : memref<!tpu.dma_semaphore, #tpu.memory_space<semaphore_mem>>
      %dma_start3A_113 = arith.constant 0 : i32
      %dma_start3A_114 = tpu.memref_slice %arg12[%mul3A_102, %dma_start3A_113] : memref<10112x32xf32, #tpu.memory_space<vmem_shared>> -> memref<632x32xf32, #tpu.memory_space<vmem_shared>>
      %dma_start3A_115 = arith.constant 0 : i32
      %dma_start3A_116 = tpu.memref_slice %arg12[%mul3A_102, %dma_start3A_115] : memref<10112x32xf32, #tpu.memory_space<vmem_shared>> -> memref<632x32xf32, #tpu.memory_space<vmem_shared>>
      tpu.enqueue_dma source(%dma_start3A_116 : memref<632x32xf32, #tpu.memory_space<vmem_shared>>) target(%arg10 : memref<632x32xf32, #tpu.memory_space<vmem>>) target_semaphore(%run_scoped3A_112 : memref<!tpu.dma_semaphore, #tpu.memory_space<semaphore_mem>>)
      %dma_wait3A_117 = arith.constant 0 : i32
      %dma_wait3A_118 = tpu.memref_slice %arg12[%mul3A_102, %dma_wait3A_117] : memref<10112x32xf32, #tpu.memory_space<vmem_shared>> -> memref<632x32xf32, #tpu.memory_space<vmem_shared>>
      %dma_wait3A_119 = arith.constant 0 : i32
      %dma_wait3A_120 = tpu.memref_slice %arg12[%mul3A_102, %dma_wait3A_119] : memref<10112x32xf32, #tpu.memory_space<vmem_shared>> -> memref<632x32xf32, #tpu.memory_space<vmem_shared>>
      tpu.wait_dma2 semaphore(%run_scoped3A_112 : memref<!tpu.dma_semaphore, #tpu.memory_space<semaphore_mem>>) src(%dma_wait3A_120 : memref<632x32xf32, #tpu.memory_space<vmem_shared>>) dst(%arg10 : memref<632x32xf32, #tpu.memory_space<vmem>>)
      tpu.yield
    }) : () -> ()
    %mul3A_103 = arith.constant 632 : i32
    %mul3A_104 = arith.muli %arg1, %mul3A_103 : i32
    %run_scoped3A_105 = arith.constant 1 : i32
    "tpu.region"() ({
      %run_scoped3A_112 = tpu.sem_alloc : memref<!tpu.dma_semaphore, #tpu.memory_space<semaphore_mem>>
      %dma_start3A_113 = arith.constant 0 : i32
      %dma_start3A_114 = tpu.memref_slice %arg5[%arg0, %run_scoped3A_105, %mul3A_104, %dma_start3A_113] : memref<2x2x10112x128xf32, #tpu.memory_space<hbm>> -> memref<1x1x632x32xf32, #tpu.memory_space<hbm>>
      %dma_start3A_115 = tpu.memref_squeeze %dma_start3A_114 : memref<1x1x632x32xf32, #tpu.memory_space<hbm>> -> memref<632x32xf32, #tpu.memory_space<hbm>>
      %dma_start3A_116 = arith.constant 0 : i32
      %dma_start3A_117 = tpu.memref_slice %arg5[%arg0, %run_scoped3A_105, %mul3A_104, %dma_start3A_116] : memref<2x2x10112x128xf32, #tpu.memory_space<hbm>> -> memref<1x1x632x32xf32, #tpu.memory_space<hbm>>
      %dma_start3A_118 = tpu.memref_squeeze %dma_start3A_117 : memref<1x1x632x32xf32, #tpu.memory_space<hbm>> -> memref<632x32xf32, #tpu.memory_space<hbm>>
      tpu.enqueue_dma source(%arg10 : memref<632x32xf32, #tpu.memory_space<vmem>>) target(%dma_start3A_118 : memref<632x32xf32, #tpu.memory_space<hbm>>) target_semaphore(%run_scoped3A_112 : memref<!tpu.dma_semaphore, #tpu.memory_space<semaphore_mem>>)
      %dma_wait3A_119 = arith.constant 0 : i32
      %dma_wait3A_120 = tpu.memref_slice %arg5[%arg0, %run_scoped3A_105, %mul3A_104, %dma_wait3A_119] : memref<2x2x10112x128xf32, #tpu.memory_space<hbm>> -> memref<1x1x632x32xf32, #tpu.memory_space<hbm>>
      %dma_wait3A_121 = tpu.memref_squeeze %dma_wait3A_120 : memref<1x1x632x32xf32, #tpu.memory_space<hbm>> -> memref<632x32xf32, #tpu.memory_space<hbm>>
      %dma_wait3A_122 = arith.constant 0 : i32
      %dma_wait3A_123 = tpu.memref_slice %arg5[%arg0, %run_scoped3A_105, %mul3A_104, %dma_wait3A_122] : memref<2x2x10112x128xf32, #tpu.memory_space<hbm>> -> memref<1x1x632x32xf32, #tpu.memory_space<hbm>>
      %dma_wait3A_124 = tpu.memref_squeeze %dma_wait3A_123 : memref<1x1x632x32xf32, #tpu.memory_space<hbm>> -> memref<632x32xf32, #tpu.memory_space<hbm>>
      tpu.wait_dma2 semaphore(%run_scoped3A_112 : memref<!tpu.dma_semaphore, #tpu.memory_space<semaphore_mem>>) src(%arg10 : memref<632x32xf32, #tpu.memory_space<vmem>>) dst(%dma_wait3A_124 : memref<632x32xf32, #tpu.memory_space<hbm>>)
      tpu.yield
    }) : () -> ()
    %scan3A_106 = arith.constant 0 : i32
    %scan3A_107 = arith.constant 0 : i32
    %scan3A_108 = arith.constant 632 : i32
    %scan3A_109 = arith.addi %scan3A_107, %scan3A_108 : i32
    %scan3A_110 = arith.constant 1 : i32
    scf.for %scan3A_112 = %scan3A_107 to %scan3A_109 step %scan3A_110  : i32 {
      %broadcast_in_dim3A = arith.constant 0.000000e+00 : f32
      %broadcast_in_dim3A_113 = vector.broadcast %broadcast_in_dim3A : f32 to vector<16xf32>
      %swap3A = arith.index_cast %scan3A_112 : i32 to index
      %swap3A_114 = arith.constant 0 : index
      %swap3A_115 = tpu.vector_load %arg10[%swap3A, %swap3A_114] {strides = array<i32>} : memref<632x32xf32, #tpu.memory_space<vmem>>, vector<1x16xf32>,
      %swap3A_116 = vector.shape_cast %swap3A_115 : vector<1x16xf32> to vector<16xf32>
      %swap3A_117 = vector.shape_cast %broadcast_in_dim3A_113 : vector<16xf32> to vector<1x16xf32>
      tpu.vector_store %arg10[%swap3A, %swap3A_114], %swap3A_117 {strides = array<i32>} : memref<632x32xf32, #tpu.memory_space<vmem>>, vector<1x16xf32>,
      %broadcast_in_dim3A_118 = arith.constant 0.000000e+00 : f32
      %broadcast_in_dim3A_119 = vector.broadcast %broadcast_in_dim3A_118 : f32 to vector<16xf32>
      %swap3A_120 = arith.index_cast %scan3A_112 : i32 to index
      %swap3A_121 = arith.constant 16 : index
      %swap3A_122 = tpu.vector_load %arg10[%swap3A_120, %swap3A_121] {strides = array<i32>} : memref<632x32xf32, #tpu.memory_space<vmem>>, vector<1x16xf32>,
      %swap3A_123 = vector.shape_cast %swap3A_122 : vector<1x16xf32> to vector<16xf32>
      %swap3A_124 = vector.shape_cast %broadcast_in_dim3A_119 : vector<16xf32> to vector<1x16xf32>
      tpu.vector_store %arg10[%swap3A_120, %swap3A_121], %swap3A_124 {strides = array<i32>} : memref<632x32xf32, #tpu.memory_space<vmem>>, vector<1x16xf32>,
    }
    %scan3A_111 = arith.constant 632 : i32
    return
  }
}

#map = affine_map<(d0, d1) -> (0, 0)>
#map1 = affine_map<(d0, d1) -> (0, 0, 0)>
#map2 = affine_map<(d0, d1) -> (0, 0, 0, 0)>
module attributes {stable_mosaic.version = 14 : i64} {
  func.func @_seg_sum_body(%arg0: i32, %arg1: i32, %arg2: memref<10000x128xf32, #tpu.memory_space<hbm>>, %arg3: memref<32x80x128xi32, #tpu.memory_space<hbm>>, %arg4: memref<32x80x128xi32, #tpu.memory_space<hbm>>, %arg5: memref<2x2x10112x128xf32, #tpu.memory_space<hbm>>, %arg6: memref<80x128xi32, #tpu.memory_space<vmem>>, %arg7: memref<80x128xi32, #tpu.memory_space<vmem>>, %arg8: memref<128x32xf32, #tpu.memory_space<vmem>>, %arg9: memref<128x32xf32, #tpu.memory_space<vmem>>, %arg10: memref<632x32xf32, #tpu.memory_space<vmem>>, %arg11: memref<10000x32xf32, #tpu.memory_space<vmem_shared>>, %arg12: memref<10112x32xf32, #tpu.memory_space<vmem_shared>>, %arg13: memref<!tpu.dma_semaphore, #tpu.memory_space<semaphore_mem>>, %arg14: memref<!tpu.dma_semaphore, #tpu.memory_space<semaphore_mem>>) attributes {dimension_semantics = [#tpu.dimension_semantics<core_parallel>, #tpu.dimension_semantics<subcore_parallel>], iteration_bounds = array<i64: 2, 16>, scalar_prefetch = 0 : i64, scratch_operands = 9 : i64, tpu.core_type = #tpu.core_type<sc_vector_subcore>, window_params = [{transform_indices = #map}, {transform_indices = #map1}, {transform_indices = #map1}, {transform_indices = #map2}]} {
    %mul3A = arith.constant 16 : i32
    %mul3A_0 = arith.muli %arg0, %mul3A : i32
    %add3A = arith.addi %mul3A_0, %arg1 : i32
    %scan3A = arith.constant 0 : i32
    %scan3A_1 = arith.constant 0 : i32
    %scan3A_2 = arith.constant 632 : i32
    %scan3A_3 = arith.addi %scan3A_1, %scan3A_2 : i32
    %scan3A_4 = arith.constant 1 : i32
    scf.for %scan3A_112 = %scan3A_1 to %scan3A_3 step %scan3A_4  : i32 {
      %broadcast_in_dim3A = arith.constant 0.000000e+00 : f32
      %broadcast_in_dim3A_113 = vector.broadcast %broadcast_in_dim3A : f32 to vector<16xf32>
      %swap3A = arith.index_cast %scan3A_112 : i32 to index
      %swap3A_114 = arith.constant 0 : index
      %swap3A_115 = tpu.vector_load %arg10[%swap3A, %swap3A_114] {strides = array<i32>} : memref<632x32xf32, #tpu.memory_space<vmem>>, vector<1x16xf32>,
      %swap3A_116 = vector.shape_cast %swap3A_115 : vector<1x16xf32> to vector<16xf32>
      %swap3A_117 = vector.shape_cast %broadcast_in_dim3A_113 : vector<16xf32> to vector<1x16xf32>
      tpu.vector_store %arg10[%swap3A, %swap3A_114], %swap3A_117 {strides = array<i32>} : memref<632x32xf32, #tpu.memory_space<vmem>>, vector<1x16xf32>,
      %broadcast_in_dim3A_118 = arith.constant 0.000000e+00 : f32
      %broadcast_in_dim3A_119 = vector.broadcast %broadcast_in_dim3A_118 : f32 to vector<16xf32>
      %swap3A_120 = arith.index_cast %scan3A_112 : i32 to index
      %swap3A_121 = arith.constant 16 : index
      %swap3A_122 = tpu.vector_load %arg10[%swap3A_120, %swap3A_121] {strides = array<i32>} : memref<632x32xf32, #tpu.memory_space<vmem>>, vector<1x16xf32>,
      %swap3A_123 = vector.shape_cast %swap3A_122 : vector<1x16xf32> to vector<16xf32>
      %swap3A_124 = vector.shape_cast %broadcast_in_dim3A_119 : vector<16xf32> to vector<1x16xf32>
      tpu.vector_store %arg10[%swap3A_120, %swap3A_121], %swap3A_124 {strides = array<i32>} : memref<632x32xf32, #tpu.memory_space<vmem>>, vector<1x16xf32>,
    }
    %scan3A_5 = arith.constant 632 : i32
    "tpu.region"() ({
      %run_scoped3A_112 = tpu.sem_alloc : memref<!tpu.dma_semaphore, #tpu.memory_space<semaphore_mem>>
      %dma_start3A_113 = arith.constant 0 : i32
      %dma_start3A_114 = arith.constant 0 : i32
      %dma_start3A_115 = tpu.memref_slice %arg3[%add3A, %dma_start3A_113, %dma_start3A_114] : memref<32x80x128xi32, #tpu.memory_space<hbm>> -> memref<1x80x128xi32, #tpu.memory_space<hbm>>
      %dma_start3A_116 = tpu.memref_squeeze %dma_start3A_115 : memref<1x80x128xi32, #tpu.memory_space<hbm>> -> memref<80x128xi32, #tpu.memory_space<hbm>>
      %dma_start3A_117 = arith.constant 0 : i32
      %dma_start3A_118 = arith.constant 0 : i32
      %dma_start3A_119 = tpu.memref_slice %arg3[%add3A, %dma_start3A_117, %dma_start3A_118] : memref<32x80x128xi32, #tpu.memory_space<hbm>> -> memref<1x80x128xi32, #tpu.memory_space<hbm>>
      %dma_start3A_120 = tpu.memref_squeeze %dma_start3A_119 : memref<1x80x128xi32, #tpu.memory_space<hbm>> -> memref<80x128xi32, #tpu.memory_space<hbm>>
      tpu.enqueue_dma source(%dma_start3A_120 : memref<80x128xi32, #tpu.memory_space<hbm>>) target(%arg6 : memref<80x128xi32, #tpu.memory_space<vmem>>) target_semaphore(%run_scoped3A_112 : memref<!tpu.dma_semaphore, #tpu.memory_space<semaphore_mem>>)
      %dma_wait3A_121 = arith.constant 0 : i32
      %dma_wait3A_122 = arith.constant 0 : i32
      %dma_wait3A_123 = tpu.memref_slice %arg3[%add3A, %dma_wait3A_121, %dma_wait3A_122] : memref<32x80x128xi32, #tpu.memory_space<hbm>> -> memref<1x80x128xi32, #tpu.memory_space<hbm>>
      %dma_wait3A_124 = tpu.memref_squeeze %dma_wait3A_123 : memref<1x80x128xi32, #tpu.memory_space<hbm>> -> memref<80x128xi32, #tpu.memory_space<hbm>>
      %dma_wait3A_125 = arith.constant 0 : i32
      %dma_wait3A_126 = arith.constant 0 : i32
      %dma_wait3A_127 = tpu.memref_slice %arg3[%add3A, %dma_wait3A_125, %dma_wait3A_126] : memref<32x80x128xi32, #tpu.memory_space<hbm>> -> memref<1x80x128xi32, #tpu.memory_space<hbm>>
      %dma_wait3A_128 = tpu.memref_squeeze %dma_wait3A_127 : memref<1x80x128xi32, #tpu.memory_space<hbm>> -> memref<80x128xi32, #tpu.memory_space<hbm>>
      tpu.wait_dma2 semaphore(%run_scoped3A_112 : memref<!tpu.dma_semaphore, #tpu.memory_space<semaphore_mem>>) src(%dma_wait3A_128 : memref<80x128xi32, #tpu.memory_space<hbm>>) dst(%arg6 : memref<80x128xi32, #tpu.memory_space<vmem>>)
      tpu.yield
    }) : () -> ()
    "tpu.region"() ({
      %run_scoped3A_112 = tpu.sem_alloc : memref<!tpu.dma_semaphore, #tpu.memory_space<semaphore_mem>>
      %dma_start3A_113 = arith.constant 0 : i32
      %dma_start3A_114 = arith.constant 0 : i32
      %dma_start3A_115 = tpu.memref_slice %arg4[%add3A, %dma_start3A_113, %dma_start3A_114] : memref<32x80x128xi32, #tpu.memory_space<hbm>> -> memref<1x80x128xi32, #tpu.memory_space<hbm>>
      %dma_start3A_116 = tpu.memref_squeeze %dma_start3A_115 : memref<1x80x128xi32, #tpu.memory_space<hbm>> -> memref<80x128xi32, #tpu.memory_space<hbm>>
      %dma_start3A_117 = arith.constant 0 : i32
      %dma_start3A_118 = arith.constant 0 : i32
      %dma_start3A_119 = tpu.memref_slice %arg4[%add3A, %dma_start3A_117, %dma_start3A_118] : memref<32x80x128xi32, #tpu.memory_space<hbm>> -> memref<1x80x128xi32, #tpu.memory_space<hbm>>
      %dma_start3A_120 = tpu.memref_squeeze %dma_start3A_119 : memref<1x80x128xi32, #tpu.memory_space<hbm>> -> memref<80x128xi32, #tpu.memory_space<hbm>>
      tpu.enqueue_dma source(%dma_start3A_120 : memref<80x128xi32, #tpu.memory_space<hbm>>) target(%arg7 : memref<80x128xi32, #tpu.memory_space<vmem>>) target_semaphore(%run_scoped3A_112 : memref<!tpu.dma_semaphore, #tpu.memory_space<semaphore_mem>>)
      %dma_wait3A_121 = arith.constant 0 : i32
      %dma_wait3A_122 = arith.constant 0 : i32
      %dma_wait3A_123 = tpu.memref_slice %arg4[%add3A, %dma_wait3A_121, %dma_wait3A_122] : memref<32x80x128xi32, #tpu.memory_space<hbm>> -> memref<1x80x128xi32, #tpu.memory_space<hbm>>
      %dma_wait3A_124 = tpu.memref_squeeze %dma_wait3A_123 : memref<1x80x128xi32, #tpu.memory_space<hbm>> -> memref<80x128xi32, #tpu.memory_space<hbm>>
      %dma_wait3A_125 = arith.constant 0 : i32
      %dma_wait3A_126 = arith.constant 0 : i32
      %dma_wait3A_127 = tpu.memref_slice %arg4[%add3A, %dma_wait3A_125, %dma_wait3A_126] : memref<32x80x128xi32, #tpu.memory_space<hbm>> -> memref<1x80x128xi32, #tpu.memory_space<hbm>>
      %dma_wait3A_128 = tpu.memref_squeeze %dma_wait3A_127 : memref<1x80x128xi32, #tpu.memory_space<hbm>> -> memref<80x128xi32, #tpu.memory_space<hbm>>
      tpu.wait_dma2 semaphore(%run_scoped3A_112 : memref<!tpu.dma_semaphore, #tpu.memory_space<semaphore_mem>>) src(%dma_wait3A_128 : memref<80x128xi32, #tpu.memory_space<hbm>>) dst(%arg7 : memref<80x128xi32, #tpu.memory_space<vmem>>)
      tpu.yield
    }) : () -> ()
    %mul3A_6 = arith.constant 632 : i32
    %mul3A_7 = arith.muli %arg1, %mul3A_6 : i32
    "tpu.region"() ({
      %run_scoped3A_112 = tpu.sem_alloc : memref<!tpu.dma_semaphore, #tpu.memory_space<semaphore_mem>>
      %dma_start3A_113 = arith.constant 0 : i32
      %dma_start3A_114 = tpu.memref_slice %arg12[%mul3A_7, %dma_start3A_113] : memref<10112x32xf32, #tpu.memory_space<vmem_shared>> -> memref<632x32xf32, #tpu.memory_space<vmem_shared>>
      %dma_start3A_115 = arith.constant 0 : i32
      %dma_start3A_116 = tpu.memref_slice %arg12[%mul3A_7, %dma_start3A_115] : memref<10112x32xf32, #tpu.memory_space<vmem_shared>> -> memref<632x32xf32, #tpu.memory_space<vmem_shared>>
      tpu.enqueue_dma source(%arg10 : memref<632x32xf32, #tpu.memory_space<vmem>>) target(%dma_start3A_116 : memref<632x32xf32, #tpu.memory_space<vmem_shared>>) target_semaphore(%run_scoped3A_112 : memref<!tpu.dma_semaphore, #tpu.memory_space<semaphore_mem>>)
      %dma_wait3A_117 = arith.constant 0 : i32
      %dma_wait3A_118 = tpu.memref_slice %arg12[%mul3A_7, %dma_wait3A_117] : memref<10112x32xf32, #tpu.memory_space<vmem_shared>> -> memref<632x32xf32, #tpu.memory_space<vmem_shared>>
      %dma_wait3A_119 = arith.constant 0 : i32
      %dma_wait3A_120 = tpu.memref_slice %arg12[%mul3A_7, %dma_wait3A_119] : memref<10112x32xf32, #tpu.memory_space<vmem_shared>> -> memref<632x32xf32, #tpu.memory_space<vmem_shared>>
      tpu.wait_dma2 semaphore(%run_scoped3A_112 : memref<!tpu.dma_semaphore, #tpu.memory_space<semaphore_mem>>) src(%arg10 : memref<632x32xf32, #tpu.memory_space<vmem>>) dst(%dma_wait3A_120 : memref<632x32xf32, #tpu.memory_space<vmem_shared>>)
      tpu.yield
    }) : () -> ()
    %mul3A_8 = arith.constant 625 : i32
    %mul3A_9 = arith.muli %arg1, %mul3A_8 : i32
    %mul3A_10 = arith.constant 625 : i32
    %mul3A_11 = arith.muli %arg1, %mul3A_10 : i32
    "tpu.region"() ({
      %run_scoped3A_112 = tpu.sem_alloc : memref<!tpu.dma_semaphore, #tpu.memory_space<semaphore_mem>>
      %dma_start3A_113 = arith.constant 0 : i32
      %dma_start3A_114 = tpu.memref_slice %arg11[%mul3A_11, %dma_start3A_113] : memref<10000x32xf32, #tpu.memory_space<vmem_shared>> -> memref<625x32xf32, #tpu.memory_space<vmem_shared>>
      %dma_start3A_115 = arith.constant 0 : i32
      %dma_start3A_116 = tpu.memref_slice %arg2[%mul3A_9, %dma_start3A_115] : memref<10000x128xf32, #tpu.memory_space<hbm>> -> memref<625x32xf32, #tpu.memory_space<hbm>>
      tpu.enqueue_dma source(%dma_start3A_116 : memref<625x32xf32, #tpu.memory_space<hbm>>) target(%dma_start3A_114 : memref<625x32xf32, #tpu.memory_space<vmem_shared>>) target_semaphore(%run_scoped3A_112 : memref<!tpu.dma_semaphore, #tpu.memory_space<semaphore_mem>>)
      %dma_wait3A_117 = arith.constant 0 : i32
      %dma_wait3A_118 = tpu.memref_slice %arg11[%mul3A_11, %dma_wait3A_117] : memref<10000x32xf32, #tpu.memory_space<vmem_shared>> -> memref<625x32xf32, #tpu.memory_space<vmem_shared>>
      %dma_wait3A_119 = arith.constant 0 : i32
      %dma_wait3A_120 = tpu.memref_slice %arg2[%mul3A_9, %dma_wait3A_119] : memref<10000x128xf32, #tpu.memory_space<hbm>> -> memref<625x32xf32, #tpu.memory_space<hbm>>
      tpu.wait_dma2 semaphore(%run_scoped3A_112 : memref<!tpu.dma_semaphore, #tpu.memory_space<semaphore_mem>>) src(%dma_wait3A_120 : memref<625x32xf32, #tpu.memory_space<hbm>>) dst(%dma_wait3A_118 : memref<625x32xf32, #tpu.memory_space<vmem_shared>>)
      tpu.yield
    }) : () -> ()
    %barrier3A = arith.constant 0 : index
    tpu.barrier barrier_id(%barrier3A)
    %dma_start3A = arith.constant 0 : i32
    %dma_start3A_12 = arith.constant 0 : i32
    %dma_start3A_13 = tpu.memref_slice %arg6[%dma_start3A, %dma_start3A_12] : memref<80x128xi32, #tpu.memory_space<vmem>> -> memref<1x128xi32, #tpu.memory_space<vmem>>
    %dma_start3A_14 = tpu.memref_squeeze %dma_start3A_13 : memref<1x128xi32, #tpu.memory_space<vmem>> -> memref<128xi32, #tpu.memory_space<vmem>>
    %dma_start3A_15 = arith.constant 0 : i32
    %dma_start3A_16 = arith.constant 0 : i32
    %dma_start3A_17 = tpu.memref_slice %arg11[%dma_start3A_15, %dma_start3A_16] : memref<10000x32xf32, #tpu.memory_space<vmem_shared>> -> memref<10000x32xf32, #tpu.memory_space<vmem_shared>>
    tpu.enqueue_indirect_dma source(%dma_start3A_17 : memref<10000x32xf32, #tpu.memory_space<vmem_shared>>) target(%arg8 : memref<128x32xf32, #tpu.memory_space<vmem>>) offsets(%dma_start3A_14 : memref<128xi32, #tpu.memory_space<vmem>>) semaphore(%arg13 : memref<!tpu.dma_semaphore, #tpu.memory_space<semaphore_mem>>)
    %scan3A_18 = arith.constant 0 : i32
    %scan3A_19 = arith.constant 0 : i32
    %scan3A_20 = arith.constant 39 : i32
    %scan3A_21 = arith.addi %scan3A_19, %scan3A_20 : i32
    %scan3A_22 = arith.constant 1 : i32
    scf.for %scan3A_112 = %scan3A_19 to %scan3A_21 step %scan3A_22  : i32 {
      %mul3A_113 = arith.constant 2 : i32
      %mul3A_114 = arith.muli %mul3A_113, %scan3A_112 : i32
      %add3A_115 = arith.constant 1 : i32
      %add3A_116 = arith.addi %mul3A_114, %add3A_115 : i32
      %dma_start3A_117 = arith.constant 0 : i32
      %dma_start3A_118 = tpu.memref_slice %arg6[%add3A_116, %dma_start3A_117] : memref<80x128xi32, #tpu.memory_space<vmem>> -> memref<1x128xi32, #tpu.memory_space<vmem>>
      %dma_start3A_119 = tpu.memref_squeeze %dma_start3A_118 : memref<1x128xi32, #tpu.memory_space<vmem>> -> memref<128xi32, #tpu.memory_space<vmem>>
      %dma_start3A_120 = arith.constant 0 : i32
      %dma_start3A_121 = arith.constant 0 : i32
      %dma_start3A_122 = tpu.memref_slice %arg11[%dma_start3A_120, %dma_start3A_121] : memref<10000x32xf32, #tpu.memory_space<vmem_shared>> -> memref<10000x32xf32, #tpu.memory_space<vmem_shared>>
      tpu.enqueue_indirect_dma source(%dma_start3A_122 : memref<10000x32xf32, #tpu.memory_space<vmem_shared>>) target(%arg9 : memref<128x32xf32, #tpu.memory_space<vmem>>) offsets(%dma_start3A_119 : memref<128xi32, #tpu.memory_space<vmem>>) semaphore(%arg14 : memref<!tpu.dma_semaphore, #tpu.memory_space<semaphore_mem>>)
      %dma_wait3A_123 = arith.constant 0 : i32
      %dma_wait3A_124 = tpu.memref_slice %arg6[%mul3A_114, %dma_wait3A_123] : memref<80x128xi32, #tpu.memory_space<vmem>> -> memref<1x128xi32, #tpu.memory_space<vmem>>
      %dma_wait3A_125 = tpu.memref_squeeze %dma_wait3A_124 : memref<1x128xi32, #tpu.memory_space<vmem>> -> memref<128xi32, #tpu.memory_space<vmem>>
      %dma_wait3A_126 = arith.constant 0 : i32
      %dma_wait3A_127 = arith.constant 0 : i32
      %dma_wait3A_128 = tpu.memref_slice %arg11[%dma_wait3A_126, %dma_wait3A_127] : memref<10000x32xf32, #tpu.memory_space<vmem_shared>> -> memref<10000x32xf32, #tpu.memory_space<vmem_shared>>
      tpu.wait_indirect_dma semaphore(%arg13 : memref<!tpu.dma_semaphore, #tpu.memory_space<semaphore_mem>>) src(%dma_wait3A_128 : memref<10000x32xf32, #tpu.memory_space<vmem_shared>>) dst(%arg8 : memref<128x32xf32, #tpu.memory_space<vmem>>)
      "tpu.region"() ({
        %run_scoped3A_147 = tpu.sem_alloc : memref<!tpu.dma_semaphore, #tpu.memory_space<semaphore_mem>>
        %dma_start3A_148 = arith.constant 0 : i32
        %dma_start3A_149 = tpu.memref_slice %arg7[%mul3A_114, %dma_start3A_148] : memref<80x128xi32, #tpu.memory_space<vmem>> -> memref<1x128xi32, #tpu.memory_space<vmem>>
        %dma_start3A_150 = tpu.memref_squeeze %dma_start3A_149 : memref<1x128xi32, #tpu.memory_space<vmem>> -> memref<128xi32, #tpu.memory_space<vmem>>
        %dma_start3A_151 = arith.constant 0 : i32
        %dma_start3A_152 = arith.constant 0 : i32
        %dma_start3A_153 = tpu.memref_slice %arg12[%dma_start3A_151, %dma_start3A_152] : memref<10112x32xf32, #tpu.memory_space<vmem_shared>> -> memref<10112x32xf32, #tpu.memory_space<vmem_shared>>
        tpu.enqueue_indirect_dma source(%arg8 : memref<128x32xf32, #tpu.memory_space<vmem>>) target(%dma_start3A_153 : memref<10112x32xf32, #tpu.memory_space<vmem_shared>>) offsets(%dma_start3A_150 : memref<128xi32, #tpu.memory_space<vmem>>) semaphore(%run_scoped3A_147 : memref<!tpu.dma_semaphore, #tpu.memory_space<semaphore_mem>>) {add = true}
        %dma_wait3A_154 = arith.constant 0 : i32
        %dma_wait3A_155 = tpu.memref_slice %arg7[%mul3A_114, %dma_wait3A_154] : memref<80x128xi32, #tpu.memory_space<vmem>> -> memref<1x128xi32, #tpu.memory_space<vmem>>
        %dma_wait3A_156 = tpu.memref_squeeze %dma_wait3A_155 : memref<1x128xi32, #tpu.memory_space<vmem>> -> memref<128xi32, #tpu.memory_space<vmem>>
        %dma_wait3A_157 = arith.constant 0 : i32
        %dma_wait3A_158 = arith.constant 0 : i32
        %dma_wait3A_159 = tpu.memref_slice %arg12[%dma_wait3A_157, %dma_wait3A_158] : memref<10112x32xf32, #tpu.memory_space<vmem_shared>> -> memref<10112x32xf32, #tpu.memory_space<vmem_shared>>
        tpu.wait_indirect_dma semaphore(%run_scoped3A_147 : memref<!tpu.dma_semaphore, #tpu.memory_space<semaphore_mem>>) src(%arg8 : memref<128x32xf32, #tpu.memory_space<vmem>>) dst(%dma_wait3A_159 : memref<10112x32xf32, #tpu.memory_space<vmem_shared>>)
        tpu.yield
      }) : () -> ()
      %add3A_129 = arith.constant 2 : i32
      %add3A_130 = arith.addi %mul3A_114, %add3A_129 : i32
      %dma_start3A_131 = arith.constant 0 : i32
      %dma_start3A_132 = tpu.memref_slice %arg6[%add3A_130, %dma_start3A_131] : memref<80x128xi32, #tpu.memory_space<vmem>> -> memref<1x128xi32, #tpu.memory_space<vmem>>
      %dma_start3A_133 = tpu.memref_squeeze %dma_start3A_132 : memref<1x128xi32, #tpu.memory_space<vmem>> -> memref<128xi32, #tpu.memory_space<vmem>>
      %dma_start3A_134 = arith.constant 0 : i32
      %dma_start3A_135 = arith.constant 0 : i32
      %dma_start3A_136 = tpu.memref_slice %arg11[%dma_start3A_134, %dma_start3A_135] : memref<10000x32xf32, #tpu.memory_space<vmem_shared>> -> memref<10000x32xf32, #tpu.memory_space<vmem_shared>>
      tpu.enqueue_indirect_dma source(%dma_start3A_136 : memref<10000x32xf32, #tpu.memory_space<vmem_shared>>) target(%arg8 : memref<128x32xf32, #tpu.memory_space<vmem>>) offsets(%dma_start3A_133 : memref<128xi32, #tpu.memory_space<vmem>>) semaphore(%arg13 : memref<!tpu.dma_semaphore, #tpu.memory_space<semaphore_mem>>)
      %add3A_137 = arith.constant 1 : i32
      %add3A_138 = arith.addi %mul3A_114, %add3A_137 : i32
      %dma_wait3A_139 = arith.constant 0 : i32
      %dma_wait3A_140 = tpu.memref_slice %arg6[%add3A_138, %dma_wait3A_139] : memref<80x128xi32, #tpu.memory_space<vmem>> -> memref<1x128xi32, #tpu.memory_space<vmem>>
      %dma_wait3A_141 = tpu.memref_squeeze %dma_wait3A_140 : memref<1x128xi32, #tpu.memory_space<vmem>> -> memref<128xi32, #tpu.memory_space<vmem>>
      %dma_wait3A_142 = arith.constant 0 : i32
      %dma_wait3A_143 = arith.constant 0 : i32
      %dma_wait3A_144 = tpu.memref_slice %arg11[%dma_wait3A_142, %dma_wait3A_143] : memref<10000x32xf32, #tpu.memory_space<vmem_shared>> -> memref<10000x32xf32, #tpu.memory_space<vmem_shared>>
      tpu.wait_indirect_dma semaphore(%arg14 : memref<!tpu.dma_semaphore, #tpu.memory_space<semaphore_mem>>) src(%dma_wait3A_144 : memref<10000x32xf32, #tpu.memory_space<vmem_shared>>) dst(%arg9 : memref<128x32xf32, #tpu.memory_space<vmem>>)
      %add3A_145 = arith.constant 1 : i32
      %add3A_146 = arith.addi %mul3A_114, %add3A_145 : i32
      "tpu.region"() ({
        %run_scoped3A_147 = tpu.sem_alloc : memref<!tpu.dma_semaphore, #tpu.memory_space<semaphore_mem>>
        %dma_start3A_148 = arith.constant 0 : i32
        %dma_start3A_149 = tpu.memref_slice %arg7[%add3A_146, %dma_start3A_148] : memref<80x128xi32, #tpu.memory_space<vmem>> -> memref<1x128xi32, #tpu.memory_space<vmem>>
        %dma_start3A_150 = tpu.memref_squeeze %dma_start3A_149 : memref<1x128xi32, #tpu.memory_space<vmem>> -> memref<128xi32, #tpu.memory_space<vmem>>
        %dma_start3A_151 = arith.constant 0 : i32
        %dma_start3A_152 = arith.constant 0 : i32
        %dma_start3A_153 = tpu.memref_slice %arg12[%dma_start3A_151, %dma_start3A_152] : memref<10112x32xf32, #tpu.memory_space<vmem_shared>> -> memref<10112x32xf32, #tpu.memory_space<vmem_shared>>
        tpu.enqueue_indirect_dma source(%arg9 : memref<128x32xf32, #tpu.memory_space<vmem>>) target(%dma_start3A_153 : memref<10112x32xf32, #tpu.memory_space<vmem_shared>>) offsets(%dma_start3A_150 : memref<128xi32, #tpu.memory_space<vmem>>) semaphore(%run_scoped3A_147 : memref<!tpu.dma_semaphore, #tpu.memory_space<semaphore_mem>>) {add = true}
        %dma_wait3A_154 = arith.constant 0 : i32
        %dma_wait3A_155 = tpu.memref_slice %arg7[%add3A_146, %dma_wait3A_154] : memref<80x128xi32, #tpu.memory_space<vmem>> -> memref<1x128xi32, #tpu.memory_space<vmem>>
        %dma_wait3A_156 = tpu.memref_squeeze %dma_wait3A_155 : memref<1x128xi32, #tpu.memory_space<vmem>> -> memref<128xi32, #tpu.memory_space<vmem>>
        %dma_wait3A_157 = arith.constant 0 : i32
        %dma_wait3A_158 = arith.constant 0 : i32
        %dma_wait3A_159 = tpu.memref_slice %arg12[%dma_wait3A_157, %dma_wait3A_158] : memref<10112x32xf32, #tpu.memory_space<vmem_shared>> -> memref<10112x32xf32, #tpu.memory_space<vmem_shared>>
        tpu.wait_indirect_dma semaphore(%run_scoped3A_147 : memref<!tpu.dma_semaphore, #tpu.memory_space<semaphore_mem>>) src(%arg9 : memref<128x32xf32, #tpu.memory_space<vmem>>) dst(%dma_wait3A_159 : memref<10112x32xf32, #tpu.memory_space<vmem_shared>>)
        tpu.yield
      }) : () -> ()
    }
    %scan3A_23 = arith.constant 39 : i32
    %dma_start3A_24 = arith.constant 79 : i32
    %dma_start3A_25 = arith.constant 0 : i32
    %dma_start3A_26 = tpu.memref_slice %arg6[%dma_start3A_24, %dma_start3A_25] : memref<80x128xi32, #tpu.memory_space<vmem>> -> memref<1x128xi32, #tpu.memory_space<vmem>>
    %dma_start3A_27 = tpu.memref_squeeze %dma_start3A_26 : memref<1x128xi32, #tpu.memory_space<vmem>> -> memref<128xi32, #tpu.memory_space<vmem>>
    %dma_start3A_28 = arith.constant 0 : i32
    %dma_start3A_29 = arith.constant 0 : i32
    %dma_start3A_30 = tpu.memref_slice %arg11[%dma_start3A_28, %dma_start3A_29] : memref<10000x32xf32, #tpu.memory_space<vmem_shared>> -> memref<10000x32xf32, #tpu.memory_space<vmem_shared>>
    tpu.enqueue_indirect_dma source(%dma_start3A_30 : memref<10000x32xf32, #tpu.memory_space<vmem_shared>>) target(%arg9 : memref<128x32xf32, #tpu.memory_space<vmem>>) offsets(%dma_start3A_27 : memref<128xi32, #tpu.memory_space<vmem>>) semaphore(%arg14 : memref<!tpu.dma_semaphore, #tpu.memory_space<semaphore_mem>>)
    %dma_wait3A = arith.constant 78 : i32
    %dma_wait3A_31 = arith.constant 0 : i32
    %dma_wait3A_32 = tpu.memref_slice %arg6[%dma_wait3A, %dma_wait3A_31] : memref<80x128xi32, #tpu.memory_space<vmem>> -> memref<1x128xi32, #tpu.memory_space<vmem>>
    %dma_wait3A_33 = tpu.memref_squeeze %dma_wait3A_32 : memref<1x128xi32, #tpu.memory_space<vmem>> -> memref<128xi32, #tpu.memory_space<vmem>>
    %dma_wait3A_34 = arith.constant 0 : i32
    %dma_wait3A_35 = arith.constant 0 : i32
    %dma_wait3A_36 = tpu.memref_slice %arg11[%dma_wait3A_34, %dma_wait3A_35] : memref<10000x32xf32, #tpu.memory_space<vmem_shared>> -> memref<10000x32xf32, #tpu.memory_space<vmem_shared>>
    tpu.wait_indirect_dma semaphore(%arg13 : memref<!tpu.dma_semaphore, #tpu.memory_space<semaphore_mem>>) src(%dma_wait3A_36 : memref<10000x32xf32, #tpu.memory_space<vmem_shared>>) dst(%arg8 : memref<128x32xf32, #tpu.memory_space<vmem>>)
    %run_scoped3A = arith.constant 78 : i32
    "tpu.region"() ({
      %run_scoped3A_112 = tpu.sem_alloc : memref<!tpu.dma_semaphore, #tpu.memory_space<semaphore_mem>>
      %dma_start3A_113 = arith.constant 0 : i32
      %dma_start3A_114 = tpu.memref_slice %arg7[%run_scoped3A, %dma_start3A_113] : memref<80x128xi32, #tpu.memory_space<vmem>> -> memref<1x128xi32, #tpu.memory_space<vmem>>
      %dma_start3A_115 = tpu.memref_squeeze %dma_start3A_114 : memref<1x128xi32, #tpu.memory_space<vmem>> -> memref<128xi32, #tpu.memory_space<vmem>>
      %dma_start3A_116 = arith.constant 0 : i32
      %dma_start3A_117 = arith.constant 0 : i32
      %dma_start3A_118 = tpu.memref_slice %arg12[%dma_start3A_116, %dma_start3A_117] : memref<10112x32xf32, #tpu.memory_space<vmem_shared>> -> memref<10112x32xf32, #tpu.memory_space<vmem_shared>>
      tpu.enqueue_indirect_dma source(%arg8 : memref<128x32xf32, #tpu.memory_space<vmem>>) target(%dma_start3A_118 : memref<10112x32xf32, #tpu.memory_space<vmem_shared>>) offsets(%dma_start3A_115 : memref<128xi32, #tpu.memory_space<vmem>>) semaphore(%run_scoped3A_112 : memref<!tpu.dma_semaphore, #tpu.memory_space<semaphore_mem>>) {add = true}
      %dma_wait3A_119 = arith.constant 0 : i32
      %dma_wait3A_120 = tpu.memref_slice %arg7[%run_scoped3A, %dma_wait3A_119] : memref<80x128xi32, #tpu.memory_space<vmem>> -> memref<1x128xi32, #tpu.memory_space<vmem>>
      %dma_wait3A_121 = tpu.memref_squeeze %dma_wait3A_120 : memref<1x128xi32, #tpu.memory_space<vmem>> -> memref<128xi32, #tpu.memory_space<vmem>>
      %dma_wait3A_122 = arith.constant 0 : i32
      %dma_wait3A_123 = arith.constant 0 : i32
      %dma_wait3A_124 = tpu.memref_slice %arg12[%dma_wait3A_122, %dma_wait3A_123] : memref<10112x32xf32, #tpu.memory_space<vmem_shared>> -> memref<10112x32xf32, #tpu.memory_space<vmem_shared>>
      tpu.wait_indirect_dma semaphore(%run_scoped3A_112 : memref<!tpu.dma_semaphore, #tpu.memory_space<semaphore_mem>>) src(%arg8 : memref<128x32xf32, #tpu.memory_space<vmem>>) dst(%dma_wait3A_124 : memref<10112x32xf32, #tpu.memory_space<vmem_shared>>)
      tpu.yield
    }) : () -> ()
    %dma_wait3A_37 = arith.constant 79 : i32
    %dma_wait3A_38 = arith.constant 0 : i32
    %dma_wait3A_39 = tpu.memref_slice %arg6[%dma_wait3A_37, %dma_wait3A_38] : memref<80x128xi32, #tpu.memory_space<vmem>> -> memref<1x128xi32, #tpu.memory_space<vmem>>
    %dma_wait3A_40 = tpu.memref_squeeze %dma_wait3A_39 : memref<1x128xi32, #tpu.memory_space<vmem>> -> memref<128xi32, #tpu.memory_space<vmem>>
    %dma_wait3A_41 = arith.constant 0 : i32
    %dma_wait3A_42 = arith.constant 0 : i32
    %dma_wait3A_43 = tpu.memref_slice %arg11[%dma_wait3A_41, %dma_wait3A_42] : memref<10000x32xf32, #tpu.memory_space<vmem_shared>> -> memref<10000x32xf32, #tpu.memory_space<vmem_shared>>
    tpu.wait_indirect_dma semaphore(%arg14 : memref<!tpu.dma_semaphore, #tpu.memory_space<semaphore_mem>>) src(%dma_wait3A_43 : memref<10000x32xf32, #tpu.memory_space<vmem_shared>>) dst(%arg9 : memref<128x32xf32, #tpu.memory_space<vmem>>)
    %run_scoped3A_44 = arith.constant 79 : i32
    "tpu.region"() ({
      %run_scoped3A_112 = tpu.sem_alloc : memref<!tpu.dma_semaphore, #tpu.memory_space<semaphore_mem>>
      %dma_start3A_113 = arith.constant 0 : i32
      %dma_start3A_114 = tpu.memref_slice %arg7[%run_scoped3A_44, %dma_start3A_113] : memref<80x128xi32, #tpu.memory_space<vmem>> -> memref<1x128xi32, #tpu.memory_space<vmem>>
      %dma_start3A_115 = tpu.memref_squeeze %dma_start3A_114 : memref<1x128xi32, #tpu.memory_space<vmem>> -> memref<128xi32, #tpu.memory_space<vmem>>
      %dma_start3A_116 = arith.constant 0 : i32
      %dma_start3A_117 = arith.constant 0 : i32
      %dma_start3A_118 = tpu.memref_slice %arg12[%dma_start3A_116, %dma_start3A_117] : memref<10112x32xf32, #tpu.memory_space<vmem_shared>> -> memref<10112x32xf32, #tpu.memory_space<vmem_shared>>
      tpu.enqueue_indirect_dma source(%arg9 : memref<128x32xf32, #tpu.memory_space<vmem>>) target(%dma_start3A_118 : memref<10112x32xf32, #tpu.memory_space<vmem_shared>>) offsets(%dma_start3A_115 : memref<128xi32, #tpu.memory_space<vmem>>) semaphore(%run_scoped3A_112 : memref<!tpu.dma_semaphore, #tpu.memory_space<semaphore_mem>>) {add = true}
      %dma_wait3A_119 = arith.constant 0 : i32
      %dma_wait3A_120 = tpu.memref_slice %arg7[%run_scoped3A_44, %dma_wait3A_119] : memref<80x128xi32, #tpu.memory_space<vmem>> -> memref<1x128xi32, #tpu.memory_space<vmem>>
      %dma_wait3A_121 = tpu.memref_squeeze %dma_wait3A_120 : memref<1x128xi32, #tpu.memory_space<vmem>> -> memref<128xi32, #tpu.memory_space<vmem>>
      %dma_wait3A_122 = arith.constant 0 : i32
      %dma_wait3A_123 = arith.constant 0 : i32
      %dma_wait3A_124 = tpu.memref_slice %arg12[%dma_wait3A_122, %dma_wait3A_123] : memref<10112x32xf32, #tpu.memory_space<vmem_shared>> -> memref<10112x32xf32, #tpu.memory_space<vmem_shared>>
      tpu.wait_indirect_dma semaphore(%run_scoped3A_112 : memref<!tpu.dma_semaphore, #tpu.memory_space<semaphore_mem>>) src(%arg9 : memref<128x32xf32, #tpu.memory_space<vmem>>) dst(%dma_wait3A_124 : memref<10112x32xf32, #tpu.memory_space<vmem_shared>>)
      tpu.yield
    }) : () -> ()
    %barrier3A_45 = arith.constant 0 : index
    tpu.barrier barrier_id(%barrier3A_45)
    %mul3A_46 = arith.constant 632 : i32
    %mul3A_47 = arith.muli %arg1, %mul3A_46 : i32
    "tpu.region"() ({
      %run_scoped3A_112 = tpu.sem_alloc : memref<!tpu.dma_semaphore, #tpu.memory_space<semaphore_mem>>
      %dma_start3A_113 = arith.constant 0 : i32
      %dma_start3A_114 = tpu.memref_slice %arg12[%mul3A_47, %dma_start3A_113] : memref<10112x32xf32, #tpu.memory_space<vmem_shared>> -> memref<632x32xf32, #tpu.memory_space<vmem_shared>>
      %dma_start3A_115 = arith.constant 0 : i32
      %dma_start3A_116 = tpu.memref_slice %arg12[%mul3A_47, %dma_start3A_115] : memref<10112x32xf32, #tpu.memory_space<vmem_shared>> -> memref<632x32xf32, #tpu.memory_space<vmem_shared>>
      tpu.enqueue_dma source(%dma_start3A_116 : memref<632x32xf32, #tpu.memory_space<vmem_shared>>) target(%arg10 : memref<632x32xf32, #tpu.memory_space<vmem>>) target_semaphore(%run_scoped3A_112 : memref<!tpu.dma_semaphore, #tpu.memory_space<semaphore_mem>>)
      %dma_wait3A_117 = arith.constant 0 : i32
      %dma_wait3A_118 = tpu.memref_slice %arg12[%mul3A_47, %dma_wait3A_117] : memref<10112x32xf32, #tpu.memory_space<vmem_shared>> -> memref<632x32xf32, #tpu.memory_space<vmem_shared>>
      %dma_wait3A_119 = arith.constant 0 : i32
      %dma_wait3A_120 = tpu.memref_slice %arg12[%mul3A_47, %dma_wait3A_119] : memref<10112x32xf32, #tpu.memory_space<vmem_shared>> -> memref<632x32xf32, #tpu.memory_space<vmem_shared>>
      tpu.wait_dma2 semaphore(%run_scoped3A_112 : memref<!tpu.dma_semaphore, #tpu.memory_space<semaphore_mem>>) src(%dma_wait3A_120 : memref<632x32xf32, #tpu.memory_space<vmem_shared>>) dst(%arg10 : memref<632x32xf32, #tpu.memory_space<vmem>>)
      tpu.yield
    }) : () -> ()
    %mul3A_48 = arith.constant 632 : i32
    %mul3A_49 = arith.muli %arg1, %mul3A_48 : i32
    %run_scoped3A_50 = arith.constant 0 : i32
    "tpu.region"() ({
      %run_scoped3A_112 = tpu.sem_alloc : memref<!tpu.dma_semaphore, #tpu.memory_space<semaphore_mem>>
      %dma_start3A_113 = arith.constant 0 : i32
      %dma_start3A_114 = tpu.memref_slice %arg5[%arg0, %run_scoped3A_50, %mul3A_49, %dma_start3A_113] : memref<2x2x10112x128xf32, #tpu.memory_space<hbm>> -> memref<1x1x632x32xf32, #tpu.memory_space<hbm>>
      %dma_start3A_115 = tpu.memref_squeeze %dma_start3A_114 : memref<1x1x632x32xf32, #tpu.memory_space<hbm>> -> memref<632x32xf32, #tpu.memory_space<hbm>>
      %dma_start3A_116 = arith.constant 0 : i32
      %dma_start3A_117 = tpu.memref_slice %arg5[%arg0, %run_scoped3A_50, %mul3A_49, %dma_start3A_116] : memref<2x2x10112x128xf32, #tpu.memory_space<hbm>> -> memref<1x1x632x32xf32, #tpu.memory_space<hbm>>
      %dma_start3A_118 = tpu.memref_squeeze %dma_start3A_117 : memref<1x1x632x32xf32, #tpu.memory_space<hbm>> -> memref<632x32xf32, #tpu.memory_space<hbm>>
      tpu.enqueue_dma source(%arg10 : memref<632x32xf32, #tpu.memory_space<vmem>>) target(%dma_start3A_118 : memref<632x32xf32, #tpu.memory_space<hbm>>) target_semaphore(%run_scoped3A_112 : memref<!tpu.dma_semaphore, #tpu.memory_space<semaphore_mem>>)
      %dma_wait3A_119 = arith.constant 0 : i32
      %dma_wait3A_120 = tpu.memref_slice %arg5[%arg0, %run_scoped3A_50, %mul3A_49, %dma_wait3A_119] : memref<2x2x10112x128xf32, #tpu.memory_space<hbm>> -> memref<1x1x632x32xf32, #tpu.memory_space<hbm>>
      %dma_wait3A_121 = tpu.memref_squeeze %dma_wait3A_120 : memref<1x1x632x32xf32, #tpu.memory_space<hbm>> -> memref<632x32xf32, #tpu.memory_space<hbm>>
      %dma_wait3A_122 = arith.constant 0 : i32
      %dma_wait3A_123 = tpu.memref_slice %arg5[%arg0, %run_scoped3A_50, %mul3A_49, %dma_wait3A_122] : memref<2x2x10112x128xf32, #tpu.memory_space<hbm>> -> memref<1x1x632x32xf32, #tpu.memory_space<hbm>>
      %dma_wait3A_124 = tpu.memref_squeeze %dma_wait3A_123 : memref<1x1x632x32xf32, #tpu.memory_space<hbm>> -> memref<632x32xf32, #tpu.memory_space<hbm>>
      tpu.wait_dma2 semaphore(%run_scoped3A_112 : memref<!tpu.dma_semaphore, #tpu.memory_space<semaphore_mem>>) src(%arg10 : memref<632x32xf32, #tpu.memory_space<vmem>>) dst(%dma_wait3A_124 : memref<632x32xf32, #tpu.memory_space<hbm>>)
      tpu.yield
    }) : () -> ()
    %scan3A_51 = arith.constant 0 : i32
    %scan3A_52 = arith.constant 0 : i32
    %scan3A_53 = arith.constant 632 : i32
    %scan3A_54 = arith.addi %scan3A_52, %scan3A_53 : i32
    %scan3A_55 = arith.constant 1 : i32
    scf.for %scan3A_112 = %scan3A_52 to %scan3A_54 step %scan3A_55  : i32 {
      %broadcast_in_dim3A = arith.constant 0.000000e+00 : f32
      %broadcast_in_dim3A_113 = vector.broadcast %broadcast_in_dim3A : f32 to vector<16xf32>
      %swap3A = arith.index_cast %scan3A_112 : i32 to index
      %swap3A_114 = arith.constant 0 : index
      %swap3A_115 = tpu.vector_load %arg10[%swap3A, %swap3A_114] {strides = array<i32>} : memref<632x32xf32, #tpu.memory_space<vmem>>, vector<1x16xf32>,
      %swap3A_116 = vector.shape_cast %swap3A_115 : vector<1x16xf32> to vector<16xf32>
      %swap3A_117 = vector.shape_cast %broadcast_in_dim3A_113 : vector<16xf32> to vector<1x16xf32>
      tpu.vector_store %arg10[%swap3A, %swap3A_114], %swap3A_117 {strides = array<i32>} : memref<632x32xf32, #tpu.memory_space<vmem>>, vector<1x16xf32>,
      %broadcast_in_dim3A_118 = arith.constant 0.000000e+00 : f32
      %broadcast_in_dim3A_119 = vector.broadcast %broadcast_in_dim3A_118 : f32 to vector<16xf32>
      %swap3A_120 = arith.index_cast %scan3A_112 : i32 to index
      %swap3A_121 = arith.constant 16 : index
      %swap3A_122 = tpu.vector_load %arg10[%swap3A_120, %swap3A_121] {strides = array<i32>} : memref<632x32xf32, #tpu.memory_space<vmem>>, vector<1x16xf32>,
      %swap3A_123 = vector.shape_cast %swap3A_122 : vector<1x16xf32> to vector<16xf32>
      %swap3A_124 = vector.shape_cast %broadcast_in_dim3A_119 : vector<16xf32> to vector<1x16xf32>
      tpu.vector_store %arg10[%swap3A_120, %swap3A_121], %swap3A_124 {strides = array<i32>} : memref<632x32xf32, #tpu.memory_space<vmem>>, vector<1x16xf32>,
    }
    %scan3A_56 = arith.constant 632 : i32
    %mul3A_57 = arith.constant 632 : i32
    %mul3A_58 = arith.muli %arg1, %mul3A_57 : i32
    "tpu.region"() ({
      %run_scoped3A_112 = tpu.sem_alloc : memref<!tpu.dma_semaphore, #tpu.memory_space<semaphore_mem>>
      %dma_start3A_113 = arith.constant 0 : i32
      %dma_start3A_114 = tpu.memref_slice %arg12[%mul3A_58, %dma_start3A_113] : memref<10112x32xf32, #tpu.memory_space<vmem_shared>> -> memref<632x32xf32, #tpu.memory_space<vmem_shared>>
      %dma_start3A_115 = arith.constant 0 : i32
      %dma_start3A_116 = tpu.memref_slice %arg12[%mul3A_58, %dma_start3A_115] : memref<10112x32xf32, #tpu.memory_space<vmem_shared>> -> memref<632x32xf32, #tpu.memory_space<vmem_shared>>
      tpu.enqueue_dma source(%arg10 : memref<632x32xf32, #tpu.memory_space<vmem>>) target(%dma_start3A_116 : memref<632x32xf32, #tpu.memory_space<vmem_shared>>) target_semaphore(%run_scoped3A_112 : memref<!tpu.dma_semaphore, #tpu.memory_space<semaphore_mem>>)
      %dma_wait3A_117 = arith.constant 0 : i32
      %dma_wait3A_118 = tpu.memref_slice %arg12[%mul3A_58, %dma_wait3A_117] : memref<10112x32xf32, #tpu.memory_space<vmem_shared>> -> memref<632x32xf32, #tpu.memory_space<vmem_shared>>
      %dma_wait3A_119 = arith.constant 0 : i32
      %dma_wait3A_120 = tpu.memref_slice %arg12[%mul3A_58, %dma_wait3A_119] : memref<10112x32xf32, #tpu.memory_space<vmem_shared>> -> memref<632x32xf32, #tpu.memory_space<vmem_shared>>
      tpu.wait_dma2 semaphore(%run_scoped3A_112 : memref<!tpu.dma_semaphore, #tpu.memory_space<semaphore_mem>>) src(%arg10 : memref<632x32xf32, #tpu.memory_space<vmem>>) dst(%dma_wait3A_120 : memref<632x32xf32, #tpu.memory_space<vmem_shared>>)
      tpu.yield
    }) : () -> ()
    %mul3A_59 = arith.constant 625 : i32
    %mul3A_60 = arith.muli %arg1, %mul3A_59 : i32
    %mul3A_61 = arith.constant 625 : i32
    %mul3A_62 = arith.muli %arg1, %mul3A_61 : i32
    "tpu.region"() ({
      %run_scoped3A_112 = tpu.sem_alloc : memref<!tpu.dma_semaphore, #tpu.memory_space<semaphore_mem>>
      %dma_start3A_113 = arith.constant 0 : i32
      %dma_start3A_114 = tpu.memref_slice %arg11[%mul3A_62, %dma_start3A_113] : memref<10000x32xf32, #tpu.memory_space<vmem_shared>> -> memref<625x32xf32, #tpu.memory_space<vmem_shared>>
      %dma_start3A_115 = arith.constant 32 : i32
      %dma_start3A_116 = tpu.memref_slice %arg2[%mul3A_60, %dma_start3A_115] : memref<10000x128xf32, #tpu.memory_space<hbm>> -> memref<625x32xf32, #tpu.memory_space<hbm>>
      tpu.enqueue_dma source(%dma_start3A_116 : memref<625x32xf32, #tpu.memory_space<hbm>>) target(%dma_start3A_114 : memref<625x32xf32, #tpu.memory_space<vmem_shared>>) target_semaphore(%run_scoped3A_112 : memref<!tpu.dma_semaphore, #tpu.memory_space<semaphore_mem>>)
      %dma_wait3A_117 = arith.constant 0 : i32
      %dma_wait3A_118 = tpu.memref_slice %arg11[%mul3A_62, %dma_wait3A_117] : memref<10000x32xf32, #tpu.memory_space<vmem_shared>> -> memref<625x32xf32, #tpu.memory_space<vmem_shared>>
      %dma_wait3A_119 = arith.constant 32 : i32
      %dma_wait3A_120 = tpu.memref_slice %arg2[%mul3A_60, %dma_wait3A_119] : memref<10000x128xf32, #tpu.memory_space<hbm>> -> memref<625x32xf32, #tpu.memory_space<hbm>>
      tpu.wait_dma2 semaphore(%run_scoped3A_112 : memref<!tpu.dma_semaphore, #tpu.memory_space<semaphore_mem>>) src(%dma_wait3A_120 : memref<625x32xf32, #tpu.memory_space<hbm>>) dst(%dma_wait3A_118 : memref<625x32xf32, #tpu.memory_space<vmem_shared>>)
      tpu.yield
    }) : () -> ()
    %barrier3A_63 = arith.constant 0 : index
    tpu.barrier barrier_id(%barrier3A_63)
    %dma_start3A_64 = arith.constant 0 : i32
    %dma_start3A_65 = arith.constant 0 : i32
    %dma_start3A_66 = tpu.memref_slice %arg6[%dma_start3A_64, %dma_start3A_65] : memref<80x128xi32, #tpu.memory_space<vmem>> -> memref<1x128xi32, #tpu.memory_space<vmem>>
    %dma_start3A_67 = tpu.memref_squeeze %dma_start3A_66 : memref<1x128xi32, #tpu.memory_space<vmem>> -> memref<128xi32, #tpu.memory_space<vmem>>
    %dma_start3A_68 = arith.constant 0 : i32
    %dma_start3A_69 = arith.constant 0 : i32
    %dma_start3A_70 = tpu.memref_slice %arg11[%dma_start3A_68, %dma_start3A_69] : memref<10000x32xf32, #tpu.memory_space<vmem_shared>> -> memref<10000x32xf32, #tpu.memory_space<vmem_shared>>
    tpu.enqueue_indirect_dma source(%dma_start3A_70 : memref<10000x32xf32, #tpu.memory_space<vmem_shared>>) target(%arg8 : memref<128x32xf32, #tpu.memory_space<vmem>>) offsets(%dma_start3A_67 : memref<128xi32, #tpu.memory_space<vmem>>) semaphore(%arg13 : memref<!tpu.dma_semaphore, #tpu.memory_space<semaphore_mem>>)
    %scan3A_71 = arith.constant 0 : i32
    %scan3A_72 = arith.constant 0 : i32
    %scan3A_73 = arith.constant 39 : i32
    %scan3A_74 = arith.addi %scan3A_72, %scan3A_73 : i32
    %scan3A_75 = arith.constant 1 : i32
    scf.for %scan3A_112 = %scan3A_72 to %scan3A_74 step %scan3A_75  : i32 {
      %mul3A_113 = arith.constant 2 : i32
      %mul3A_114 = arith.muli %mul3A_113, %scan3A_112 : i32
      %add3A_115 = arith.constant 1 : i32
      %add3A_116 = arith.addi %mul3A_114, %add3A_115 : i32
      %dma_start3A_117 = arith.constant 0 : i32
      %dma_start3A_118 = tpu.memref_slice %arg6[%add3A_116, %dma_start3A_117] : memref<80x128xi32, #tpu.memory_space<vmem>> -> memref<1x128xi32, #tpu.memory_space<vmem>>
      %dma_start3A_119 = tpu.memref_squeeze %dma_start3A_118 : memref<1x128xi32, #tpu.memory_space<vmem>> -> memref<128xi32, #tpu.memory_space<vmem>>
      %dma_start3A_120 = arith.constant 0 : i32
      %dma_start3A_121 = arith.constant 0 : i32
      %dma_start3A_122 = tpu.memref_slice %arg11[%dma_start3A_120, %dma_start3A_121] : memref<10000x32xf32, #tpu.memory_space<vmem_shared>> -> memref<10000x32xf32, #tpu.memory_space<vmem_shared>>
      tpu.enqueue_indirect_dma source(%dma_start3A_122 : memref<10000x32xf32, #tpu.memory_space<vmem_shared>>) target(%arg9 : memref<128x32xf32, #tpu.memory_space<vmem>>) offsets(%dma_start3A_119 : memref<128xi32, #tpu.memory_space<vmem>>) semaphore(%arg14 : memref<!tpu.dma_semaphore, #tpu.memory_space<semaphore_mem>>)
      %dma_wait3A_123 = arith.constant 0 : i32
      %dma_wait3A_124 = tpu.memref_slice %arg6[%mul3A_114, %dma_wait3A_123] : memref<80x128xi32, #tpu.memory_space<vmem>> -> memref<1x128xi32, #tpu.memory_space<vmem>>
      %dma_wait3A_125 = tpu.memref_squeeze %dma_wait3A_124 : memref<1x128xi32, #tpu.memory_space<vmem>> -> memref<128xi32, #tpu.memory_space<vmem>>
      %dma_wait3A_126 = arith.constant 0 : i32
      %dma_wait3A_127 = arith.constant 0 : i32
      %dma_wait3A_128 = tpu.memref_slice %arg11[%dma_wait3A_126, %dma_wait3A_127] : memref<10000x32xf32, #tpu.memory_space<vmem_shared>> -> memref<10000x32xf32, #tpu.memory_space<vmem_shared>>
      tpu.wait_indirect_dma semaphore(%arg13 : memref<!tpu.dma_semaphore, #tpu.memory_space<semaphore_mem>>) src(%dma_wait3A_128 : memref<10000x32xf32, #tpu.memory_space<vmem_shared>>) dst(%arg8 : memref<128x32xf32, #tpu.memory_space<vmem>>)
      "tpu.region"() ({
        %run_scoped3A_147 = tpu.sem_alloc : memref<!tpu.dma_semaphore, #tpu.memory_space<semaphore_mem>>
        %dma_start3A_148 = arith.constant 0 : i32
        %dma_start3A_149 = tpu.memref_slice %arg7[%mul3A_114, %dma_start3A_148] : memref<80x128xi32, #tpu.memory_space<vmem>> -> memref<1x128xi32, #tpu.memory_space<vmem>>
        %dma_start3A_150 = tpu.memref_squeeze %dma_start3A_149 : memref<1x128xi32, #tpu.memory_space<vmem>> -> memref<128xi32, #tpu.memory_space<vmem>>
        %dma_start3A_151 = arith.constant 0 : i32
        %dma_start3A_152 = arith.constant 0 : i32
        %dma_start3A_153 = tpu.memref_slice %arg12[%dma_start3A_151, %dma_start3A_152] : memref<10112x32xf32, #tpu.memory_space<vmem_shared>> -> memref<10112x32xf32, #tpu.memory_space<vmem_shared>>
        tpu.enqueue_indirect_dma source(%arg8 : memref<128x32xf32, #tpu.memory_space<vmem>>) target(%dma_start3A_153 : memref<10112x32xf32, #tpu.memory_space<vmem_shared>>) offsets(%dma_start3A_150 : memref<128xi32, #tpu.memory_space<vmem>>) semaphore(%run_scoped3A_147 : memref<!tpu.dma_semaphore, #tpu.memory_space<semaphore_mem>>) {add = true}
        %dma_wait3A_154 = arith.constant 0 : i32
        %dma_wait3A_155 = tpu.memref_slice %arg7[%mul3A_114, %dma_wait3A_154] : memref<80x128xi32, #tpu.memory_space<vmem>> -> memref<1x128xi32, #tpu.memory_space<vmem>>
        %dma_wait3A_156 = tpu.memref_squeeze %dma_wait3A_155 : memref<1x128xi32, #tpu.memory_space<vmem>> -> memref<128xi32, #tpu.memory_space<vmem>>
        %dma_wait3A_157 = arith.constant 0 : i32
        %dma_wait3A_158 = arith.constant 0 : i32
        %dma_wait3A_159 = tpu.memref_slice %arg12[%dma_wait3A_157, %dma_wait3A_158] : memref<10112x32xf32, #tpu.memory_space<vmem_shared>> -> memref<10112x32xf32, #tpu.memory_space<vmem_shared>>
        tpu.wait_indirect_dma semaphore(%run_scoped3A_147 : memref<!tpu.dma_semaphore, #tpu.memory_space<semaphore_mem>>) src(%arg8 : memref<128x32xf32, #tpu.memory_space<vmem>>) dst(%dma_wait3A_159 : memref<10112x32xf32, #tpu.memory_space<vmem_shared>>)
        tpu.yield
      }) : () -> ()
      %add3A_129 = arith.constant 2 : i32
      %add3A_130 = arith.addi %mul3A_114, %add3A_129 : i32
      %dma_start3A_131 = arith.constant 0 : i32
      %dma_start3A_132 = tpu.memref_slice %arg6[%add3A_130, %dma_start3A_131] : memref<80x128xi32, #tpu.memory_space<vmem>> -> memref<1x128xi32, #tpu.memory_space<vmem>>
      %dma_start3A_133 = tpu.memref_squeeze %dma_start3A_132 : memref<1x128xi32, #tpu.memory_space<vmem>> -> memref<128xi32, #tpu.memory_space<vmem>>
      %dma_start3A_134 = arith.constant 0 : i32
      %dma_start3A_135 = arith.constant 0 : i32
      %dma_start3A_136 = tpu.memref_slice %arg11[%dma_start3A_134, %dma_start3A_135] : memref<10000x32xf32, #tpu.memory_space<vmem_shared>> -> memref<10000x32xf32, #tpu.memory_space<vmem_shared>>
      tpu.enqueue_indirect_dma source(%dma_start3A_136 : memref<10000x32xf32, #tpu.memory_space<vmem_shared>>) target(%arg8 : memref<128x32xf32, #tpu.memory_space<vmem>>) offsets(%dma_start3A_133 : memref<128xi32, #tpu.memory_space<vmem>>) semaphore(%arg13 : memref<!tpu.dma_semaphore, #tpu.memory_space<semaphore_mem>>)
      %add3A_137 = arith.constant 1 : i32
      %add3A_138 = arith.addi %mul3A_114, %add3A_137 : i32
      %dma_wait3A_139 = arith.constant 0 : i32
      %dma_wait3A_140 = tpu.memref_slice %arg6[%add3A_138, %dma_wait3A_139] : memref<80x128xi32, #tpu.memory_space<vmem>> -> memref<1x128xi32, #tpu.memory_space<vmem>>
      %dma_wait3A_141 = tpu.memref_squeeze %dma_wait3A_140 : memref<1x128xi32, #tpu.memory_space<vmem>> -> memref<128xi32, #tpu.memory_space<vmem>>
      %dma_wait3A_142 = arith.constant 0 : i32
      %dma_wait3A_143 = arith.constant 0 : i32
      %dma_wait3A_144 = tpu.memref_slice %arg11[%dma_wait3A_142, %dma_wait3A_143] : memref<10000x32xf32, #tpu.memory_space<vmem_shared>> -> memref<10000x32xf32, #tpu.memory_space<vmem_shared>>
      tpu.wait_indirect_dma semaphore(%arg14 : memref<!tpu.dma_semaphore, #tpu.memory_space<semaphore_mem>>) src(%dma_wait3A_144 : memref<10000x32xf32, #tpu.memory_space<vmem_shared>>) dst(%arg9 : memref<128x32xf32, #tpu.memory_space<vmem>>)
      %add3A_145 = arith.constant 1 : i32
      %add3A_146 = arith.addi %mul3A_114, %add3A_145 : i32
      "tpu.region"() ({
        %run_scoped3A_147 = tpu.sem_alloc : memref<!tpu.dma_semaphore, #tpu.memory_space<semaphore_mem>>
        %dma_start3A_148 = arith.constant 0 : i32
        %dma_start3A_149 = tpu.memref_slice %arg7[%add3A_146, %dma_start3A_148] : memref<80x128xi32, #tpu.memory_space<vmem>> -> memref<1x128xi32, #tpu.memory_space<vmem>>
        %dma_start3A_150 = tpu.memref_squeeze %dma_start3A_149 : memref<1x128xi32, #tpu.memory_space<vmem>> -> memref<128xi32, #tpu.memory_space<vmem>>
        %dma_start3A_151 = arith.constant 0 : i32
        %dma_start3A_152 = arith.constant 0 : i32
        %dma_start3A_153 = tpu.memref_slice %arg12[%dma_start3A_151, %dma_start3A_152] : memref<10112x32xf32, #tpu.memory_space<vmem_shared>> -> memref<10112x32xf32, #tpu.memory_space<vmem_shared>>
        tpu.enqueue_indirect_dma source(%arg9 : memref<128x32xf32, #tpu.memory_space<vmem>>) target(%dma_start3A_153 : memref<10112x32xf32, #tpu.memory_space<vmem_shared>>) offsets(%dma_start3A_150 : memref<128xi32, #tpu.memory_space<vmem>>) semaphore(%run_scoped3A_147 : memref<!tpu.dma_semaphore, #tpu.memory_space<semaphore_mem>>) {add = true}
        %dma_wait3A_154 = arith.constant 0 : i32
        %dma_wait3A_155 = tpu.memref_slice %arg7[%add3A_146, %dma_wait3A_154] : memref<80x128xi32, #tpu.memory_space<vmem>> -> memref<1x128xi32, #tpu.memory_space<vmem>>
        %dma_wait3A_156 = tpu.memref_squeeze %dma_wait3A_155 : memref<1x128xi32, #tpu.memory_space<vmem>> -> memref<128xi32, #tpu.memory_space<vmem>>
        %dma_wait3A_157 = arith.constant 0 : i32
        %dma_wait3A_158 = arith.constant 0 : i32
        %dma_wait3A_159 = tpu.memref_slice %arg12[%dma_wait3A_157, %dma_wait3A_158] : memref<10112x32xf32, #tpu.memory_space<vmem_shared>> -> memref<10112x32xf32, #tpu.memory_space<vmem_shared>>
        tpu.wait_indirect_dma semaphore(%run_scoped3A_147 : memref<!tpu.dma_semaphore, #tpu.memory_space<semaphore_mem>>) src(%arg9 : memref<128x32xf32, #tpu.memory_space<vmem>>) dst(%dma_wait3A_159 : memref<10112x32xf32, #tpu.memory_space<vmem_shared>>)
        tpu.yield
      }) : () -> ()
    }
    %scan3A_76 = arith.constant 39 : i32
    %dma_start3A_77 = arith.constant 79 : i32
    %dma_start3A_78 = arith.constant 0 : i32
    %dma_start3A_79 = tpu.memref_slice %arg6[%dma_start3A_77, %dma_start3A_78] : memref<80x128xi32, #tpu.memory_space<vmem>> -> memref<1x128xi32, #tpu.memory_space<vmem>>
    %dma_start3A_80 = tpu.memref_squeeze %dma_start3A_79 : memref<1x128xi32, #tpu.memory_space<vmem>> -> memref<128xi32, #tpu.memory_space<vmem>>
    %dma_start3A_81 = arith.constant 0 : i32
    %dma_start3A_82 = arith.constant 0 : i32
    %dma_start3A_83 = tpu.memref_slice %arg11[%dma_start3A_81, %dma_start3A_82] : memref<10000x32xf32, #tpu.memory_space<vmem_shared>> -> memref<10000x32xf32, #tpu.memory_space<vmem_shared>>
    tpu.enqueue_indirect_dma source(%dma_start3A_83 : memref<10000x32xf32, #tpu.memory_space<vmem_shared>>) target(%arg9 : memref<128x32xf32, #tpu.memory_space<vmem>>) offsets(%dma_start3A_80 : memref<128xi32, #tpu.memory_space<vmem>>) semaphore(%arg14 : memref<!tpu.dma_semaphore, #tpu.memory_space<semaphore_mem>>)
    %dma_wait3A_84 = arith.constant 78 : i32
    %dma_wait3A_85 = arith.constant 0 : i32
    %dma_wait3A_86 = tpu.memref_slice %arg6[%dma_wait3A_84, %dma_wait3A_85] : memref<80x128xi32, #tpu.memory_space<vmem>> -> memref<1x128xi32, #tpu.memory_space<vmem>>
    %dma_wait3A_87 = tpu.memref_squeeze %dma_wait3A_86 : memref<1x128xi32, #tpu.memory_space<vmem>> -> memref<128xi32, #tpu.memory_space<vmem>>
    %dma_wait3A_88 = arith.constant 0 : i32
    %dma_wait3A_89 = arith.constant 0 : i32
    %dma_wait3A_90 = tpu.memref_slice %arg11[%dma_wait3A_88, %dma_wait3A_89] : memref<10000x32xf32, #tpu.memory_space<vmem_shared>> -> memref<10000x32xf32, #tpu.memory_space<vmem_shared>>
    tpu.wait_indirect_dma semaphore(%arg13 : memref<!tpu.dma_semaphore, #tpu.memory_space<semaphore_mem>>) src(%dma_wait3A_90 : memref<10000x32xf32, #tpu.memory_space<vmem_shared>>) dst(%arg8 : memref<128x32xf32, #tpu.memory_space<vmem>>)
    %run_scoped3A_91 = arith.constant 78 : i32
    "tpu.region"() ({
      %run_scoped3A_112 = tpu.sem_alloc : memref<!tpu.dma_semaphore, #tpu.memory_space<semaphore_mem>>
      %dma_start3A_113 = arith.constant 0 : i32
      %dma_start3A_114 = tpu.memref_slice %arg7[%run_scoped3A_91, %dma_start3A_113] : memref<80x128xi32, #tpu.memory_space<vmem>> -> memref<1x128xi32, #tpu.memory_space<vmem>>
      %dma_start3A_115 = tpu.memref_squeeze %dma_start3A_114 : memref<1x128xi32, #tpu.memory_space<vmem>> -> memref<128xi32, #tpu.memory_space<vmem>>
      %dma_start3A_116 = arith.constant 0 : i32
      %dma_start3A_117 = arith.constant 0 : i32
      %dma_start3A_118 = tpu.memref_slice %arg12[%dma_start3A_116, %dma_start3A_117] : memref<10112x32xf32, #tpu.memory_space<vmem_shared>> -> memref<10112x32xf32, #tpu.memory_space<vmem_shared>>
      tpu.enqueue_indirect_dma source(%arg8 : memref<128x32xf32, #tpu.memory_space<vmem>>) target(%dma_start3A_118 : memref<10112x32xf32, #tpu.memory_space<vmem_shared>>) offsets(%dma_start3A_115 : memref<128xi32, #tpu.memory_space<vmem>>) semaphore(%run_scoped3A_112 : memref<!tpu.dma_semaphore, #tpu.memory_space<semaphore_mem>>) {add = true}
      %dma_wait3A_119 = arith.constant 0 : i32
      %dma_wait3A_120 = tpu.memref_slice %arg7[%run_scoped3A_91, %dma_wait3A_119] : memref<80x128xi32, #tpu.memory_space<vmem>> -> memref<1x128xi32, #tpu.memory_space<vmem>>
      %dma_wait3A_121 = tpu.memref_squeeze %dma_wait3A_120 : memref<1x128xi32, #tpu.memory_space<vmem>> -> memref<128xi32, #tpu.memory_space<vmem>>
      %dma_wait3A_122 = arith.constant 0 : i32
      %dma_wait3A_123 = arith.constant 0 : i32
      %dma_wait3A_124 = tpu.memref_slice %arg12[%dma_wait3A_122, %dma_wait3A_123] : memref<10112x32xf32, #tpu.memory_space<vmem_shared>> -> memref<10112x32xf32, #tpu.memory_space<vmem_shared>>
      tpu.wait_indirect_dma semaphore(%run_scoped3A_112 : memref<!tpu.dma_semaphore, #tpu.memory_space<semaphore_mem>>) src(%arg8 : memref<128x32xf32, #tpu.memory_space<vmem>>) dst(%dma_wait3A_124 : memref<10112x32xf32, #tpu.memory_space<vmem_shared>>)
      tpu.yield
    }) : () -> ()
    %dma_wait3A_92 = arith.constant 79 : i32
    %dma_wait3A_93 = arith.constant 0 : i32
    %dma_wait3A_94 = tpu.memref_slice %arg6[%dma_wait3A_92, %dma_wait3A_93] : memref<80x128xi32, #tpu.memory_space<vmem>> -> memref<1x128xi32, #tpu.memory_space<vmem>>
    %dma_wait3A_95 = tpu.memref_squeeze %dma_wait3A_94 : memref<1x128xi32, #tpu.memory_space<vmem>> -> memref<128xi32, #tpu.memory_space<vmem>>
    %dma_wait3A_96 = arith.constant 0 : i32
    %dma_wait3A_97 = arith.constant 0 : i32
    %dma_wait3A_98 = tpu.memref_slice %arg11[%dma_wait3A_96, %dma_wait3A_97] : memref<10000x32xf32, #tpu.memory_space<vmem_shared>> -> memref<10000x32xf32, #tpu.memory_space<vmem_shared>>
    tpu.wait_indirect_dma semaphore(%arg14 : memref<!tpu.dma_semaphore, #tpu.memory_space<semaphore_mem>>) src(%dma_wait3A_98 : memref<10000x32xf32, #tpu.memory_space<vmem_shared>>) dst(%arg9 : memref<128x32xf32, #tpu.memory_space<vmem>>)
    %run_scoped3A_99 = arith.constant 79 : i32
    "tpu.region"() ({
      %run_scoped3A_112 = tpu.sem_alloc : memref<!tpu.dma_semaphore, #tpu.memory_space<semaphore_mem>>
      %dma_start3A_113 = arith.constant 0 : i32
      %dma_start3A_114 = tpu.memref_slice %arg7[%run_scoped3A_99, %dma_start3A_113] : memref<80x128xi32, #tpu.memory_space<vmem>> -> memref<1x128xi32, #tpu.memory_space<vmem>>
      %dma_start3A_115 = tpu.memref_squeeze %dma_start3A_114 : memref<1x128xi32, #tpu.memory_space<vmem>> -> memref<128xi32, #tpu.memory_space<vmem>>
      %dma_start3A_116 = arith.constant 0 : i32
      %dma_start3A_117 = arith.constant 0 : i32
      %dma_start3A_118 = tpu.memref_slice %arg12[%dma_start3A_116, %dma_start3A_117] : memref<10112x32xf32, #tpu.memory_space<vmem_shared>> -> memref<10112x32xf32, #tpu.memory_space<vmem_shared>>
      tpu.enqueue_indirect_dma source(%arg9 : memref<128x32xf32, #tpu.memory_space<vmem>>) target(%dma_start3A_118 : memref<10112x32xf32, #tpu.memory_space<vmem_shared>>) offsets(%dma_start3A_115 : memref<128xi32, #tpu.memory_space<vmem>>) semaphore(%run_scoped3A_112 : memref<!tpu.dma_semaphore, #tpu.memory_space<semaphore_mem>>) {add = true}
      %dma_wait3A_119 = arith.constant 0 : i32
      %dma_wait3A_120 = tpu.memref_slice %arg7[%run_scoped3A_99, %dma_wait3A_119] : memref<80x128xi32, #tpu.memory_space<vmem>> -> memref<1x128xi32, #tpu.memory_space<vmem>>
      %dma_wait3A_121 = tpu.memref_squeeze %dma_wait3A_120 : memref<1x128xi32, #tpu.memory_space<vmem>> -> memref<128xi32, #tpu.memory_space<vmem>>
      %dma_wait3A_122 = arith.constant 0 : i32
      %dma_wait3A_123 = arith.constant 0 : i32
      %dma_wait3A_124 = tpu.memref_slice %arg12[%dma_wait3A_122, %dma_wait3A_123] : memref<10112x32xf32, #tpu.memory_space<vmem_shared>> -> memref<10112x32xf32, #tpu.memory_space<vmem_shared>>
      tpu.wait_indirect_dma semaphore(%run_scoped3A_112 : memref<!tpu.dma_semaphore, #tpu.memory_space<semaphore_mem>>) src(%arg9 : memref<128x32xf32, #tpu.memory_space<vmem>>) dst(%dma_wait3A_124 : memref<10112x32xf32, #tpu.memory_space<vmem_shared>>)
      tpu.yield
    }) : () -> ()
    %barrier3A_100 = arith.constant 0 : index
    tpu.barrier barrier_id(%barrier3A_100)
    %mul3A_101 = arith.constant 632 : i32
    %mul3A_102 = arith.muli %arg1, %mul3A_101 : i32
    "tpu.region"() ({
      %run_scoped3A_112 = tpu.sem_alloc : memref<!tpu.dma_semaphore, #tpu.memory_space<semaphore_mem>>
      %dma_start3A_113 = arith.constant 0 : i32
      %dma_start3A_114 = tpu.memref_slice %arg12[%mul3A_102, %dma_start3A_113] : memref<10112x32xf32, #tpu.memory_space<vmem_shared>> -> memref<632x32xf32, #tpu.memory_space<vmem_shared>>
      %dma_start3A_115 = arith.constant 0 : i32
      %dma_start3A_116 = tpu.memref_slice %arg12[%mul3A_102, %dma_start3A_115] : memref<10112x32xf32, #tpu.memory_space<vmem_shared>> -> memref<632x32xf32, #tpu.memory_space<vmem_shared>>
      tpu.enqueue_dma source(%dma_start3A_116 : memref<632x32xf32, #tpu.memory_space<vmem_shared>>) target(%arg10 : memref<632x32xf32, #tpu.memory_space<vmem>>) target_semaphore(%run_scoped3A_112 : memref<!tpu.dma_semaphore, #tpu.memory_space<semaphore_mem>>)
      %dma_wait3A_117 = arith.constant 0 : i32
      %dma_wait3A_118 = tpu.memref_slice %arg12[%mul3A_102, %dma_wait3A_117] : memref<10112x32xf32, #tpu.memory_space<vmem_shared>> -> memref<632x32xf32, #tpu.memory_space<vmem_shared>>
      %dma_wait3A_119 = arith.constant 0 : i32
      %dma_wait3A_120 = tpu.memref_slice %arg12[%mul3A_102, %dma_wait3A_119] : memref<10112x32xf32, #tpu.memory_space<vmem_shared>> -> memref<632x32xf32, #tpu.memory_space<vmem_shared>>
      tpu.wait_dma2 semaphore(%run_scoped3A_112 : memref<!tpu.dma_semaphore, #tpu.memory_space<semaphore_mem>>) src(%dma_wait3A_120 : memref<632x32xf32, #tpu.memory_space<vmem_shared>>) dst(%arg10 : memref<632x32xf32, #tpu.memory_space<vmem>>)
      tpu.yield
    }) : () -> ()
    %mul3A_103 = arith.constant 632 : i32
    %mul3A_104 = arith.muli %arg1, %mul3A_103 : i32
    %run_scoped3A_105 = arith.constant 1 : i32
    "tpu.region"() ({
      %run_scoped3A_112 = tpu.sem_alloc : memref<!tpu.dma_semaphore, #tpu.memory_space<semaphore_mem>>
      %dma_start3A_113 = arith.constant 0 : i32
      %dma_start3A_114 = tpu.memref_slice %arg5[%arg0, %run_scoped3A_105, %mul3A_104, %dma_start3A_113] : memref<2x2x10112x128xf32, #tpu.memory_space<hbm>> -> memref<1x1x632x32xf32, #tpu.memory_space<hbm>>
      %dma_start3A_115 = tpu.memref_squeeze %dma_start3A_114 : memref<1x1x632x32xf32, #tpu.memory_space<hbm>> -> memref<632x32xf32, #tpu.memory_space<hbm>>
      %dma_start3A_116 = arith.constant 0 : i32
      %dma_start3A_117 = tpu.memref_slice %arg5[%arg0, %run_scoped3A_105, %mul3A_104, %dma_start3A_116] : memref<2x2x10112x128xf32, #tpu.memory_space<hbm>> -> memref<1x1x632x32xf32, #tpu.memory_space<hbm>>
      %dma_start3A_118 = tpu.memref_squeeze %dma_start3A_117 : memref<1x1x632x32xf32, #tpu.memory_space<hbm>> -> memref<632x32xf32, #tpu.memory_space<hbm>>
      tpu.enqueue_dma source(%arg10 : memref<632x32xf32, #tpu.memory_space<vmem>>) target(%dma_start3A_118 : memref<632x32xf32, #tpu.memory_space<hbm>>) target_semaphore(%run_scoped3A_112 : memref<!tpu.dma_semaphore, #tpu.memory_space<semaphore_mem>>)
      %dma_wait3A_119 = arith.constant 0 : i32
      %dma_wait3A_120 = tpu.memref_slice %arg5[%arg0, %run_scoped3A_105, %mul3A_104, %dma_wait3A_119] : memref<2x2x10112x128xf32, #tpu.memory_space<hbm>> -> memref<1x1x632x32xf32, #tpu.memory_space<hbm>>
      %dma_wait3A_121 = tpu.memref_squeeze %dma_wait3A_120 : memref<1x1x632x32xf32, #tpu.memory_space<hbm>> -> memref<632x32xf32, #tpu.memory_space<hbm>>
      %dma_wait3A_122 = arith.constant 0 : i32
      %dma_wait3A_123 = tpu.memref_slice %arg5[%arg0, %run_scoped3A_105, %mul3A_104, %dma_wait3A_122] : memref<2x2x10112x128xf32, #tpu.memory_space<hbm>> -> memref<1x1x632x32xf32, #tpu.memory_space<hbm>>
      %dma_wait3A_124 = tpu.memref_squeeze %dma_wait3A_123 : memref<1x1x632x32xf32, #tpu.memory_space<hbm>> -> memref<632x32xf32, #tpu.memory_space<hbm>>
      tpu.wait_dma2 semaphore(%run_scoped3A_112 : memref<!tpu.dma_semaphore, #tpu.memory_space<semaphore_mem>>) src(%arg10 : memref<632x32xf32, #tpu.memory_space<vmem>>) dst(%dma_wait3A_124 : memref<632x32xf32, #tpu.memory_space<hbm>>)
      tpu.yield
    }) : () -> ()
    %scan3A_106 = arith.constant 0 : i32
    %scan3A_107 = arith.constant 0 : i32
    %scan3A_108 = arith.constant 632 : i32
    %scan3A_109 = arith.addi %scan3A_107, %scan3A_108 : i32
    %scan3A_110 = arith.constant 1 : i32
    scf.for %scan3A_112 = %scan3A_107 to %scan3A_109 step %scan3A_110  : i32 {
      %broadcast_in_dim3A = arith.constant 0.000000e+00 : f32
      %broadcast_in_dim3A_113 = vector.broadcast %broadcast_in_dim3A : f32 to vector<16xf32>
      %swap3A = arith.index_cast %scan3A_112 : i32 to index
      %swap3A_114 = arith.constant 0 : index
      %swap3A_115 = tpu.vector_load %arg10[%swap3A, %swap3A_114] {strides = array<i32>} : memref<632x32xf32, #tpu.memory_space<vmem>>, vector<1x16xf32>,
      %swap3A_116 = vector.shape_cast %swap3A_115 : vector<1x16xf32> to vector<16xf32>
      %swap3A_117 = vector.shape_cast %broadcast_in_dim3A_113 : vector<16xf32> to vector<1x16xf32>
      tpu.vector_store %arg10[%swap3A, %swap3A_114], %swap3A_117 {strides = array<i32>} : memref<632x32xf32, #tpu.memory_space<vmem>>, vector<1x16xf32>,
      %broadcast_in_dim3A_118 = arith.constant 0.000000e+00 : f32
      %broadcast_in_dim3A_119 = vector.broadcast %broadcast_in_dim3A_118 : f32 to vector<16xf32>
      %swap3A_120 = arith.index_cast %scan3A_112 : i32 to index
      %swap3A_121 = arith.constant 16 : index
      %swap3A_122 = tpu.vector_load %arg10[%swap3A_120, %swap3A_121] {strides = array<i32>} : memref<632x32xf32, #tpu.memory_space<vmem>>, vector<1x16xf32>,
      %swap3A_123 = vector.shape_cast %swap3A_122 : vector<1x16xf32> to vector<16xf32>
      %swap3A_124 = vector.shape_cast %broadcast_in_dim3A_119 : vector<16xf32> to vector<1x16xf32>
      tpu.vector_store %arg10[%swap3A_120, %swap3A_121], %swap3A_124 {strides = array<i32>} : memref<632x32xf32, #tpu.memory_space<vmem>>, vector<1x16xf32>,
    }
    %scan3A_111 = arith.constant 632 : i32
    return
  }
}

#map = affine_map<(d0, d1) -> (0, 0)>
#map1 = affine_map<(d0, d1) -> (0, 0, 0)>
#map2 = affine_map<(d0, d1) -> (0, 0, 0, 0)>
module attributes {stable_mosaic.version = 14 : i64} {
  func.func @_seg_sum_body(%arg0: i32, %arg1: i32, %arg2: memref<10000x128xf32, #tpu.memory_space<hbm>>, %arg3: memref<32x80x128xi32, #tpu.memory_space<hbm>>, %arg4: memref<32x80x128xi32, #tpu.memory_space<hbm>>, %arg5: memref<2x2x10112x128xf32, #tpu.memory_space<hbm>>, %arg6: memref<80x128xi32, #tpu.memory_space<vmem>>, %arg7: memref<80x128xi32, #tpu.memory_space<vmem>>, %arg8: memref<128x32xf32, #tpu.memory_space<vmem>>, %arg9: memref<128x32xf32, #tpu.memory_space<vmem>>, %arg10: memref<632x32xf32, #tpu.memory_space<vmem>>, %arg11: memref<10000x32xf32, #tpu.memory_space<vmem_shared>>, %arg12: memref<10112x32xf32, #tpu.memory_space<vmem_shared>>, %arg13: memref<!tpu.dma_semaphore, #tpu.memory_space<semaphore_mem>>, %arg14: memref<!tpu.dma_semaphore, #tpu.memory_space<semaphore_mem>>) attributes {dimension_semantics = [#tpu.dimension_semantics<core_parallel>, #tpu.dimension_semantics<subcore_parallel>], iteration_bounds = array<i64: 2, 16>, scalar_prefetch = 0 : i64, scratch_operands = 9 : i64, tpu.core_type = #tpu.core_type<sc_vector_subcore>, window_params = [{transform_indices = #map}, {transform_indices = #map1}, {transform_indices = #map1}, {transform_indices = #map2}]} {
    %mul3A = arith.constant 16 : i32
    %mul3A_0 = arith.muli %arg0, %mul3A : i32
    %add3A = arith.addi %mul3A_0, %arg1 : i32
    %scan3A = arith.constant 0 : i32
    %scan3A_1 = arith.constant 0 : i32
    %scan3A_2 = arith.constant 632 : i32
    %scan3A_3 = arith.addi %scan3A_1, %scan3A_2 : i32
    %scan3A_4 = arith.constant 1 : i32
    scf.for %scan3A_112 = %scan3A_1 to %scan3A_3 step %scan3A_4  : i32 {
      %broadcast_in_dim3A = arith.constant 0.000000e+00 : f32
      %broadcast_in_dim3A_113 = vector.broadcast %broadcast_in_dim3A : f32 to vector<16xf32>
      %swap3A = arith.index_cast %scan3A_112 : i32 to index
      %swap3A_114 = arith.constant 0 : index
      %swap3A_115 = tpu.vector_load %arg10[%swap3A, %swap3A_114] {strides = array<i32>} : memref<632x32xf32, #tpu.memory_space<vmem>>, vector<1x16xf32>,
      %swap3A_116 = vector.shape_cast %swap3A_115 : vector<1x16xf32> to vector<16xf32>
      %swap3A_117 = vector.shape_cast %broadcast_in_dim3A_113 : vector<16xf32> to vector<1x16xf32>
      tpu.vector_store %arg10[%swap3A, %swap3A_114], %swap3A_117 {strides = array<i32>} : memref<632x32xf32, #tpu.memory_space<vmem>>, vector<1x16xf32>,
      %broadcast_in_dim3A_118 = arith.constant 0.000000e+00 : f32
      %broadcast_in_dim3A_119 = vector.broadcast %broadcast_in_dim3A_118 : f32 to vector<16xf32>
      %swap3A_120 = arith.index_cast %scan3A_112 : i32 to index
      %swap3A_121 = arith.constant 16 : index
      %swap3A_122 = tpu.vector_load %arg10[%swap3A_120, %swap3A_121] {strides = array<i32>} : memref<632x32xf32, #tpu.memory_space<vmem>>, vector<1x16xf32>,
      %swap3A_123 = vector.shape_cast %swap3A_122 : vector<1x16xf32> to vector<16xf32>
      %swap3A_124 = vector.shape_cast %broadcast_in_dim3A_119 : vector<16xf32> to vector<1x16xf32>
      tpu.vector_store %arg10[%swap3A_120, %swap3A_121], %swap3A_124 {strides = array<i32>} : memref<632x32xf32, #tpu.memory_space<vmem>>, vector<1x16xf32>,
    }
    %scan3A_5 = arith.constant 632 : i32
    "tpu.region"() ({
      %run_scoped3A_112 = tpu.sem_alloc : memref<!tpu.dma_semaphore, #tpu.memory_space<semaphore_mem>>
      %dma_start3A_113 = arith.constant 0 : i32
      %dma_start3A_114 = arith.constant 0 : i32
      %dma_start3A_115 = tpu.memref_slice %arg3[%add3A, %dma_start3A_113, %dma_start3A_114] : memref<32x80x128xi32, #tpu.memory_space<hbm>> -> memref<1x80x128xi32, #tpu.memory_space<hbm>>
      %dma_start3A_116 = tpu.memref_squeeze %dma_start3A_115 : memref<1x80x128xi32, #tpu.memory_space<hbm>> -> memref<80x128xi32, #tpu.memory_space<hbm>>
      %dma_start3A_117 = arith.constant 0 : i32
      %dma_start3A_118 = arith.constant 0 : i32
      %dma_start3A_119 = tpu.memref_slice %arg3[%add3A, %dma_start3A_117, %dma_start3A_118] : memref<32x80x128xi32, #tpu.memory_space<hbm>> -> memref<1x80x128xi32, #tpu.memory_space<hbm>>
      %dma_start3A_120 = tpu.memref_squeeze %dma_start3A_119 : memref<1x80x128xi32, #tpu.memory_space<hbm>> -> memref<80x128xi32, #tpu.memory_space<hbm>>
      tpu.enqueue_dma source(%dma_start3A_120 : memref<80x128xi32, #tpu.memory_space<hbm>>) target(%arg6 : memref<80x128xi32, #tpu.memory_space<vmem>>) target_semaphore(%run_scoped3A_112 : memref<!tpu.dma_semaphore, #tpu.memory_space<semaphore_mem>>)
      %dma_wait3A_121 = arith.constant 0 : i32
      %dma_wait3A_122 = arith.constant 0 : i32
      %dma_wait3A_123 = tpu.memref_slice %arg3[%add3A, %dma_wait3A_121, %dma_wait3A_122] : memref<32x80x128xi32, #tpu.memory_space<hbm>> -> memref<1x80x128xi32, #tpu.memory_space<hbm>>
      %dma_wait3A_124 = tpu.memref_squeeze %dma_wait3A_123 : memref<1x80x128xi32, #tpu.memory_space<hbm>> -> memref<80x128xi32, #tpu.memory_space<hbm>>
      %dma_wait3A_125 = arith.constant 0 : i32
      %dma_wait3A_126 = arith.constant 0 : i32
      %dma_wait3A_127 = tpu.memref_slice %arg3[%add3A, %dma_wait3A_125, %dma_wait3A_126] : memref<32x80x128xi32, #tpu.memory_space<hbm>> -> memref<1x80x128xi32, #tpu.memory_space<hbm>>
      %dma_wait3A_128 = tpu.memref_squeeze %dma_wait3A_127 : memref<1x80x128xi32, #tpu.memory_space<hbm>> -> memref<80x128xi32, #tpu.memory_space<hbm>>
      tpu.wait_dma2 semaphore(%run_scoped3A_112 : memref<!tpu.dma_semaphore, #tpu.memory_space<semaphore_mem>>) src(%dma_wait3A_128 : memref<80x128xi32, #tpu.memory_space<hbm>>) dst(%arg6 : memref<80x128xi32, #tpu.memory_space<vmem>>)
      tpu.yield
    }) : () -> ()
    "tpu.region"() ({
      %run_scoped3A_112 = tpu.sem_alloc : memref<!tpu.dma_semaphore, #tpu.memory_space<semaphore_mem>>
      %dma_start3A_113 = arith.constant 0 : i32
      %dma_start3A_114 = arith.constant 0 : i32
      %dma_start3A_115 = tpu.memref_slice %arg4[%add3A, %dma_start3A_113, %dma_start3A_114] : memref<32x80x128xi32, #tpu.memory_space<hbm>> -> memref<1x80x128xi32, #tpu.memory_space<hbm>>
      %dma_start3A_116 = tpu.memref_squeeze %dma_start3A_115 : memref<1x80x128xi32, #tpu.memory_space<hbm>> -> memref<80x128xi32, #tpu.memory_space<hbm>>
      %dma_start3A_117 = arith.constant 0 : i32
      %dma_start3A_118 = arith.constant 0 : i32
      %dma_start3A_119 = tpu.memref_slice %arg4[%add3A, %dma_start3A_117, %dma_start3A_118] : memref<32x80x128xi32, #tpu.memory_space<hbm>> -> memref<1x80x128xi32, #tpu.memory_space<hbm>>
      %dma_start3A_120 = tpu.memref_squeeze %dma_start3A_119 : memref<1x80x128xi32, #tpu.memory_space<hbm>> -> memref<80x128xi32, #tpu.memory_space<hbm>>
      tpu.enqueue_dma source(%dma_start3A_120 : memref<80x128xi32, #tpu.memory_space<hbm>>) target(%arg7 : memref<80x128xi32, #tpu.memory_space<vmem>>) target_semaphore(%run_scoped3A_112 : memref<!tpu.dma_semaphore, #tpu.memory_space<semaphore_mem>>)
      %dma_wait3A_121 = arith.constant 0 : i32
      %dma_wait3A_122 = arith.constant 0 : i32
      %dma_wait3A_123 = tpu.memref_slice %arg4[%add3A, %dma_wait3A_121, %dma_wait3A_122] : memref<32x80x128xi32, #tpu.memory_space<hbm>> -> memref<1x80x128xi32, #tpu.memory_space<hbm>>
      %dma_wait3A_124 = tpu.memref_squeeze %dma_wait3A_123 : memref<1x80x128xi32, #tpu.memory_space<hbm>> -> memref<80x128xi32, #tpu.memory_space<hbm>>
      %dma_wait3A_125 = arith.constant 0 : i32
      %dma_wait3A_126 = arith.constant 0 : i32
      %dma_wait3A_127 = tpu.memref_slice %arg4[%add3A, %dma_wait3A_125, %dma_wait3A_126] : memref<32x80x128xi32, #tpu.memory_space<hbm>> -> memref<1x80x128xi32, #tpu.memory_space<hbm>>
      %dma_wait3A_128 = tpu.memref_squeeze %dma_wait3A_127 : memref<1x80x128xi32, #tpu.memory_space<hbm>> -> memref<80x128xi32, #tpu.memory_space<hbm>>
      tpu.wait_dma2 semaphore(%run_scoped3A_112 : memref<!tpu.dma_semaphore, #tpu.memory_space<semaphore_mem>>) src(%dma_wait3A_128 : memref<80x128xi32, #tpu.memory_space<hbm>>) dst(%arg7 : memref<80x128xi32, #tpu.memory_space<vmem>>)
      tpu.yield
    }) : () -> ()
    %mul3A_6 = arith.constant 632 : i32
    %mul3A_7 = arith.muli %arg1, %mul3A_6 : i32
    "tpu.region"() ({
      %run_scoped3A_112 = tpu.sem_alloc : memref<!tpu.dma_semaphore, #tpu.memory_space<semaphore_mem>>
      %dma_start3A_113 = arith.constant 0 : i32
      %dma_start3A_114 = tpu.memref_slice %arg12[%mul3A_7, %dma_start3A_113] : memref<10112x32xf32, #tpu.memory_space<vmem_shared>> -> memref<632x32xf32, #tpu.memory_space<vmem_shared>>
      %dma_start3A_115 = arith.constant 0 : i32
      %dma_start3A_116 = tpu.memref_slice %arg12[%mul3A_7, %dma_start3A_115] : memref<10112x32xf32, #tpu.memory_space<vmem_shared>> -> memref<632x32xf32, #tpu.memory_space<vmem_shared>>
      tpu.enqueue_dma source(%arg10 : memref<632x32xf32, #tpu.memory_space<vmem>>) target(%dma_start3A_116 : memref<632x32xf32, #tpu.memory_space<vmem_shared>>) target_semaphore(%run_scoped3A_112 : memref<!tpu.dma_semaphore, #tpu.memory_space<semaphore_mem>>)
      %dma_wait3A_117 = arith.constant 0 : i32
      %dma_wait3A_118 = tpu.memref_slice %arg12[%mul3A_7, %dma_wait3A_117] : memref<10112x32xf32, #tpu.memory_space<vmem_shared>> -> memref<632x32xf32, #tpu.memory_space<vmem_shared>>
      %dma_wait3A_119 = arith.constant 0 : i32
      %dma_wait3A_120 = tpu.memref_slice %arg12[%mul3A_7, %dma_wait3A_119] : memref<10112x32xf32, #tpu.memory_space<vmem_shared>> -> memref<632x32xf32, #tpu.memory_space<vmem_shared>>
      tpu.wait_dma2 semaphore(%run_scoped3A_112 : memref<!tpu.dma_semaphore, #tpu.memory_space<semaphore_mem>>) src(%arg10 : memref<632x32xf32, #tpu.memory_space<vmem>>) dst(%dma_wait3A_120 : memref<632x32xf32, #tpu.memory_space<vmem_shared>>)
      tpu.yield
    }) : () -> ()
    %mul3A_8 = arith.constant 625 : i32
    %mul3A_9 = arith.muli %arg1, %mul3A_8 : i32
    %mul3A_10 = arith.constant 625 : i32
    %mul3A_11 = arith.muli %arg1, %mul3A_10 : i32
    "tpu.region"() ({
      %run_scoped3A_112 = tpu.sem_alloc : memref<!tpu.dma_semaphore, #tpu.memory_space<semaphore_mem>>
      %dma_start3A_113 = arith.constant 0 : i32
      %dma_start3A_114 = tpu.memref_slice %arg11[%mul3A_11, %dma_start3A_113] : memref<10000x32xf32, #tpu.memory_space<vmem_shared>> -> memref<625x32xf32, #tpu.memory_space<vmem_shared>>
      %dma_start3A_115 = arith.constant 0 : i32
      %dma_start3A_116 = tpu.memref_slice %arg2[%mul3A_9, %dma_start3A_115] : memref<10000x128xf32, #tpu.memory_space<hbm>> -> memref<625x32xf32, #tpu.memory_space<hbm>>
      tpu.enqueue_dma source(%dma_start3A_116 : memref<625x32xf32, #tpu.memory_space<hbm>>) target(%dma_start3A_114 : memref<625x32xf32, #tpu.memory_space<vmem_shared>>) target_semaphore(%run_scoped3A_112 : memref<!tpu.dma_semaphore, #tpu.memory_space<semaphore_mem>>)
      %dma_wait3A_117 = arith.constant 0 : i32
      %dma_wait3A_118 = tpu.memref_slice %arg11[%mul3A_11, %dma_wait3A_117] : memref<10000x32xf32, #tpu.memory_space<vmem_shared>> -> memref<625x32xf32, #tpu.memory_space<vmem_shared>>
      %dma_wait3A_119 = arith.constant 0 : i32
      %dma_wait3A_120 = tpu.memref_slice %arg2[%mul3A_9, %dma_wait3A_119] : memref<10000x128xf32, #tpu.memory_space<hbm>> -> memref<625x32xf32, #tpu.memory_space<hbm>>
      tpu.wait_dma2 semaphore(%run_scoped3A_112 : memref<!tpu.dma_semaphore, #tpu.memory_space<semaphore_mem>>) src(%dma_wait3A_120 : memref<625x32xf32, #tpu.memory_space<hbm>>) dst(%dma_wait3A_118 : memref<625x32xf32, #tpu.memory_space<vmem_shared>>)
      tpu.yield
    }) : () -> ()
    %barrier3A = arith.constant 0 : index
    tpu.barrier barrier_id(%barrier3A)
    %dma_start3A = arith.constant 0 : i32
    %dma_start3A_12 = arith.constant 0 : i32
    %dma_start3A_13 = tpu.memref_slice %arg6[%dma_start3A, %dma_start3A_12] : memref<80x128xi32, #tpu.memory_space<vmem>> -> memref<1x128xi32, #tpu.memory_space<vmem>>
    %dma_start3A_14 = tpu.memref_squeeze %dma_start3A_13 : memref<1x128xi32, #tpu.memory_space<vmem>> -> memref<128xi32, #tpu.memory_space<vmem>>
    %dma_start3A_15 = arith.constant 0 : i32
    %dma_start3A_16 = arith.constant 0 : i32
    %dma_start3A_17 = tpu.memref_slice %arg11[%dma_start3A_15, %dma_start3A_16] : memref<10000x32xf32, #tpu.memory_space<vmem_shared>> -> memref<10000x32xf32, #tpu.memory_space<vmem_shared>>
    tpu.enqueue_indirect_dma source(%dma_start3A_17 : memref<10000x32xf32, #tpu.memory_space<vmem_shared>>) target(%arg8 : memref<128x32xf32, #tpu.memory_space<vmem>>) offsets(%dma_start3A_14 : memref<128xi32, #tpu.memory_space<vmem>>) semaphore(%arg13 : memref<!tpu.dma_semaphore, #tpu.memory_space<semaphore_mem>>)
    %scan3A_18 = arith.constant 0 : i32
    %scan3A_19 = arith.constant 0 : i32
    %scan3A_20 = arith.constant 39 : i32
    %scan3A_21 = arith.addi %scan3A_19, %scan3A_20 : i32
    %scan3A_22 = arith.constant 1 : i32
    scf.for %scan3A_112 = %scan3A_19 to %scan3A_21 step %scan3A_22  : i32 {
      %mul3A_113 = arith.constant 2 : i32
      %mul3A_114 = arith.muli %mul3A_113, %scan3A_112 : i32
      %add3A_115 = arith.constant 1 : i32
      %add3A_116 = arith.addi %mul3A_114, %add3A_115 : i32
      %dma_start3A_117 = arith.constant 0 : i32
      %dma_start3A_118 = tpu.memref_slice %arg6[%add3A_116, %dma_start3A_117] : memref<80x128xi32, #tpu.memory_space<vmem>> -> memref<1x128xi32, #tpu.memory_space<vmem>>
      %dma_start3A_119 = tpu.memref_squeeze %dma_start3A_118 : memref<1x128xi32, #tpu.memory_space<vmem>> -> memref<128xi32, #tpu.memory_space<vmem>>
      %dma_start3A_120 = arith.constant 0 : i32
      %dma_start3A_121 = arith.constant 0 : i32
      %dma_start3A_122 = tpu.memref_slice %arg11[%dma_start3A_120, %dma_start3A_121] : memref<10000x32xf32, #tpu.memory_space<vmem_shared>> -> memref<10000x32xf32, #tpu.memory_space<vmem_shared>>
      tpu.enqueue_indirect_dma source(%dma_start3A_122 : memref<10000x32xf32, #tpu.memory_space<vmem_shared>>) target(%arg9 : memref<128x32xf32, #tpu.memory_space<vmem>>) offsets(%dma_start3A_119 : memref<128xi32, #tpu.memory_space<vmem>>) semaphore(%arg14 : memref<!tpu.dma_semaphore, #tpu.memory_space<semaphore_mem>>)
      %dma_wait3A_123 = arith.constant 0 : i32
      %dma_wait3A_124 = tpu.memref_slice %arg6[%mul3A_114, %dma_wait3A_123] : memref<80x128xi32, #tpu.memory_space<vmem>> -> memref<1x128xi32, #tpu.memory_space<vmem>>
      %dma_wait3A_125 = tpu.memref_squeeze %dma_wait3A_124 : memref<1x128xi32, #tpu.memory_space<vmem>> -> memref<128xi32, #tpu.memory_space<vmem>>
      %dma_wait3A_126 = arith.constant 0 : i32
      %dma_wait3A_127 = arith.constant 0 : i32
      %dma_wait3A_128 = tpu.memref_slice %arg11[%dma_wait3A_126, %dma_wait3A_127] : memref<10000x32xf32, #tpu.memory_space<vmem_shared>> -> memref<10000x32xf32, #tpu.memory_space<vmem_shared>>
      tpu.wait_indirect_dma semaphore(%arg13 : memref<!tpu.dma_semaphore, #tpu.memory_space<semaphore_mem>>) src(%dma_wait3A_128 : memref<10000x32xf32, #tpu.memory_space<vmem_shared>>) dst(%arg8 : memref<128x32xf32, #tpu.memory_space<vmem>>)
      "tpu.region"() ({
        %run_scoped3A_147 = tpu.sem_alloc : memref<!tpu.dma_semaphore, #tpu.memory_space<semaphore_mem>>
        %dma_start3A_148 = arith.constant 0 : i32
        %dma_start3A_149 = tpu.memref_slice %arg7[%mul3A_114, %dma_start3A_148] : memref<80x128xi32, #tpu.memory_space<vmem>> -> memref<1x128xi32, #tpu.memory_space<vmem>>
        %dma_start3A_150 = tpu.memref_squeeze %dma_start3A_149 : memref<1x128xi32, #tpu.memory_space<vmem>> -> memref<128xi32, #tpu.memory_space<vmem>>
        %dma_start3A_151 = arith.constant 0 : i32
        %dma_start3A_152 = arith.constant 0 : i32
        %dma_start3A_153 = tpu.memref_slice %arg12[%dma_start3A_151, %dma_start3A_152] : memref<10112x32xf32, #tpu.memory_space<vmem_shared>> -> memref<10112x32xf32, #tpu.memory_space<vmem_shared>>
        tpu.enqueue_indirect_dma source(%arg8 : memref<128x32xf32, #tpu.memory_space<vmem>>) target(%dma_start3A_153 : memref<10112x32xf32, #tpu.memory_space<vmem_shared>>) offsets(%dma_start3A_150 : memref<128xi32, #tpu.memory_space<vmem>>) semaphore(%run_scoped3A_147 : memref<!tpu.dma_semaphore, #tpu.memory_space<semaphore_mem>>) {add = true}
        %dma_wait3A_154 = arith.constant 0 : i32
        %dma_wait3A_155 = tpu.memref_slice %arg7[%mul3A_114, %dma_wait3A_154] : memref<80x128xi32, #tpu.memory_space<vmem>> -> memref<1x128xi32, #tpu.memory_space<vmem>>
        %dma_wait3A_156 = tpu.memref_squeeze %dma_wait3A_155 : memref<1x128xi32, #tpu.memory_space<vmem>> -> memref<128xi32, #tpu.memory_space<vmem>>
        %dma_wait3A_157 = arith.constant 0 : i32
        %dma_wait3A_158 = arith.constant 0 : i32
        %dma_wait3A_159 = tpu.memref_slice %arg12[%dma_wait3A_157, %dma_wait3A_158] : memref<10112x32xf32, #tpu.memory_space<vmem_shared>> -> memref<10112x32xf32, #tpu.memory_space<vmem_shared>>
        tpu.wait_indirect_dma semaphore(%run_scoped3A_147 : memref<!tpu.dma_semaphore, #tpu.memory_space<semaphore_mem>>) src(%arg8 : memref<128x32xf32, #tpu.memory_space<vmem>>) dst(%dma_wait3A_159 : memref<10112x32xf32, #tpu.memory_space<vmem_shared>>)
        tpu.yield
      }) : () -> ()
      %add3A_129 = arith.constant 2 : i32
      %add3A_130 = arith.addi %mul3A_114, %add3A_129 : i32
      %dma_start3A_131 = arith.constant 0 : i32
      %dma_start3A_132 = tpu.memref_slice %arg6[%add3A_130, %dma_start3A_131] : memref<80x128xi32, #tpu.memory_space<vmem>> -> memref<1x128xi32, #tpu.memory_space<vmem>>
      %dma_start3A_133 = tpu.memref_squeeze %dma_start3A_132 : memref<1x128xi32, #tpu.memory_space<vmem>> -> memref<128xi32, #tpu.memory_space<vmem>>
      %dma_start3A_134 = arith.constant 0 : i32
      %dma_start3A_135 = arith.constant 0 : i32
      %dma_start3A_136 = tpu.memref_slice %arg11[%dma_start3A_134, %dma_start3A_135] : memref<10000x32xf32, #tpu.memory_space<vmem_shared>> -> memref<10000x32xf32, #tpu.memory_space<vmem_shared>>
      tpu.enqueue_indirect_dma source(%dma_start3A_136 : memref<10000x32xf32, #tpu.memory_space<vmem_shared>>) target(%arg8 : memref<128x32xf32, #tpu.memory_space<vmem>>) offsets(%dma_start3A_133 : memref<128xi32, #tpu.memory_space<vmem>>) semaphore(%arg13 : memref<!tpu.dma_semaphore, #tpu.memory_space<semaphore_mem>>)
      %add3A_137 = arith.constant 1 : i32
      %add3A_138 = arith.addi %mul3A_114, %add3A_137 : i32
      %dma_wait3A_139 = arith.constant 0 : i32
      %dma_wait3A_140 = tpu.memref_slice %arg6[%add3A_138, %dma_wait3A_139] : memref<80x128xi32, #tpu.memory_space<vmem>> -> memref<1x128xi32, #tpu.memory_space<vmem>>
      %dma_wait3A_141 = tpu.memref_squeeze %dma_wait3A_140 : memref<1x128xi32, #tpu.memory_space<vmem>> -> memref<128xi32, #tpu.memory_space<vmem>>
      %dma_wait3A_142 = arith.constant 0 : i32
      %dma_wait3A_143 = arith.constant 0 : i32
      %dma_wait3A_144 = tpu.memref_slice %arg11[%dma_wait3A_142, %dma_wait3A_143] : memref<10000x32xf32, #tpu.memory_space<vmem_shared>> -> memref<10000x32xf32, #tpu.memory_space<vmem_shared>>
      tpu.wait_indirect_dma semaphore(%arg14 : memref<!tpu.dma_semaphore, #tpu.memory_space<semaphore_mem>>) src(%dma_wait3A_144 : memref<10000x32xf32, #tpu.memory_space<vmem_shared>>) dst(%arg9 : memref<128x32xf32, #tpu.memory_space<vmem>>)
      %add3A_145 = arith.constant 1 : i32
      %add3A_146 = arith.addi %mul3A_114, %add3A_145 : i32
      "tpu.region"() ({
        %run_scoped3A_147 = tpu.sem_alloc : memref<!tpu.dma_semaphore, #tpu.memory_space<semaphore_mem>>
        %dma_start3A_148 = arith.constant 0 : i32
        %dma_start3A_149 = tpu.memref_slice %arg7[%add3A_146, %dma_start3A_148] : memref<80x128xi32, #tpu.memory_space<vmem>> -> memref<1x128xi32, #tpu.memory_space<vmem>>
        %dma_start3A_150 = tpu.memref_squeeze %dma_start3A_149 : memref<1x128xi32, #tpu.memory_space<vmem>> -> memref<128xi32, #tpu.memory_space<vmem>>
        %dma_start3A_151 = arith.constant 0 : i32
        %dma_start3A_152 = arith.constant 0 : i32
        %dma_start3A_153 = tpu.memref_slice %arg12[%dma_start3A_151, %dma_start3A_152] : memref<10112x32xf32, #tpu.memory_space<vmem_shared>> -> memref<10112x32xf32, #tpu.memory_space<vmem_shared>>
        tpu.enqueue_indirect_dma source(%arg9 : memref<128x32xf32, #tpu.memory_space<vmem>>) target(%dma_start3A_153 : memref<10112x32xf32, #tpu.memory_space<vmem_shared>>) offsets(%dma_start3A_150 : memref<128xi32, #tpu.memory_space<vmem>>) semaphore(%run_scoped3A_147 : memref<!tpu.dma_semaphore, #tpu.memory_space<semaphore_mem>>) {add = true}
        %dma_wait3A_154 = arith.constant 0 : i32
        %dma_wait3A_155 = tpu.memref_slice %arg7[%add3A_146, %dma_wait3A_154] : memref<80x128xi32, #tpu.memory_space<vmem>> -> memref<1x128xi32, #tpu.memory_space<vmem>>
        %dma_wait3A_156 = tpu.memref_squeeze %dma_wait3A_155 : memref<1x128xi32, #tpu.memory_space<vmem>> -> memref<128xi32, #tpu.memory_space<vmem>>
        %dma_wait3A_157 = arith.constant 0 : i32
        %dma_wait3A_158 = arith.constant 0 : i32
        %dma_wait3A_159 = tpu.memref_slice %arg12[%dma_wait3A_157, %dma_wait3A_158] : memref<10112x32xf32, #tpu.memory_space<vmem_shared>> -> memref<10112x32xf32, #tpu.memory_space<vmem_shared>>
        tpu.wait_indirect_dma semaphore(%run_scoped3A_147 : memref<!tpu.dma_semaphore, #tpu.memory_space<semaphore_mem>>) src(%arg9 : memref<128x32xf32, #tpu.memory_space<vmem>>) dst(%dma_wait3A_159 : memref<10112x32xf32, #tpu.memory_space<vmem_shared>>)
        tpu.yield
      }) : () -> ()
    }
    %scan3A_23 = arith.constant 39 : i32
    %dma_start3A_24 = arith.constant 79 : i32
    %dma_start3A_25 = arith.constant 0 : i32
    %dma_start3A_26 = tpu.memref_slice %arg6[%dma_start3A_24, %dma_start3A_25] : memref<80x128xi32, #tpu.memory_space<vmem>> -> memref<1x128xi32, #tpu.memory_space<vmem>>
    %dma_start3A_27 = tpu.memref_squeeze %dma_start3A_26 : memref<1x128xi32, #tpu.memory_space<vmem>> -> memref<128xi32, #tpu.memory_space<vmem>>
    %dma_start3A_28 = arith.constant 0 : i32
    %dma_start3A_29 = arith.constant 0 : i32
    %dma_start3A_30 = tpu.memref_slice %arg11[%dma_start3A_28, %dma_start3A_29] : memref<10000x32xf32, #tpu.memory_space<vmem_shared>> -> memref<10000x32xf32, #tpu.memory_space<vmem_shared>>
    tpu.enqueue_indirect_dma source(%dma_start3A_30 : memref<10000x32xf32, #tpu.memory_space<vmem_shared>>) target(%arg9 : memref<128x32xf32, #tpu.memory_space<vmem>>) offsets(%dma_start3A_27 : memref<128xi32, #tpu.memory_space<vmem>>) semaphore(%arg14 : memref<!tpu.dma_semaphore, #tpu.memory_space<semaphore_mem>>)
    %dma_wait3A = arith.constant 78 : i32
    %dma_wait3A_31 = arith.constant 0 : i32
    %dma_wait3A_32 = tpu.memref_slice %arg6[%dma_wait3A, %dma_wait3A_31] : memref<80x128xi32, #tpu.memory_space<vmem>> -> memref<1x128xi32, #tpu.memory_space<vmem>>
    %dma_wait3A_33 = tpu.memref_squeeze %dma_wait3A_32 : memref<1x128xi32, #tpu.memory_space<vmem>> -> memref<128xi32, #tpu.memory_space<vmem>>
    %dma_wait3A_34 = arith.constant 0 : i32
    %dma_wait3A_35 = arith.constant 0 : i32
    %dma_wait3A_36 = tpu.memref_slice %arg11[%dma_wait3A_34, %dma_wait3A_35] : memref<10000x32xf32, #tpu.memory_space<vmem_shared>> -> memref<10000x32xf32, #tpu.memory_space<vmem_shared>>
    tpu.wait_indirect_dma semaphore(%arg13 : memref<!tpu.dma_semaphore, #tpu.memory_space<semaphore_mem>>) src(%dma_wait3A_36 : memref<10000x32xf32, #tpu.memory_space<vmem_shared>>) dst(%arg8 : memref<128x32xf32, #tpu.memory_space<vmem>>)
    %run_scoped3A = arith.constant 78 : i32
    "tpu.region"() ({
      %run_scoped3A_112 = tpu.sem_alloc : memref<!tpu.dma_semaphore, #tpu.memory_space<semaphore_mem>>
      %dma_start3A_113 = arith.constant 0 : i32
      %dma_start3A_114 = tpu.memref_slice %arg7[%run_scoped3A, %dma_start3A_113] : memref<80x128xi32, #tpu.memory_space<vmem>> -> memref<1x128xi32, #tpu.memory_space<vmem>>
      %dma_start3A_115 = tpu.memref_squeeze %dma_start3A_114 : memref<1x128xi32, #tpu.memory_space<vmem>> -> memref<128xi32, #tpu.memory_space<vmem>>
      %dma_start3A_116 = arith.constant 0 : i32
      %dma_start3A_117 = arith.constant 0 : i32
      %dma_start3A_118 = tpu.memref_slice %arg12[%dma_start3A_116, %dma_start3A_117] : memref<10112x32xf32, #tpu.memory_space<vmem_shared>> -> memref<10112x32xf32, #tpu.memory_space<vmem_shared>>
      tpu.enqueue_indirect_dma source(%arg8 : memref<128x32xf32, #tpu.memory_space<vmem>>) target(%dma_start3A_118 : memref<10112x32xf32, #tpu.memory_space<vmem_shared>>) offsets(%dma_start3A_115 : memref<128xi32, #tpu.memory_space<vmem>>) semaphore(%run_scoped3A_112 : memref<!tpu.dma_semaphore, #tpu.memory_space<semaphore_mem>>) {add = true}
      %dma_wait3A_119 = arith.constant 0 : i32
      %dma_wait3A_120 = tpu.memref_slice %arg7[%run_scoped3A, %dma_wait3A_119] : memref<80x128xi32, #tpu.memory_space<vmem>> -> memref<1x128xi32, #tpu.memory_space<vmem>>
      %dma_wait3A_121 = tpu.memref_squeeze %dma_wait3A_120 : memref<1x128xi32, #tpu.memory_space<vmem>> -> memref<128xi32, #tpu.memory_space<vmem>>
      %dma_wait3A_122 = arith.constant 0 : i32
      %dma_wait3A_123 = arith.constant 0 : i32
      %dma_wait3A_124 = tpu.memref_slice %arg12[%dma_wait3A_122, %dma_wait3A_123] : memref<10112x32xf32, #tpu.memory_space<vmem_shared>> -> memref<10112x32xf32, #tpu.memory_space<vmem_shared>>
      tpu.wait_indirect_dma semaphore(%run_scoped3A_112 : memref<!tpu.dma_semaphore, #tpu.memory_space<semaphore_mem>>) src(%arg8 : memref<128x32xf32, #tpu.memory_space<vmem>>) dst(%dma_wait3A_124 : memref<10112x32xf32, #tpu.memory_space<vmem_shared>>)
      tpu.yield
    }) : () -> ()
    %dma_wait3A_37 = arith.constant 79 : i32
    %dma_wait3A_38 = arith.constant 0 : i32
    %dma_wait3A_39 = tpu.memref_slice %arg6[%dma_wait3A_37, %dma_wait3A_38] : memref<80x128xi32, #tpu.memory_space<vmem>> -> memref<1x128xi32, #tpu.memory_space<vmem>>
    %dma_wait3A_40 = tpu.memref_squeeze %dma_wait3A_39 : memref<1x128xi32, #tpu.memory_space<vmem>> -> memref<128xi32, #tpu.memory_space<vmem>>
    %dma_wait3A_41 = arith.constant 0 : i32
    %dma_wait3A_42 = arith.constant 0 : i32
    %dma_wait3A_43 = tpu.memref_slice %arg11[%dma_wait3A_41, %dma_wait3A_42] : memref<10000x32xf32, #tpu.memory_space<vmem_shared>> -> memref<10000x32xf32, #tpu.memory_space<vmem_shared>>
    tpu.wait_indirect_dma semaphore(%arg14 : memref<!tpu.dma_semaphore, #tpu.memory_space<semaphore_mem>>) src(%dma_wait3A_43 : memref<10000x32xf32, #tpu.memory_space<vmem_shared>>) dst(%arg9 : memref<128x32xf32, #tpu.memory_space<vmem>>)
    %run_scoped3A_44 = arith.constant 79 : i32
    "tpu.region"() ({
      %run_scoped3A_112 = tpu.sem_alloc : memref<!tpu.dma_semaphore, #tpu.memory_space<semaphore_mem>>
      %dma_start3A_113 = arith.constant 0 : i32
      %dma_start3A_114 = tpu.memref_slice %arg7[%run_scoped3A_44, %dma_start3A_113] : memref<80x128xi32, #tpu.memory_space<vmem>> -> memref<1x128xi32, #tpu.memory_space<vmem>>
      %dma_start3A_115 = tpu.memref_squeeze %dma_start3A_114 : memref<1x128xi32, #tpu.memory_space<vmem>> -> memref<128xi32, #tpu.memory_space<vmem>>
      %dma_start3A_116 = arith.constant 0 : i32
      %dma_start3A_117 = arith.constant 0 : i32
      %dma_start3A_118 = tpu.memref_slice %arg12[%dma_start3A_116, %dma_start3A_117] : memref<10112x32xf32, #tpu.memory_space<vmem_shared>> -> memref<10112x32xf32, #tpu.memory_space<vmem_shared>>
      tpu.enqueue_indirect_dma source(%arg9 : memref<128x32xf32, #tpu.memory_space<vmem>>) target(%dma_start3A_118 : memref<10112x32xf32, #tpu.memory_space<vmem_shared>>) offsets(%dma_start3A_115 : memref<128xi32, #tpu.memory_space<vmem>>) semaphore(%run_scoped3A_112 : memref<!tpu.dma_semaphore, #tpu.memory_space<semaphore_mem>>) {add = true}
      %dma_wait3A_119 = arith.constant 0 : i32
      %dma_wait3A_120 = tpu.memref_slice %arg7[%run_scoped3A_44, %dma_wait3A_119] : memref<80x128xi32, #tpu.memory_space<vmem>> -> memref<1x128xi32, #tpu.memory_space<vmem>>
      %dma_wait3A_121 = tpu.memref_squeeze %dma_wait3A_120 : memref<1x128xi32, #tpu.memory_space<vmem>> -> memref<128xi32, #tpu.memory_space<vmem>>
      %dma_wait3A_122 = arith.constant 0 : i32
      %dma_wait3A_123 = arith.constant 0 : i32
      %dma_wait3A_124 = tpu.memref_slice %arg12[%dma_wait3A_122, %dma_wait3A_123] : memref<10112x32xf32, #tpu.memory_space<vmem_shared>> -> memref<10112x32xf32, #tpu.memory_space<vmem_shared>>
      tpu.wait_indirect_dma semaphore(%run_scoped3A_112 : memref<!tpu.dma_semaphore, #tpu.memory_space<semaphore_mem>>) src(%arg9 : memref<128x32xf32, #tpu.memory_space<vmem>>) dst(%dma_wait3A_124 : memref<10112x32xf32, #tpu.memory_space<vmem_shared>>)
      tpu.yield
    }) : () -> ()
    %barrier3A_45 = arith.constant 0 : index
    tpu.barrier barrier_id(%barrier3A_45)
    %mul3A_46 = arith.constant 632 : i32
    %mul3A_47 = arith.muli %arg1, %mul3A_46 : i32
    "tpu.region"() ({
      %run_scoped3A_112 = tpu.sem_alloc : memref<!tpu.dma_semaphore, #tpu.memory_space<semaphore_mem>>
      %dma_start3A_113 = arith.constant 0 : i32
      %dma_start3A_114 = tpu.memref_slice %arg12[%mul3A_47, %dma_start3A_113] : memref<10112x32xf32, #tpu.memory_space<vmem_shared>> -> memref<632x32xf32, #tpu.memory_space<vmem_shared>>
      %dma_start3A_115 = arith.constant 0 : i32
      %dma_start3A_116 = tpu.memref_slice %arg12[%mul3A_47, %dma_start3A_115] : memref<10112x32xf32, #tpu.memory_space<vmem_shared>> -> memref<632x32xf32, #tpu.memory_space<vmem_shared>>
      tpu.enqueue_dma source(%dma_start3A_116 : memref<632x32xf32, #tpu.memory_space<vmem_shared>>) target(%arg10 : memref<632x32xf32, #tpu.memory_space<vmem>>) target_semaphore(%run_scoped3A_112 : memref<!tpu.dma_semaphore, #tpu.memory_space<semaphore_mem>>)
      %dma_wait3A_117 = arith.constant 0 : i32
      %dma_wait3A_118 = tpu.memref_slice %arg12[%mul3A_47, %dma_wait3A_117] : memref<10112x32xf32, #tpu.memory_space<vmem_shared>> -> memref<632x32xf32, #tpu.memory_space<vmem_shared>>
      %dma_wait3A_119 = arith.constant 0 : i32
      %dma_wait3A_120 = tpu.memref_slice %arg12[%mul3A_47, %dma_wait3A_119] : memref<10112x32xf32, #tpu.memory_space<vmem_shared>> -> memref<632x32xf32, #tpu.memory_space<vmem_shared>>
      tpu.wait_dma2 semaphore(%run_scoped3A_112 : memref<!tpu.dma_semaphore, #tpu.memory_space<semaphore_mem>>) src(%dma_wait3A_120 : memref<632x32xf32, #tpu.memory_space<vmem_shared>>) dst(%arg10 : memref<632x32xf32, #tpu.memory_space<vmem>>)
      tpu.yield
    }) : () -> ()
    %mul3A_48 = arith.constant 632 : i32
    %mul3A_49 = arith.muli %arg1, %mul3A_48 : i32
    %run_scoped3A_50 = arith.constant 0 : i32
    "tpu.region"() ({
      %run_scoped3A_112 = tpu.sem_alloc : memref<!tpu.dma_semaphore, #tpu.memory_space<semaphore_mem>>
      %dma_start3A_113 = arith.constant 0 : i32
      %dma_start3A_114 = tpu.memref_slice %arg5[%arg0, %run_scoped3A_50, %mul3A_49, %dma_start3A_113] : memref<2x2x10112x128xf32, #tpu.memory_space<hbm>> -> memref<1x1x632x32xf32, #tpu.memory_space<hbm>>
      %dma_start3A_115 = tpu.memref_squeeze %dma_start3A_114 : memref<1x1x632x32xf32, #tpu.memory_space<hbm>> -> memref<632x32xf32, #tpu.memory_space<hbm>>
      %dma_start3A_116 = arith.constant 0 : i32
      %dma_start3A_117 = tpu.memref_slice %arg5[%arg0, %run_scoped3A_50, %mul3A_49, %dma_start3A_116] : memref<2x2x10112x128xf32, #tpu.memory_space<hbm>> -> memref<1x1x632x32xf32, #tpu.memory_space<hbm>>
      %dma_start3A_118 = tpu.memref_squeeze %dma_start3A_117 : memref<1x1x632x32xf32, #tpu.memory_space<hbm>> -> memref<632x32xf32, #tpu.memory_space<hbm>>
      tpu.enqueue_dma source(%arg10 : memref<632x32xf32, #tpu.memory_space<vmem>>) target(%dma_start3A_118 : memref<632x32xf32, #tpu.memory_space<hbm>>) target_semaphore(%run_scoped3A_112 : memref<!tpu.dma_semaphore, #tpu.memory_space<semaphore_mem>>)
      %dma_wait3A_119 = arith.constant 0 : i32
      %dma_wait3A_120 = tpu.memref_slice %arg5[%arg0, %run_scoped3A_50, %mul3A_49, %dma_wait3A_119] : memref<2x2x10112x128xf32, #tpu.memory_space<hbm>> -> memref<1x1x632x32xf32, #tpu.memory_space<hbm>>
      %dma_wait3A_121 = tpu.memref_squeeze %dma_wait3A_120 : memref<1x1x632x32xf32, #tpu.memory_space<hbm>> -> memref<632x32xf32, #tpu.memory_space<hbm>>
      %dma_wait3A_122 = arith.constant 0 : i32
      %dma_wait3A_123 = tpu.memref_slice %arg5[%arg0, %run_scoped3A_50, %mul3A_49, %dma_wait3A_122] : memref<2x2x10112x128xf32, #tpu.memory_space<hbm>> -> memref<1x1x632x32xf32, #tpu.memory_space<hbm>>
      %dma_wait3A_124 = tpu.memref_squeeze %dma_wait3A_123 : memref<1x1x632x32xf32, #tpu.memory_space<hbm>> -> memref<632x32xf32, #tpu.memory_space<hbm>>
      tpu.wait_dma2 semaphore(%run_scoped3A_112 : memref<!tpu.dma_semaphore, #tpu.memory_space<semaphore_mem>>) src(%arg10 : memref<632x32xf32, #tpu.memory_space<vmem>>) dst(%dma_wait3A_124 : memref<632x32xf32, #tpu.memory_space<hbm>>)
      tpu.yield
    }) : () -> ()
    %scan3A_51 = arith.constant 0 : i32
    %scan3A_52 = arith.constant 0 : i32
    %scan3A_53 = arith.constant 632 : i32
    %scan3A_54 = arith.addi %scan3A_52, %scan3A_53 : i32
    %scan3A_55 = arith.constant 1 : i32
    scf.for %scan3A_112 = %scan3A_52 to %scan3A_54 step %scan3A_55  : i32 {
      %broadcast_in_dim3A = arith.constant 0.000000e+00 : f32
      %broadcast_in_dim3A_113 = vector.broadcast %broadcast_in_dim3A : f32 to vector<16xf32>
      %swap3A = arith.index_cast %scan3A_112 : i32 to index
      %swap3A_114 = arith.constant 0 : index
      %swap3A_115 = tpu.vector_load %arg10[%swap3A, %swap3A_114] {strides = array<i32>} : memref<632x32xf32, #tpu.memory_space<vmem>>, vector<1x16xf32>,
      %swap3A_116 = vector.shape_cast %swap3A_115 : vector<1x16xf32> to vector<16xf32>
      %swap3A_117 = vector.shape_cast %broadcast_in_dim3A_113 : vector<16xf32> to vector<1x16xf32>
      tpu.vector_store %arg10[%swap3A, %swap3A_114], %swap3A_117 {strides = array<i32>} : memref<632x32xf32, #tpu.memory_space<vmem>>, vector<1x16xf32>,
      %broadcast_in_dim3A_118 = arith.constant 0.000000e+00 : f32
      %broadcast_in_dim3A_119 = vector.broadcast %broadcast_in_dim3A_118 : f32 to vector<16xf32>
      %swap3A_120 = arith.index_cast %scan3A_112 : i32 to index
      %swap3A_121 = arith.constant 16 : index
      %swap3A_122 = tpu.vector_load %arg10[%swap3A_120, %swap3A_121] {strides = array<i32>} : memref<632x32xf32, #tpu.memory_space<vmem>>, vector<1x16xf32>,
      %swap3A_123 = vector.shape_cast %swap3A_122 : vector<1x16xf32> to vector<16xf32>
      %swap3A_124 = vector.shape_cast %broadcast_in_dim3A_119 : vector<16xf32> to vector<1x16xf32>
      tpu.vector_store %arg10[%swap3A_120, %swap3A_121], %swap3A_124 {strides = array<i32>} : memref<632x32xf32, #tpu.memory_space<vmem>>, vector<1x16xf32>,
    }
    %scan3A_56 = arith.constant 632 : i32
    %mul3A_57 = arith.constant 632 : i32
    %mul3A_58 = arith.muli %arg1, %mul3A_57 : i32
    "tpu.region"() ({
      %run_scoped3A_112 = tpu.sem_alloc : memref<!tpu.dma_semaphore, #tpu.memory_space<semaphore_mem>>
      %dma_start3A_113 = arith.constant 0 : i32
      %dma_start3A_114 = tpu.memref_slice %arg12[%mul3A_58, %dma_start3A_113] : memref<10112x32xf32, #tpu.memory_space<vmem_shared>> -> memref<632x32xf32, #tpu.memory_space<vmem_shared>>
      %dma_start3A_115 = arith.constant 0 : i32
      %dma_start3A_116 = tpu.memref_slice %arg12[%mul3A_58, %dma_start3A_115] : memref<10112x32xf32, #tpu.memory_space<vmem_shared>> -> memref<632x32xf32, #tpu.memory_space<vmem_shared>>
      tpu.enqueue_dma source(%arg10 : memref<632x32xf32, #tpu.memory_space<vmem>>) target(%dma_start3A_116 : memref<632x32xf32, #tpu.memory_space<vmem_shared>>) target_semaphore(%run_scoped3A_112 : memref<!tpu.dma_semaphore, #tpu.memory_space<semaphore_mem>>)
      %dma_wait3A_117 = arith.constant 0 : i32
      %dma_wait3A_118 = tpu.memref_slice %arg12[%mul3A_58, %dma_wait3A_117] : memref<10112x32xf32, #tpu.memory_space<vmem_shared>> -> memref<632x32xf32, #tpu.memory_space<vmem_shared>>
      %dma_wait3A_119 = arith.constant 0 : i32
      %dma_wait3A_120 = tpu.memref_slice %arg12[%mul3A_58, %dma_wait3A_119] : memref<10112x32xf32, #tpu.memory_space<vmem_shared>> -> memref<632x32xf32, #tpu.memory_space<vmem_shared>>
      tpu.wait_dma2 semaphore(%run_scoped3A_112 : memref<!tpu.dma_semaphore, #tpu.memory_space<semaphore_mem>>) src(%arg10 : memref<632x32xf32, #tpu.memory_space<vmem>>) dst(%dma_wait3A_120 : memref<632x32xf32, #tpu.memory_space<vmem_shared>>)
      tpu.yield
    }) : () -> ()
    %mul3A_59 = arith.constant 625 : i32
    %mul3A_60 = arith.muli %arg1, %mul3A_59 : i32
    %mul3A_61 = arith.constant 625 : i32
    %mul3A_62 = arith.muli %arg1, %mul3A_61 : i32
    "tpu.region"() ({
      %run_scoped3A_112 = tpu.sem_alloc : memref<!tpu.dma_semaphore, #tpu.memory_space<semaphore_mem>>
      %dma_start3A_113 = arith.constant 0 : i32
      %dma_start3A_114 = tpu.memref_slice %arg11[%mul3A_62, %dma_start3A_113] : memref<10000x32xf32, #tpu.memory_space<vmem_shared>> -> memref<625x32xf32, #tpu.memory_space<vmem_shared>>
      %dma_start3A_115 = arith.constant 32 : i32
      %dma_start3A_116 = tpu.memref_slice %arg2[%mul3A_60, %dma_start3A_115] : memref<10000x128xf32, #tpu.memory_space<hbm>> -> memref<625x32xf32, #tpu.memory_space<hbm>>
      tpu.enqueue_dma source(%dma_start3A_116 : memref<625x32xf32, #tpu.memory_space<hbm>>) target(%dma_start3A_114 : memref<625x32xf32, #tpu.memory_space<vmem_shared>>) target_semaphore(%run_scoped3A_112 : memref<!tpu.dma_semaphore, #tpu.memory_space<semaphore_mem>>)
      %dma_wait3A_117 = arith.constant 0 : i32
      %dma_wait3A_118 = tpu.memref_slice %arg11[%mul3A_62, %dma_wait3A_117] : memref<10000x32xf32, #tpu.memory_space<vmem_shared>> -> memref<625x32xf32, #tpu.memory_space<vmem_shared>>
      %dma_wait3A_119 = arith.constant 32 : i32
      %dma_wait3A_120 = tpu.memref_slice %arg2[%mul3A_60, %dma_wait3A_119] : memref<10000x128xf32, #tpu.memory_space<hbm>> -> memref<625x32xf32, #tpu.memory_space<hbm>>
      tpu.wait_dma2 semaphore(%run_scoped3A_112 : memref<!tpu.dma_semaphore, #tpu.memory_space<semaphore_mem>>) src(%dma_wait3A_120 : memref<625x32xf32, #tpu.memory_space<hbm>>) dst(%dma_wait3A_118 : memref<625x32xf32, #tpu.memory_space<vmem_shared>>)
      tpu.yield
    }) : () -> ()
    %barrier3A_63 = arith.constant 0 : index
    tpu.barrier barrier_id(%barrier3A_63)
    %dma_start3A_64 = arith.constant 0 : i32
    %dma_start3A_65 = arith.constant 0 : i32
    %dma_start3A_66 = tpu.memref_slice %arg6[%dma_start3A_64, %dma_start3A_65] : memref<80x128xi32, #tpu.memory_space<vmem>> -> memref<1x128xi32, #tpu.memory_space<vmem>>
    %dma_start3A_67 = tpu.memref_squeeze %dma_start3A_66 : memref<1x128xi32, #tpu.memory_space<vmem>> -> memref<128xi32, #tpu.memory_space<vmem>>
    %dma_start3A_68 = arith.constant 0 : i32
    %dma_start3A_69 = arith.constant 0 : i32
    %dma_start3A_70 = tpu.memref_slice %arg11[%dma_start3A_68, %dma_start3A_69] : memref<10000x32xf32, #tpu.memory_space<vmem_shared>> -> memref<10000x32xf32, #tpu.memory_space<vmem_shared>>
    tpu.enqueue_indirect_dma source(%dma_start3A_70 : memref<10000x32xf32, #tpu.memory_space<vmem_shared>>) target(%arg8 : memref<128x32xf32, #tpu.memory_space<vmem>>) offsets(%dma_start3A_67 : memref<128xi32, #tpu.memory_space<vmem>>) semaphore(%arg13 : memref<!tpu.dma_semaphore, #tpu.memory_space<semaphore_mem>>)
    %scan3A_71 = arith.constant 0 : i32
    %scan3A_72 = arith.constant 0 : i32
    %scan3A_73 = arith.constant 39 : i32
    %scan3A_74 = arith.addi %scan3A_72, %scan3A_73 : i32
    %scan3A_75 = arith.constant 1 : i32
    scf.for %scan3A_112 = %scan3A_72 to %scan3A_74 step %scan3A_75  : i32 {
      %mul3A_113 = arith.constant 2 : i32
      %mul3A_114 = arith.muli %mul3A_113, %scan3A_112 : i32
      %add3A_115 = arith.constant 1 : i32
      %add3A_116 = arith.addi %mul3A_114, %add3A_115 : i32
      %dma_start3A_117 = arith.constant 0 : i32
      %dma_start3A_118 = tpu.memref_slice %arg6[%add3A_116, %dma_start3A_117] : memref<80x128xi32, #tpu.memory_space<vmem>> -> memref<1x128xi32, #tpu.memory_space<vmem>>
      %dma_start3A_119 = tpu.memref_squeeze %dma_start3A_118 : memref<1x128xi32, #tpu.memory_space<vmem>> -> memref<128xi32, #tpu.memory_space<vmem>>
      %dma_start3A_120 = arith.constant 0 : i32
      %dma_start3A_121 = arith.constant 0 : i32
      %dma_start3A_122 = tpu.memref_slice %arg11[%dma_start3A_120, %dma_start3A_121] : memref<10000x32xf32, #tpu.memory_space<vmem_shared>> -> memref<10000x32xf32, #tpu.memory_space<vmem_shared>>
      tpu.enqueue_indirect_dma source(%dma_start3A_122 : memref<10000x32xf32, #tpu.memory_space<vmem_shared>>) target(%arg9 : memref<128x32xf32, #tpu.memory_space<vmem>>) offsets(%dma_start3A_119 : memref<128xi32, #tpu.memory_space<vmem>>) semaphore(%arg14 : memref<!tpu.dma_semaphore, #tpu.memory_space<semaphore_mem>>)
      %dma_wait3A_123 = arith.constant 0 : i32
      %dma_wait3A_124 = tpu.memref_slice %arg6[%mul3A_114, %dma_wait3A_123] : memref<80x128xi32, #tpu.memory_space<vmem>> -> memref<1x128xi32, #tpu.memory_space<vmem>>
      %dma_wait3A_125 = tpu.memref_squeeze %dma_wait3A_124 : memref<1x128xi32, #tpu.memory_space<vmem>> -> memref<128xi32, #tpu.memory_space<vmem>>
      %dma_wait3A_126 = arith.constant 0 : i32
      %dma_wait3A_127 = arith.constant 0 : i32
      %dma_wait3A_128 = tpu.memref_slice %arg11[%dma_wait3A_126, %dma_wait3A_127] : memref<10000x32xf32, #tpu.memory_space<vmem_shared>> -> memref<10000x32xf32, #tpu.memory_space<vmem_shared>>
      tpu.wait_indirect_dma semaphore(%arg13 : memref<!tpu.dma_semaphore, #tpu.memory_space<semaphore_mem>>) src(%dma_wait3A_128 : memref<10000x32xf32, #tpu.memory_space<vmem_shared>>) dst(%arg8 : memref<128x32xf32, #tpu.memory_space<vmem>>)
      "tpu.region"() ({
        %run_scoped3A_147 = tpu.sem_alloc : memref<!tpu.dma_semaphore, #tpu.memory_space<semaphore_mem>>
        %dma_start3A_148 = arith.constant 0 : i32
        %dma_start3A_149 = tpu.memref_slice %arg7[%mul3A_114, %dma_start3A_148] : memref<80x128xi32, #tpu.memory_space<vmem>> -> memref<1x128xi32, #tpu.memory_space<vmem>>
        %dma_start3A_150 = tpu.memref_squeeze %dma_start3A_149 : memref<1x128xi32, #tpu.memory_space<vmem>> -> memref<128xi32, #tpu.memory_space<vmem>>
        %dma_start3A_151 = arith.constant 0 : i32
        %dma_start3A_152 = arith.constant 0 : i32
        %dma_start3A_153 = tpu.memref_slice %arg12[%dma_start3A_151, %dma_start3A_152] : memref<10112x32xf32, #tpu.memory_space<vmem_shared>> -> memref<10112x32xf32, #tpu.memory_space<vmem_shared>>
        tpu.enqueue_indirect_dma source(%arg8 : memref<128x32xf32, #tpu.memory_space<vmem>>) target(%dma_start3A_153 : memref<10112x32xf32, #tpu.memory_space<vmem_shared>>) offsets(%dma_start3A_150 : memref<128xi32, #tpu.memory_space<vmem>>) semaphore(%run_scoped3A_147 : memref<!tpu.dma_semaphore, #tpu.memory_space<semaphore_mem>>) {add = true}
        %dma_wait3A_154 = arith.constant 0 : i32
        %dma_wait3A_155 = tpu.memref_slice %arg7[%mul3A_114, %dma_wait3A_154] : memref<80x128xi32, #tpu.memory_space<vmem>> -> memref<1x128xi32, #tpu.memory_space<vmem>>
        %dma_wait3A_156 = tpu.memref_squeeze %dma_wait3A_155 : memref<1x128xi32, #tpu.memory_space<vmem>> -> memref<128xi32, #tpu.memory_space<vmem>>
        %dma_wait3A_157 = arith.constant 0 : i32
        %dma_wait3A_158 = arith.constant 0 : i32
        %dma_wait3A_159 = tpu.memref_slice %arg12[%dma_wait3A_157, %dma_wait3A_158] : memref<10112x32xf32, #tpu.memory_space<vmem_shared>> -> memref<10112x32xf32, #tpu.memory_space<vmem_shared>>
        tpu.wait_indirect_dma semaphore(%run_scoped3A_147 : memref<!tpu.dma_semaphore, #tpu.memory_space<semaphore_mem>>) src(%arg8 : memref<128x32xf32, #tpu.memory_space<vmem>>) dst(%dma_wait3A_159 : memref<10112x32xf32, #tpu.memory_space<vmem_shared>>)
        tpu.yield
      }) : () -> ()
      %add3A_129 = arith.constant 2 : i32
      %add3A_130 = arith.addi %mul3A_114, %add3A_129 : i32
      %dma_start3A_131 = arith.constant 0 : i32
      %dma_start3A_132 = tpu.memref_slice %arg6[%add3A_130, %dma_start3A_131] : memref<80x128xi32, #tpu.memory_space<vmem>> -> memref<1x128xi32, #tpu.memory_space<vmem>>
      %dma_start3A_133 = tpu.memref_squeeze %dma_start3A_132 : memref<1x128xi32, #tpu.memory_space<vmem>> -> memref<128xi32, #tpu.memory_space<vmem>>
      %dma_start3A_134 = arith.constant 0 : i32
      %dma_start3A_135 = arith.constant 0 : i32
      %dma_start3A_136 = tpu.memref_slice %arg11[%dma_start3A_134, %dma_start3A_135] : memref<10000x32xf32, #tpu.memory_space<vmem_shared>> -> memref<10000x32xf32, #tpu.memory_space<vmem_shared>>
      tpu.enqueue_indirect_dma source(%dma_start3A_136 : memref<10000x32xf32, #tpu.memory_space<vmem_shared>>) target(%arg8 : memref<128x32xf32, #tpu.memory_space<vmem>>) offsets(%dma_start3A_133 : memref<128xi32, #tpu.memory_space<vmem>>) semaphore(%arg13 : memref<!tpu.dma_semaphore, #tpu.memory_space<semaphore_mem>>)
      %add3A_137 = arith.constant 1 : i32
      %add3A_138 = arith.addi %mul3A_114, %add3A_137 : i32
      %dma_wait3A_139 = arith.constant 0 : i32
      %dma_wait3A_140 = tpu.memref_slice %arg6[%add3A_138, %dma_wait3A_139] : memref<80x128xi32, #tpu.memory_space<vmem>> -> memref<1x128xi32, #tpu.memory_space<vmem>>
      %dma_wait3A_141 = tpu.memref_squeeze %dma_wait3A_140 : memref<1x128xi32, #tpu.memory_space<vmem>> -> memref<128xi32, #tpu.memory_space<vmem>>
      %dma_wait3A_142 = arith.constant 0 : i32
      %dma_wait3A_143 = arith.constant 0 : i32
      %dma_wait3A_144 = tpu.memref_slice %arg11[%dma_wait3A_142, %dma_wait3A_143] : memref<10000x32xf32, #tpu.memory_space<vmem_shared>> -> memref<10000x32xf32, #tpu.memory_space<vmem_shared>>
      tpu.wait_indirect_dma semaphore(%arg14 : memref<!tpu.dma_semaphore, #tpu.memory_space<semaphore_mem>>) src(%dma_wait3A_144 : memref<10000x32xf32, #tpu.memory_space<vmem_shared>>) dst(%arg9 : memref<128x32xf32, #tpu.memory_space<vmem>>)
      %add3A_145 = arith.constant 1 : i32
      %add3A_146 = arith.addi %mul3A_114, %add3A_145 : i32
      "tpu.region"() ({
        %run_scoped3A_147 = tpu.sem_alloc : memref<!tpu.dma_semaphore, #tpu.memory_space<semaphore_mem>>
        %dma_start3A_148 = arith.constant 0 : i32
        %dma_start3A_149 = tpu.memref_slice %arg7[%add3A_146, %dma_start3A_148] : memref<80x128xi32, #tpu.memory_space<vmem>> -> memref<1x128xi32, #tpu.memory_space<vmem>>
        %dma_start3A_150 = tpu.memref_squeeze %dma_start3A_149 : memref<1x128xi32, #tpu.memory_space<vmem>> -> memref<128xi32, #tpu.memory_space<vmem>>
        %dma_start3A_151 = arith.constant 0 : i32
        %dma_start3A_152 = arith.constant 0 : i32
        %dma_start3A_153 = tpu.memref_slice %arg12[%dma_start3A_151, %dma_start3A_152] : memref<10112x32xf32, #tpu.memory_space<vmem_shared>> -> memref<10112x32xf32, #tpu.memory_space<vmem_shared>>
        tpu.enqueue_indirect_dma source(%arg9 : memref<128x32xf32, #tpu.memory_space<vmem>>) target(%dma_start3A_153 : memref<10112x32xf32, #tpu.memory_space<vmem_shared>>) offsets(%dma_start3A_150 : memref<128xi32, #tpu.memory_space<vmem>>) semaphore(%run_scoped3A_147 : memref<!tpu.dma_semaphore, #tpu.memory_space<semaphore_mem>>) {add = true}
        %dma_wait3A_154 = arith.constant 0 : i32
        %dma_wait3A_155 = tpu.memref_slice %arg7[%add3A_146, %dma_wait3A_154] : memref<80x128xi32, #tpu.memory_space<vmem>> -> memref<1x128xi32, #tpu.memory_space<vmem>>
        %dma_wait3A_156 = tpu.memref_squeeze %dma_wait3A_155 : memref<1x128xi32, #tpu.memory_space<vmem>> -> memref<128xi32, #tpu.memory_space<vmem>>
        %dma_wait3A_157 = arith.constant 0 : i32
        %dma_wait3A_158 = arith.constant 0 : i32
        %dma_wait3A_159 = tpu.memref_slice %arg12[%dma_wait3A_157, %dma_wait3A_158] : memref<10112x32xf32, #tpu.memory_space<vmem_shared>> -> memref<10112x32xf32, #tpu.memory_space<vmem_shared>>
        tpu.wait_indirect_dma semaphore(%run_scoped3A_147 : memref<!tpu.dma_semaphore, #tpu.memory_space<semaphore_mem>>) src(%arg9 : memref<128x32xf32, #tpu.memory_space<vmem>>) dst(%dma_wait3A_159 : memref<10112x32xf32, #tpu.memory_space<vmem_shared>>)
        tpu.yield
      }) : () -> ()
    }
    %scan3A_76 = arith.constant 39 : i32
    %dma_start3A_77 = arith.constant 79 : i32
    %dma_start3A_78 = arith.constant 0 : i32
    %dma_start3A_79 = tpu.memref_slice %arg6[%dma_start3A_77, %dma_start3A_78] : memref<80x128xi32, #tpu.memory_space<vmem>> -> memref<1x128xi32, #tpu.memory_space<vmem>>
    %dma_start3A_80 = tpu.memref_squeeze %dma_start3A_79 : memref<1x128xi32, #tpu.memory_space<vmem>> -> memref<128xi32, #tpu.memory_space<vmem>>
    %dma_start3A_81 = arith.constant 0 : i32
    %dma_start3A_82 = arith.constant 0 : i32
    %dma_start3A_83 = tpu.memref_slice %arg11[%dma_start3A_81, %dma_start3A_82] : memref<10000x32xf32, #tpu.memory_space<vmem_shared>> -> memref<10000x32xf32, #tpu.memory_space<vmem_shared>>
    tpu.enqueue_indirect_dma source(%dma_start3A_83 : memref<10000x32xf32, #tpu.memory_space<vmem_shared>>) target(%arg9 : memref<128x32xf32, #tpu.memory_space<vmem>>) offsets(%dma_start3A_80 : memref<128xi32, #tpu.memory_space<vmem>>) semaphore(%arg14 : memref<!tpu.dma_semaphore, #tpu.memory_space<semaphore_mem>>)
    %dma_wait3A_84 = arith.constant 78 : i32
    %dma_wait3A_85 = arith.constant 0 : i32
    %dma_wait3A_86 = tpu.memref_slice %arg6[%dma_wait3A_84, %dma_wait3A_85] : memref<80x128xi32, #tpu.memory_space<vmem>> -> memref<1x128xi32, #tpu.memory_space<vmem>>
    %dma_wait3A_87 = tpu.memref_squeeze %dma_wait3A_86 : memref<1x128xi32, #tpu.memory_space<vmem>> -> memref<128xi32, #tpu.memory_space<vmem>>
    %dma_wait3A_88 = arith.constant 0 : i32
    %dma_wait3A_89 = arith.constant 0 : i32
    %dma_wait3A_90 = tpu.memref_slice %arg11[%dma_wait3A_88, %dma_wait3A_89] : memref<10000x32xf32, #tpu.memory_space<vmem_shared>> -> memref<10000x32xf32, #tpu.memory_space<vmem_shared>>
    tpu.wait_indirect_dma semaphore(%arg13 : memref<!tpu.dma_semaphore, #tpu.memory_space<semaphore_mem>>) src(%dma_wait3A_90 : memref<10000x32xf32, #tpu.memory_space<vmem_shared>>) dst(%arg8 : memref<128x32xf32, #tpu.memory_space<vmem>>)
    %run_scoped3A_91 = arith.constant 78 : i32
    "tpu.region"() ({
      %run_scoped3A_112 = tpu.sem_alloc : memref<!tpu.dma_semaphore, #tpu.memory_space<semaphore_mem>>
      %dma_start3A_113 = arith.constant 0 : i32
      %dma_start3A_114 = tpu.memref_slice %arg7[%run_scoped3A_91, %dma_start3A_113] : memref<80x128xi32, #tpu.memory_space<vmem>> -> memref<1x128xi32, #tpu.memory_space<vmem>>
      %dma_start3A_115 = tpu.memref_squeeze %dma_start3A_114 : memref<1x128xi32, #tpu.memory_space<vmem>> -> memref<128xi32, #tpu.memory_space<vmem>>
      %dma_start3A_116 = arith.constant 0 : i32
      %dma_start3A_117 = arith.constant 0 : i32
      %dma_start3A_118 = tpu.memref_slice %arg12[%dma_start3A_116, %dma_start3A_117] : memref<10112x32xf32, #tpu.memory_space<vmem_shared>> -> memref<10112x32xf32, #tpu.memory_space<vmem_shared>>
      tpu.enqueue_indirect_dma source(%arg8 : memref<128x32xf32, #tpu.memory_space<vmem>>) target(%dma_start3A_118 : memref<10112x32xf32, #tpu.memory_space<vmem_shared>>) offsets(%dma_start3A_115 : memref<128xi32, #tpu.memory_space<vmem>>) semaphore(%run_scoped3A_112 : memref<!tpu.dma_semaphore, #tpu.memory_space<semaphore_mem>>) {add = true}
      %dma_wait3A_119 = arith.constant 0 : i32
      %dma_wait3A_120 = tpu.memref_slice %arg7[%run_scoped3A_91, %dma_wait3A_119] : memref<80x128xi32, #tpu.memory_space<vmem>> -> memref<1x128xi32, #tpu.memory_space<vmem>>
      %dma_wait3A_121 = tpu.memref_squeeze %dma_wait3A_120 : memref<1x128xi32, #tpu.memory_space<vmem>> -> memref<128xi32, #tpu.memory_space<vmem>>
      %dma_wait3A_122 = arith.constant 0 : i32
      %dma_wait3A_123 = arith.constant 0 : i32
      %dma_wait3A_124 = tpu.memref_slice %arg12[%dma_wait3A_122, %dma_wait3A_123] : memref<10112x32xf32, #tpu.memory_space<vmem_shared>> -> memref<10112x32xf32, #tpu.memory_space<vmem_shared>>
      tpu.wait_indirect_dma semaphore(%run_scoped3A_112 : memref<!tpu.dma_semaphore, #tpu.memory_space<semaphore_mem>>) src(%arg8 : memref<128x32xf32, #tpu.memory_space<vmem>>) dst(%dma_wait3A_124 : memref<10112x32xf32, #tpu.memory_space<vmem_shared>>)
      tpu.yield
    }) : () -> ()
    %dma_wait3A_92 = arith.constant 79 : i32
    %dma_wait3A_93 = arith.constant 0 : i32
    %dma_wait3A_94 = tpu.memref_slice %arg6[%dma_wait3A_92, %dma_wait3A_93] : memref<80x128xi32, #tpu.memory_space<vmem>> -> memref<1x128xi32, #tpu.memory_space<vmem>>
    %dma_wait3A_95 = tpu.memref_squeeze %dma_wait3A_94 : memref<1x128xi32, #tpu.memory_space<vmem>> -> memref<128xi32, #tpu.memory_space<vmem>>
    %dma_wait3A_96 = arith.constant 0 : i32
    %dma_wait3A_97 = arith.constant 0 : i32
    %dma_wait3A_98 = tpu.memref_slice %arg11[%dma_wait3A_96, %dma_wait3A_97] : memref<10000x32xf32, #tpu.memory_space<vmem_shared>> -> memref<10000x32xf32, #tpu.memory_space<vmem_shared>>
    tpu.wait_indirect_dma semaphore(%arg14 : memref<!tpu.dma_semaphore, #tpu.memory_space<semaphore_mem>>) src(%dma_wait3A_98 : memref<10000x32xf32, #tpu.memory_space<vmem_shared>>) dst(%arg9 : memref<128x32xf32, #tpu.memory_space<vmem>>)
    %run_scoped3A_99 = arith.constant 79 : i32
    "tpu.region"() ({
      %run_scoped3A_112 = tpu.sem_alloc : memref<!tpu.dma_semaphore, #tpu.memory_space<semaphore_mem>>
      %dma_start3A_113 = arith.constant 0 : i32
      %dma_start3A_114 = tpu.memref_slice %arg7[%run_scoped3A_99, %dma_start3A_113] : memref<80x128xi32, #tpu.memory_space<vmem>> -> memref<1x128xi32, #tpu.memory_space<vmem>>
      %dma_start3A_115 = tpu.memref_squeeze %dma_start3A_114 : memref<1x128xi32, #tpu.memory_space<vmem>> -> memref<128xi32, #tpu.memory_space<vmem>>
      %dma_start3A_116 = arith.constant 0 : i32
      %dma_start3A_117 = arith.constant 0 : i32
      %dma_start3A_118 = tpu.memref_slice %arg12[%dma_start3A_116, %dma_start3A_117] : memref<10112x32xf32, #tpu.memory_space<vmem_shared>> -> memref<10112x32xf32, #tpu.memory_space<vmem_shared>>
      tpu.enqueue_indirect_dma source(%arg9 : memref<128x32xf32, #tpu.memory_space<vmem>>) target(%dma_start3A_118 : memref<10112x32xf32, #tpu.memory_space<vmem_shared>>) offsets(%dma_start3A_115 : memref<128xi32, #tpu.memory_space<vmem>>) semaphore(%run_scoped3A_112 : memref<!tpu.dma_semaphore, #tpu.memory_space<semaphore_mem>>) {add = true}
      %dma_wait3A_119 = arith.constant 0 : i32
      %dma_wait3A_120 = tpu.memref_slice %arg7[%run_scoped3A_99, %dma_wait3A_119] : memref<80x128xi32, #tpu.memory_space<vmem>> -> memref<1x128xi32, #tpu.memory_space<vmem>>
      %dma_wait3A_121 = tpu.memref_squeeze %dma_wait3A_120 : memref<1x128xi32, #tpu.memory_space<vmem>> -> memref<128xi32, #tpu.memory_space<vmem>>
      %dma_wait3A_122 = arith.constant 0 : i32
      %dma_wait3A_123 = arith.constant 0 : i32
      %dma_wait3A_124 = tpu.memref_slice %arg12[%dma_wait3A_122, %dma_wait3A_123] : memref<10112x32xf32, #tpu.memory_space<vmem_shared>> -> memref<10112x32xf32, #tpu.memory_space<vmem_shared>>
      tpu.wait_indirect_dma semaphore(%run_scoped3A_112 : memref<!tpu.dma_semaphore, #tpu.memory_space<semaphore_mem>>) src(%arg9 : memref<128x32xf32, #tpu.memory_space<vmem>>) dst(%dma_wait3A_124 : memref<10112x32xf32, #tpu.memory_space<vmem_shared>>)
      tpu.yield
    }) : () -> ()
    %barrier3A_100 = arith.constant 0 : index
    tpu.barrier barrier_id(%barrier3A_100)
    %mul3A_101 = arith.constant 632 : i32
    %mul3A_102 = arith.muli %arg1, %mul3A_101 : i32
    "tpu.region"() ({
      %run_scoped3A_112 = tpu.sem_alloc : memref<!tpu.dma_semaphore, #tpu.memory_space<semaphore_mem>>
      %dma_start3A_113 = arith.constant 0 : i32
      %dma_start3A_114 = tpu.memref_slice %arg12[%mul3A_102, %dma_start3A_113] : memref<10112x32xf32, #tpu.memory_space<vmem_shared>> -> memref<632x32xf32, #tpu.memory_space<vmem_shared>>
      %dma_start3A_115 = arith.constant 0 : i32
      %dma_start3A_116 = tpu.memref_slice %arg12[%mul3A_102, %dma_start3A_115] : memref<10112x32xf32, #tpu.memory_space<vmem_shared>> -> memref<632x32xf32, #tpu.memory_space<vmem_shared>>
      tpu.enqueue_dma source(%dma_start3A_116 : memref<632x32xf32, #tpu.memory_space<vmem_shared>>) target(%arg10 : memref<632x32xf32, #tpu.memory_space<vmem>>) target_semaphore(%run_scoped3A_112 : memref<!tpu.dma_semaphore, #tpu.memory_space<semaphore_mem>>)
      %dma_wait3A_117 = arith.constant 0 : i32
      %dma_wait3A_118 = tpu.memref_slice %arg12[%mul3A_102, %dma_wait3A_117] : memref<10112x32xf32, #tpu.memory_space<vmem_shared>> -> memref<632x32xf32, #tpu.memory_space<vmem_shared>>
      %dma_wait3A_119 = arith.constant 0 : i32
      %dma_wait3A_120 = tpu.memref_slice %arg12[%mul3A_102, %dma_wait3A_119] : memref<10112x32xf32, #tpu.memory_space<vmem_shared>> -> memref<632x32xf32, #tpu.memory_space<vmem_shared>>
      tpu.wait_dma2 semaphore(%run_scoped3A_112 : memref<!tpu.dma_semaphore, #tpu.memory_space<semaphore_mem>>) src(%dma_wait3A_120 : memref<632x32xf32, #tpu.memory_space<vmem_shared>>) dst(%arg10 : memref<632x32xf32, #tpu.memory_space<vmem>>)
      tpu.yield
    }) : () -> ()
    %mul3A_103 = arith.constant 632 : i32
    %mul3A_104 = arith.muli %arg1, %mul3A_103 : i32
    %run_scoped3A_105 = arith.constant 1 : i32
    "tpu.region"() ({
      %run_scoped3A_112 = tpu.sem_alloc : memref<!tpu.dma_semaphore, #tpu.memory_space<semaphore_mem>>
      %dma_start3A_113 = arith.constant 0 : i32
      %dma_start3A_114 = tpu.memref_slice %arg5[%arg0, %run_scoped3A_105, %mul3A_104, %dma_start3A_113] : memref<2x2x10112x128xf32, #tpu.memory_space<hbm>> -> memref<1x1x632x32xf32, #tpu.memory_space<hbm>>
      %dma_start3A_115 = tpu.memref_squeeze %dma_start3A_114 : memref<1x1x632x32xf32, #tpu.memory_space<hbm>> -> memref<632x32xf32, #tpu.memory_space<hbm>>
      %dma_start3A_116 = arith.constant 0 : i32
      %dma_start3A_117 = tpu.memref_slice %arg5[%arg0, %run_scoped3A_105, %mul3A_104, %dma_start3A_116] : memref<2x2x10112x128xf32, #tpu.memory_space<hbm>> -> memref<1x1x632x32xf32, #tpu.memory_space<hbm>>
      %dma_start3A_118 = tpu.memref_squeeze %dma_start3A_117 : memref<1x1x632x32xf32, #tpu.memory_space<hbm>> -> memref<632x32xf32, #tpu.memory_space<hbm>>
      tpu.enqueue_dma source(%arg10 : memref<632x32xf32, #tpu.memory_space<vmem>>) target(%dma_start3A_118 : memref<632x32xf32, #tpu.memory_space<hbm>>) target_semaphore(%run_scoped3A_112 : memref<!tpu.dma_semaphore, #tpu.memory_space<semaphore_mem>>)
      %dma_wait3A_119 = arith.constant 0 : i32
      %dma_wait3A_120 = tpu.memref_slice %arg5[%arg0, %run_scoped3A_105, %mul3A_104, %dma_wait3A_119] : memref<2x2x10112x128xf32, #tpu.memory_space<hbm>> -> memref<1x1x632x32xf32, #tpu.memory_space<hbm>>
      %dma_wait3A_121 = tpu.memref_squeeze %dma_wait3A_120 : memref<1x1x632x32xf32, #tpu.memory_space<hbm>> -> memref<632x32xf32, #tpu.memory_space<hbm>>
      %dma_wait3A_122 = arith.constant 0 : i32
      %dma_wait3A_123 = tpu.memref_slice %arg5[%arg0, %run_scoped3A_105, %mul3A_104, %dma_wait3A_122] : memref<2x2x10112x128xf32, #tpu.memory_space<hbm>> -> memref<1x1x632x32xf32, #tpu.memory_space<hbm>>
      %dma_wait3A_124 = tpu.memref_squeeze %dma_wait3A_123 : memref<1x1x632x32xf32, #tpu.memory_space<hbm>> -> memref<632x32xf32, #tpu.memory_space<hbm>>
      tpu.wait_dma2 semaphore(%run_scoped3A_112 : memref<!tpu.dma_semaphore, #tpu.memory_space<semaphore_mem>>) src(%arg10 : memref<632x32xf32, #tpu.memory_space<vmem>>) dst(%dma_wait3A_124 : memref<632x32xf32, #tpu.memory_space<hbm>>)
      tpu.yield
    }) : () -> ()
    %scan3A_106 = arith.constant 0 : i32
    %scan3A_107 = arith.constant 0 : i32
    %scan3A_108 = arith.constant 632 : i32
    %scan3A_109 = arith.addi %scan3A_107, %scan3A_108 : i32
    %scan3A_110 = arith.constant 1 : i32
    scf.for %scan3A_112 = %scan3A_107 to %scan3A_109 step %scan3A_110  : i32 {
      %broadcast_in_dim3A = arith.constant 0.000000e+00 : f32
      %broadcast_in_dim3A_113 = vector.broadcast %broadcast_in_dim3A : f32 to vector<16xf32>
      %swap3A = arith.index_cast %scan3A_112 : i32 to index
      %swap3A_114 = arith.constant 0 : index
      %swap3A_115 = tpu.vector_load %arg10[%swap3A, %swap3A_114] {strides = array<i32>} : memref<632x32xf32, #tpu.memory_space<vmem>>, vector<1x16xf32>,
      %swap3A_116 = vector.shape_cast %swap3A_115 : vector<1x16xf32> to vector<16xf32>
      %swap3A_117 = vector.shape_cast %broadcast_in_dim3A_113 : vector<16xf32> to vector<1x16xf32>
      tpu.vector_store %arg10[%swap3A, %swap3A_114], %swap3A_117 {strides = array<i32>} : memref<632x32xf32, #tpu.memory_space<vmem>>, vector<1x16xf32>,
      %broadcast_in_dim3A_118 = arith.constant 0.000000e+00 : f32
      %broadcast_in_dim3A_119 = vector.broadcast %broadcast_in_dim3A_118 : f32 to vector<16xf32>
      %swap3A_120 = arith.index_cast %scan3A_112 : i32 to index
      %swap3A_121 = arith.constant 16 : index
      %swap3A_122 = tpu.vector_load %arg10[%swap3A_120, %swap3A_121] {strides = array<i32>} : memref<632x32xf32, #tpu.memory_space<vmem>>, vector<1x16xf32>,
      %swap3A_123 = vector.shape_cast %swap3A_122 : vector<1x16xf32> to vector<16xf32>
      %swap3A_124 = vector.shape_cast %broadcast_in_dim3A_119 : vector<16xf32> to vector<1x16xf32>
      tpu.vector_store %arg10[%swap3A_120, %swap3A_121], %swap3A_124 {strides = array<i32>} : memref<632x32xf32, #tpu.memory_space<vmem>>, vector<1x16xf32>,
    }
    %scan3A_111 = arith.constant 632 : i32
    return
  }
}

#map = affine_map<(d0, d1) -> (0, 0)>
#map1 = affine_map<(d0, d1) -> (0, 0, 0)>
#map2 = affine_map<(d0, d1) -> (0, 0, 0, 0)>
module attributes {stable_mosaic.version = 14 : i64} {
  func.func @_seg_sum_body(%arg0: i32, %arg1: i32, %arg2: memref<10000x128xf32, #tpu.memory_space<hbm>>, %arg3: memref<32x80x128xi32, #tpu.memory_space<hbm>>, %arg4: memref<32x80x128xi32, #tpu.memory_space<hbm>>, %arg5: memref<2x2x10112x128xf32, #tpu.memory_space<hbm>>, %arg6: memref<80x128xi32, #tpu.memory_space<vmem>>, %arg7: memref<80x128xi32, #tpu.memory_space<vmem>>, %arg8: memref<128x32xf32, #tpu.memory_space<vmem>>, %arg9: memref<128x32xf32, #tpu.memory_space<vmem>>, %arg10: memref<632x32xf32, #tpu.memory_space<vmem>>, %arg11: memref<10000x32xf32, #tpu.memory_space<vmem_shared>>, %arg12: memref<10112x32xf32, #tpu.memory_space<vmem_shared>>, %arg13: memref<!tpu.dma_semaphore, #tpu.memory_space<semaphore_mem>>, %arg14: memref<!tpu.dma_semaphore, #tpu.memory_space<semaphore_mem>>) attributes {dimension_semantics = [#tpu.dimension_semantics<core_parallel>, #tpu.dimension_semantics<subcore_parallel>], iteration_bounds = array<i64: 2, 16>, scalar_prefetch = 0 : i64, scratch_operands = 9 : i64, tpu.core_type = #tpu.core_type<sc_vector_subcore>, window_params = [{transform_indices = #map}, {transform_indices = #map1}, {transform_indices = #map1}, {transform_indices = #map2}]} {
    %mul3A = arith.constant 16 : i32
    %mul3A_0 = arith.muli %arg0, %mul3A : i32
    %add3A = arith.addi %mul3A_0, %arg1 : i32
    %scan3A = arith.constant 0 : i32
    %scan3A_1 = arith.constant 0 : i32
    %scan3A_2 = arith.constant 632 : i32
    %scan3A_3 = arith.addi %scan3A_1, %scan3A_2 : i32
    %scan3A_4 = arith.constant 1 : i32
    scf.for %scan3A_112 = %scan3A_1 to %scan3A_3 step %scan3A_4  : i32 {
      %broadcast_in_dim3A = arith.constant 0.000000e+00 : f32
      %broadcast_in_dim3A_113 = vector.broadcast %broadcast_in_dim3A : f32 to vector<16xf32>
      %swap3A = arith.index_cast %scan3A_112 : i32 to index
      %swap3A_114 = arith.constant 0 : index
      %swap3A_115 = tpu.vector_load %arg10[%swap3A, %swap3A_114] {strides = array<i32>} : memref<632x32xf32, #tpu.memory_space<vmem>>, vector<1x16xf32>,
      %swap3A_116 = vector.shape_cast %swap3A_115 : vector<1x16xf32> to vector<16xf32>
      %swap3A_117 = vector.shape_cast %broadcast_in_dim3A_113 : vector<16xf32> to vector<1x16xf32>
      tpu.vector_store %arg10[%swap3A, %swap3A_114], %swap3A_117 {strides = array<i32>} : memref<632x32xf32, #tpu.memory_space<vmem>>, vector<1x16xf32>,
      %broadcast_in_dim3A_118 = arith.constant 0.000000e+00 : f32
      %broadcast_in_dim3A_119 = vector.broadcast %broadcast_in_dim3A_118 : f32 to vector<16xf32>
      %swap3A_120 = arith.index_cast %scan3A_112 : i32 to index
      %swap3A_121 = arith.constant 16 : index
      %swap3A_122 = tpu.vector_load %arg10[%swap3A_120, %swap3A_121] {strides = array<i32>} : memref<632x32xf32, #tpu.memory_space<vmem>>, vector<1x16xf32>,
      %swap3A_123 = vector.shape_cast %swap3A_122 : vector<1x16xf32> to vector<16xf32>
      %swap3A_124 = vector.shape_cast %broadcast_in_dim3A_119 : vector<16xf32> to vector<1x16xf32>
      tpu.vector_store %arg10[%swap3A_120, %swap3A_121], %swap3A_124 {strides = array<i32>} : memref<632x32xf32, #tpu.memory_space<vmem>>, vector<1x16xf32>,
    }
    %scan3A_5 = arith.constant 632 : i32
    "tpu.region"() ({
      %run_scoped3A_112 = tpu.sem_alloc : memref<!tpu.dma_semaphore, #tpu.memory_space<semaphore_mem>>
      %dma_start3A_113 = arith.constant 0 : i32
      %dma_start3A_114 = arith.constant 0 : i32
      %dma_start3A_115 = tpu.memref_slice %arg3[%add3A, %dma_start3A_113, %dma_start3A_114] : memref<32x80x128xi32, #tpu.memory_space<hbm>> -> memref<1x80x128xi32, #tpu.memory_space<hbm>>
      %dma_start3A_116 = tpu.memref_squeeze %dma_start3A_115 : memref<1x80x128xi32, #tpu.memory_space<hbm>> -> memref<80x128xi32, #tpu.memory_space<hbm>>
      %dma_start3A_117 = arith.constant 0 : i32
      %dma_start3A_118 = arith.constant 0 : i32
      %dma_start3A_119 = tpu.memref_slice %arg3[%add3A, %dma_start3A_117, %dma_start3A_118] : memref<32x80x128xi32, #tpu.memory_space<hbm>> -> memref<1x80x128xi32, #tpu.memory_space<hbm>>
      %dma_start3A_120 = tpu.memref_squeeze %dma_start3A_119 : memref<1x80x128xi32, #tpu.memory_space<hbm>> -> memref<80x128xi32, #tpu.memory_space<hbm>>
      tpu.enqueue_dma source(%dma_start3A_120 : memref<80x128xi32, #tpu.memory_space<hbm>>) target(%arg6 : memref<80x128xi32, #tpu.memory_space<vmem>>) target_semaphore(%run_scoped3A_112 : memref<!tpu.dma_semaphore, #tpu.memory_space<semaphore_mem>>)
      %dma_wait3A_121 = arith.constant 0 : i32
      %dma_wait3A_122 = arith.constant 0 : i32
      %dma_wait3A_123 = tpu.memref_slice %arg3[%add3A, %dma_wait3A_121, %dma_wait3A_122] : memref<32x80x128xi32, #tpu.memory_space<hbm>> -> memref<1x80x128xi32, #tpu.memory_space<hbm>>
      %dma_wait3A_124 = tpu.memref_squeeze %dma_wait3A_123 : memref<1x80x128xi32, #tpu.memory_space<hbm>> -> memref<80x128xi32, #tpu.memory_space<hbm>>
      %dma_wait3A_125 = arith.constant 0 : i32
      %dma_wait3A_126 = arith.constant 0 : i32
      %dma_wait3A_127 = tpu.memref_slice %arg3[%add3A, %dma_wait3A_125, %dma_wait3A_126] : memref<32x80x128xi32, #tpu.memory_space<hbm>> -> memref<1x80x128xi32, #tpu.memory_space<hbm>>
      %dma_wait3A_128 = tpu.memref_squeeze %dma_wait3A_127 : memref<1x80x128xi32, #tpu.memory_space<hbm>> -> memref<80x128xi32, #tpu.memory_space<hbm>>
      tpu.wait_dma2 semaphore(%run_scoped3A_112 : memref<!tpu.dma_semaphore, #tpu.memory_space<semaphore_mem>>) src(%dma_wait3A_128 : memref<80x128xi32, #tpu.memory_space<hbm>>) dst(%arg6 : memref<80x128xi32, #tpu.memory_space<vmem>>)
      tpu.yield
    }) : () -> ()
    "tpu.region"() ({
      %run_scoped3A_112 = tpu.sem_alloc : memref<!tpu.dma_semaphore, #tpu.memory_space<semaphore_mem>>
      %dma_start3A_113 = arith.constant 0 : i32
      %dma_start3A_114 = arith.constant 0 : i32
      %dma_start3A_115 = tpu.memref_slice %arg4[%add3A, %dma_start3A_113, %dma_start3A_114] : memref<32x80x128xi32, #tpu.memory_space<hbm>> -> memref<1x80x128xi32, #tpu.memory_space<hbm>>
      %dma_start3A_116 = tpu.memref_squeeze %dma_start3A_115 : memref<1x80x128xi32, #tpu.memory_space<hbm>> -> memref<80x128xi32, #tpu.memory_space<hbm>>
      %dma_start3A_117 = arith.constant 0 : i32
      %dma_start3A_118 = arith.constant 0 : i32
      %dma_start3A_119 = tpu.memref_slice %arg4[%add3A, %dma_start3A_117, %dma_start3A_118] : memref<32x80x128xi32, #tpu.memory_space<hbm>> -> memref<1x80x128xi32, #tpu.memory_space<hbm>>
      %dma_start3A_120 = tpu.memref_squeeze %dma_start3A_119 : memref<1x80x128xi32, #tpu.memory_space<hbm>> -> memref<80x128xi32, #tpu.memory_space<hbm>>
      tpu.enqueue_dma source(%dma_start3A_120 : memref<80x128xi32, #tpu.memory_space<hbm>>) target(%arg7 : memref<80x128xi32, #tpu.memory_space<vmem>>) target_semaphore(%run_scoped3A_112 : memref<!tpu.dma_semaphore, #tpu.memory_space<semaphore_mem>>)
      %dma_wait3A_121 = arith.constant 0 : i32
      %dma_wait3A_122 = arith.constant 0 : i32
      %dma_wait3A_123 = tpu.memref_slice %arg4[%add3A, %dma_wait3A_121, %dma_wait3A_122] : memref<32x80x128xi32, #tpu.memory_space<hbm>> -> memref<1x80x128xi32, #tpu.memory_space<hbm>>
      %dma_wait3A_124 = tpu.memref_squeeze %dma_wait3A_123 : memref<1x80x128xi32, #tpu.memory_space<hbm>> -> memref<80x128xi32, #tpu.memory_space<hbm>>
      %dma_wait3A_125 = arith.constant 0 : i32
      %dma_wait3A_126 = arith.constant 0 : i32
      %dma_wait3A_127 = tpu.memref_slice %arg4[%add3A, %dma_wait3A_125, %dma_wait3A_126] : memref<32x80x128xi32, #tpu.memory_space<hbm>> -> memref<1x80x128xi32, #tpu.memory_space<hbm>>
      %dma_wait3A_128 = tpu.memref_squeeze %dma_wait3A_127 : memref<1x80x128xi32, #tpu.memory_space<hbm>> -> memref<80x128xi32, #tpu.memory_space<hbm>>
      tpu.wait_dma2 semaphore(%run_scoped3A_112 : memref<!tpu.dma_semaphore, #tpu.memory_space<semaphore_mem>>) src(%dma_wait3A_128 : memref<80x128xi32, #tpu.memory_space<hbm>>) dst(%arg7 : memref<80x128xi32, #tpu.memory_space<vmem>>)
      tpu.yield
    }) : () -> ()
    %mul3A_6 = arith.constant 632 : i32
    %mul3A_7 = arith.muli %arg1, %mul3A_6 : i32
    "tpu.region"() ({
      %run_scoped3A_112 = tpu.sem_alloc : memref<!tpu.dma_semaphore, #tpu.memory_space<semaphore_mem>>
      %dma_start3A_113 = arith.constant 0 : i32
      %dma_start3A_114 = tpu.memref_slice %arg12[%mul3A_7, %dma_start3A_113] : memref<10112x32xf32, #tpu.memory_space<vmem_shared>> -> memref<632x32xf32, #tpu.memory_space<vmem_shared>>
      %dma_start3A_115 = arith.constant 0 : i32
      %dma_start3A_116 = tpu.memref_slice %arg12[%mul3A_7, %dma_start3A_115] : memref<10112x32xf32, #tpu.memory_space<vmem_shared>> -> memref<632x32xf32, #tpu.memory_space<vmem_shared>>
      tpu.enqueue_dma source(%arg10 : memref<632x32xf32, #tpu.memory_space<vmem>>) target(%dma_start3A_116 : memref<632x32xf32, #tpu.memory_space<vmem_shared>>) target_semaphore(%run_scoped3A_112 : memref<!tpu.dma_semaphore, #tpu.memory_space<semaphore_mem>>)
      %dma_wait3A_117 = arith.constant 0 : i32
      %dma_wait3A_118 = tpu.memref_slice %arg12[%mul3A_7, %dma_wait3A_117] : memref<10112x32xf32, #tpu.memory_space<vmem_shared>> -> memref<632x32xf32, #tpu.memory_space<vmem_shared>>
      %dma_wait3A_119 = arith.constant 0 : i32
      %dma_wait3A_120 = tpu.memref_slice %arg12[%mul3A_7, %dma_wait3A_119] : memref<10112x32xf32, #tpu.memory_space<vmem_shared>> -> memref<632x32xf32, #tpu.memory_space<vmem_shared>>
      tpu.wait_dma2 semaphore(%run_scoped3A_112 : memref<!tpu.dma_semaphore, #tpu.memory_space<semaphore_mem>>) src(%arg10 : memref<632x32xf32, #tpu.memory_space<vmem>>) dst(%dma_wait3A_120 : memref<632x32xf32, #tpu.memory_space<vmem_shared>>)
      tpu.yield
    }) : () -> ()
    %mul3A_8 = arith.constant 625 : i32
    %mul3A_9 = arith.muli %arg1, %mul3A_8 : i32
    %mul3A_10 = arith.constant 625 : i32
    %mul3A_11 = arith.muli %arg1, %mul3A_10 : i32
    "tpu.region"() ({
      %run_scoped3A_112 = tpu.sem_alloc : memref<!tpu.dma_semaphore, #tpu.memory_space<semaphore_mem>>
      %dma_start3A_113 = arith.constant 0 : i32
      %dma_start3A_114 = tpu.memref_slice %arg11[%mul3A_11, %dma_start3A_113] : memref<10000x32xf32, #tpu.memory_space<vmem_shared>> -> memref<625x32xf32, #tpu.memory_space<vmem_shared>>
      %dma_start3A_115 = arith.constant 0 : i32
      %dma_start3A_116 = tpu.memref_slice %arg2[%mul3A_9, %dma_start3A_115] : memref<10000x128xf32, #tpu.memory_space<hbm>> -> memref<625x32xf32, #tpu.memory_space<hbm>>
      tpu.enqueue_dma source(%dma_start3A_116 : memref<625x32xf32, #tpu.memory_space<hbm>>) target(%dma_start3A_114 : memref<625x32xf32, #tpu.memory_space<vmem_shared>>) target_semaphore(%run_scoped3A_112 : memref<!tpu.dma_semaphore, #tpu.memory_space<semaphore_mem>>)
      %dma_wait3A_117 = arith.constant 0 : i32
      %dma_wait3A_118 = tpu.memref_slice %arg11[%mul3A_11, %dma_wait3A_117] : memref<10000x32xf32, #tpu.memory_space<vmem_shared>> -> memref<625x32xf32, #tpu.memory_space<vmem_shared>>
      %dma_wait3A_119 = arith.constant 0 : i32
      %dma_wait3A_120 = tpu.memref_slice %arg2[%mul3A_9, %dma_wait3A_119] : memref<10000x128xf32, #tpu.memory_space<hbm>> -> memref<625x32xf32, #tpu.memory_space<hbm>>
      tpu.wait_dma2 semaphore(%run_scoped3A_112 : memref<!tpu.dma_semaphore, #tpu.memory_space<semaphore_mem>>) src(%dma_wait3A_120 : memref<625x32xf32, #tpu.memory_space<hbm>>) dst(%dma_wait3A_118 : memref<625x32xf32, #tpu.memory_space<vmem_shared>>)
      tpu.yield
    }) : () -> ()
    %barrier3A = arith.constant 0 : index
    tpu.barrier barrier_id(%barrier3A)
    %dma_start3A = arith.constant 0 : i32
    %dma_start3A_12 = arith.constant 0 : i32
    %dma_start3A_13 = tpu.memref_slice %arg6[%dma_start3A, %dma_start3A_12] : memref<80x128xi32, #tpu.memory_space<vmem>> -> memref<1x128xi32, #tpu.memory_space<vmem>>
    %dma_start3A_14 = tpu.memref_squeeze %dma_start3A_13 : memref<1x128xi32, #tpu.memory_space<vmem>> -> memref<128xi32, #tpu.memory_space<vmem>>
    %dma_start3A_15 = arith.constant 0 : i32
    %dma_start3A_16 = arith.constant 0 : i32
    %dma_start3A_17 = tpu.memref_slice %arg11[%dma_start3A_15, %dma_start3A_16] : memref<10000x32xf32, #tpu.memory_space<vmem_shared>> -> memref<10000x32xf32, #tpu.memory_space<vmem_shared>>
    tpu.enqueue_indirect_dma source(%dma_start3A_17 : memref<10000x32xf32, #tpu.memory_space<vmem_shared>>) target(%arg8 : memref<128x32xf32, #tpu.memory_space<vmem>>) offsets(%dma_start3A_14 : memref<128xi32, #tpu.memory_space<vmem>>) semaphore(%arg13 : memref<!tpu.dma_semaphore, #tpu.memory_space<semaphore_mem>>)
    %scan3A_18 = arith.constant 0 : i32
    %scan3A_19 = arith.constant 0 : i32
    %scan3A_20 = arith.constant 39 : i32
    %scan3A_21 = arith.addi %scan3A_19, %scan3A_20 : i32
    %scan3A_22 = arith.constant 1 : i32
    scf.for %scan3A_112 = %scan3A_19 to %scan3A_21 step %scan3A_22  : i32 {
      %mul3A_113 = arith.constant 2 : i32
      %mul3A_114 = arith.muli %mul3A_113, %scan3A_112 : i32
      %add3A_115 = arith.constant 1 : i32
      %add3A_116 = arith.addi %mul3A_114, %add3A_115 : i32
      %dma_start3A_117 = arith.constant 0 : i32
      %dma_start3A_118 = tpu.memref_slice %arg6[%add3A_116, %dma_start3A_117] : memref<80x128xi32, #tpu.memory_space<vmem>> -> memref<1x128xi32, #tpu.memory_space<vmem>>
      %dma_start3A_119 = tpu.memref_squeeze %dma_start3A_118 : memref<1x128xi32, #tpu.memory_space<vmem>> -> memref<128xi32, #tpu.memory_space<vmem>>
      %dma_start3A_120 = arith.constant 0 : i32
      %dma_start3A_121 = arith.constant 0 : i32
      %dma_start3A_122 = tpu.memref_slice %arg11[%dma_start3A_120, %dma_start3A_121] : memref<10000x32xf32, #tpu.memory_space<vmem_shared>> -> memref<10000x32xf32, #tpu.memory_space<vmem_shared>>
      tpu.enqueue_indirect_dma source(%dma_start3A_122 : memref<10000x32xf32, #tpu.memory_space<vmem_shared>>) target(%arg9 : memref<128x32xf32, #tpu.memory_space<vmem>>) offsets(%dma_start3A_119 : memref<128xi32, #tpu.memory_space<vmem>>) semaphore(%arg14 : memref<!tpu.dma_semaphore, #tpu.memory_space<semaphore_mem>>)
      %dma_wait3A_123 = arith.constant 0 : i32
      %dma_wait3A_124 = tpu.memref_slice %arg6[%mul3A_114, %dma_wait3A_123] : memref<80x128xi32, #tpu.memory_space<vmem>> -> memref<1x128xi32, #tpu.memory_space<vmem>>
      %dma_wait3A_125 = tpu.memref_squeeze %dma_wait3A_124 : memref<1x128xi32, #tpu.memory_space<vmem>> -> memref<128xi32, #tpu.memory_space<vmem>>
      %dma_wait3A_126 = arith.constant 0 : i32
      %dma_wait3A_127 = arith.constant 0 : i32
      %dma_wait3A_128 = tpu.memref_slice %arg11[%dma_wait3A_126, %dma_wait3A_127] : memref<10000x32xf32, #tpu.memory_space<vmem_shared>> -> memref<10000x32xf32, #tpu.memory_space<vmem_shared>>
      tpu.wait_indirect_dma semaphore(%arg13 : memref<!tpu.dma_semaphore, #tpu.memory_space<semaphore_mem>>) src(%dma_wait3A_128 : memref<10000x32xf32, #tpu.memory_space<vmem_shared>>) dst(%arg8 : memref<128x32xf32, #tpu.memory_space<vmem>>)
      "tpu.region"() ({
        %run_scoped3A_147 = tpu.sem_alloc : memref<!tpu.dma_semaphore, #tpu.memory_space<semaphore_mem>>
        %dma_start3A_148 = arith.constant 0 : i32
        %dma_start3A_149 = tpu.memref_slice %arg7[%mul3A_114, %dma_start3A_148] : memref<80x128xi32, #tpu.memory_space<vmem>> -> memref<1x128xi32, #tpu.memory_space<vmem>>
        %dma_start3A_150 = tpu.memref_squeeze %dma_start3A_149 : memref<1x128xi32, #tpu.memory_space<vmem>> -> memref<128xi32, #tpu.memory_space<vmem>>
        %dma_start3A_151 = arith.constant 0 : i32
        %dma_start3A_152 = arith.constant 0 : i32
        %dma_start3A_153 = tpu.memref_slice %arg12[%dma_start3A_151, %dma_start3A_152] : memref<10112x32xf32, #tpu.memory_space<vmem_shared>> -> memref<10112x32xf32, #tpu.memory_space<vmem_shared>>
        tpu.enqueue_indirect_dma source(%arg8 : memref<128x32xf32, #tpu.memory_space<vmem>>) target(%dma_start3A_153 : memref<10112x32xf32, #tpu.memory_space<vmem_shared>>) offsets(%dma_start3A_150 : memref<128xi32, #tpu.memory_space<vmem>>) semaphore(%run_scoped3A_147 : memref<!tpu.dma_semaphore, #tpu.memory_space<semaphore_mem>>) {add = true}
        %dma_wait3A_154 = arith.constant 0 : i32
        %dma_wait3A_155 = tpu.memref_slice %arg7[%mul3A_114, %dma_wait3A_154] : memref<80x128xi32, #tpu.memory_space<vmem>> -> memref<1x128xi32, #tpu.memory_space<vmem>>
        %dma_wait3A_156 = tpu.memref_squeeze %dma_wait3A_155 : memref<1x128xi32, #tpu.memory_space<vmem>> -> memref<128xi32, #tpu.memory_space<vmem>>
        %dma_wait3A_157 = arith.constant 0 : i32
        %dma_wait3A_158 = arith.constant 0 : i32
        %dma_wait3A_159 = tpu.memref_slice %arg12[%dma_wait3A_157, %dma_wait3A_158] : memref<10112x32xf32, #tpu.memory_space<vmem_shared>> -> memref<10112x32xf32, #tpu.memory_space<vmem_shared>>
        tpu.wait_indirect_dma semaphore(%run_scoped3A_147 : memref<!tpu.dma_semaphore, #tpu.memory_space<semaphore_mem>>) src(%arg8 : memref<128x32xf32, #tpu.memory_space<vmem>>) dst(%dma_wait3A_159 : memref<10112x32xf32, #tpu.memory_space<vmem_shared>>)
        tpu.yield
      }) : () -> ()
      %add3A_129 = arith.constant 2 : i32
      %add3A_130 = arith.addi %mul3A_114, %add3A_129 : i32
      %dma_start3A_131 = arith.constant 0 : i32
      %dma_start3A_132 = tpu.memref_slice %arg6[%add3A_130, %dma_start3A_131] : memref<80x128xi32, #tpu.memory_space<vmem>> -> memref<1x128xi32, #tpu.memory_space<vmem>>
      %dma_start3A_133 = tpu.memref_squeeze %dma_start3A_132 : memref<1x128xi32, #tpu.memory_space<vmem>> -> memref<128xi32, #tpu.memory_space<vmem>>
      %dma_start3A_134 = arith.constant 0 : i32
      %dma_start3A_135 = arith.constant 0 : i32
      %dma_start3A_136 = tpu.memref_slice %arg11[%dma_start3A_134, %dma_start3A_135] : memref<10000x32xf32, #tpu.memory_space<vmem_shared>> -> memref<10000x32xf32, #tpu.memory_space<vmem_shared>>
      tpu.enqueue_indirect_dma source(%dma_start3A_136 : memref<10000x32xf32, #tpu.memory_space<vmem_shared>>) target(%arg8 : memref<128x32xf32, #tpu.memory_space<vmem>>) offsets(%dma_start3A_133 : memref<128xi32, #tpu.memory_space<vmem>>) semaphore(%arg13 : memref<!tpu.dma_semaphore, #tpu.memory_space<semaphore_mem>>)
      %add3A_137 = arith.constant 1 : i32
      %add3A_138 = arith.addi %mul3A_114, %add3A_137 : i32
      %dma_wait3A_139 = arith.constant 0 : i32
      %dma_wait3A_140 = tpu.memref_slice %arg6[%add3A_138, %dma_wait3A_139] : memref<80x128xi32, #tpu.memory_space<vmem>> -> memref<1x128xi32, #tpu.memory_space<vmem>>
      %dma_wait3A_141 = tpu.memref_squeeze %dma_wait3A_140 : memref<1x128xi32, #tpu.memory_space<vmem>> -> memref<128xi32, #tpu.memory_space<vmem>>
      %dma_wait3A_142 = arith.constant 0 : i32
      %dma_wait3A_143 = arith.constant 0 : i32
      %dma_wait3A_144 = tpu.memref_slice %arg11[%dma_wait3A_142, %dma_wait3A_143] : memref<10000x32xf32, #tpu.memory_space<vmem_shared>> -> memref<10000x32xf32, #tpu.memory_space<vmem_shared>>
      tpu.wait_indirect_dma semaphore(%arg14 : memref<!tpu.dma_semaphore, #tpu.memory_space<semaphore_mem>>) src(%dma_wait3A_144 : memref<10000x32xf32, #tpu.memory_space<vmem_shared>>) dst(%arg9 : memref<128x32xf32, #tpu.memory_space<vmem>>)
      %add3A_145 = arith.constant 1 : i32
      %add3A_146 = arith.addi %mul3A_114, %add3A_145 : i32
      "tpu.region"() ({
        %run_scoped3A_147 = tpu.sem_alloc : memref<!tpu.dma_semaphore, #tpu.memory_space<semaphore_mem>>
        %dma_start3A_148 = arith.constant 0 : i32
        %dma_start3A_149 = tpu.memref_slice %arg7[%add3A_146, %dma_start3A_148] : memref<80x128xi32, #tpu.memory_space<vmem>> -> memref<1x128xi32, #tpu.memory_space<vmem>>
        %dma_start3A_150 = tpu.memref_squeeze %dma_start3A_149 : memref<1x128xi32, #tpu.memory_space<vmem>> -> memref<128xi32, #tpu.memory_space<vmem>>
        %dma_start3A_151 = arith.constant 0 : i32
        %dma_start3A_152 = arith.constant 0 : i32
        %dma_start3A_153 = tpu.memref_slice %arg12[%dma_start3A_151, %dma_start3A_152] : memref<10112x32xf32, #tpu.memory_space<vmem_shared>> -> memref<10112x32xf32, #tpu.memory_space<vmem_shared>>
        tpu.enqueue_indirect_dma source(%arg9 : memref<128x32xf32, #tpu.memory_space<vmem>>) target(%dma_start3A_153 : memref<10112x32xf32, #tpu.memory_space<vmem_shared>>) offsets(%dma_start3A_150 : memref<128xi32, #tpu.memory_space<vmem>>) semaphore(%run_scoped3A_147 : memref<!tpu.dma_semaphore, #tpu.memory_space<semaphore_mem>>) {add = true}
        %dma_wait3A_154 = arith.constant 0 : i32
        %dma_wait3A_155 = tpu.memref_slice %arg7[%add3A_146, %dma_wait3A_154] : memref<80x128xi32, #tpu.memory_space<vmem>> -> memref<1x128xi32, #tpu.memory_space<vmem>>
        %dma_wait3A_156 = tpu.memref_squeeze %dma_wait3A_155 : memref<1x128xi32, #tpu.memory_space<vmem>> -> memref<128xi32, #tpu.memory_space<vmem>>
        %dma_wait3A_157 = arith.constant 0 : i32
        %dma_wait3A_158 = arith.constant 0 : i32
        %dma_wait3A_159 = tpu.memref_slice %arg12[%dma_wait3A_157, %dma_wait3A_158] : memref<10112x32xf32, #tpu.memory_space<vmem_shared>> -> memref<10112x32xf32, #tpu.memory_space<vmem_shared>>
        tpu.wait_indirect_dma semaphore(%run_scoped3A_147 : memref<!tpu.dma_semaphore, #tpu.memory_space<semaphore_mem>>) src(%arg9 : memref<128x32xf32, #tpu.memory_space<vmem>>) dst(%dma_wait3A_159 : memref<10112x32xf32, #tpu.memory_space<vmem_shared>>)
        tpu.yield
      }) : () -> ()
    }
    %scan3A_23 = arith.constant 39 : i32
    %dma_start3A_24 = arith.constant 79 : i32
    %dma_start3A_25 = arith.constant 0 : i32
    %dma_start3A_26 = tpu.memref_slice %arg6[%dma_start3A_24, %dma_start3A_25] : memref<80x128xi32, #tpu.memory_space<vmem>> -> memref<1x128xi32, #tpu.memory_space<vmem>>
    %dma_start3A_27 = tpu.memref_squeeze %dma_start3A_26 : memref<1x128xi32, #tpu.memory_space<vmem>> -> memref<128xi32, #tpu.memory_space<vmem>>
    %dma_start3A_28 = arith.constant 0 : i32
    %dma_start3A_29 = arith.constant 0 : i32
    %dma_start3A_30 = tpu.memref_slice %arg11[%dma_start3A_28, %dma_start3A_29] : memref<10000x32xf32, #tpu.memory_space<vmem_shared>> -> memref<10000x32xf32, #tpu.memory_space<vmem_shared>>
    tpu.enqueue_indirect_dma source(%dma_start3A_30 : memref<10000x32xf32, #tpu.memory_space<vmem_shared>>) target(%arg9 : memref<128x32xf32, #tpu.memory_space<vmem>>) offsets(%dma_start3A_27 : memref<128xi32, #tpu.memory_space<vmem>>) semaphore(%arg14 : memref<!tpu.dma_semaphore, #tpu.memory_space<semaphore_mem>>)
    %dma_wait3A = arith.constant 78 : i32
    %dma_wait3A_31 = arith.constant 0 : i32
    %dma_wait3A_32 = tpu.memref_slice %arg6[%dma_wait3A, %dma_wait3A_31] : memref<80x128xi32, #tpu.memory_space<vmem>> -> memref<1x128xi32, #tpu.memory_space<vmem>>
    %dma_wait3A_33 = tpu.memref_squeeze %dma_wait3A_32 : memref<1x128xi32, #tpu.memory_space<vmem>> -> memref<128xi32, #tpu.memory_space<vmem>>
    %dma_wait3A_34 = arith.constant 0 : i32
    %dma_wait3A_35 = arith.constant 0 : i32
    %dma_wait3A_36 = tpu.memref_slice %arg11[%dma_wait3A_34, %dma_wait3A_35] : memref<10000x32xf32, #tpu.memory_space<vmem_shared>> -> memref<10000x32xf32, #tpu.memory_space<vmem_shared>>
    tpu.wait_indirect_dma semaphore(%arg13 : memref<!tpu.dma_semaphore, #tpu.memory_space<semaphore_mem>>) src(%dma_wait3A_36 : memref<10000x32xf32, #tpu.memory_space<vmem_shared>>) dst(%arg8 : memref<128x32xf32, #tpu.memory_space<vmem>>)
    %run_scoped3A = arith.constant 78 : i32
    "tpu.region"() ({
      %run_scoped3A_112 = tpu.sem_alloc : memref<!tpu.dma_semaphore, #tpu.memory_space<semaphore_mem>>
      %dma_start3A_113 = arith.constant 0 : i32
      %dma_start3A_114 = tpu.memref_slice %arg7[%run_scoped3A, %dma_start3A_113] : memref<80x128xi32, #tpu.memory_space<vmem>> -> memref<1x128xi32, #tpu.memory_space<vmem>>
      %dma_start3A_115 = tpu.memref_squeeze %dma_start3A_114 : memref<1x128xi32, #tpu.memory_space<vmem>> -> memref<128xi32, #tpu.memory_space<vmem>>
      %dma_start3A_116 = arith.constant 0 : i32
      %dma_start3A_117 = arith.constant 0 : i32
      %dma_start3A_118 = tpu.memref_slice %arg12[%dma_start3A_116, %dma_start3A_117] : memref<10112x32xf32, #tpu.memory_space<vmem_shared>> -> memref<10112x32xf32, #tpu.memory_space<vmem_shared>>
      tpu.enqueue_indirect_dma source(%arg8 : memref<128x32xf32, #tpu.memory_space<vmem>>) target(%dma_start3A_118 : memref<10112x32xf32, #tpu.memory_space<vmem_shared>>) offsets(%dma_start3A_115 : memref<128xi32, #tpu.memory_space<vmem>>) semaphore(%run_scoped3A_112 : memref<!tpu.dma_semaphore, #tpu.memory_space<semaphore_mem>>) {add = true}
      %dma_wait3A_119 = arith.constant 0 : i32
      %dma_wait3A_120 = tpu.memref_slice %arg7[%run_scoped3A, %dma_wait3A_119] : memref<80x128xi32, #tpu.memory_space<vmem>> -> memref<1x128xi32, #tpu.memory_space<vmem>>
      %dma_wait3A_121 = tpu.memref_squeeze %dma_wait3A_120 : memref<1x128xi32, #tpu.memory_space<vmem>> -> memref<128xi32, #tpu.memory_space<vmem>>
      %dma_wait3A_122 = arith.constant 0 : i32
      %dma_wait3A_123 = arith.constant 0 : i32
      %dma_wait3A_124 = tpu.memref_slice %arg12[%dma_wait3A_122, %dma_wait3A_123] : memref<10112x32xf32, #tpu.memory_space<vmem_shared>> -> memref<10112x32xf32, #tpu.memory_space<vmem_shared>>
      tpu.wait_indirect_dma semaphore(%run_scoped3A_112 : memref<!tpu.dma_semaphore, #tpu.memory_space<semaphore_mem>>) src(%arg8 : memref<128x32xf32, #tpu.memory_space<vmem>>) dst(%dma_wait3A_124 : memref<10112x32xf32, #tpu.memory_space<vmem_shared>>)
      tpu.yield
    }) : () -> ()
    %dma_wait3A_37 = arith.constant 79 : i32
    %dma_wait3A_38 = arith.constant 0 : i32
    %dma_wait3A_39 = tpu.memref_slice %arg6[%dma_wait3A_37, %dma_wait3A_38] : memref<80x128xi32, #tpu.memory_space<vmem>> -> memref<1x128xi32, #tpu.memory_space<vmem>>
    %dma_wait3A_40 = tpu.memref_squeeze %dma_wait3A_39 : memref<1x128xi32, #tpu.memory_space<vmem>> -> memref<128xi32, #tpu.memory_space<vmem>>
    %dma_wait3A_41 = arith.constant 0 : i32
    %dma_wait3A_42 = arith.constant 0 : i32
    %dma_wait3A_43 = tpu.memref_slice %arg11[%dma_wait3A_41, %dma_wait3A_42] : memref<10000x32xf32, #tpu.memory_space<vmem_shared>> -> memref<10000x32xf32, #tpu.memory_space<vmem_shared>>
    tpu.wait_indirect_dma semaphore(%arg14 : memref<!tpu.dma_semaphore, #tpu.memory_space<semaphore_mem>>) src(%dma_wait3A_43 : memref<10000x32xf32, #tpu.memory_space<vmem_shared>>) dst(%arg9 : memref<128x32xf32, #tpu.memory_space<vmem>>)
    %run_scoped3A_44 = arith.constant 79 : i32
    "tpu.region"() ({
      %run_scoped3A_112 = tpu.sem_alloc : memref<!tpu.dma_semaphore, #tpu.memory_space<semaphore_mem>>
      %dma_start3A_113 = arith.constant 0 : i32
      %dma_start3A_114 = tpu.memref_slice %arg7[%run_scoped3A_44, %dma_start3A_113] : memref<80x128xi32, #tpu.memory_space<vmem>> -> memref<1x128xi32, #tpu.memory_space<vmem>>
      %dma_start3A_115 = tpu.memref_squeeze %dma_start3A_114 : memref<1x128xi32, #tpu.memory_space<vmem>> -> memref<128xi32, #tpu.memory_space<vmem>>
      %dma_start3A_116 = arith.constant 0 : i32
      %dma_start3A_117 = arith.constant 0 : i32
      %dma_start3A_118 = tpu.memref_slice %arg12[%dma_start3A_116, %dma_start3A_117] : memref<10112x32xf32, #tpu.memory_space<vmem_shared>> -> memref<10112x32xf32, #tpu.memory_space<vmem_shared>>
      tpu.enqueue_indirect_dma source(%arg9 : memref<128x32xf32, #tpu.memory_space<vmem>>) target(%dma_start3A_118 : memref<10112x32xf32, #tpu.memory_space<vmem_shared>>) offsets(%dma_start3A_115 : memref<128xi32, #tpu.memory_space<vmem>>) semaphore(%run_scoped3A_112 : memref<!tpu.dma_semaphore, #tpu.memory_space<semaphore_mem>>) {add = true}
      %dma_wait3A_119 = arith.constant 0 : i32
      %dma_wait3A_120 = tpu.memref_slice %arg7[%run_scoped3A_44, %dma_wait3A_119] : memref<80x128xi32, #tpu.memory_space<vmem>> -> memref<1x128xi32, #tpu.memory_space<vmem>>
      %dma_wait3A_121 = tpu.memref_squeeze %dma_wait3A_120 : memref<1x128xi32, #tpu.memory_space<vmem>> -> memref<128xi32, #tpu.memory_space<vmem>>
      %dma_wait3A_122 = arith.constant 0 : i32
      %dma_wait3A_123 = arith.constant 0 : i32
      %dma_wait3A_124 = tpu.memref_slice %arg12[%dma_wait3A_122, %dma_wait3A_123] : memref<10112x32xf32, #tpu.memory_space<vmem_shared>> -> memref<10112x32xf32, #tpu.memory_space<vmem_shared>>
      tpu.wait_indirect_dma semaphore(%run_scoped3A_112 : memref<!tpu.dma_semaphore, #tpu.memory_space<semaphore_mem>>) src(%arg9 : memref<128x32xf32, #tpu.memory_space<vmem>>) dst(%dma_wait3A_124 : memref<10112x32xf32, #tpu.memory_space<vmem_shared>>)
      tpu.yield
    }) : () -> ()
    %barrier3A_45 = arith.constant 0 : index
    tpu.barrier barrier_id(%barrier3A_45)
    %mul3A_46 = arith.constant 632 : i32
    %mul3A_47 = arith.muli %arg1, %mul3A_46 : i32
    "tpu.region"() ({
      %run_scoped3A_112 = tpu.sem_alloc : memref<!tpu.dma_semaphore, #tpu.memory_space<semaphore_mem>>
      %dma_start3A_113 = arith.constant 0 : i32
      %dma_start3A_114 = tpu.memref_slice %arg12[%mul3A_47, %dma_start3A_113] : memref<10112x32xf32, #tpu.memory_space<vmem_shared>> -> memref<632x32xf32, #tpu.memory_space<vmem_shared>>
      %dma_start3A_115 = arith.constant 0 : i32
      %dma_start3A_116 = tpu.memref_slice %arg12[%mul3A_47, %dma_start3A_115] : memref<10112x32xf32, #tpu.memory_space<vmem_shared>> -> memref<632x32xf32, #tpu.memory_space<vmem_shared>>
      tpu.enqueue_dma source(%dma_start3A_116 : memref<632x32xf32, #tpu.memory_space<vmem_shared>>) target(%arg10 : memref<632x32xf32, #tpu.memory_space<vmem>>) target_semaphore(%run_scoped3A_112 : memref<!tpu.dma_semaphore, #tpu.memory_space<semaphore_mem>>)
      %dma_wait3A_117 = arith.constant 0 : i32
      %dma_wait3A_118 = tpu.memref_slice %arg12[%mul3A_47, %dma_wait3A_117] : memref<10112x32xf32, #tpu.memory_space<vmem_shared>> -> memref<632x32xf32, #tpu.memory_space<vmem_shared>>
      %dma_wait3A_119 = arith.constant 0 : i32
      %dma_wait3A_120 = tpu.memref_slice %arg12[%mul3A_47, %dma_wait3A_119] : memref<10112x32xf32, #tpu.memory_space<vmem_shared>> -> memref<632x32xf32, #tpu.memory_space<vmem_shared>>
      tpu.wait_dma2 semaphore(%run_scoped3A_112 : memref<!tpu.dma_semaphore, #tpu.memory_space<semaphore_mem>>) src(%dma_wait3A_120 : memref<632x32xf32, #tpu.memory_space<vmem_shared>>) dst(%arg10 : memref<632x32xf32, #tpu.memory_space<vmem>>)
      tpu.yield
    }) : () -> ()
    %mul3A_48 = arith.constant 632 : i32
    %mul3A_49 = arith.muli %arg1, %mul3A_48 : i32
    %run_scoped3A_50 = arith.constant 0 : i32
    "tpu.region"() ({
      %run_scoped3A_112 = tpu.sem_alloc : memref<!tpu.dma_semaphore, #tpu.memory_space<semaphore_mem>>
      %dma_start3A_113 = arith.constant 0 : i32
      %dma_start3A_114 = tpu.memref_slice %arg5[%arg0, %run_scoped3A_50, %mul3A_49, %dma_start3A_113] : memref<2x2x10112x128xf32, #tpu.memory_space<hbm>> -> memref<1x1x632x32xf32, #tpu.memory_space<hbm>>
      %dma_start3A_115 = tpu.memref_squeeze %dma_start3A_114 : memref<1x1x632x32xf32, #tpu.memory_space<hbm>> -> memref<632x32xf32, #tpu.memory_space<hbm>>
      %dma_start3A_116 = arith.constant 0 : i32
      %dma_start3A_117 = tpu.memref_slice %arg5[%arg0, %run_scoped3A_50, %mul3A_49, %dma_start3A_116] : memref<2x2x10112x128xf32, #tpu.memory_space<hbm>> -> memref<1x1x632x32xf32, #tpu.memory_space<hbm>>
      %dma_start3A_118 = tpu.memref_squeeze %dma_start3A_117 : memref<1x1x632x32xf32, #tpu.memory_space<hbm>> -> memref<632x32xf32, #tpu.memory_space<hbm>>
      tpu.enqueue_dma source(%arg10 : memref<632x32xf32, #tpu.memory_space<vmem>>) target(%dma_start3A_118 : memref<632x32xf32, #tpu.memory_space<hbm>>) target_semaphore(%run_scoped3A_112 : memref<!tpu.dma_semaphore, #tpu.memory_space<semaphore_mem>>)
      %dma_wait3A_119 = arith.constant 0 : i32
      %dma_wait3A_120 = tpu.memref_slice %arg5[%arg0, %run_scoped3A_50, %mul3A_49, %dma_wait3A_119] : memref<2x2x10112x128xf32, #tpu.memory_space<hbm>> -> memref<1x1x632x32xf32, #tpu.memory_space<hbm>>
      %dma_wait3A_121 = tpu.memref_squeeze %dma_wait3A_120 : memref<1x1x632x32xf32, #tpu.memory_space<hbm>> -> memref<632x32xf32, #tpu.memory_space<hbm>>
      %dma_wait3A_122 = arith.constant 0 : i32
      %dma_wait3A_123 = tpu.memref_slice %arg5[%arg0, %run_scoped3A_50, %mul3A_49, %dma_wait3A_122] : memref<2x2x10112x128xf32, #tpu.memory_space<hbm>> -> memref<1x1x632x32xf32, #tpu.memory_space<hbm>>
      %dma_wait3A_124 = tpu.memref_squeeze %dma_wait3A_123 : memref<1x1x632x32xf32, #tpu.memory_space<hbm>> -> memref<632x32xf32, #tpu.memory_space<hbm>>
      tpu.wait_dma2 semaphore(%run_scoped3A_112 : memref<!tpu.dma_semaphore, #tpu.memory_space<semaphore_mem>>) src(%arg10 : memref<632x32xf32, #tpu.memory_space<vmem>>) dst(%dma_wait3A_124 : memref<632x32xf32, #tpu.memory_space<hbm>>)
      tpu.yield
    }) : () -> ()
    %scan3A_51 = arith.constant 0 : i32
    %scan3A_52 = arith.constant 0 : i32
    %scan3A_53 = arith.constant 632 : i32
    %scan3A_54 = arith.addi %scan3A_52, %scan3A_53 : i32
    %scan3A_55 = arith.constant 1 : i32
    scf.for %scan3A_112 = %scan3A_52 to %scan3A_54 step %scan3A_55  : i32 {
      %broadcast_in_dim3A = arith.constant 0.000000e+00 : f32
      %broadcast_in_dim3A_113 = vector.broadcast %broadcast_in_dim3A : f32 to vector<16xf32>
      %swap3A = arith.index_cast %scan3A_112 : i32 to index
      %swap3A_114 = arith.constant 0 : index
      %swap3A_115 = tpu.vector_load %arg10[%swap3A, %swap3A_114] {strides = array<i32>} : memref<632x32xf32, #tpu.memory_space<vmem>>, vector<1x16xf32>,
      %swap3A_116 = vector.shape_cast %swap3A_115 : vector<1x16xf32> to vector<16xf32>
      %swap3A_117 = vector.shape_cast %broadcast_in_dim3A_113 : vector<16xf32> to vector<1x16xf32>
      tpu.vector_store %arg10[%swap3A, %swap3A_114], %swap3A_117 {strides = array<i32>} : memref<632x32xf32, #tpu.memory_space<vmem>>, vector<1x16xf32>,
      %broadcast_in_dim3A_118 = arith.constant 0.000000e+00 : f32
      %broadcast_in_dim3A_119 = vector.broadcast %broadcast_in_dim3A_118 : f32 to vector<16xf32>
      %swap3A_120 = arith.index_cast %scan3A_112 : i32 to index
      %swap3A_121 = arith.constant 16 : index
      %swap3A_122 = tpu.vector_load %arg10[%swap3A_120, %swap3A_121] {strides = array<i32>} : memref<632x32xf32, #tpu.memory_space<vmem>>, vector<1x16xf32>,
      %swap3A_123 = vector.shape_cast %swap3A_122 : vector<1x16xf32> to vector<16xf32>
      %swap3A_124 = vector.shape_cast %broadcast_in_dim3A_119 : vector<16xf32> to vector<1x16xf32>
      tpu.vector_store %arg10[%swap3A_120, %swap3A_121], %swap3A_124 {strides = array<i32>} : memref<632x32xf32, #tpu.memory_space<vmem>>, vector<1x16xf32>,
    }
    %scan3A_56 = arith.constant 632 : i32
    %mul3A_57 = arith.constant 632 : i32
    %mul3A_58 = arith.muli %arg1, %mul3A_57 : i32
    "tpu.region"() ({
      %run_scoped3A_112 = tpu.sem_alloc : memref<!tpu.dma_semaphore, #tpu.memory_space<semaphore_mem>>
      %dma_start3A_113 = arith.constant 0 : i32
      %dma_start3A_114 = tpu.memref_slice %arg12[%mul3A_58, %dma_start3A_113] : memref<10112x32xf32, #tpu.memory_space<vmem_shared>> -> memref<632x32xf32, #tpu.memory_space<vmem_shared>>
      %dma_start3A_115 = arith.constant 0 : i32
      %dma_start3A_116 = tpu.memref_slice %arg12[%mul3A_58, %dma_start3A_115] : memref<10112x32xf32, #tpu.memory_space<vmem_shared>> -> memref<632x32xf32, #tpu.memory_space<vmem_shared>>
      tpu.enqueue_dma source(%arg10 : memref<632x32xf32, #tpu.memory_space<vmem>>) target(%dma_start3A_116 : memref<632x32xf32, #tpu.memory_space<vmem_shared>>) target_semaphore(%run_scoped3A_112 : memref<!tpu.dma_semaphore, #tpu.memory_space<semaphore_mem>>)
      %dma_wait3A_117 = arith.constant 0 : i32
      %dma_wait3A_118 = tpu.memref_slice %arg12[%mul3A_58, %dma_wait3A_117] : memref<10112x32xf32, #tpu.memory_space<vmem_shared>> -> memref<632x32xf32, #tpu.memory_space<vmem_shared>>
      %dma_wait3A_119 = arith.constant 0 : i32
      %dma_wait3A_120 = tpu.memref_slice %arg12[%mul3A_58, %dma_wait3A_119] : memref<10112x32xf32, #tpu.memory_space<vmem_shared>> -> memref<632x32xf32, #tpu.memory_space<vmem_shared>>
      tpu.wait_dma2 semaphore(%run_scoped3A_112 : memref<!tpu.dma_semaphore, #tpu.memory_space<semaphore_mem>>) src(%arg10 : memref<632x32xf32, #tpu.memory_space<vmem>>) dst(%dma_wait3A_120 : memref<632x32xf32, #tpu.memory_space<vmem_shared>>)
      tpu.yield
    }) : () -> ()
    %mul3A_59 = arith.constant 625 : i32
    %mul3A_60 = arith.muli %arg1, %mul3A_59 : i32
    %mul3A_61 = arith.constant 625 : i32
    %mul3A_62 = arith.muli %arg1, %mul3A_61 : i32
    "tpu.region"() ({
      %run_scoped3A_112 = tpu.sem_alloc : memref<!tpu.dma_semaphore, #tpu.memory_space<semaphore_mem>>
      %dma_start3A_113 = arith.constant 0 : i32
      %dma_start3A_114 = tpu.memref_slice %arg11[%mul3A_62, %dma_start3A_113] : memref<10000x32xf32, #tpu.memory_space<vmem_shared>> -> memref<625x32xf32, #tpu.memory_space<vmem_shared>>
      %dma_start3A_115 = arith.constant 32 : i32
      %dma_start3A_116 = tpu.memref_slice %arg2[%mul3A_60, %dma_start3A_115] : memref<10000x128xf32, #tpu.memory_space<hbm>> -> memref<625x32xf32, #tpu.memory_space<hbm>>
      tpu.enqueue_dma source(%dma_start3A_116 : memref<625x32xf32, #tpu.memory_space<hbm>>) target(%dma_start3A_114 : memref<625x32xf32, #tpu.memory_space<vmem_shared>>) target_semaphore(%run_scoped3A_112 : memref<!tpu.dma_semaphore, #tpu.memory_space<semaphore_mem>>)
      %dma_wait3A_117 = arith.constant 0 : i32
      %dma_wait3A_118 = tpu.memref_slice %arg11[%mul3A_62, %dma_wait3A_117] : memref<10000x32xf32, #tpu.memory_space<vmem_shared>> -> memref<625x32xf32, #tpu.memory_space<vmem_shared>>
      %dma_wait3A_119 = arith.constant 32 : i32
      %dma_wait3A_120 = tpu.memref_slice %arg2[%mul3A_60, %dma_wait3A_119] : memref<10000x128xf32, #tpu.memory_space<hbm>> -> memref<625x32xf32, #tpu.memory_space<hbm>>
      tpu.wait_dma2 semaphore(%run_scoped3A_112 : memref<!tpu.dma_semaphore, #tpu.memory_space<semaphore_mem>>) src(%dma_wait3A_120 : memref<625x32xf32, #tpu.memory_space<hbm>>) dst(%dma_wait3A_118 : memref<625x32xf32, #tpu.memory_space<vmem_shared>>)
      tpu.yield
    }) : () -> ()
    %barrier3A_63 = arith.constant 0 : index
    tpu.barrier barrier_id(%barrier3A_63)
    %dma_start3A_64 = arith.constant 0 : i32
    %dma_start3A_65 = arith.constant 0 : i32
    %dma_start3A_66 = tpu.memref_slice %arg6[%dma_start3A_64, %dma_start3A_65] : memref<80x128xi32, #tpu.memory_space<vmem>> -> memref<1x128xi32, #tpu.memory_space<vmem>>
    %dma_start3A_67 = tpu.memref_squeeze %dma_start3A_66 : memref<1x128xi32, #tpu.memory_space<vmem>> -> memref<128xi32, #tpu.memory_space<vmem>>
    %dma_start3A_68 = arith.constant 0 : i32
    %dma_start3A_69 = arith.constant 0 : i32
    %dma_start3A_70 = tpu.memref_slice %arg11[%dma_start3A_68, %dma_start3A_69] : memref<10000x32xf32, #tpu.memory_space<vmem_shared>> -> memref<10000x32xf32, #tpu.memory_space<vmem_shared>>
    tpu.enqueue_indirect_dma source(%dma_start3A_70 : memref<10000x32xf32, #tpu.memory_space<vmem_shared>>) target(%arg8 : memref<128x32xf32, #tpu.memory_space<vmem>>) offsets(%dma_start3A_67 : memref<128xi32, #tpu.memory_space<vmem>>) semaphore(%arg13 : memref<!tpu.dma_semaphore, #tpu.memory_space<semaphore_mem>>)
    %scan3A_71 = arith.constant 0 : i32
    %scan3A_72 = arith.constant 0 : i32
    %scan3A_73 = arith.constant 39 : i32
    %scan3A_74 = arith.addi %scan3A_72, %scan3A_73 : i32
    %scan3A_75 = arith.constant 1 : i32
    scf.for %scan3A_112 = %scan3A_72 to %scan3A_74 step %scan3A_75  : i32 {
      %mul3A_113 = arith.constant 2 : i32
      %mul3A_114 = arith.muli %mul3A_113, %scan3A_112 : i32
      %add3A_115 = arith.constant 1 : i32
      %add3A_116 = arith.addi %mul3A_114, %add3A_115 : i32
      %dma_start3A_117 = arith.constant 0 : i32
      %dma_start3A_118 = tpu.memref_slice %arg6[%add3A_116, %dma_start3A_117] : memref<80x128xi32, #tpu.memory_space<vmem>> -> memref<1x128xi32, #tpu.memory_space<vmem>>
      %dma_start3A_119 = tpu.memref_squeeze %dma_start3A_118 : memref<1x128xi32, #tpu.memory_space<vmem>> -> memref<128xi32, #tpu.memory_space<vmem>>
      %dma_start3A_120 = arith.constant 0 : i32
      %dma_start3A_121 = arith.constant 0 : i32
      %dma_start3A_122 = tpu.memref_slice %arg11[%dma_start3A_120, %dma_start3A_121] : memref<10000x32xf32, #tpu.memory_space<vmem_shared>> -> memref<10000x32xf32, #tpu.memory_space<vmem_shared>>
      tpu.enqueue_indirect_dma source(%dma_start3A_122 : memref<10000x32xf32, #tpu.memory_space<vmem_shared>>) target(%arg9 : memref<128x32xf32, #tpu.memory_space<vmem>>) offsets(%dma_start3A_119 : memref<128xi32, #tpu.memory_space<vmem>>) semaphore(%arg14 : memref<!tpu.dma_semaphore, #tpu.memory_space<semaphore_mem>>)
      %dma_wait3A_123 = arith.constant 0 : i32
      %dma_wait3A_124 = tpu.memref_slice %arg6[%mul3A_114, %dma_wait3A_123] : memref<80x128xi32, #tpu.memory_space<vmem>> -> memref<1x128xi32, #tpu.memory_space<vmem>>
      %dma_wait3A_125 = tpu.memref_squeeze %dma_wait3A_124 : memref<1x128xi32, #tpu.memory_space<vmem>> -> memref<128xi32, #tpu.memory_space<vmem>>
      %dma_wait3A_126 = arith.constant 0 : i32
      %dma_wait3A_127 = arith.constant 0 : i32
      %dma_wait3A_128 = tpu.memref_slice %arg11[%dma_wait3A_126, %dma_wait3A_127] : memref<10000x32xf32, #tpu.memory_space<vmem_shared>> -> memref<10000x32xf32, #tpu.memory_space<vmem_shared>>
      tpu.wait_indirect_dma semaphore(%arg13 : memref<!tpu.dma_semaphore, #tpu.memory_space<semaphore_mem>>) src(%dma_wait3A_128 : memref<10000x32xf32, #tpu.memory_space<vmem_shared>>) dst(%arg8 : memref<128x32xf32, #tpu.memory_space<vmem>>)
      "tpu.region"() ({
        %run_scoped3A_147 = tpu.sem_alloc : memref<!tpu.dma_semaphore, #tpu.memory_space<semaphore_mem>>
        %dma_start3A_148 = arith.constant 0 : i32
        %dma_start3A_149 = tpu.memref_slice %arg7[%mul3A_114, %dma_start3A_148] : memref<80x128xi32, #tpu.memory_space<vmem>> -> memref<1x128xi32, #tpu.memory_space<vmem>>
        %dma_start3A_150 = tpu.memref_squeeze %dma_start3A_149 : memref<1x128xi32, #tpu.memory_space<vmem>> -> memref<128xi32, #tpu.memory_space<vmem>>
        %dma_start3A_151 = arith.constant 0 : i32
        %dma_start3A_152 = arith.constant 0 : i32
        %dma_start3A_153 = tpu.memref_slice %arg12[%dma_start3A_151, %dma_start3A_152] : memref<10112x32xf32, #tpu.memory_space<vmem_shared>> -> memref<10112x32xf32, #tpu.memory_space<vmem_shared>>
        tpu.enqueue_indirect_dma source(%arg8 : memref<128x32xf32, #tpu.memory_space<vmem>>) target(%dma_start3A_153 : memref<10112x32xf32, #tpu.memory_space<vmem_shared>>) offsets(%dma_start3A_150 : memref<128xi32, #tpu.memory_space<vmem>>) semaphore(%run_scoped3A_147 : memref<!tpu.dma_semaphore, #tpu.memory_space<semaphore_mem>>) {add = true}
        %dma_wait3A_154 = arith.constant 0 : i32
        %dma_wait3A_155 = tpu.memref_slice %arg7[%mul3A_114, %dma_wait3A_154] : memref<80x128xi32, #tpu.memory_space<vmem>> -> memref<1x128xi32, #tpu.memory_space<vmem>>
        %dma_wait3A_156 = tpu.memref_squeeze %dma_wait3A_155 : memref<1x128xi32, #tpu.memory_space<vmem>> -> memref<128xi32, #tpu.memory_space<vmem>>
        %dma_wait3A_157 = arith.constant 0 : i32
        %dma_wait3A_158 = arith.constant 0 : i32
        %dma_wait3A_159 = tpu.memref_slice %arg12[%dma_wait3A_157, %dma_wait3A_158] : memref<10112x32xf32, #tpu.memory_space<vmem_shared>> -> memref<10112x32xf32, #tpu.memory_space<vmem_shared>>
        tpu.wait_indirect_dma semaphore(%run_scoped3A_147 : memref<!tpu.dma_semaphore, #tpu.memory_space<semaphore_mem>>) src(%arg8 : memref<128x32xf32, #tpu.memory_space<vmem>>) dst(%dma_wait3A_159 : memref<10112x32xf32, #tpu.memory_space<vmem_shared>>)
        tpu.yield
      }) : () -> ()
      %add3A_129 = arith.constant 2 : i32
      %add3A_130 = arith.addi %mul3A_114, %add3A_129 : i32
      %dma_start3A_131 = arith.constant 0 : i32
      %dma_start3A_132 = tpu.memref_slice %arg6[%add3A_130, %dma_start3A_131] : memref<80x128xi32, #tpu.memory_space<vmem>> -> memref<1x128xi32, #tpu.memory_space<vmem>>
      %dma_start3A_133 = tpu.memref_squeeze %dma_start3A_132 : memref<1x128xi32, #tpu.memory_space<vmem>> -> memref<128xi32, #tpu.memory_space<vmem>>
      %dma_start3A_134 = arith.constant 0 : i32
      %dma_start3A_135 = arith.constant 0 : i32
      %dma_start3A_136 = tpu.memref_slice %arg11[%dma_start3A_134, %dma_start3A_135] : memref<10000x32xf32, #tpu.memory_space<vmem_shared>> -> memref<10000x32xf32, #tpu.memory_space<vmem_shared>>
      tpu.enqueue_indirect_dma source(%dma_start3A_136 : memref<10000x32xf32, #tpu.memory_space<vmem_shared>>) target(%arg8 : memref<128x32xf32, #tpu.memory_space<vmem>>) offsets(%dma_start3A_133 : memref<128xi32, #tpu.memory_space<vmem>>) semaphore(%arg13 : memref<!tpu.dma_semaphore, #tpu.memory_space<semaphore_mem>>)
      %add3A_137 = arith.constant 1 : i32
      %add3A_138 = arith.addi %mul3A_114, %add3A_137 : i32
      %dma_wait3A_139 = arith.constant 0 : i32
      %dma_wait3A_140 = tpu.memref_slice %arg6[%add3A_138, %dma_wait3A_139] : memref<80x128xi32, #tpu.memory_space<vmem>> -> memref<1x128xi32, #tpu.memory_space<vmem>>
      %dma_wait3A_141 = tpu.memref_squeeze %dma_wait3A_140 : memref<1x128xi32, #tpu.memory_space<vmem>> -> memref<128xi32, #tpu.memory_space<vmem>>
      %dma_wait3A_142 = arith.constant 0 : i32
      %dma_wait3A_143 = arith.constant 0 : i32
      %dma_wait3A_144 = tpu.memref_slice %arg11[%dma_wait3A_142, %dma_wait3A_143] : memref<10000x32xf32, #tpu.memory_space<vmem_shared>> -> memref<10000x32xf32, #tpu.memory_space<vmem_shared>>
      tpu.wait_indirect_dma semaphore(%arg14 : memref<!tpu.dma_semaphore, #tpu.memory_space<semaphore_mem>>) src(%dma_wait3A_144 : memref<10000x32xf32, #tpu.memory_space<vmem_shared>>) dst(%arg9 : memref<128x32xf32, #tpu.memory_space<vmem>>)
      %add3A_145 = arith.constant 1 : i32
      %add3A_146 = arith.addi %mul3A_114, %add3A_145 : i32
      "tpu.region"() ({
        %run_scoped3A_147 = tpu.sem_alloc : memref<!tpu.dma_semaphore, #tpu.memory_space<semaphore_mem>>
        %dma_start3A_148 = arith.constant 0 : i32
        %dma_start3A_149 = tpu.memref_slice %arg7[%add3A_146, %dma_start3A_148] : memref<80x128xi32, #tpu.memory_space<vmem>> -> memref<1x128xi32, #tpu.memory_space<vmem>>
        %dma_start3A_150 = tpu.memref_squeeze %dma_start3A_149 : memref<1x128xi32, #tpu.memory_space<vmem>> -> memref<128xi32, #tpu.memory_space<vmem>>
        %dma_start3A_151 = arith.constant 0 : i32
        %dma_start3A_152 = arith.constant 0 : i32
        %dma_start3A_153 = tpu.memref_slice %arg12[%dma_start3A_151, %dma_start3A_152] : memref<10112x32xf32, #tpu.memory_space<vmem_shared>> -> memref<10112x32xf32, #tpu.memory_space<vmem_shared>>
        tpu.enqueue_indirect_dma source(%arg9 : memref<128x32xf32, #tpu.memory_space<vmem>>) target(%dma_start3A_153 : memref<10112x32xf32, #tpu.memory_space<vmem_shared>>) offsets(%dma_start3A_150 : memref<128xi32, #tpu.memory_space<vmem>>) semaphore(%run_scoped3A_147 : memref<!tpu.dma_semaphore, #tpu.memory_space<semaphore_mem>>) {add = true}
        %dma_wait3A_154 = arith.constant 0 : i32
        %dma_wait3A_155 = tpu.memref_slice %arg7[%add3A_146, %dma_wait3A_154] : memref<80x128xi32, #tpu.memory_space<vmem>> -> memref<1x128xi32, #tpu.memory_space<vmem>>
        %dma_wait3A_156 = tpu.memref_squeeze %dma_wait3A_155 : memref<1x128xi32, #tpu.memory_space<vmem>> -> memref<128xi32, #tpu.memory_space<vmem>>
        %dma_wait3A_157 = arith.constant 0 : i32
        %dma_wait3A_158 = arith.constant 0 : i32
        %dma_wait3A_159 = tpu.memref_slice %arg12[%dma_wait3A_157, %dma_wait3A_158] : memref<10112x32xf32, #tpu.memory_space<vmem_shared>> -> memref<10112x32xf32, #tpu.memory_space<vmem_shared>>
        tpu.wait_indirect_dma semaphore(%run_scoped3A_147 : memref<!tpu.dma_semaphore, #tpu.memory_space<semaphore_mem>>) src(%arg9 : memref<128x32xf32, #tpu.memory_space<vmem>>) dst(%dma_wait3A_159 : memref<10112x32xf32, #tpu.memory_space<vmem_shared>>)
        tpu.yield
      }) : () -> ()
    }
    %scan3A_76 = arith.constant 39 : i32
    %dma_start3A_77 = arith.constant 79 : i32
    %dma_start3A_78 = arith.constant 0 : i32
    %dma_start3A_79 = tpu.memref_slice %arg6[%dma_start3A_77, %dma_start3A_78] : memref<80x128xi32, #tpu.memory_space<vmem>> -> memref<1x128xi32, #tpu.memory_space<vmem>>
    %dma_start3A_80 = tpu.memref_squeeze %dma_start3A_79 : memref<1x128xi32, #tpu.memory_space<vmem>> -> memref<128xi32, #tpu.memory_space<vmem>>
    %dma_start3A_81 = arith.constant 0 : i32
    %dma_start3A_82 = arith.constant 0 : i32
    %dma_start3A_83 = tpu.memref_slice %arg11[%dma_start3A_81, %dma_start3A_82] : memref<10000x32xf32, #tpu.memory_space<vmem_shared>> -> memref<10000x32xf32, #tpu.memory_space<vmem_shared>>
    tpu.enqueue_indirect_dma source(%dma_start3A_83 : memref<10000x32xf32, #tpu.memory_space<vmem_shared>>) target(%arg9 : memref<128x32xf32, #tpu.memory_space<vmem>>) offsets(%dma_start3A_80 : memref<128xi32, #tpu.memory_space<vmem>>) semaphore(%arg14 : memref<!tpu.dma_semaphore, #tpu.memory_space<semaphore_mem>>)
    %dma_wait3A_84 = arith.constant 78 : i32
    %dma_wait3A_85 = arith.constant 0 : i32
    %dma_wait3A_86 = tpu.memref_slice %arg6[%dma_wait3A_84, %dma_wait3A_85] : memref<80x128xi32, #tpu.memory_space<vmem>> -> memref<1x128xi32, #tpu.memory_space<vmem>>
    %dma_wait3A_87 = tpu.memref_squeeze %dma_wait3A_86 : memref<1x128xi32, #tpu.memory_space<vmem>> -> memref<128xi32, #tpu.memory_space<vmem>>
    %dma_wait3A_88 = arith.constant 0 : i32
    %dma_wait3A_89 = arith.constant 0 : i32
    %dma_wait3A_90 = tpu.memref_slice %arg11[%dma_wait3A_88, %dma_wait3A_89] : memref<10000x32xf32, #tpu.memory_space<vmem_shared>> -> memref<10000x32xf32, #tpu.memory_space<vmem_shared>>
    tpu.wait_indirect_dma semaphore(%arg13 : memref<!tpu.dma_semaphore, #tpu.memory_space<semaphore_mem>>) src(%dma_wait3A_90 : memref<10000x32xf32, #tpu.memory_space<vmem_shared>>) dst(%arg8 : memref<128x32xf32, #tpu.memory_space<vmem>>)
    %run_scoped3A_91 = arith.constant 78 : i32
    "tpu.region"() ({
      %run_scoped3A_112 = tpu.sem_alloc : memref<!tpu.dma_semaphore, #tpu.memory_space<semaphore_mem>>
      %dma_start3A_113 = arith.constant 0 : i32
      %dma_start3A_114 = tpu.memref_slice %arg7[%run_scoped3A_91, %dma_start3A_113] : memref<80x128xi32, #tpu.memory_space<vmem>> -> memref<1x128xi32, #tpu.memory_space<vmem>>
      %dma_start3A_115 = tpu.memref_squeeze %dma_start3A_114 : memref<1x128xi32, #tpu.memory_space<vmem>> -> memref<128xi32, #tpu.memory_space<vmem>>
      %dma_start3A_116 = arith.constant 0 : i32
      %dma_start3A_117 = arith.constant 0 : i32
      %dma_start3A_118 = tpu.memref_slice %arg12[%dma_start3A_116, %dma_start3A_117] : memref<10112x32xf32, #tpu.memory_space<vmem_shared>> -> memref<10112x32xf32, #tpu.memory_space<vmem_shared>>
      tpu.enqueue_indirect_dma source(%arg8 : memref<128x32xf32, #tpu.memory_space<vmem>>) target(%dma_start3A_118 : memref<10112x32xf32, #tpu.memory_space<vmem_shared>>) offsets(%dma_start3A_115 : memref<128xi32, #tpu.memory_space<vmem>>) semaphore(%run_scoped3A_112 : memref<!tpu.dma_semaphore, #tpu.memory_space<semaphore_mem>>) {add = true}
      %dma_wait3A_119 = arith.constant 0 : i32
      %dma_wait3A_120 = tpu.memref_slice %arg7[%run_scoped3A_91, %dma_wait3A_119] : memref<80x128xi32, #tpu.memory_space<vmem>> -> memref<1x128xi32, #tpu.memory_space<vmem>>
      %dma_wait3A_121 = tpu.memref_squeeze %dma_wait3A_120 : memref<1x128xi32, #tpu.memory_space<vmem>> -> memref<128xi32, #tpu.memory_space<vmem>>
      %dma_wait3A_122 = arith.constant 0 : i32
      %dma_wait3A_123 = arith.constant 0 : i32
      %dma_wait3A_124 = tpu.memref_slice %arg12[%dma_wait3A_122, %dma_wait3A_123] : memref<10112x32xf32, #tpu.memory_space<vmem_shared>> -> memref<10112x32xf32, #tpu.memory_space<vmem_shared>>
      tpu.wait_indirect_dma semaphore(%run_scoped3A_112 : memref<!tpu.dma_semaphore, #tpu.memory_space<semaphore_mem>>) src(%arg8 : memref<128x32xf32, #tpu.memory_space<vmem>>) dst(%dma_wait3A_124 : memref<10112x32xf32, #tpu.memory_space<vmem_shared>>)
      tpu.yield
    }) : () -> ()
    %dma_wait3A_92 = arith.constant 79 : i32
    %dma_wait3A_93 = arith.constant 0 : i32
    %dma_wait3A_94 = tpu.memref_slice %arg6[%dma_wait3A_92, %dma_wait3A_93] : memref<80x128xi32, #tpu.memory_space<vmem>> -> memref<1x128xi32, #tpu.memory_space<vmem>>
    %dma_wait3A_95 = tpu.memref_squeeze %dma_wait3A_94 : memref<1x128xi32, #tpu.memory_space<vmem>> -> memref<128xi32, #tpu.memory_space<vmem>>
    %dma_wait3A_96 = arith.constant 0 : i32
    %dma_wait3A_97 = arith.constant 0 : i32
    %dma_wait3A_98 = tpu.memref_slice %arg11[%dma_wait3A_96, %dma_wait3A_97] : memref<10000x32xf32, #tpu.memory_space<vmem_shared>> -> memref<10000x32xf32, #tpu.memory_space<vmem_shared>>
    tpu.wait_indirect_dma semaphore(%arg14 : memref<!tpu.dma_semaphore, #tpu.memory_space<semaphore_mem>>) src(%dma_wait3A_98 : memref<10000x32xf32, #tpu.memory_space<vmem_shared>>) dst(%arg9 : memref<128x32xf32, #tpu.memory_space<vmem>>)
    %run_scoped3A_99 = arith.constant 79 : i32
    "tpu.region"() ({
      %run_scoped3A_112 = tpu.sem_alloc : memref<!tpu.dma_semaphore, #tpu.memory_space<semaphore_mem>>
      %dma_start3A_113 = arith.constant 0 : i32
      %dma_start3A_114 = tpu.memref_slice %arg7[%run_scoped3A_99, %dma_start3A_113] : memref<80x128xi32, #tpu.memory_space<vmem>> -> memref<1x128xi32, #tpu.memory_space<vmem>>
      %dma_start3A_115 = tpu.memref_squeeze %dma_start3A_114 : memref<1x128xi32, #tpu.memory_space<vmem>> -> memref<128xi32, #tpu.memory_space<vmem>>
      %dma_start3A_116 = arith.constant 0 : i32
      %dma_start3A_117 = arith.constant 0 : i32
      %dma_start3A_118 = tpu.memref_slice %arg12[%dma_start3A_116, %dma_start3A_117] : memref<10112x32xf32, #tpu.memory_space<vmem_shared>> -> memref<10112x32xf32, #tpu.memory_space<vmem_shared>>
      tpu.enqueue_indirect_dma source(%arg9 : memref<128x32xf32, #tpu.memory_space<vmem>>) target(%dma_start3A_118 : memref<10112x32xf32, #tpu.memory_space<vmem_shared>>) offsets(%dma_start3A_115 : memref<128xi32, #tpu.memory_space<vmem>>) semaphore(%run_scoped3A_112 : memref<!tpu.dma_semaphore, #tpu.memory_space<semaphore_mem>>) {add = true}
      %dma_wait3A_119 = arith.constant 0 : i32
      %dma_wait3A_120 = tpu.memref_slice %arg7[%run_scoped3A_99, %dma_wait3A_119] : memref<80x128xi32, #tpu.memory_space<vmem>> -> memref<1x128xi32, #tpu.memory_space<vmem>>
      %dma_wait3A_121 = tpu.memref_squeeze %dma_wait3A_120 : memref<1x128xi32, #tpu.memory_space<vmem>> -> memref<128xi32, #tpu.memory_space<vmem>>
      %dma_wait3A_122 = arith.constant 0 : i32
      %dma_wait3A_123 = arith.constant 0 : i32
      %dma_wait3A_124 = tpu.memref_slice %arg12[%dma_wait3A_122, %dma_wait3A_123] : memref<10112x32xf32, #tpu.memory_space<vmem_shared>> -> memref<10112x32xf32, #tpu.memory_space<vmem_shared>>
      tpu.wait_indirect_dma semaphore(%run_scoped3A_112 : memref<!tpu.dma_semaphore, #tpu.memory_space<semaphore_mem>>) src(%arg9 : memref<128x32xf32, #tpu.memory_space<vmem>>) dst(%dma_wait3A_124 : memref<10112x32xf32, #tpu.memory_space<vmem_shared>>)
      tpu.yield
    }) : () -> ()
    %barrier3A_100 = arith.constant 0 : index
    tpu.barrier barrier_id(%barrier3A_100)
    %mul3A_101 = arith.constant 632 : i32
    %mul3A_102 = arith.muli %arg1, %mul3A_101 : i32
    "tpu.region"() ({
      %run_scoped3A_112 = tpu.sem_alloc : memref<!tpu.dma_semaphore, #tpu.memory_space<semaphore_mem>>
      %dma_start3A_113 = arith.constant 0 : i32
      %dma_start3A_114 = tpu.memref_slice %arg12[%mul3A_102, %dma_start3A_113] : memref<10112x32xf32, #tpu.memory_space<vmem_shared>> -> memref<632x32xf32, #tpu.memory_space<vmem_shared>>
      %dma_start3A_115 = arith.constant 0 : i32
      %dma_start3A_116 = tpu.memref_slice %arg12[%mul3A_102, %dma_start3A_115] : memref<10112x32xf32, #tpu.memory_space<vmem_shared>> -> memref<632x32xf32, #tpu.memory_space<vmem_shared>>
      tpu.enqueue_dma source(%dma_start3A_116 : memref<632x32xf32, #tpu.memory_space<vmem_shared>>) target(%arg10 : memref<632x32xf32, #tpu.memory_space<vmem>>) target_semaphore(%run_scoped3A_112 : memref<!tpu.dma_semaphore, #tpu.memory_space<semaphore_mem>>)
      %dma_wait3A_117 = arith.constant 0 : i32
      %dma_wait3A_118 = tpu.memref_slice %arg12[%mul3A_102, %dma_wait3A_117] : memref<10112x32xf32, #tpu.memory_space<vmem_shared>> -> memref<632x32xf32, #tpu.memory_space<vmem_shared>>
      %dma_wait3A_119 = arith.constant 0 : i32
      %dma_wait3A_120 = tpu.memref_slice %arg12[%mul3A_102, %dma_wait3A_119] : memref<10112x32xf32, #tpu.memory_space<vmem_shared>> -> memref<632x32xf32, #tpu.memory_space<vmem_shared>>
      tpu.wait_dma2 semaphore(%run_scoped3A_112 : memref<!tpu.dma_semaphore, #tpu.memory_space<semaphore_mem>>) src(%dma_wait3A_120 : memref<632x32xf32, #tpu.memory_space<vmem_shared>>) dst(%arg10 : memref<632x32xf32, #tpu.memory_space<vmem>>)
      tpu.yield
    }) : () -> ()
    %mul3A_103 = arith.constant 632 : i32
    %mul3A_104 = arith.muli %arg1, %mul3A_103 : i32
    %run_scoped3A_105 = arith.constant 1 : i32
    "tpu.region"() ({
      %run_scoped3A_112 = tpu.sem_alloc : memref<!tpu.dma_semaphore, #tpu.memory_space<semaphore_mem>>
      %dma_start3A_113 = arith.constant 0 : i32
      %dma_start3A_114 = tpu.memref_slice %arg5[%arg0, %run_scoped3A_105, %mul3A_104, %dma_start3A_113] : memref<2x2x10112x128xf32, #tpu.memory_space<hbm>> -> memref<1x1x632x32xf32, #tpu.memory_space<hbm>>
      %dma_start3A_115 = tpu.memref_squeeze %dma_start3A_114 : memref<1x1x632x32xf32, #tpu.memory_space<hbm>> -> memref<632x32xf32, #tpu.memory_space<hbm>>
      %dma_start3A_116 = arith.constant 0 : i32
      %dma_start3A_117 = tpu.memref_slice %arg5[%arg0, %run_scoped3A_105, %mul3A_104, %dma_start3A_116] : memref<2x2x10112x128xf32, #tpu.memory_space<hbm>> -> memref<1x1x632x32xf32, #tpu.memory_space<hbm>>
      %dma_start3A_118 = tpu.memref_squeeze %dma_start3A_117 : memref<1x1x632x32xf32, #tpu.memory_space<hbm>> -> memref<632x32xf32, #tpu.memory_space<hbm>>
      tpu.enqueue_dma source(%arg10 : memref<632x32xf32, #tpu.memory_space<vmem>>) target(%dma_start3A_118 : memref<632x32xf32, #tpu.memory_space<hbm>>) target_semaphore(%run_scoped3A_112 : memref<!tpu.dma_semaphore, #tpu.memory_space<semaphore_mem>>)
      %dma_wait3A_119 = arith.constant 0 : i32
      %dma_wait3A_120 = tpu.memref_slice %arg5[%arg0, %run_scoped3A_105, %mul3A_104, %dma_wait3A_119] : memref<2x2x10112x128xf32, #tpu.memory_space<hbm>> -> memref<1x1x632x32xf32, #tpu.memory_space<hbm>>
      %dma_wait3A_121 = tpu.memref_squeeze %dma_wait3A_120 : memref<1x1x632x32xf32, #tpu.memory_space<hbm>> -> memref<632x32xf32, #tpu.memory_space<hbm>>
      %dma_wait3A_122 = arith.constant 0 : i32
      %dma_wait3A_123 = tpu.memref_slice %arg5[%arg0, %run_scoped3A_105, %mul3A_104, %dma_wait3A_122] : memref<2x2x10112x128xf32, #tpu.memory_space<hbm>> -> memref<1x1x632x32xf32, #tpu.memory_space<hbm>>
      %dma_wait3A_124 = tpu.memref_squeeze %dma_wait3A_123 : memref<1x1x632x32xf32, #tpu.memory_space<hbm>> -> memref<632x32xf32, #tpu.memory_space<hbm>>
      tpu.wait_dma2 semaphore(%run_scoped3A_112 : memref<!tpu.dma_semaphore, #tpu.memory_space<semaphore_mem>>) src(%arg10 : memref<632x32xf32, #tpu.memory_space<vmem>>) dst(%dma_wait3A_124 : memref<632x32xf32, #tpu.memory_space<hbm>>)
      tpu.yield
    }) : () -> ()
    %scan3A_106 = arith.constant 0 : i32
    %scan3A_107 = arith.constant 0 : i32
    %scan3A_108 = arith.constant 632 : i32
    %scan3A_109 = arith.addi %scan3A_107, %scan3A_108 : i32
    %scan3A_110 = arith.constant 1 : i32
    scf.for %scan3A_112 = %scan3A_107 to %scan3A_109 step %scan3A_110  : i32 {
      %broadcast_in_dim3A = arith.constant 0.000000e+00 : f32
      %broadcast_in_dim3A_113 = vector.broadcast %broadcast_in_dim3A : f32 to vector<16xf32>
      %swap3A = arith.index_cast %scan3A_112 : i32 to index
      %swap3A_114 = arith.constant 0 : index
      %swap3A_115 = tpu.vector_load %arg10[%swap3A, %swap3A_114] {strides = array<i32>} : memref<632x32xf32, #tpu.memory_space<vmem>>, vector<1x16xf32>,
      %swap3A_116 = vector.shape_cast %swap3A_115 : vector<1x16xf32> to vector<16xf32>
      %swap3A_117 = vector.shape_cast %broadcast_in_dim3A_113 : vector<16xf32> to vector<1x16xf32>
      tpu.vector_store %arg10[%swap3A, %swap3A_114], %swap3A_117 {strides = array<i32>} : memref<632x32xf32, #tpu.memory_space<vmem>>, vector<1x16xf32>,
      %broadcast_in_dim3A_118 = arith.constant 0.000000e+00 : f32
      %broadcast_in_dim3A_119 = vector.broadcast %broadcast_in_dim3A_118 : f32 to vector<16xf32>
      %swap3A_120 = arith.index_cast %scan3A_112 : i32 to index
      %swap3A_121 = arith.constant 16 : index
      %swap3A_122 = tpu.vector_load %arg10[%swap3A_120, %swap3A_121] {strides = array<i32>} : memref<632x32xf32, #tpu.memory_space<vmem>>, vector<1x16xf32>,
      %swap3A_123 = vector.shape_cast %swap3A_122 : vector<1x16xf32> to vector<16xf32>
      %swap3A_124 = vector.shape_cast %broadcast_in_dim3A_119 : vector<16xf32> to vector<1x16xf32>
      tpu.vector_store %arg10[%swap3A_120, %swap3A_121], %swap3A_124 {strides = array<i32>} : memref<632x32xf32, #tpu.memory_space<vmem>>, vector<1x16xf32>,
    }
    %scan3A_111 = arith.constant 632 : i32
    return
  }
}

module attributes {stable_mosaic.version = 14 : i64} {
  func.func @_mm_body(%arg0: i32, %arg1: memref<2000x128xf32, #tpu.memory_space<vmem>>, %arg2: memref<128x64xf32, #tpu.memory_space<vmem>>, %arg3: memref<2000x128xf32, #tpu.memory_space<vmem>>) attributes {dimension_semantics = [#tpu.dimension_semantics<arbitrary>], iteration_bounds = array<i64: 5>, scalar_prefetch = 0 : i64, scratch_operands = 0 : i64, tpu.core_type = #tpu.core_type<tc>, window_params = [{transform_indices = @transform_0, window_bounds = array<i64: 2000, 128>}, {pipeline_mode = #tpu.pipeline_mode<synchronous>, transform_indices = @transform_1, window_bounds = array<i64: 128, 64>}, {transform_indices = @transform_2, window_bounds = array<i64: 2000, 128>}]} {
    %get3A = arith.constant 0 : index
    %get3A_0 = arith.constant 0 : index
    %get3A_1 = vector.load %arg1[%get3A, %get3A_0] : memref<2000x128xf32, #tpu.memory_space<vmem>>, vector<2000x128xf32>
    %get3A_2 = arith.constant 0 : index
    %get3A_3 = arith.constant 0 : index
    %get3A_4 = vector.load %arg2[%get3A_2, %get3A_3] : memref<128x64xf32, #tpu.memory_space<vmem>>, vector<128x64xf32>
    %dot_general3A = arith.constant dense<0.000000e+00> : vector<2000x64xf32>
    %dot_general3A_5 = tpu.matmul %get3A_1, %get3A_4, %dot_general3A {dimension_numbers = #tpu.dot_dimension_numbers<[1], [0], [0], [1], [0, 0, 1, 1], [], []>, transpose_lhs_hint = false} : vector<2000x128xf32>, vector<128x64xf32>, vector<2000x64xf32> -> vector<2000x64xf32>
    %broadcast_in_dim3A = arith.constant 0.000000e+00 : f32
    %broadcast_in_dim3A_6 = vector.broadcast %broadcast_in_dim3A : f32 to vector<2000x64xf32>
    %concatenate3A = tpu.concatenate %dot_general3A_5, %broadcast_in_dim3A_6 in 1 : vector<2000x64xf32>, vector<2000x64xf32> -> vector<2000x128xf32>
    %swap3A = arith.constant 0 : index
    %swap3A_7 = arith.constant 0 : index
    %swap3A_8 = vector.load %arg3[%swap3A, %swap3A_7] : memref<2000x128xf32, #tpu.memory_space<vmem>>, vector<2000x128xf32>
    tpu.vector_store %arg3[%swap3A, %swap3A_7], %concatenate3A {strides = array<i32>} : memref<2000x128xf32, #tpu.memory_space<vmem>>, vector<2000x128xf32>,
    return
  }
  func.func @transform_0(%arg0: i32) -> (i32, i32) {
    %c0_i32 = arith.constant 0 : i32
    %c0_i32_0 = arith.constant 0 : i32
    return %arg0, %c0_i32 : i32, i32
  }
  func.func @transform_1(%arg0: i32) -> (i32, i32) {
    %c0_i32 = arith.constant 0 : i32
    %c0_i32_0 = arith.constant 0 : i32
    %c0_i32_1 = arith.constant 0 : i32
    return %c0_i32, %c0_i32_0 : i32, i32
  }
  func.func @transform_2(%arg0: i32) -> (i32, i32) {
    %c0_i32 = arith.constant 0 : i32
    %c0_i32_0 = arith.constant 0 : i32
    return %arg0, %c0_i32 : i32, i32
  }
}

module attributes {stable_mosaic.version = 14 : i64} {
  func.func @_layer_mid_body(%arg0: i32, %arg1: memref<2000x128xf32, #tpu.memory_space<vmem>>, %arg2: memref<2x2x2000x128xf32, #tpu.memory_space<vmem>>, %arg3: memref<1x64xf32, #tpu.memory_space<vmem>>, %arg4: memref<64x64xf32, #tpu.memory_space<vmem>>, %arg5: memref<1x64xf32, #tpu.memory_space<vmem>>, %arg6: memref<1x64xf32, #tpu.memory_space<vmem>>, %arg7: memref<1x64xf32, #tpu.memory_space<vmem>>, %arg8: memref<64x64xf32, #tpu.memory_space<vmem>>, %arg9: memref<2000x128xf32, #tpu.memory_space<vmem>>) attributes {dimension_semantics = [#tpu.dimension_semantics<arbitrary>], iteration_bounds = array<i64: 5>, scalar_prefetch = 0 : i64, scratch_operands = 0 : i64, tpu.core_type = #tpu.core_type<tc>, window_params = [{transform_indices = @transform_0, window_bounds = array<i64: 2000, 128>}, {transform_indices = @transform_1, window_bounds = array<i64: 2, 2, 2000, 128>}, {pipeline_mode = #tpu.pipeline_mode<synchronous>, transform_indices = @transform_2, window_bounds = array<i64: 1, 64>}, {pipeline_mode = #tpu.pipeline_mode<synchronous>, transform_indices = @transform_3, window_bounds = array<i64: 64, 64>}, {pipeline_mode = #tpu.pipeline_mode<synchronous>, transform_indices = @transform_4, window_bounds = array<i64: 1, 64>}, {pipeline_mode = #tpu.pipeline_mode<synchronous>, transform_indices = @transform_5, window_bounds = array<i64: 1, 64>}, {pipeline_mode = #tpu.pipeline_mode<synchronous>, transform_indices = @transform_6, window_bounds = array<i64: 1, 64>}, {pipeline_mode = #tpu.pipeline_mode<synchronous>, transform_indices = @transform_7, window_bounds = array<i64: 64, 64>}, {transform_indices = @transform_8, window_bounds = array<i64: 2000, 128>}]} {
    %get3A = arith.constant 0 : index
    %get3A_0 = arith.constant 0 : index
    %get3A_1 = vector.load %arg1[%get3A, %get3A_0] : memref<2000x128xf32, #tpu.memory_space<vmem>>, vector<2000x64xf32>
    %get3A_2 = arith.constant 0 : index
    %get3A_3 = arith.constant 0 : index
    %get3A_4 = arith.constant 0 : index
    %get3A_5 = arith.constant 0 : index
    %get3A_6 = vector.load %arg2[%get3A_2, %get3A_3, %get3A_4, %get3A_5] : memref<2x2x2000x128xf32, #tpu.memory_space<vmem>>, vector<1x1x2000x32xf32>
    %get3A_7 = vector.shape_cast %get3A_6 : vector<1x1x2000x32xf32> to vector<2000x32xf32>
    %get3A_8 = arith.constant 1 : index
    %get3A_9 = arith.constant 0 : index
    %get3A_10 = arith.constant 0 : index
    %get3A_11 = arith.constant 0 : index
    %get3A_12 = vector.load %arg2[%get3A_8, %get3A_9, %get3A_10, %get3A_11] : memref<2x2x2000x128xf32, #tpu.memory_space<vmem>>, vector<1x1x2000x32xf32>
    %get3A_13 = vector.shape_cast %get3A_12 : vector<1x1x2000x32xf32> to vector<2000x32xf32>
    %add3A = arith.addf %get3A_7, %get3A_13 : vector<2000x32xf32>
    %get3A_14 = arith.constant 0 : index
    %get3A_15 = arith.constant 1 : index
    %get3A_16 = arith.constant 0 : index
    %get3A_17 = arith.constant 0 : index
    %get3A_18 = vector.load %arg2[%get3A_14, %get3A_15, %get3A_16, %get3A_17] : memref<2x2x2000x128xf32, #tpu.memory_space<vmem>>, vector<1x1x2000x32xf32>
    %get3A_19 = vector.shape_cast %get3A_18 : vector<1x1x2000x32xf32> to vector<2000x32xf32>
    %get3A_20 = arith.constant 1 : index
    %get3A_21 = arith.constant 1 : index
    %get3A_22 = arith.constant 0 : index
    %get3A_23 = arith.constant 0 : index
    %get3A_24 = vector.load %arg2[%get3A_20, %get3A_21, %get3A_22, %get3A_23] : memref<2x2x2000x128xf32, #tpu.memory_space<vmem>>, vector<1x1x2000x32xf32>
    %get3A_25 = vector.shape_cast %get3A_24 : vector<1x1x2000x32xf32> to vector<2000x32xf32>
    %add3A_26 = arith.addf %get3A_19, %get3A_25 : vector<2000x32xf32>
    %concatenate3A = tpu.concatenate %add3A, %add3A_26 in 1 : vector<2000x32xf32>, vector<2000x32xf32> -> vector<2000x64xf32>
    %add3A_27 = arith.addf %get3A_1, %concatenate3A : vector<2000x64xf32>
    %get3A_28 = arith.constant 0 : index
    %get3A_29 = arith.constant 0 : index
    %get3A_30 = vector.load %arg3[%get3A_28, %get3A_29] : memref<1x64xf32, #tpu.memory_space<vmem>>, vector<1x64xf32>
    %add3A_31 = vector.broadcast %get3A_30 : vector<1x64xf32> to vector<2000x64xf32>
    %add3A_32 = arith.addf %add3A_27, %add3A_31 : vector<2000x64xf32>
    %max3A = arith.constant 0.000000e+00 : f32
    %max3A_33 = vector.broadcast %max3A : f32 to vector<2000x64xf32>
    %max3A_34 = arith.maximumf %add3A_32, %max3A_33 : vector<2000x64xf32>
    %get3A_35 = arith.constant 0 : index
    %get3A_36 = arith.constant 0 : index
    %get3A_37 = vector.load %arg4[%get3A_35, %get3A_36] : memref<64x64xf32, #tpu.memory_space<vmem>>, vector<64x64xf32>
    %dot_general3A = arith.constant dense<0.000000e+00> : vector<2000x64xf32>
    %dot_general3A_38 = tpu.matmul %max3A_34, %get3A_37, %dot_general3A {dimension_numbers = #tpu.dot_dimension_numbers<[1], [0], [0], [1], [0, 0, 1, 1], [], []>, transpose_lhs_hint = false} : vector<2000x64xf32>, vector<64x64xf32>, vector<2000x64xf32> -> vector<2000x64xf32>
    %get3A_39 = arith.constant 0 : index
    %get3A_40 = arith.constant 0 : index
    %get3A_41 = vector.load %arg6[%get3A_39, %get3A_40] : memref<1x64xf32, #tpu.memory_space<vmem>>, vector<1x64xf32>
    %get3A_42 = arith.constant 0 : index
    %get3A_43 = arith.constant 0 : index
    %get3A_44 = vector.load %arg5[%get3A_42, %get3A_43] : memref<1x64xf32, #tpu.memory_space<vmem>>, vector<1x64xf32>
    %add3A_45 = vector.broadcast %get3A_44 : vector<1x64xf32> to vector<2000x64xf32>
    %add3A_46 = arith.addf %dot_general3A_38, %add3A_45 : vector<2000x64xf32>
    %max3A_47 = arith.constant 0.000000e+00 : f32
    %max3A_48 = vector.broadcast %max3A_47 : f32 to vector<2000x64xf32>
    %max3A_49 = arith.maximumf %add3A_46, %max3A_48 : vector<2000x64xf32>
    %mul3A = vector.broadcast %get3A_41 : vector<1x64xf32> to vector<2000x64xf32>
    %mul3A_50 = arith.mulf %mul3A, %max3A_49 : vector<2000x64xf32>
    %get3A_51 = arith.constant 0 : index
    %get3A_52 = arith.constant 0 : index
    %get3A_53 = vector.load %arg7[%get3A_51, %get3A_52] : memref<1x64xf32, #tpu.memory_space<vmem>>, vector<1x64xf32>
    %add3A_54 = vector.broadcast %get3A_53 : vector<1x64xf32> to vector<2000x64xf32>
    %add3A_55 = arith.addf %mul3A_50, %add3A_54 : vector<2000x64xf32>
    %get3A_56 = arith.constant 0 : index
    %get3A_57 = arith.constant 0 : index
    %get3A_58 = vector.load %arg8[%get3A_56, %get3A_57] : memref<64x64xf32, #tpu.memory_space<vmem>>, vector<64x64xf32>
    %dot_general3A_59 = arith.constant dense<0.000000e+00> : vector<2000x64xf32>
    %dot_general3A_60 = tpu.matmul %add3A_55, %get3A_58, %dot_general3A_59 {dimension_numbers = #tpu.dot_dimension_numbers<[1], [0], [0], [1], [0, 0, 1, 1], [], []>, transpose_lhs_hint = false} : vector<2000x64xf32>, vector<64x64xf32>, vector<2000x64xf32> -> vector<2000x64xf32>
    %broadcast_in_dim3A = arith.constant 0.000000e+00 : f32
    %broadcast_in_dim3A_61 = vector.broadcast %broadcast_in_dim3A : f32 to vector<2000x64xf32>
    %concatenate3A_62 = tpu.concatenate %dot_general3A_60, %broadcast_in_dim3A_61 in 1 : vector<2000x64xf32>, vector<2000x64xf32> -> vector<2000x128xf32>
    %swap3A = arith.constant 0 : index
    %swap3A_63 = arith.constant 0 : index
    %swap3A_64 = vector.load %arg9[%swap3A, %swap3A_63] : memref<2000x128xf32, #tpu.memory_space<vmem>>, vector<2000x128xf32>
    tpu.vector_store %arg9[%swap3A, %swap3A_63], %concatenate3A_62 {strides = array<i32>} : memref<2000x128xf32, #tpu.memory_space<vmem>>, vector<2000x128xf32>,
    return
  }
  func.func @transform_0(%arg0: i32) -> (i32, i32) {
    %c0_i32 = arith.constant 0 : i32
    %c0_i32_0 = arith.constant 0 : i32
    return %arg0, %c0_i32 : i32, i32
  }
  func.func @transform_1(%arg0: i32) -> (i32, i32, i32, i32) {
    %c0_i32 = arith.constant 0 : i32
    %c0_i32_0 = arith.constant 0 : i32
    %c0_i32_1 = arith.constant 0 : i32
    %c0_i32_2 = arith.constant 0 : i32
    return %c0_i32, %c0_i32_0, %arg0, %c0_i32_1 : i32, i32, i32, i32
  }
  func.func @transform_2(%arg0: i32) -> (i32, i32) {
    %c0_i32 = arith.constant 0 : i32
    %c0_i32_0 = arith.constant 0 : i32
    %c0_i32_1 = arith.constant 0 : i32
    return %c0_i32, %c0_i32_0 : i32, i32
  }
  func.func @transform_3(%arg0: i32) -> (i32, i32) {
    %c0_i32 = arith.constant 0 : i32
    %c0_i32_0 = arith.constant 0 : i32
    %c0_i32_1 = arith.constant 0 : i32
    return %c0_i32, %c0_i32_0 : i32, i32
  }
  func.func @transform_4(%arg0: i32) -> (i32, i32) {
    %c0_i32 = arith.constant 0 : i32
    %c0_i32_0 = arith.constant 0 : i32
    %c0_i32_1 = arith.constant 0 : i32
    return %c0_i32, %c0_i32_0 : i32, i32
  }
  func.func @transform_5(%arg0: i32) -> (i32, i32) {
    %c0_i32 = arith.constant 0 : i32
    %c0_i32_0 = arith.constant 0 : i32
    %c0_i32_1 = arith.constant 0 : i32
    return %c0_i32, %c0_i32_0 : i32, i32
  }
  func.func @transform_6(%arg0: i32) -> (i32, i32) {
    %c0_i32 = arith.constant 0 : i32
    %c0_i32_0 = arith.constant 0 : i32
    %c0_i32_1 = arith.constant 0 : i32
    return %c0_i32, %c0_i32_0 : i32, i32
  }
  func.func @transform_7(%arg0: i32) -> (i32, i32) {
    %c0_i32 = arith.constant 0 : i32
    %c0_i32_0 = arith.constant 0 : i32
    %c0_i32_1 = arith.constant 0 : i32
    return %c0_i32, %c0_i32_0 : i32, i32
  }
  func.func @transform_8(%arg0: i32) -> (i32, i32) {
    %c0_i32 = arith.constant 0 : i32
    %c0_i32_0 = arith.constant 0 : i32
    return %arg0, %c0_i32 : i32, i32
  }
}

module attributes {stable_mosaic.version = 14 : i64} {
  func.func @_layer_last_body(%arg0: i32, %arg1: memref<2000x128xf32, #tpu.memory_space<vmem>>, %arg2: memref<2x2x2000x128xf32, #tpu.memory_space<vmem>>, %arg3: memref<1x64xf32, #tpu.memory_space<vmem>>, %arg4: memref<64x64xf32, #tpu.memory_space<vmem>>, %arg5: memref<1x64xf32, #tpu.memory_space<vmem>>, %arg6: memref<1x64xf32, #tpu.memory_space<vmem>>, %arg7: memref<1x64xf32, #tpu.memory_space<vmem>>, %arg8: memref<2000x64xf32, #tpu.memory_space<vmem>>) attributes {dimension_semantics = [#tpu.dimension_semantics<arbitrary>], iteration_bounds = array<i64: 5>, scalar_prefetch = 0 : i64, scratch_operands = 0 : i64, tpu.core_type = #tpu.core_type<tc>, window_params = [{transform_indices = @transform_0, window_bounds = array<i64: 2000, 128>}, {transform_indices = @transform_1, window_bounds = array<i64: 2, 2, 2000, 128>}, {pipeline_mode = #tpu.pipeline_mode<synchronous>, transform_indices = @transform_2, window_bounds = array<i64: 1, 64>}, {pipeline_mode = #tpu.pipeline_mode<synchronous>, transform_indices = @transform_3, window_bounds = array<i64: 64, 64>}, {pipeline_mode = #tpu.pipeline_mode<synchronous>, transform_indices = @transform_4, window_bounds = array<i64: 1, 64>}, {pipeline_mode = #tpu.pipeline_mode<synchronous>, transform_indices = @transform_5, window_bounds = array<i64: 1, 64>}, {pipeline_mode = #tpu.pipeline_mode<synchronous>, transform_indices = @transform_6, window_bounds = array<i64: 1, 64>}, {transform_indices = @transform_7, window_bounds = array<i64: 2000, 64>}]} {
    %get3A = arith.constant 0 : index
    %get3A_0 = arith.constant 0 : index
    %get3A_1 = vector.load %arg1[%get3A, %get3A_0] : memref<2000x128xf32, #tpu.memory_space<vmem>>, vector<2000x64xf32>
    %get3A_2 = arith.constant 0 : index
    %get3A_3 = arith.constant 0 : index
    %get3A_4 = arith.constant 0 : index
    %get3A_5 = arith.constant 0 : index
    %get3A_6 = vector.load %arg2[%get3A_2, %get3A_3, %get3A_4, %get3A_5] : memref<2x2x2000x128xf32, #tpu.memory_space<vmem>>, vector<1x1x2000x32xf32>
    %get3A_7 = vector.shape_cast %get3A_6 : vector<1x1x2000x32xf32> to vector<2000x32xf32>
    %get3A_8 = arith.constant 1 : index
    %get3A_9 = arith.constant 0 : index
    %get3A_10 = arith.constant 0 : index
    %get3A_11 = arith.constant 0 : index
    %get3A_12 = vector.load %arg2[%get3A_8, %get3A_9, %get3A_10, %get3A_11] : memref<2x2x2000x128xf32, #tpu.memory_space<vmem>>, vector<1x1x2000x32xf32>
    %get3A_13 = vector.shape_cast %get3A_12 : vector<1x1x2000x32xf32> to vector<2000x32xf32>
    %add3A = arith.addf %get3A_7, %get3A_13 : vector<2000x32xf32>
    %get3A_14 = arith.constant 0 : index
    %get3A_15 = arith.constant 1 : index
    %get3A_16 = arith.constant 0 : index
    %get3A_17 = arith.constant 0 : index
    %get3A_18 = vector.load %arg2[%get3A_14, %get3A_15, %get3A_16, %get3A_17] : memref<2x2x2000x128xf32, #tpu.memory_space<vmem>>, vector<1x1x2000x32xf32>
    %get3A_19 = vector.shape_cast %get3A_18 : vector<1x1x2000x32xf32> to vector<2000x32xf32>
    %get3A_20 = arith.constant 1 : index
    %get3A_21 = arith.constant 1 : index
    %get3A_22 = arith.constant 0 : index
    %get3A_23 = arith.constant 0 : index
    %get3A_24 = vector.load %arg2[%get3A_20, %get3A_21, %get3A_22, %get3A_23] : memref<2x2x2000x128xf32, #tpu.memory_space<vmem>>, vector<1x1x2000x32xf32>
    %get3A_25 = vector.shape_cast %get3A_24 : vector<1x1x2000x32xf32> to vector<2000x32xf32>
    %add3A_26 = arith.addf %get3A_19, %get3A_25 : vector<2000x32xf32>
    %concatenate3A = tpu.concatenate %add3A, %add3A_26 in 1 : vector<2000x32xf32>, vector<2000x32xf32> -> vector<2000x64xf32>
    %add3A_27 = arith.addf %get3A_1, %concatenate3A : vector<2000x64xf32>
    %get3A_28 = arith.constant 0 : index
    %get3A_29 = arith.constant 0 : index
    %get3A_30 = vector.load %arg3[%get3A_28, %get3A_29] : memref<1x64xf32, #tpu.memory_space<vmem>>, vector<1x64xf32>
    %add3A_31 = vector.broadcast %get3A_30 : vector<1x64xf32> to vector<2000x64xf32>
    %add3A_32 = arith.addf %add3A_27, %add3A_31 : vector<2000x64xf32>
    %max3A = arith.constant 0.000000e+00 : f32
    %max3A_33 = vector.broadcast %max3A : f32 to vector<2000x64xf32>
    %max3A_34 = arith.maximumf %add3A_32, %max3A_33 : vector<2000x64xf32>
    %get3A_35 = arith.constant 0 : index
    %get3A_36 = arith.constant 0 : index
    %get3A_37 = vector.load %arg4[%get3A_35, %get3A_36] : memref<64x64xf32, #tpu.memory_space<vmem>>, vector<64x64xf32>
    %dot_general3A = arith.constant dense<0.000000e+00> : vector<2000x64xf32>
    %dot_general3A_38 = tpu.matmul %max3A_34, %get3A_37, %dot_general3A {dimension_numbers = #tpu.dot_dimension_numbers<[1], [0], [0], [1], [0, 0, 1, 1], [], []>, transpose_lhs_hint = false} : vector<2000x64xf32>, vector<64x64xf32>, vector<2000x64xf32> -> vector<2000x64xf32>
    %get3A_39 = arith.constant 0 : index
    %get3A_40 = arith.constant 0 : index
    %get3A_41 = vector.load %arg6[%get3A_39, %get3A_40] : memref<1x64xf32, #tpu.memory_space<vmem>>, vector<1x64xf32>
    %get3A_42 = arith.constant 0 : index
    %get3A_43 = arith.constant 0 : index
    %get3A_44 = vector.load %arg5[%get3A_42, %get3A_43] : memref<1x64xf32, #tpu.memory_space<vmem>>, vector<1x64xf32>
    %add3A_45 = vector.broadcast %get3A_44 : vector<1x64xf32> to vector<2000x64xf32>
    %add3A_46 = arith.addf %dot_general3A_38, %add3A_45 : vector<2000x64xf32>
    %max3A_47 = arith.constant 0.000000e+00 : f32
    %max3A_48 = vector.broadcast %max3A_47 : f32 to vector<2000x64xf32>
    %max3A_49 = arith.maximumf %add3A_46, %max3A_48 : vector<2000x64xf32>
    %mul3A = vector.broadcast %get3A_41 : vector<1x64xf32> to vector<2000x64xf32>
    %mul3A_50 = arith.mulf %mul3A, %max3A_49 : vector<2000x64xf32>
    %get3A_51 = arith.constant 0 : index
    %get3A_52 = arith.constant 0 : index
    %get3A_53 = vector.load %arg7[%get3A_51, %get3A_52] : memref<1x64xf32, #tpu.memory_space<vmem>>, vector<1x64xf32>
    %add3A_54 = vector.broadcast %get3A_53 : vector<1x64xf32> to vector<2000x64xf32>
    %add3A_55 = arith.addf %mul3A_50, %add3A_54 : vector<2000x64xf32>
    %swap3A = arith.constant 0 : index
    %swap3A_56 = arith.constant 0 : index
    %swap3A_57 = vector.load %arg8[%swap3A, %swap3A_56] : memref<2000x64xf32, #tpu.memory_space<vmem>>, vector<2000x64xf32>
    tpu.vector_store %arg8[%swap3A, %swap3A_56], %add3A_55 {strides = array<i32>} : memref<2000x64xf32, #tpu.memory_space<vmem>>, vector<2000x64xf32>,
    return
  }
  func.func @transform_0(%arg0: i32) -> (i32, i32) {
    %c0_i32 = arith.constant 0 : i32
    %c0_i32_0 = arith.constant 0 : i32
    return %arg0, %c0_i32 : i32, i32
  }
  func.func @transform_1(%arg0: i32) -> (i32, i32, i32, i32) {
    %c0_i32 = arith.constant 0 : i32
    %c0_i32_0 = arith.constant 0 : i32
    %c0_i32_1 = arith.constant 0 : i32
    %c0_i32_2 = arith.constant 0 : i32
    return %c0_i32, %c0_i32_0, %arg0, %c0_i32_1 : i32, i32, i32, i32
  }
  func.func @transform_2(%arg0: i32) -> (i32, i32) {
    %c0_i32 = arith.constant 0 : i32
    %c0_i32_0 = arith.constant 0 : i32
    %c0_i32_1 = arith.constant 0 : i32
    return %c0_i32, %c0_i32_0 : i32, i32
  }
  func.func @transform_3(%arg0: i32) -> (i32, i32) {
    %c0_i32 = arith.constant 0 : i32
    %c0_i32_0 = arith.constant 0 : i32
    %c0_i32_1 = arith.constant 0 : i32
    return %c0_i32, %c0_i32_0 : i32, i32
  }
  func.func @transform_4(%arg0: i32) -> (i32, i32) {
    %c0_i32 = arith.constant 0 : i32
    %c0_i32_0 = arith.constant 0 : i32
    %c0_i32_1 = arith.constant 0 : i32
    return %c0_i32, %c0_i32_0 : i32, i32
  }
  func.func @transform_5(%arg0: i32) -> (i32, i32) {
    %c0_i32 = arith.constant 0 : i32
    %c0_i32_0 = arith.constant 0 : i32
    %c0_i32_1 = arith.constant 0 : i32
    return %c0_i32, %c0_i32_0 : i32, i32
  }
  func.func @transform_6(%arg0: i32) -> (i32, i32) {
    %c0_i32 = arith.constant 0 : i32
    %c0_i32_0 = arith.constant 0 : i32
    %c0_i32_1 = arith.constant 0 : i32
    return %c0_i32, %c0_i32_0 : i32, i32
  }
  func.func @transform_7(%arg0: i32) -> (i32, i32) {
    %c0_i32 = arith.constant 0 : i32
    %c0_i32_0 = arith.constant 0 : i32
    return %arg0, %c0_i32 : i32, i32
  }
}

module attributes {stable_mosaic.version = 14 : i64} {
  func.func @_head_body(%arg0: i32, %arg1: memref<2000x64xf32, #tpu.memory_space<vmem>>, %arg2: memref<1x1x2000xi32, #tpu.memory_space<vmem>>, %arg3: memref<64x64xf32, #tpu.memory_space<vmem>>, %arg4: memref<1x64xf32, #tpu.memory_space<vmem>>, %arg5: memref<64x16xf32, #tpu.memory_space<vmem>>, %arg6: memref<1x16xf32, #tpu.memory_space<vmem>>, %arg7: memref<64x16xf32, #tpu.memory_space<vmem>>, %arg8: memref<64x64xf32, #tpu.memory_space<vmem>>) attributes {dimension_semantics = [#tpu.dimension_semantics<arbitrary>], iteration_bounds = array<i64: 5>, scalar_prefetch = 0 : i64, scratch_operands = 1 : i64, tpu.core_type = #tpu.core_type<tc>, window_params = [{transform_indices = @transform_0, window_bounds = array<i64: 2000, 64>}, {transform_indices = @transform_1, window_bounds = array<i64: 1, 1, 2000>}, {pipeline_mode = #tpu.pipeline_mode<synchronous>, transform_indices = @transform_2, window_bounds = array<i64: 64, 64>}, {pipeline_mode = #tpu.pipeline_mode<synchronous>, transform_indices = @transform_3, window_bounds = array<i64: 1, 64>}, {pipeline_mode = #tpu.pipeline_mode<synchronous>, transform_indices = @transform_4, window_bounds = array<i64: 64, 16>}, {pipeline_mode = #tpu.pipeline_mode<synchronous>, transform_indices = @transform_5, window_bounds = array<i64: 1, 16>}, {pipeline_mode = #tpu.pipeline_mode<synchronous>, transform_indices = @transform_6, window_bounds = array<i64: 64, 16>}]} {
    %eq3A = arith.constant 0 : i32
    %eq3A_0 = arith.cmpi eq, %arg0, %eq3A : i32
    %convert_element_type3A = arith.extui %eq3A_0 : i1 to i32
    %cond3A = arith.constant 0 : i32
    %cond3A_1 = arith.cmpi ne, %convert_element_type3A, %cond3A : i32
    scf.if %cond3A_1 {
      %broadcast_in_dim3A = arith.constant 0.000000e+00 : f32
      %broadcast_in_dim3A_24 = vector.broadcast %broadcast_in_dim3A : f32 to vector<64x64xf32>
      %swap3A_25 = arith.constant 0 : index
      %swap3A_26 = arith.constant 0 : index
      %swap3A_27 = vector.load %arg8[%swap3A_25, %swap3A_26] : memref<64x64xf32, #tpu.memory_space<vmem>>, vector<64x64xf32>
      tpu.vector_store %arg8[%swap3A_25, %swap3A_26], %broadcast_in_dim3A_24 {strides = array<i32>} : memref<64x64xf32, #tpu.memory_space<vmem>>, vector<64x64xf32>,
    } else {
    }
    %get3A = arith.constant 0 : index
    %get3A_2 = arith.constant 0 : index
    %get3A_3 = arith.constant 0 : index
    %get3A_4 = vector.load %arg2[%get3A, %get3A_2, %get3A_3] : memref<1x1x2000xi32, #tpu.memory_space<vmem>>, vector<1x1x2000xi32>
    %get3A_5 = vector.shape_cast %get3A_4 : vector<1x1x2000xi32> to vector<1x2000xi32>
    %iota3A = tpu.iota {dimensions = array<i32: 0>} : vector<64x2000xi32>
    %eq3A_6 = vector.broadcast %get3A_5 : vector<1x2000xi32> to vector<64x2000xi32>
    %eq3A_7 = arith.cmpi eq, %iota3A, %eq3A_6 : vector<64x2000xi32>
    %convert_element_type3A_8 = arith.extui %eq3A_7 : vector<64x2000xi1> to vector<64x2000xi32>
    %convert_element_type3A_9 = arith.sitofp %convert_element_type3A_8 : vector<64x2000xi32> to vector<64x2000xf32>
    %get3A_10 = arith.constant 0 : index
    %get3A_11 = arith.constant 0 : index
    %get3A_12 = vector.load %arg8[%get3A_10, %get3A_11] : memref<64x64xf32, #tpu.memory_space<vmem>>, vector<64x64xf32>
    %get3A_13 = arith.constant 0 : index
    %get3A_14 = arith.constant 0 : index
    %get3A_15 = vector.load %arg1[%get3A_13, %get3A_14] : memref<2000x64xf32, #tpu.memory_space<vmem>>, vector<2000x64xf32>
    %dot_general3A = arith.constant dense<0.000000e+00> : vector<64x64xf32>
    %dot_general3A_16 = tpu.matmul %convert_element_type3A_9, %get3A_15, %dot_general3A {dimension_numbers = #tpu.dot_dimension_numbers<[1], [0], [0], [1], [0, 0, 1, 1], [], []>, transpose_lhs_hint = false} : vector<64x2000xf32>, vector<2000x64xf32>, vector<64x64xf32> -> vector<64x64xf32>
    %add3A = arith.addf %get3A_12, %dot_general3A_16 : vector<64x64xf32>
    %swap3A = arith.constant 0 : index
    %swap3A_17 = arith.constant 0 : index
    %swap3A_18 = vector.load %arg8[%swap3A, %swap3A_17] : memref<64x64xf32, #tpu.memory_space<vmem>>, vector<64x64xf32>
    tpu.vector_store %arg8[%swap3A, %swap3A_17], %add3A {strides = array<i32>} : memref<64x64xf32, #tpu.memory_space<vmem>>, vector<64x64xf32>,
    %eq3A_19 = arith.constant 4 : i32
    %eq3A_20 = arith.cmpi eq, %arg0, %eq3A_19 : i32
    %convert_element_type3A_21 = arith.extui %eq3A_20 : i1 to i32
    %cond3A_22 = arith.constant 0 : i32
    %cond3A_23 = arith.cmpi ne, %convert_element_type3A_21, %cond3A_22 : i32
    scf.if %cond3A_23 {
      %get3A_24 = arith.constant 0 : index
      %get3A_25 = arith.constant 0 : index
      %get3A_26 = vector.load %arg8[%get3A_24, %get3A_25] : memref<64x64xf32, #tpu.memory_space<vmem>>, vector<64x64xf32>
      %get3A_27 = arith.constant 0 : index
      %get3A_28 = arith.constant 0 : index
      %get3A_29 = vector.load %arg3[%get3A_27, %get3A_28] : memref<64x64xf32, #tpu.memory_space<vmem>>, vector<64x64xf32>
      %dot_general3A_30 = arith.constant dense<0.000000e+00> : vector<64x64xf32>
      %dot_general3A_31 = tpu.matmul %get3A_26, %get3A_29, %dot_general3A_30 {dimension_numbers = #tpu.dot_dimension_numbers<[1], [0], [0], [1], [0, 0, 1, 1], [], []>, transpose_lhs_hint = false} : vector<64x64xf32>, vector<64x64xf32>, vector<64x64xf32> -> vector<64x64xf32>
      %get3A_32 = arith.constant 0 : index
      %get3A_33 = arith.constant 0 : index
      %get3A_34 = vector.load %arg4[%get3A_32, %get3A_33] : memref<1x64xf32, #tpu.memory_space<vmem>>, vector<1x64xf32>
      %add3A_35 = vector.broadcast %get3A_34 : vector<1x64xf32> to vector<64x64xf32>
      %add3A_36 = arith.addf %dot_general3A_31, %add3A_35 : vector<64x64xf32>
      %max3A = arith.constant 0.000000e+00 : f32
      %max3A_37 = vector.broadcast %max3A : f32 to vector<64x64xf32>
      %max3A_38 = arith.maximumf %add3A_36, %max3A_37 : vector<64x64xf32>
      %get3A_39 = arith.constant 0 : index
      %get3A_40 = arith.constant 0 : index
      %get3A_41 = vector.load %arg5[%get3A_39, %get3A_40] : memref<64x16xf32, #tpu.memory_space<vmem>>, vector<64x16xf32>
      %dot_general3A_42 = arith.constant dense<0.000000e+00> : vector<64x16xf32>
      %dot_general3A_43 = tpu.matmul %max3A_38, %get3A_41, %dot_general3A_42 {dimension_numbers = #tpu.dot_dimension_numbers<[1], [0], [0], [1], [0, 0, 1, 1], [], []>, transpose_lhs_hint = false} : vector<64x64xf32>, vector<64x16xf32>, vector<64x16xf32> -> vector<64x16xf32>
      %get3A_44 = arith.constant 0 : index
      %get3A_45 = arith.constant 0 : index
      %get3A_46 = vector.load %arg6[%get3A_44, %get3A_45] : memref<1x16xf32, #tpu.memory_space<vmem>>, vector<1x16xf32>
      %add3A_47 = vector.broadcast %get3A_46 : vector<1x16xf32> to vector<64x16xf32>
      %add3A_48 = arith.addf %dot_general3A_43, %add3A_47 : vector<64x16xf32>
      %reduce_max3A = arith.constant dense<0xFF800000> : vector<64xf32>
      %reduce_max3A_49 = vector.multi_reduction <maximumf>, %add3A_48, %reduce_max3A [1] : vector<64x16xf32> to vector<64xf32>
      %broadcast_in_dim3A = vector.shape_cast %reduce_max3A_49 : vector<64xf32> to vector<64x1xf32>
      %sub3A = vector.broadcast %broadcast_in_dim3A : vector<64x1xf32> to vector<64x16xf32>
      %sub3A_50 = arith.subf %add3A_48, %sub3A : vector<64x16xf32>
      %exp3A = math.exp %sub3A_50 : vector<64x16xf32>
      %reduce_sum3A = arith.constant dense<0.000000e+00> : vector<64xf32>
      %reduce_sum3A_51 = vector.multi_reduction <add>, %exp3A, %reduce_sum3A [1] : vector<64x16xf32> to vector<64xf32>
      %broadcast_in_dim3A_52 = vector.shape_cast %reduce_sum3A_51 : vector<64xf32> to vector<64x1xf32>
      %log3A = math.log %broadcast_in_dim3A_52 : vector<64x1xf32>
      %sub3A_53 = vector.broadcast %broadcast_in_dim3A : vector<64x1xf32> to vector<64x16xf32>
      %sub3A_54 = arith.subf %add3A_48, %sub3A_53 : vector<64x16xf32>
      %sub3A_55 = vector.broadcast %log3A : vector<64x1xf32> to vector<64x16xf32>
      %sub3A_56 = arith.subf %sub3A_54, %sub3A_55 : vector<64x16xf32>
      %swap3A_57 = arith.constant 0 : index
      %swap3A_58 = arith.constant 0 : index
      %swap3A_59 = vector.load %arg7[%swap3A_57, %swap3A_58] : memref<64x16xf32, #tpu.memory_space<vmem>>, vector<64x16xf32>
      tpu.vector_store %arg7[%swap3A_57, %swap3A_58], %sub3A_56 {strides = array<i32>} : memref<64x16xf32, #tpu.memory_space<vmem>>, vector<64x16xf32>,
    } else {
    }
    return
  }
  func.func @transform_0(%arg0: i32) -> (i32, i32) {
    %c0_i32 = arith.constant 0 : i32
    %c0_i32_0 = arith.constant 0 : i32
    return %arg0, %c0_i32 : i32, i32
  }
  func.func @transform_1(%arg0: i32) -> (i32, i32, i32) {
    %c0_i32 = arith.constant 0 : i32
    %c0_i32_0 = arith.constant 0 : i32
    %c0_i32_1 = arith.constant 0 : i32
    return %arg0, %c0_i32, %c0_i32_0 : i32, i32, i32
  }
  func.func @transform_2(%arg0: i32) -> (i32, i32) {
    %c0_i32 = arith.constant 0 : i32
    %c0_i32_0 = arith.constant 0 : i32
    %c0_i32_1 = arith.constant 0 : i32
    return %c0_i32, %c0_i32_0 : i32, i32
  }
  func.func @transform_3(%arg0: i32) -> (i32, i32) {
    %c0_i32 = arith.constant 0 : i32
    %c0_i32_0 = arith.constant 0 : i32
    %c0_i32_1 = arith.constant 0 : i32
    return %c0_i32, %c0_i32_0 : i32, i32
  }
  func.func @transform_4(%arg0: i32) -> (i32, i32) {
    %c0_i32 = arith.constant 0 : i32
    %c0_i32_0 = arith.constant 0 : i32
    %c0_i32_1 = arith.constant 0 : i32
    return %c0_i32, %c0_i32_0 : i32, i32
  }
  func.func @transform_5(%arg0: i32) -> (i32, i32) {
    %c0_i32 = arith.constant 0 : i32
    %c0_i32_0 = arith.constant 0 : i32
    %c0_i32_1 = arith.constant 0 : i32
    return %c0_i32, %c0_i32_0 : i32, i32
  }
  func.func @transform_6(%arg0: i32) -> (i32, i32) {
    %c0_i32 = arith.constant 0 : i32
    %c0_i32_0 = arith.constant 0 : i32
    %c0_i32_1 = arith.constant 0 : i32
    return %c0_i32, %c0_i32_0 : i32, i32
  }
}

</mosaic_0001>

<sc_bundles>
// kernel: kernel.14.cloned.1.call-start
scs
__scs_entry_jumppad:
0x0: {  	(pc) =	sbr.rel $0x88, $3  }
0x1: {  	(tag) =	ssettag $0x0;
	lr =	simm.s32 $0x1  }
0x2: {  	[smem:$0x3F7C] =	sst lr;
	_ =	strace $0xD0000000  }
0x3: {  	_ = 	snop  }
0x4: {  	_ = 	snop  }
0x5: {  	_ = 	snop  }
0x6: {  	_ = 	snop  }
0x7: {  	_ = 	snop  }
__scs_overlays_trampoline_lowered:
0x8: {  	[smem:$0x3F8B] =	sst s0  }
0x9: {  	[smem:$0x3F8C] =	sst s1  }
0xa: {  	[smem:$0x3F8D] =	sst s2  }
0xb: {  	[smem:$0x3F8E] =	sst s3  }
0xc: {  	[smem:$0x3F8F] =	sst s4  }
0xd: {  	[smem:$0x3F90] =	sst s5  }
0xe: {  	[smem:$0x3F91] =	sst s6  }
0xf: {  	[smem:$0x3F92] =	sst s7  }
0x10: {  	[smem:$0x3F93] =	sst s8  }
0x11: {  	[smem:$0x3F94] =	sst s9;
	s0 =	simm.s32 @!p0 $0x0  }
0x12: {  	s1 =	sld [smem:$0x3F7A];
	s0 =	simm.s32 @p0 $0x1  }
0x13: {  	[smem:$0x3F95] =	sst s0;
	s0 =	simm.s32 @!p1 $0x0  }
0x14: {  	s2 =	sld [smem:$0x3F79];
	s0 =	simm.s32 @p1 $0x1  }
0x15: {  	[smem:$0x3F96] =	sst s0;
	s0 =	simm.s32 @!p2 $0x0  }
0x16: {  	s3 =	sld [smem:$0x3FDB];
	s0 =	simm.s32 @p2 $0x1  }
0x17: {  	s4 =	simm.s32 $0x1BF5;
	[smem:$0x3F98] =	sst s0  }
0x18: {  	s0 =	sld [smem:$0x3F7B];
	_ =	swait.ge [sflag:s4], $0x0  }
0x19: {  	s7 =	sld [smem:$0x3F7C]  }
0x1a: {  	s8 =	sadd.s32 $0xFFFFE003, lr  }
0x1b: {  	s9 =	sadd.s32 $0xFFFFFEF7, lr;
	s5 =	simm.s32 $0xFFFFFFFF;
	p2 =	slt.u32 s8, $0xFFFFF086  }
0x1c: {  	p1 =	slt.u32 s9, $0xF7A;
	s5 =	simm.s32 @!p2 $0x0  }
0x1d: {  	s5 =	simm.s32 @p1 $0x1;
	p0 =	seq.s32 s7, s2  }
0x1e: {  	s7 =	smul.u32 @!p0 $0xF7A, s2;
	p2 =	seq.s32 @!p0 s5, $0x0  }
0x1f: {  	s9 =	smul.u32 $0xF7A, s1;
	s8 =	simm.s32 @!p0 $0x1BF5;
	p2 =	por !p2, p0  }
0x20: {  	[sflag:s8] =	ssyncset.s32 @!p0 $0xFFFFF086;
	s6 =	sadd.s32 @!p0 s3, s7;
	s7 =	simm.s32 @!p0 $0x108  }
0x21: {  	s3 =	sadd.s32 s3, s9;
	s6 =	sadd.s32 @!p0 $0x88, s6;
	s7 =	simm.s32 @p2 $0x1082  }
0x22: {  	[simem:s7], [sflag:s8] =	dma.local @!p0 [hbm:s6], $0xF7A  }
0x23: {  	s9 =	sor.u32 $0xD0000000, s2;
	s6 =	simm.s32 $0x108;
	_ =	swait.ge @!p0 [sflag:s8], $0x0  }
0x24: {  	s3 =	sadd.s32 $0x88, s3;
	s6 =	simm.s32 @!p1 $0x1082;
	[sflag:s4] =	ssyncset.s32 $0xFFFFF086  }
0x25: {  	[simem:s6], [sflag:s4] =	dma.local [hbm:s3], $0xF7A  }
0x26: {  	[smem:$0x3F7C] =	sst s1;
	(tag) =	ssettag s2;
	_ =	strace s9  }
0x27: {  	s1 =	sld [smem:$0x3F8C]  }
0x28: {  	s2 =	sld [smem:$0x3F8D]  }
0x29: {  	s4 =	sld [smem:$0x3F8F]  }
0x2a: {  	p0 =	seq.s32 s5, $0x0;
	s5 =	sld [smem:$0x3F90]  }
0x2b: {  	s6 =	sld [smem:$0x3F91]  }
0x2c: {  	s7 =	sld [smem:$0x3F92]  }
0x2d: {  	s3 =	simm.s32 $0x108;
	s8 =	sld [smem:$0x3F93]  }
0x2e: {  	s3 =	simm.s32 @!p0 $0x1082;
	s9 =	sld [smem:$0x3F94]  }
0x2f: {  	lr =	sadd.s32 s0, s3;
	s0 =	sld [smem:$0x3F8B]  }
0x30: {  	s3 =	sld [smem:$0x3F8E]  }
0x31: {  	[smem:$0x3F97] =	sst s10  }
0x32: {  	s10 =	sld [smem:$0x3F95];
	_ =	sdelay $0x3  }
0x33: {  	p0 =	seq.s32 s10, $0x1;
	s10 =	sld [smem:$0x3F97];
	_ =	sdelay $0x3  }
0x34: {  	[smem:$0x3F97] =	sst s10  }
0x35: {  	s10 =	sld [smem:$0x3F96];
	_ =	sdelay $0x3  }
0x36: {  	p1 =	seq.s32 s10, $0x1;
	s10 =	sld [smem:$0x3F97];
	_ =	sdelay $0x3  }
0x37: {  	[smem:$0x3F97] =	sst s10  }
0x38: {  	s10 =	sld [smem:$0x3F98]  }
0x39: {  	_ = 	snop;
	(pc) =	sbr.ind lr, $3  }
0x3a: {  	_ = 	snop  }
0x3b: {  	_ = 	snop  }
0x3c: {  	p2 =	seq.s32 s10, $0x1;
	s10 =	sld [smem:$0x3F97]  }
0x3d: {  	_ =	shalt  }
0x3e: {  	_ =	shalt  }
0x3f: {  	_ =	shalt  }
0x40: {  	_ =	shalt  }
0x41: {  	_ =	shalt  }
0x42: {  	_ =	shalt  }
0x43: {  	_ =	shalt  }
0x44: {  	_ =	shalt  }
0x45: {  	_ =	shalt  }
0x46: {  	_ =	shalt  }
0x47: {  	_ =	shalt  }
0x48: {  	_ =	shalt  }
0x49: {  	_ =	shalt  }
0x4a: {  	_ =	shalt  }
0x4b: {  	_ =	shalt  }
0x4c: {  	_ =	shalt  }
0x4d: {  	_ =	shalt  }
0x4e: {  	_ =	shalt  }
0x4f: {  	_ =	shalt  }
0x50: {  	_ =	shalt  }
0x51: {  	_ =	shalt  }
0x52: {  	_ =	shalt  }
0x53: {  	_ =	shalt  }
0x54: {  	_ =	shalt  }
0x55: {  	_ =	shalt  }
0x56: {  	_ =	shalt  }
0x57: {  	_ =	shalt  }
0x58: {  	_ =	shalt  }
0x59: {  	_ =	shalt  }
0x5a: {  	_ =	shalt  }
0x5b: {  	_ =	shalt  }
0x5c: {  	_ =	shalt  }
0x5d: {  	_ =	shalt  }
0x5e: {  	_ =	shalt  }
0x5f: {  	_ =	shalt  }
0x60: {  	_ =	shalt  }
0x61: {  	_ =	shalt  }
0x62: {  	_ =	shalt  }
0x63: {  	_ =	shalt  }
0x64: {  	_ =	shalt  }
0x65: {  	_ =	shalt  }
0x66: {  	_ =	shalt  }
0x67: {  	_ =	shalt  }
0x68: {  	_ =	shalt  }
0x69: {  	_ =	shalt  }
0x6a: {  	_ =	shalt  }
0x6b: {  	_ =	shalt  }
0x6c: {  	_ =	shalt  }
0x6d: {  	_ =	shalt  }
0x6e: {  	_ =	shalt  }
0x6f: {  	_ =	shalt  }
0x70: {  	_ =	shalt  }
0x71: {  	_ =	shalt  }
0x72: {  	_ =	shalt  }
0x73: {  	_ =	shalt  }
0x74: {  	_ =	shalt  }
0x75: {  	_ =	shalt  }
0x76: {  	_ =	shalt  }
0x77: {  	_ =	shalt  }
0x78: {  	_ =	shalt  }
0x79: {  	_ =	shalt  }
0x7a: {  	_ =	shalt  }
0x7b: {  	_ =	shalt  }
0x7c: {  	_ =	shalt  }
0x7d: {  	_ =	shalt  }
0x7e: {  	_ =	shalt  }
0x7f: {  	_ =	shalt  }
0x80: {  	_ =	shalt  }
0x81: {  	_ =	shalt  }
0x82: {  	_ =	shalt  }
0x83: {  	_ =	shalt  }
0x84: {  	_ =	shalt  }
0x85: {  	_ =	shalt  }
0x86: {  	_ =	shalt  }
0x87: {  	_ =	shalt  }
.Lfunc_end0:
.L_simem_size_0:
called_computation_lowered:
.L_overlay_start_0:
0x88: {  	s2 =	sld [smem:$0x3FD9]  }
0x89: {  	s3 =	sld [smem:$0x3FFE];
	_ =	sdelay $0x1  }
0x8a: {  	s1 =	srdreg.scid  }
0x8b: {  	s0 =	sand.u32 $0x1, s1  }
0x8c: {  	s16 =	sshll.u32 s0, $0xA;
	s2 =	sadd.s32 s3, s2  }
0x8d: {  	s2 =	sadd.s32 s2, s16  }
0x8e: {  	[smem:$0x3FA3] =	sst s2  }
0x8f: {  	_ = 	snop  }
0x90: {  	(tm) =	ssettm $0x1  }
0x91: {  	s17 =	sld [smem:$0x3FFB];
	_ =	sdelay $0x3  }
0x92: {  	_ =	strace s17  }
0x93: {  	s2 =	sld [smem:$0x3FFC];
	_ =	sdelay $0x3  }
0x94: {  	_ =	strace s2  }
0x95: {  	s2 =	sld [smem:$0x3FFD];
	_ =	sdelay $0x3  }
0x96: {  	_ =	strace s2  }
0x97: {  	_ =	strace $0x8FFFFFFF  }
0x98: {  	s18 =	sld [smem:$0x3FDB];
	_ =	sdelay $0x1  }
0x99: {  	s19 =	simm.s32 $_scs_section_size  }
0x9a: {  	s4 =	simm.s32 $_size__tile_overlayer_lowered;
	s5 =	simm.s32 $_tile_overlayer_lowered  }
0x9b: {  	s22 =	simm.s32 $0x1BFF;
	s21 =	sshll.u32 s5, $0x1;
	s2 =	sadd.s32 s19, s18  }
0x9c: {  	s6 =	simm.s32 $0x0;
	s20 =	sshll.u32 s4, $0x1;
	s4 =	sadd.s32 s21, s2  }
0x9d: {  	[timem:s6], [sflag:s22] =	dma.local [hbm:s4], s20  }
0x9e: {  	_ =	swait.ge [sflag:s22], s20  }
0x9f: {  	s3 =	ssub.s32 $0x0, s20;
	[sflag:s22] =	ssyncset.done $0x0  }
0xa0: {  	[sflag:s22] =	ssyncadd.s32 s3;
	_ =	sdelay $0x1  }
0xa1: {  	s23 =	simm.s32 $0x1B8B  }
0xa2: {  	_ =	swait.ge [sflag:s23], $0x1  }
0xa3: {  	[sflag:s23] =	ssyncset.done $0x0  }
0xa4: {  	s25 =	simm.s32 $0x1B8E;
	s24 =	sld [smem:$0x3FFE];
	[sflag:s23] =	ssyncadd.s32 $0xFFFFFFFF  }
0xa5: {  	s26 =	simm.s32 $execute0_lowered;
	[smem:$0x3FD2] =	sst s25  }
0xa6: {  	s4 =	sshll.u32 s26, $0x1;
	_ =	strace $0x80000046;
	[dreg:$0x1] =	wrdreg $0xFFFFFFFF  }
0xa7: {  	s28 =	simm.s32 $_size_execute0_lowered;
	s2 =	sadd.s32 s2, s4;
	[dreg:$0x0] =	wrdreg $0x0  }
0xa8: {  	s4 =	sshll.u32 s28, $0x1;
	[dreg:$0x2] =	wrdreg s2  }
0xa9: {  	[dreg:$0x3] =	wrdreg s4  }
0xaa: {  	[dreg:$0x4] =	wrdreg $0xC0  }
0xab: {  	_ =	task [dreg:s6], $0x5FFFF  }
0xac: {  	[dreg:$0x1] =	wrdreg $0xFFFFFFFF  }
0xad: {  	[dreg:$0x0] =	wrdreg $0x60  }
0xae: {  	[dreg:$0x2] =	wrdreg s24  }
0xaf: {  	[dreg:$0x3] =	wrdreg $0x10D200  }
0xb0: {  	[dreg:$0x4] =	wrdreg $0xBF000  }
0xb1: {  	[dreg:$0x5] =	wrdreg $0x9  }
0xb2: {  	_ =	task.clear_ibuf [dreg:s6], $0x6FFFF;
	_ =	strace $0x90000046  }
0xb3: {  	s29 =	simm.s32 $0x9;
	_ =	strace $0x80000048  }
0xb4: {  	_ =	swait.ge [sflag:s29], $0x1  }
0xb5: {  	[sflag:s29] =	ssyncadd.s32 $0xFFFFFFFF  }
0xb6: {  	_ =	strace $0x90000048  }
0xb7: {  	_ =	sfence  }
0xb8: {  	s30 =	sld [smem:$0x0];
	_ =	sdelay $0x2  }
0xb9: {  	s31 =	sshll.u32 s1, $0xD;
	s1 =	sshrl.u32 s1, $0x2  }
0xba: {  	s3 =	sand.u32 $0x4000, s31;
	s1 =	sadd.s32 s1, s30  }
0xbb: {  	s0 =	sor.u32 s3, s0;
	s1 =	sshll.u32 s1, $0x11  }
0xbc: {  	s0 =	sor.u32 s1, s0  }
0xbd: {  	s0 =	sadd.s32 $0x8F2B, s0  }
0xbe: {  	[sflag:s0] =	ssyncadd.remote.s32 $0x1  }
0xbf: {  	_ =	sfence.sel $0xFFFF  }
0xc0: {  	[dreg:$0x0] =	wrdreg $0xFFFFFFFF;
	(pc) =	sbr.abs _section_cstart, $3  }
0xc1: {  	[dreg:$0x1] =	wrdreg $0xFFFFFFFF  }
0xc2: {  	_ =	task.clear_ibuf [dreg:s6], $0x2FFFF;
	_ =	strace $0x9FFFFFFF  }
0xc3: {  	(tm) =	ssettm $0x7FFFFFFF  }
tec
execute0_lowered:
.L_overlay_start_1:
0x0: {  	(tag) =	ssettag $0x1  }
0x1: {  	s0 =	rddreg [dreg:$0x0]  }
0x2: {  	s2 =	rddreg [dreg:$0x1]  }
0x3: {  	s3 =	rddreg [dreg:$0x2]  }
0x4: {  	s1 =	stileid.u32;
	s5 =	srdreg.scid;
	s4 =	simm.s32 $0x0  }
0x5: {  	s14 =	simm.s32 $0x3;
	s16 =	simm.s32 $0x7000;
	s18 =	simm.s32 $0x1  }
0x6: {  	s19 =	simm.s32 $0x4;
	s20 =	simm.s32 $0x10;
	s21 =	simm.s32 $0x80  }
0x7: {  	s22 =	simm.s32 $0x5000;
	s23 =	simm.s32 $0x6000;
	s24 =	simm.s32 $0x2  }
0x8: {  	s28 =	simm.s32 $0x4F80;
	s29 =	simm.s32 $0x20;
	s6 =	smul.u32 $0x13880, s1  }
0x9: {  	s5 =	sand.u32 $0x1, s5;
	s7 =	smul.u32 $0x13C00, s1;
	[smem:$0x7FF] =	sst s4  }
0xa: {  	s31 =	sshll.u32 s1, $0x6;
	s8 =	sshll.u32 s5, $0x4;
	s9 =	smul.u32 $0x278000, s5  }
0xb: {  	_ =	strace $0x80000047;
	s5 =	ssub.s32 $0x2, s5;
	s17 =	sor.u32 $0x1C03, s31  }
0xc: {  	s10 =	sshrl.u32 s6, $0x3;
	s8 =	sor.u32 s1, s8;
	s25 =	sshrl.u32 s5, $0x1  }
0xd: {  	s30 =	sshrl.u32 s6, $0x2;
	s8 =	smul.u32 $0x500, s8;
	s9 =	sadd.s32 s7, s9  }
0xe: {  	s11 =	sadd.s32 s10, s0;
	s13 =	ssub.s32 s5, s25;
	s7 =	sshrl.u32 s7, $0x2  }
0xf: {  	s25 =	simm.s32 $0x2780;
	s9 =	sshrl.u32 s9, $0x3;
	s7 =	sadd.s32 s7, s2  }
0x10: {  	s13 =	smax.u32 s13, $0x1;
	s8 =	sadd.s32 s8, s0;
	s0 =	sadd.s32 s9, s0  }
0x11: {  	s9 =	sadd.s32 $0x1A800, s11;
	s11 =	sadd.s32 $0x1A804, s11;
	s26 =	sadd.s32 $0x10800, s8  }
0x12: {  	s6 =	sadd.s32 $0x6800, s8;
	s8 =	sadd.s32 s30, s3;
	s10 =	sadd.s32 $0x41A00, s0  }
0x13: {  	v0 =	vimm.f32 $0.0e+00;
	s12 =	sadd.s32 $0x69200, s0;
	[dreg:$0x4] =	wrdreg s26;
	s26 =	simm.s32 $0x4F00  }
.LBB2_1:
0x14: {  	s30 =	simm.s32 $0x80;
	s0 =	simm.s32 $0x0  }
.LBB2_2:
0x15: {  	p0 =	sne.s32 s30, $0x13B80;
	[tilespmem:s0+$0x7000] =	vst v0;
	s31 =	smov.u32 s30;
	s30 =	sadd.s32 $0x80, s30  }
.Ltmp0:
0x16: {  	[tilespmem:s0+$0x7010] =	vst v0;
	(pc) =	sbr.rel @p0 .LBB2_2-.Ltmp0, $2  }
0x17: {  	_ =	sdelay $0x2  }
0x18: {  	s0 =	sshra.s32 s31, $0x2  }
0x19: {  	[tilespmem:s0+$0x7000] =	vst v0  }
0x1a: {  	[tilespmem:s0+$0x7010] =	vst v0;
	s15 =	simm.s32 $0x0;
	s1 =	rddreg [dreg:$0x4]  }
0x1b: {  	[tilespmem:s15], [sflag:$0x3] =	stream.linear.gather [hbm4b:s1+s15], $0x2800, $0x38;
	[tilespmem:$0x15C20] =	vst v63  }
0x1c: {  	_ =	swait.ge [sflag:s14], $0x2800  }
0x1d: {  	[sflag:s14] =	ssyncset.done $0x0  }
0x1e: {  	s5 =	simm.s32 $0x2800;
	[sflag:s14] =	ssyncadd.s32 $0xFFFFD800  }
0x1f: {  	[tilespmem:s5], [sflag:$0x3] =	stream.linear.gather [hbm4b:s6+s15], $0x2800, $0x38;
	[tilespmem:$0x15C20] =	vst v63  }
0x20: {  	_ =	swait.ge [sflag:s14], $0x2800  }
0x21: {  	[sflag:s14] =	ssyncset.done $0x0  }
0x22: {  	[sflag:s14] =	ssyncadd.s32 $0xFFFFD800  }
0x23: {  	[spmem:s7] =	stream.linear.scatter [tilespmem:s16], [sflag:$0x3], $0x4F00, $0x38;
	[tilespmem:$0x15C20] =	vst v63  }
0x24: {  	_ =	swait.ge [sflag:s14], $0x4F00  }
0x25: {  	[sflag:s14] =	ssyncset.done $0x0  }
0x26: {  	s30 =	sshrl.u32 s8, $0x3;
	[sflag:s14] =	ssyncadd.s32 $0xFFFFB100  }
0x27: {  	[spmem:s30@s19], [sflag:s17] =	dma.strided [hbm:s9@s20], $0x9C4, s18, $0x4   }
0x28: {  	_ =	swait.ge [sflag:s14], $0x9C4  }
0x29: {  	[sflag:s14] =	ssyncset.done $0x0  }
0x2a: {  	[sflag:s14] =	ssyncadd.s32 $0xFFFFF63C  }
0x2b: {  	[bflag:$0x0] =	sbarrier.arrive $0xFFFF  }
0x2c: {  	[tilespmem:s22], [sflag:$0x1] =	stream.indirect.gather [spmem:s3], $0x20, s15, s21, $0xb8;
	[tilespmem:$0x15C20] =	vst v63  }
0x2d: {  	s15 =	simm.s32 $0x80  }
0x2e: {  	[tilespmem:s23], [sflag:$0x2] =	stream.indirect.gather [spmem:s3], $0x20, s15, s21, $0xb8;
	[tilespmem:$0x15C20] =	vst v63  }
0x2f: {  	_ =	swait.ge [sflag:s18], $0x1000  }
0x30: {  	[sflag:s18] =	ssyncset.done $0x0  }
0x31: {  	s1 =	simm.s32 $0x2800;
	[sflag:s18] =	ssyncadd.s32 $0xFFFFF000  }
0x32: {  	[spmem:s2] =	stream.indirect.scatter.add.f32 [tilespmem:s22], [sflag:$0x3], $0x20, s1, s21, $0xb8;
	[tilespmem:$0x15C20] =	vst v63  }
0x33: {  	_ =	swait.ge [sflag:s14], $0x1000  }
0x34: {  	[sflag:s14] =	ssyncset.done $0x0  }
0x35: {  	s5 =	simm.s32 $0x100;
	[sflag:s14] =	ssyncadd.s32 $0xFFFFF000  }
0x36: {  	[tilespmem:s22], [sflag:$0x1] =	stream.indirect.gather [spmem:s3], $0x20, s5, s21, $0xb8;
	[tilespmem:$0x15C20] =	vst v63  }
0x37: {  	_ =	swait.ge [sflag:s24], $0x1000  }
0x38: {  	[sflag:s24] =	ssyncset.done $0x0  }
0x39: {  	s15 =	simm.s32 $0x2880;
	[sflag:s24] =	ssyncadd.s32 $0xFFFFF000  }
0x3a: {  	[spmem:s2] =	stream.indirect.scatter.add.f32 [tilespmem:s23], [sflag:$0x3], $0x20, s15, s21, $0xb8;
	[tilespmem:$0x15C20] =	vst v63  }
0x3b: {  	_ =	swait.ge [sflag:s14], $0x1000  }
0x3c: {  	s0 =	simm.s32 $0x800;
	s31 =	simm.s32 $0x100;
	[sflag:s14] =	ssyncset.done $0x0  }
.LBB2_4:
0x3d: {  	s1 =	sadd.s32 $0x80, s31  }
0x3e: {  	[sflag:s14] =	ssyncadd.s32 $0xFFFFF000;
	s15 =	smov.u32 s0;
	s5 =	sadd.s32 $0x400, s0  }
0x3f: {  	[tilespmem:s23], [sflag:$0x2] =	stream.indirect.gather [spmem:s3], $0x20, s1, s21, $0xb8;
	[tilespmem:$0x15C20] =	vst v63  }
0x40: {  	p0 =	sne.s32 s0, $0x9800;
	_ =	swait.ge [sflag:s18], $0x1000  }
0x41: {  	[sflag:s18] =	ssyncset.done $0x0  }
0x42: {  	s0 =	sadd.s32 $0x2800, s31;
	[sflag:s18] =	ssyncadd.s32 $0xFFFFF000  }
0x43: {  	[spmem:s2] =	stream.indirect.scatter.add.f32 [tilespmem:s22], [sflag:$0x3], $0x20, s0, s21, $0xb8;
	[tilespmem:$0x15C20] =	vst v63  }
0x44: {  	_ =	swait.ge [sflag:s14], $0x1000  }
0x45: {  	[sflag:s14] =	ssyncset.done $0x0  }
0x46: {  	s0 =	sadd.s32 $0x100, s31;
	[sflag:s14] =	ssyncadd.s32 $0xFFFFF000  }
0x47: {  	[tilespmem:s22], [sflag:$0x1] =	stream.indirect.gather [spmem:s3], $0x20, s0, s21, $0xb8;
	[tilespmem:$0x15C20] =	vst v63  }
0x48: {  	_ =	swait.ge [sflag:s24], $0x1000  }
.Ltmp1:
0x49: {  	[sflag:s24] =	ssyncset.done $0x0;
	(pc) =	sbr.rel @p0 .LBB2_4-.Ltmp1, $4  }
0x4a: {  	s0 =	sadd.s32 $0x2880, s31;
	[sflag:s24] =	ssyncadd.s32 $0xFFFFF000  }
0x4b: {  	[spmem:s2] =	stream.indirect.scatter.add.f32 [tilespmem:s23], [sflag:$0x3], $0x20, s0, s21, $0xb8;
	[tilespmem:$0x15C20] =	vst v63  }
0x4c: {  	_ =	swait.ge [sflag:s14], $0x1000  }
0x4d: {  	s31 =	sshra.s32 s15, $0x2;
	s0 =	smov.u32 s5;
	[sflag:s14] =	ssyncset.done $0x0  }
0x4e: {  	s0 =	sadd.s32 $0x80, s31;
	[sflag:s14] =	ssyncadd.s32 $0xFFFFF000  }
0x4f: {  	[tilespmem:s23], [sflag:$0x2] =	stream.indirect.gather [spmem:s3], $0x20, s0, s21, $0xb8;
	[tilespmem:$0x15C20] =	vst v63  }
0x50: {  	_ =	swait.ge [sflag:s18], $0x1000  }
0x51: {  	[sflag:s18] =	ssyncset.done $0x0  }
0x52: {  	s1 =	sadd.s32 $0x2800, s31;
	[sflag:s18] =	ssyncadd.s32 $0xFFFFF000  }
0x53: {  	[spmem:s2] =	stream.indirect.scatter.add.f32 [tilespmem:s22], [sflag:$0x3], $0x20, s1, s21, $0xb8;
	[tilespmem:$0x15C20] =	vst v63  }
0x54: {  	_ =	swait.ge [sflag:s14], $0x1000  }
0x55: {  	[sflag:s14] =	ssyncset.done $0x0  }
0x56: {  	s5 =	sadd.s32 $0x100, s31;
	[sflag:s14] =	ssyncadd.s32 $0xFFFFF000  }
0x57: {  	[tilespmem:s22], [sflag:$0x1] =	stream.indirect.gather [spmem:s3], $0x20, s5, s21, $0xb8;
	[tilespmem:$0x15C20] =	vst v63  }
0x58: {  	_ =	swait.ge [sflag:s24], $0x1000  }
0x59: {  	[sflag:s24] =	ssyncset.done $0x0  }
0x5a: {  	s15 =	sadd.s32 $0x2880, s31;
	[sflag:s24] =	ssyncadd.s32 $0xFFFFF000  }
0x5b: {  	[spmem:s2] =	stream.indirect.scatter.add.f32 [tilespmem:s23], [sflag:$0x3], $0x20, s15, s21, $0xb8;
	[tilespmem:$0x15C20] =	vst v63  }
0x5c: {  	_ =	swait.ge [sflag:s14], $0x1000  }
0x5d: {  	[sflag:s14] =	ssyncset.done $0x0  }
0x5e: {  	[sflag:s14] =	ssyncadd.s32 $0xFFFFF000  }
0x5f: {  	[tilespmem:s23], [sflag:$0x2] =	stream.indirect.gather [spmem:s3], $0x20, s25, s21, $0xb8;
	[tilespmem:$0x15C20] =	vst v63  }
0x60: {  	_ =	swait.ge [sflag:s18], $0x1000  }
0x61: {  	[sflag:s18] =	ssyncset.done $0x0  }
0x62: {  	[sflag:s18] =	ssyncadd.s32 $0xFFFFF000  }
0x63: {  	[spmem:s2] =	stream.indirect.scatter.add.f32 [tilespmem:s22], [sflag:$0x3], $0x20, s26, s21, $0xb8;
	[tilespmem:$0x15C20] =	vst v63  }
0x64: {  	_ =	swait.ge [sflag:s14], $0x1000  }
0x65: {  	[sflag:s14] =	ssyncset.done $0x0  }
0x66: {  	[sflag:s14] =	ssyncadd.s32 $0xFFFFF000  }
0x67: {  	_ =	swait.ge [sflag:s24], $0x1000  }
0x68: {  	[sflag:s24] =	ssyncset.done $0x0  }
0x69: {  	[sflag:s24] =	ssyncadd.s32 $0xFFFFF000  }
0x6a: {  	[spmem:s2] =	stream.indirect.scatter.add.f32 [tilespmem:s23], [sflag:$0x3], $0x20, s28, s21, $0xb8;
	[tilespmem:$0x15C20] =	vst v63  }
0x6b: {  	_ =	swait.ge [sflag:s14], $0x1000  }
0x6c: {  	[sflag:s14] =	ssyncset.done $0x0  }
0x6d: {  	[sflag:s14] =	ssyncadd.s32 $0xFFFFF000  }
0x6e: {  	[bflag:$0x0] =	sbarrier.arrive $0xFFFF  }
0x6f: {  	[tilespmem:s16], [sflag:$0x3] =	stream.linear.gather [spmem:s7], $0x4F00, $0x38;
	[tilespmem:$0x15C20] =	vst v63  }
0x70: {  	_ =	swait.ge [sflag:s14], $0x4F00  }
0x71: {  	[sflag:s14] =	ssyncset.done $0x0  }
0x72: {  	[sflag:s14] =	ssyncadd.s32 $0xFFFFB100  }
0x73: {  	[hbm4b:s10+s29] =	stream.strided.scatter [tilespmem:s16], [sflag:$0x3], $0x4F00, s21, s29, $0x38;
	[tilespmem:$0x15C20] =	vst v63  }
0x74: {  	_ =	swait.ge [sflag:s14], $0x4F00  }
0x75: {  	[sflag:s14] =	ssyncset.done $0x0  }
0x76: {  	s31 =	simm.s32 $0x80;
	s0 =	simm.s32 $0x0;
	[sflag:s14] =	ssyncadd.s32 $0xFFFFB100  }
.LBB2_6:
0x77: {  	p0 =	sne.s32 s31, $0x13B80;
	[tilespmem:s0+$0x7000] =	vst v0;
	s1 =	smov.u32 s31;
	s31 =	sadd.s32 $0x80, s31  }
.Ltmp2:
0x78: {  	[tilespmem:s0+$0x7010] =	vst v0;
	(pc) =	sbr.rel @p0 .LBB2_6-.Ltmp2, $2  }
0x79: {  	_ =	sdelay $0x2  }
0x7a: {  	s0 =	sshra.s32 s1, $0x2  }
0x7b: {  	[tilespmem:s0+$0x7000] =	vst v0  }
0x7c: {  	[tilespmem:s0+$0x7010] =	vst v0  }
0x7d: {  	[spmem:s7] =	stream.linear.scatter [tilespmem:s16], [sflag:$0x3], $0x4F00, $0x38;
	[tilespmem:$0x15C20] =	vst v63  }
0x7e: {  	_ =	swait.ge [sflag:s14], $0x4F00  }
0x7f: {  	[sflag:s14] =	ssyncset.done $0x0  }
0x80: {  	[sflag:s14] =	ssyncadd.s32 $0xFFFFB100  }
0x81: {  	[spmem:s30@s19], [sflag:s17] =	dma.strided [hbm:s11@s20], $0x9C4, s18, $0x4   }
0x82: {  	_ =	swait.ge [sflag:s14], $0x9C4  }
0x83: {  	[sflag:s14] =	ssyncset.done $0x0  }
0x84: {  	[sflag:s14] =	ssyncadd.s32 $0xFFFFF63C  }
0x85: {  	s31 =	simm.s32 $0x0;
	[bflag:$0x0] =	sbarrier.arrive $0xFFFF  }
0x86: {  	[tilespmem:s22], [sflag:$0x1] =	stream.indirect.gather [spmem:s3], $0x20, s31, s21, $0xb8;
	[tilespmem:$0x15C20] =	vst v63  }
0x87: {  	s1 =	simm.s32 $0x80  }
0x88: {  	[tilespmem:s23], [sflag:$0x2] =	stream.indirect.gather [spmem:s3], $0x20, s1, s21, $0xb8;
	[tilespmem:$0x15C20] =	vst v63  }
0x89: {  	_ =	swait.ge [sflag:s18], $0x1000  }
0x8a: {  	[sflag:s18] =	ssyncset.done $0x0  }
0x8b: {  	s5 =	simm.s32 $0x2800;
	[sflag:s18] =	ssyncadd.s32 $0xFFFFF000  }
0x8c: {  	[spmem:s2] =	stream.indirect.scatter.add.f32 [tilespmem:s22], [sflag:$0x3], $0x20, s5, s21, $0xb8;
	[tilespmem:$0x15C20] =	vst v63  }
0x8d: {  	_ =	swait.ge [sflag:s14], $0x1000  }
0x8e: {  	[sflag:s14] =	ssyncset.done $0x0  }
0x8f: {  	s15 =	simm.s32 $0x100;
	[sflag:s14] =	ssyncadd.s32 $0xFFFFF000  }
0x90: {  	[tilespmem:s22], [sflag:$0x1] =	stream.indirect.gather [spmem:s3], $0x20, s15, s21, $0xb8;
	[tilespmem:$0x15C20] =	vst v63  }
0x91: {  	_ =	swait.ge [sflag:s24], $0x1000  }
0x92: {  	[sflag:s24] =	ssyncset.done $0x0  }
0x93: {  	s31 =	simm.s32 $0x2880;
	[sflag:s24] =	ssyncadd.s32 $0xFFFFF000  }
0x94: {  	[spmem:s2] =	stream.indirect.scatter.add.f32 [tilespmem:s23], [sflag:$0x3], $0x20, s31, s21, $0xb8;
	[tilespmem:$0x15C20] =	vst v63  }
0x95: {  	_ =	swait.ge [sflag:s14], $0x1000  }
0x96: {  	s0 =	simm.s32 $0x800;
	s30 =	simm.s32 $0x100;
	[sflag:s14] =	ssyncset.done $0x0  }
.LBB2_8:
0x97: {  	s1 =	sadd.s32 $0x80, s30  }
0x98: {  	[sflag:s14] =	ssyncadd.s32 $0xFFFFF000;
	s5 =	smov.u32 s0;
	s15 =	sadd.s32 $0x400, s0  }
0x99: {  	[tilespmem:s23], [sflag:$0x2] =	stream.indirect.gather [spmem:s3], $0x20, s1, s21, $0xb8;
	[tilespmem:$0x15C20] =	vst v63  }
0x9a: {  	p0 =	sne.s32 s0, $0x9800;
	_ =	swait.ge [sflag:s18], $0x1000  }
0x9b: {  	[sflag:s18] =	ssyncset.done $0x0  }
0x9c: {  	s0 =	sadd.s32 $0x2800, s30;
	[sflag:s18] =	ssyncadd.s32 $0xFFFFF000  }
0x9d: {  	[spmem:s2] =	stream.indirect.scatter.add.f32 [tilespmem:s22], [sflag:$0x3], $0x20, s0, s21, $0xb8;
	[tilespmem:$0x15C20] =	vst v63  }
0x9e: {  	_ =	swait.ge [sflag:s14], $0x1000  }
0x9f: {  	[sflag:s14] =	ssyncset.done $0x0  }
0xa0: {  	s0 =	sadd.s32 $0x100, s30;
	[sflag:s14] =	ssyncadd.s32 $0xFFFFF000  }
0xa1: {  	[tilespmem:s22], [sflag:$0x1] =	stream.indirect.gather [spmem:s3], $0x20, s0, s21, $0xb8;
	[tilespmem:$0x15C20] =	vst v63  }
0xa2: {  	_ =	swait.ge [sflag:s24], $0x1000  }
.Ltmp3:
0xa3: {  	[sflag:s24] =	ssyncset.done $0x0;
	(pc) =	sbr.rel @p0 .LBB2_8-.Ltmp3, $4  }
0xa4: {  	s0 =	sadd.s32 $0x2880, s30;
	[sflag:s24] =	ssyncadd.s32 $0xFFFFF000  }
0xa5: {  	[spmem:s2] =	stream.indirect.scatter.add.f32 [tilespmem:s23], [sflag:$0x3], $0x20, s0, s21, $0xb8;
	[tilespmem:$0x15C20] =	vst v63  }
0xa6: {  	_ =	swait.ge [sflag:s14], $0x1000  }
0xa7: {  	s30 =	sshra.s32 s5, $0x2;
	s0 =	smov.u32 s15;
	[sflag:s14] =	ssyncset.done $0x0  }
0xa8: {  	s0 =	sadd.s32 $0x80, s30;
	[sflag:s14] =	ssyncadd.s32 $0xFFFFF000  }
0xa9: {  	[tilespmem:s23], [sflag:$0x2] =	stream.indirect.gather [spmem:s3], $0x20, s0, s21, $0xb8;
	[tilespmem:$0x15C20] =	vst v63  }
0xaa: {  	_ =	swait.ge [sflag:s18], $0x1000  }
0xab: {  	[sflag:s18] =	ssyncset.done $0x0  }
0xac: {  	s1 =	sadd.s32 $0x2800, s30;
	[sflag:s18] =	ssyncadd.s32 $0xFFFFF000  }
0xad: {  	[spmem:s2] =	stream.indirect.scatter.add.f32 [tilespmem:s22], [sflag:$0x3], $0x20, s1, s21, $0xb8;
	[tilespmem:$0x15C20] =	vst v63  }
0xae: {  	_ =	swait.ge [sflag:s14], $0x1000  }
0xaf: {  	[sflag:s14] =	ssyncset.done $0x0  }
0xb0: {  	s5 =	sadd.s32 $0x100, s30;
	[sflag:s14] =	ssyncadd.s32 $0xFFFFF000  }
0xb1: {  	[tilespmem:s22], [sflag:$0x1] =	stream.indirect.gather [spmem:s3], $0x20, s5, s21, $0xb8;
	[tilespmem:$0x15C20] =	vst v63  }
0xb2: {  	_ =	swait.ge [sflag:s24], $0x1000  }
0xb3: {  	[sflag:s24] =	ssyncset.done $0x0  }
0xb4: {  	s15 =	sadd.s32 $0x2880, s30;
	[sflag:s24] =	ssyncadd.s32 $0xFFFFF000  }
0xb5: {  	[spmem:s2] =	stream.indirect.scatter.add.f32 [tilespmem:s23], [sflag:$0x3], $0x20, s15, s21, $0xb8;
	[tilespmem:$0x15C20] =	vst v63  }
0xb6: {  	_ =	swait.ge [sflag:s14], $0x1000  }
0xb7: {  	[sflag:s14] =	ssyncset.done $0x0  }
0xb8: {  	[sflag:s14] =	ssyncadd.s32 $0xFFFFF000  }
0xb9: {  	[tilespmem:s23], [sflag:$0x2] =	stream.indirect.gather [spmem:s3], $0x20, s25, s21, $0xb8;
	[tilespmem:$0x15C20] =	vst v63  }
0xba: {  	_ =	swait.ge [sflag:s18], $0x1000  }
0xbb: {  	[sflag:s18] =	ssyncset.done $0x0  }
0xbc: {  	[sflag:s18] =	ssyncadd.s32 $0xFFFFF000  }
0xbd: {  	[spmem:s2] =	stream.indirect.scatter.add.f32 [tilespmem:s22], [sflag:$0x3], $0x20, s26, s21, $0xb8;
	[tilespmem:$0x15C20] =	vst v63  }
0xbe: {  	_ =	swait.ge [sflag:s14], $0x1000  }
0xbf: {  	[sflag:s14] =	ssyncset.done $0x0  }
0xc0: {  	[sflag:s14] =	ssyncadd.s32 $0xFFFFF000  }
0xc1: {  	_ =	swait.ge [sflag:s24], $0x1000  }
0xc2: {  	[sflag:s24] =	ssyncset.done $0x0  }
0xc3: {  	[sflag:s24] =	ssyncadd.s32 $0xFFFFF000  }
0xc4: {  	[spmem:s2] =	stream.indirect.scatter.add.f32 [tilespmem:s23], [sflag:$0x3], $0x20, s28, s21, $0xb8;
	[tilespmem:$0x15C20] =	vst v63  }
0xc5: {  	_ =	swait.ge [sflag:s14], $0x1000  }
0xc6: {  	[sflag:s14] =	ssyncset.done $0x0  }
0xc7: {  	[sflag:s14] =	ssyncadd.s32 $0xFFFFF000  }
0xc8: {  	[bflag:$0x0] =	sbarrier.arrive $0xFFFF  }
0xc9: {  	[tilespmem:s16], [sflag:$0x3] =	stream.linear.gather [spmem:s7], $0x4F00, $0x38;
	[tilespmem:$0x15C20] =	vst v63  }
0xca: {  	_ =	swait.ge [sflag:s14], $0x4F00  }
0xcb: {  	[sflag:s14] =	ssyncset.done $0x0  }
0xcc: {  	[sflag:s14] =	ssyncadd.s32 $0xFFFFB100  }
0xcd: {  	[hbm4b:s12+s29] =	stream.strided.scatter [tilespmem:s16], [sflag:$0x3], $0x4F00, s21, s29, $0x38;
	[tilespmem:$0x15C20] =	vst v63  }
0xce: {  	_ =	swait.ge [sflag:s14], $0x4F00  }
0xcf: {  	[sflag:s14] =	ssyncset.done $0x0  }
0xd0: {  	s30 =	simm.s32 $0x80;
	s31 =	simm.s32 $0x0;
	[sflag:s14] =	ssyncadd.s32 $0xFFFFB100  }
.LBB2_10:
0xd1: {  	p0 =	sne.s32 s30, $0x13B80;
	[tilespmem:s31+$0x7000] =	vst v0;
	s0 =	smov.u32 s30;
	s30 =	sadd.s32 $0x80, s30  }
.Ltmp4:
0xd2: {  	[tilespmem:s31+$0x7010] =	vst v0;
	(pc) =	sbr.rel @p0 .LBB2_10-.Ltmp4, $2  }
0xd3: {  	_ =	sdelay $0x2  }
0xd4: {  	s31 =	sshra.s32 s0, $0x2  }
0xd5: {  	s4 =	sadd.s32 $0x1, s4  }
0xd6: {  	p0 =	sne.s32 s4, s13  }
.Ltmp5:
0xd7: {  	_ = 	snop;
	(pc) =	sbr.rel @p0 .LBB2_1-.Ltmp5, $3  }
0xd8: {  	_ =	sdelay $0x1  }
0xd9: {  	[tilespmem:s31+$0x7000] =	vst v0  }
0xda: {  	[tilespmem:s31+$0x7010] =	vst v0  }
0xdb: {  	_ =	sfence.sel $0x180000  }
0xdc: {  	[bflag:$0x0] =	sbarrier.arrive $0xFFFF  }
0xdd: {  	_ =	strace $0x90000047  }
0xde: {  	s0 =	stileid.u32;
	[bflag:$0x2] =	sbarrier.arrive $0xFFFF  }
0xdf: {  	p0 =	sne.s32 s0, $0x0;
	s0 =	rddreg [dreg:$0x3]  }
0xe0: {  	s0 =	sadd.s32 @!p0 $0x100000, s0  }
0xe1: {  	[sflag:s0] =	ssyncadd.tile.s32 @!p0 $0x1;
	_ =	shalt  }
.Lfunc_end2:
_tile_overlayer_lowered:
.L_overlay_start_2:
0xe2: {  	(tag) =	ssettag $0x2  }
0xe3: {  	s0 =	rddreg [dreg:$0x0];
	s2 =	stileid.u32  }
0xe4: {  	s1 =	rddreg [dreg:$0x1];
	p0 =	sne.s32 s2, $0x0  }
0xe5: {  	s3 =	rddreg [dreg:$0x2];
	[bflag:$0x3] =	sbarrier.arrive $0xFFFF;
	s2 =	simm.s32 @!p0 $0x1C03  }
0xe6: {  	[timem:s3], [sflag:s2] =	dma.local @!p0 [hbm:s0], s1  }
0xe7: {  	s0 =	simm.s32 @!p0 $0x3  }
0xe8: {  	_ =	swait.ge @!p0 [sflag:s0], s1  }
0xe9: {  	s1 =	ssub.s32 @!p0 $0x0, s1;
	[sflag:s0] =	ssyncset.done @!p0 $0x0  }
0xea: {  	[sflag:s0] =	ssyncadd.s32 @!p0 s1  }
0xeb: {  	[bflag:$0x3] =	sbarrier.arrive $0xFFFF  }
0xec: {  	_ =	shalt  }

// kernel: kernel.17.cloned.1.call-start
scs
__scs_entry_jumppad:
0x0: {  	(pc) =	sbr.rel $0x88, $3  }
0x1: {  	(tag) =	ssettag $0x0;
	lr =	simm.s32 $0x1  }
0x2: {  	[smem:$0x3F7C] =	sst lr;
	_ =	strace $0xD0000000  }
0x3: {  	_ = 	snop  }
0x4: {  	_ = 	snop  }
0x5: {  	_ = 	snop  }
0x6: {  	_ = 	snop  }
0x7: {  	_ = 	snop  }
__scs_overlays_trampoline_lowered:
0x8: {  	[smem:$0x3F8B] =	sst s0  }
0x9: {  	[smem:$0x3F8C] =	sst s1  }
0xa: {  	[smem:$0x3F8D] =	sst s2  }
0xb: {  	[smem:$0x3F8E] =	sst s3  }
0xc: {  	[smem:$0x3F8F] =	sst s4  }
0xd: {  	[smem:$0x3F90] =	sst s5  }
0xe: {  	[smem:$0x3F91] =	sst s6  }
0xf: {  	[smem:$0x3F92] =	sst s7  }
0x10: {  	[smem:$0x3F93] =	sst s8  }
0x11: {  	[smem:$0x3F94] =	sst s9;
	s0 =	simm.s32 @!p0 $0x0  }
0x12: {  	s1 =	sld [smem:$0x3F7A];
	s0 =	simm.s32 @p0 $0x1  }
0x13: {  	[smem:$0x3F95] =	sst s0;
	s0 =	simm.s32 @!p1 $0x0  }
0x14: {  	s2 =	sld [smem:$0x3F79];
	s0 =	simm.s32 @p1 $0x1  }
0x15: {  	[smem:$0x3F96] =	sst s0;
	s0 =	simm.s32 @!p2 $0x0  }
0x16: {  	s3 =	sld [smem:$0x3FDB];
	s0 =	simm.s32 @p2 $0x1  }
0x17: {  	s4 =	simm.s32 $0x1BF5;
	[smem:$0x3F98] =	sst s0  }
0x18: {  	s0 =	sld [smem:$0x3F7B];
	_ =	swait.ge [sflag:s4], $0x0  }
0x19: {  	s7 =	sld [smem:$0x3F7C]  }
0x1a: {  	s8 =	sadd.s32 $0xFFFFE003, lr  }
0x1b: {  	s9 =	sadd.s32 $0xFFFFFEF7, lr;
	s5 =	simm.s32 $0xFFFFFFFF;
	p2 =	slt.u32 s8, $0xFFFFF086  }
0x1c: {  	p1 =	slt.u32 s9, $0xF7A;
	s5 =	simm.s32 @!p2 $0x0  }
0x1d: {  	s5 =	simm.s32 @p1 $0x1;
	p0 =	seq.s32 s7, s2  }
0x1e: {  	s7 =	smul.u32 @!p0 $0xF7A, s2;
	p2 =	seq.s32 @!p0 s5, $0x0  }
0x1f: {  	s9 =	smul.u32 $0xF7A, s1;
	s8 =	simm.s32 @!p0 $0x1BF5;
	p2 =	por !p2, p0  }
0x20: {  	[sflag:s8] =	ssyncset.s32 @!p0 $0xFFFFF086;
	s6 =	sadd.s32 @!p0 s3, s7;
	s7 =	simm.s32 @!p0 $0x108  }
0x21: {  	s3 =	sadd.s32 s3, s9;
	s6 =	sadd.s32 @!p0 $0x88, s6;
	s7 =	simm.s32 @p2 $0x1082  }
0x22: {  	[simem:s7], [sflag:s8] =	dma.local @!p0 [hbm:s6], $0xF7A  }
0x23: {  	s9 =	sor.u32 $0xD0000000, s2;
	s6 =	simm.s32 $0x108;
	_ =	swait.ge @!p0 [sflag:s8], $0x0  }
0x24: {  	s3 =	sadd.s32 $0x88, s3;
	s6 =	simm.s32 @!p1 $0x1082;
	[sflag:s4] =	ssyncset.s32 $0xFFFFF086  }
0x25: {  	[simem:s6], [sflag:s4] =	dma.local [hbm:s3], $0xF7A  }
0x26: {  	[smem:$0x3F7C] =	sst s1;
	(tag) =	ssettag s2;
	_ =	strace s9  }
0x27: {  	s1 =	sld [smem:$0x3F8C]  }
0x28: {  	s2 =	sld [smem:$0x3F8D]  }
0x29: {  	s4 =	sld [smem:$0x3F8F]  }
0x2a: {  	p0 =	seq.s32 s5, $0x0;
	s5 =	sld [smem:$0x3F90]  }
0x2b: {  	s6 =	sld [smem:$0x3F91]  }
0x2c: {  	s7 =	sld [smem:$0x3F92]  }
0x2d: {  	s3 =	simm.s32 $0x108;
	s8 =	sld [smem:$0x3F93]  }
0x2e: {  	s3 =	simm.s32 @!p0 $0x1082;
	s9 =	sld [smem:$0x3F94]  }
0x2f: {  	lr =	sadd.s32 s0, s3;
	s0 =	sld [smem:$0x3F8B]  }
0x30: {  	s3 =	sld [smem:$0x3F8E]  }
0x31: {  	[smem:$0x3F97] =	sst s10  }
0x32: {  	s10 =	sld [smem:$0x3F95];
	_ =	sdelay $0x3  }
0x33: {  	p0 =	seq.s32 s10, $0x1;
	s10 =	sld [smem:$0x3F97];
	_ =	sdelay $0x3  }
0x34: {  	[smem:$0x3F97] =	sst s10  }
0x35: {  	s10 =	sld [smem:$0x3F96];
	_ =	sdelay $0x3  }
0x36: {  	p1 =	seq.s32 s10, $0x1;
	s10 =	sld [smem:$0x3F97];
	_ =	sdelay $0x3  }
0x37: {  	[smem:$0x3F97] =	sst s10  }
0x38: {  	s10 =	sld [smem:$0x3F98]  }
0x39: {  	_ = 	snop;
	(pc) =	sbr.ind lr, $3  }
0x3a: {  	_ = 	snop  }
0x3b: {  	_ = 	snop  }
0x3c: {  	p2 =	seq.s32 s10, $0x1;
	s10 =	sld [smem:$0x3F97]  }
0x3d: {  	_ =	shalt  }
0x3e: {  	_ =	shalt  }
0x3f: {  	_ =	shalt  }
0x40: {  	_ =	shalt  }
0x41: {  	_ =	shalt  }
0x42: {  	_ =	shalt  }
0x43: {  	_ =	shalt  }
0x44: {  	_ =	shalt  }
0x45: {  	_ =	shalt  }
0x46: {  	_ =	shalt  }
0x47: {  	_ =	shalt  }
0x48: {  	_ =	shalt  }
0x49: {  	_ =	shalt  }
0x4a: {  	_ =	shalt  }
0x4b: {  	_ =	shalt  }
0x4c: {  	_ =	shalt  }
0x4d: {  	_ =	shalt  }
0x4e: {  	_ =	shalt  }
0x4f: {  	_ =	shalt  }
0x50: {  	_ =	shalt  }
0x51: {  	_ =	shalt  }
0x52: {  	_ =	shalt  }
0x53: {  	_ =	shalt  }
0x54: {  	_ =	shalt  }
0x55: {  	_ =	shalt  }
0x56: {  	_ =	shalt  }
0x57: {  	_ =	shalt  }
0x58: {  	_ =	shalt  }
0x59: {  	_ =	shalt  }
0x5a: {  	_ =	shalt  }
0x5b: {  	_ =	shalt  }
0x5c: {  	_ =	shalt  }
0x5d: {  	_ =	shalt  }
0x5e: {  	_ =	shalt  }
0x5f: {  	_ =	shalt  }
0x60: {  	_ =	shalt  }
0x61: {  	_ =	shalt  }
0x62: {  	_ =	shalt  }
0x63: {  	_ =	shalt  }
0x64: {  	_ =	shalt  }
0x65: {  	_ =	shalt  }
0x66: {  	_ =	shalt  }
0x67: {  	_ =	shalt  }
0x68: {  	_ =	shalt  }
0x69: {  	_ =	shalt  }
0x6a: {  	_ =	shalt  }
0x6b: {  	_ =	shalt  }
0x6c: {  	_ =	shalt  }
0x6d: {  	_ =	shalt  }
0x6e: {  	_ =	shalt  }
0x6f: {  	_ =	shalt  }
0x70: {  	_ =	shalt  }
0x71: {  	_ =	shalt  }
0x72: {  	_ =	shalt  }
0x73: {  	_ =	shalt  }
0x74: {  	_ =	shalt  }
0x75: {  	_ =	shalt  }
0x76: {  	_ =	shalt  }
0x77: {  	_ =	shalt  }
0x78: {  	_ =	shalt  }
0x79: {  	_ =	shalt  }
0x7a: {  	_ =	shalt  }
0x7b: {  	_ =	shalt  }
0x7c: {  	_ =	shalt  }
0x7d: {  	_ =	shalt  }
0x7e: {  	_ =	shalt  }
0x7f: {  	_ =	shalt  }
0x80: {  	_ =	shalt  }
0x81: {  	_ =	shalt  }
0x82: {  	_ =	shalt  }
0x83: {  	_ =	shalt  }
0x84: {  	_ =	shalt  }
0x85: {  	_ =	shalt  }
0x86: {  	_ =	shalt  }
0x87: {  	_ =	shalt  }
.Lfunc_end0:
.L_simem_size_0:
called_computation.1_lowered:
.L_overlay_start_0:
0x88: {  	s2 =	sld [smem:$0x3FD9]  }
0x89: {  	s3 =	sld [smem:$0x3FFE];
	_ =	sdelay $0x1  }
0x8a: {  	s1 =	srdreg.scid  }
0x8b: {  	s0 =	sand.u32 $0x1, s1  }
0x8c: {  	s16 =	sshll.u32 s0, $0xA;
	s2 =	sadd.s32 s3, s2  }
0x8d: {  	s2 =	sadd.s32 s2, s16  }
0x8e: {  	[smem:$0x3FA3] =	sst s2  }
0x8f: {  	_ = 	snop  }
0x90: {  	(tm) =	ssettm $0x1  }
0x91: {  	s17 =	sld [smem:$0x3FFB];
	_ =	sdelay $0x3  }
0x92: {  	_ =	strace s17  }
0x93: {  	s2 =	sld [smem:$0x3FFC];
	_ =	sdelay $0x3  }
0x94: {  	_ =	strace s2  }
0x95: {  	s2 =	sld [smem:$0x3FFD];
	_ =	sdelay $0x3  }
0x96: {  	_ =	strace s2  }
0x97: {  	_ =	strace $0x8FFFFFFF  }
0x98: {  	s18 =	sld [smem:$0x3FDB];
	_ =	sdelay $0x1  }
0x99: {  	s19 =	simm.s32 $_scs_section_size  }
0x9a: {  	s4 =	simm.s32 $_size__tile_overlayer_lowered;
	s5 =	simm.s32 $_tile_overlayer_lowered  }
0x9b: {  	s22 =	simm.s32 $0x1BFF;
	s21 =	sshll.u32 s5, $0x1;
	s2 =	sadd.s32 s19, s18  }
0x9c: {  	s6 =	simm.s32 $0x0;
	s20 =	sshll.u32 s4, $0x1;
	s4 =	sadd.s32 s21, s2  }
0x9d: {  	[timem:s6], [sflag:s22] =	dma.local [hbm:s4], s20  }
0x9e: {  	_ =	swait.ge [sflag:s22], s20  }
0x9f: {  	s3 =	ssub.s32 $0x0, s20;
	[sflag:s22] =	ssyncset.done $0x0  }
0xa0: {  	[sflag:s22] =	ssyncadd.s32 s3;
	_ =	sdelay $0x1  }
0xa1: {  	s23 =	simm.s32 $0x1B8B  }
0xa2: {  	_ =	swait.ge [sflag:s23], $0x1  }
0xa3: {  	[sflag:s23] =	ssyncset.done $0x0  }
0xa4: {  	s25 =	simm.s32 $0x1B8E;
	s24 =	sld [smem:$0x3FFE];
	[sflag:s23] =	ssyncadd.s32 $0xFFFFFFFF  }
0xa5: {  	s26 =	simm.s32 $execute0_lowered;
	[smem:$0x3FD2] =	sst s25  }
0xa6: {  	s4 =	sshll.u32 s26, $0x1;
	_ =	strace $0x80000049;
	[dreg:$0x1] =	wrdreg $0xFFFFFFFF  }
0xa7: {  	s28 =	simm.s32 $_size_execute0_lowered;
	s2 =	sadd.s32 s2, s4;
	[dreg:$0x0] =	wrdreg $0x0  }
0xa8: {  	s4 =	sshll.u32 s28, $0x1;
	[dreg:$0x2] =	wrdreg s2  }
0xa9: {  	[dreg:$0x3] =	wrdreg s4  }
0xaa: {  	[dreg:$0x4] =	wrdreg $0xC0  }
0xab: {  	_ =	task [dreg:s6], $0x5FFFF  }
0xac: {  	[dreg:$0x1] =	wrdreg $0xFFFFFFFF  }
0xad: {  	[dreg:$0x0] =	wrdreg $0x60  }
0xae: {  	[dreg:$0x2] =	wrdreg s24  }
0xaf: {  	[dreg:$0x3] =	wrdreg $0x10D200  }
0xb0: {  	[dreg:$0x4] =	wrdreg $0xBF000  }
0xb1: {  	[dreg:$0x5] =	wrdreg $0x9  }
0xb2: {  	_ =	task.clear_ibuf [dreg:s6], $0x6FFFF;
	_ =	strace $0x90000049  }
0xb3: {  	s29 =	simm.s32 $0x9;
	_ =	strace $0x8000004B  }
0xb4: {  	_ =	swait.ge [sflag:s29], $0x1  }
0xb5: {  	[sflag:s29] =	ssyncadd.s32 $0xFFFFFFFF  }
0xb6: {  	_ =	strace $0x9000004B  }
0xb7: {  	_ =	sfence  }
0xb8: {  	s30 =	sld [smem:$0x0];
	_ =	sdelay $0x2  }
0xb9: {  	s31 =	sshll.u32 s1, $0xD;
	s1 =	sshrl.u32 s1, $0x2  }
0xba: {  	s3 =	sand.u32 $0x4000, s31;
	s1 =	sadd.s32 s1, s30  }
0xbb: {  	s0 =	sor.u32 s3, s0;
	s1 =	sshll.u32 s1, $0x11  }
0xbc: {  	s0 =	sor.u32 s1, s0  }
0xbd: {  	s0 =	sadd.s32 $0x8F2B, s0  }
0xbe: {  	[sflag:s0] =	ssyncadd.remote.s32 $0x1  }
0xbf: {  	_ =	sfence.sel $0xFFFF  }
0xc0: {  	[dreg:$0x0] =	wrdreg $0xFFFFFFFF;
	(pc) =	sbr.abs _section_cstart, $3  }
0xc1: {  	[dreg:$0x1] =	wrdreg $0xFFFFFFFF  }
0xc2: {  	_ =	task.clear_ibuf [dreg:s6], $0x2FFFF;
	_ =	strace $0x9FFFFFFF  }
0xc3: {  	(tm) =	ssettm $0x7FFFFFFF  }
tec
execute0_lowered:
.L_overlay_start_1:
0x0: {  	(tag) =	ssettag $0x1  }
0x1: {  	s0 =	rddreg [dreg:$0x0]  }
0x2: {  	s2 =	rddreg [dreg:$0x1]  }
0x3: {  	s3 =	rddreg [dreg:$0x2]  }
0x4: {  	s1 =	stileid.u32;
	s5 =	srdreg.scid;
	s4 =	simm.s32 $0x0  }
0x5: {  	s14 =	simm.s32 $0x3;
	s16 =	simm.s32 $0x7000;
	s18 =	simm.s32 $0x1  }
0x6: {  	s19 =	simm.s32 $0x4;
	s20 =	simm.s32 $0x10;
	s21 =	simm.s32 $0x80  }
0x7: {  	s22 =	simm.s32 $0x5000;
	s23 =	simm.s32 $0x6000;
	s24 =	simm.s32 $0x2  }
0x8: {  	s28 =	simm.s32 $0x4F80;
	s29 =	simm.s32 $0x20;
	s6 =	smul.u32 $0x13880, s1  }
0x9: {  	s5 =	sand.u32 $0x1, s5;
	s7 =	smul.u32 $0x13C00, s1;
	[smem:$0x7FF] =	sst s4  }
0xa: {  	s31 =	sshll.u32 s1, $0x6;
	s8 =	sshll.u32 s5, $0x4;
	s9 =	smul.u32 $0x278000, s5  }
0xb: {  	_ =	strace $0x8000004A;
	s5 =	ssub.s32 $0x2, s5;
	s17 =	sor.u32 $0x1C03, s31  }
0xc: {  	s10 =	sshrl.u32 s6, $0x3;
	s8 =	sor.u32 s1, s8;
	s25 =	sshrl.u32 s5, $0x1  }
0xd: {  	s30 =	sshrl.u32 s6, $0x2;
	s8 =	smul.u32 $0x500, s8;
	s9 =	sadd.s32 s7, s9  }
0xe: {  	s11 =	sadd.s32 s10, s0;
	s13 =	ssub.s32 s5, s25;
	s7 =	sshrl.u32 s7, $0x2  }
0xf: {  	s25 =	simm.s32 $0x2780;
	s9 =	sshrl.u32 s9, $0x3;
	s7 =	sadd.s32 s7, s2  }
0x10: {  	s13 =	smax.u32 s13, $0x1;
	s8 =	sadd.s32 s8, s0;
	s0 =	sadd.s32 s9, s0  }
0x11: {  	s9 =	sadd.s32 $0x1A800, s11;
	s11 =	sadd.s32 $0x1A804, s11;
	s26 =	sadd.s32 $0x10800, s8  }
0x12: {  	s6 =	sadd.s32 $0x6800, s8;
	s8 =	sadd.s32 s30, s3;
	s10 =	sadd.s32 $0x41A00, s0  }
0x13: {  	v0 =	vimm.f32 $0.0e+00;
	s12 =	sadd.s32 $0x69200, s0;
	[dreg:$0x4] =	wrdreg s26;
	s26 =	simm.s32 $0x4F00  }
.LBB2_1:
0x14: {  	s30 =	simm.s32 $0x80;
	s0 =	simm.s32 $0x0  }
.LBB2_2:
0x15: {  	p0 =	sne.s32 s30, $0x13B80;
	[tilespmem:s0+$0x7000] =	vst v0;
	s31 =	smov.u32 s30;
	s30 =	sadd.s32 $0x80, s30  }
.Ltmp0:
0x16: {  	[tilespmem:s0+$0x7010] =	vst v0;
	(pc) =	sbr.rel @p0 .LBB2_2-.Ltmp0, $2  }
0x17: {  	_ =	sdelay $0x2  }
0x18: {  	s0 =	sshra.s32 s31, $0x2  }
0x19: {  	[tilespmem:s0+$0x7000] =	vst v0  }
0x1a: {  	[tilespmem:s0+$0x7010] =	vst v0;
	s15 =	simm.s32 $0x0;
	s1 =	rddreg [dreg:$0x4]  }
0x1b: {  	[tilespmem:s15], [sflag:$0x3] =	stream.linear.gather [hbm4b:s1+s15], $0x2800, $0x38;
	[tilespmem:$0x15C20] =	vst v63  }
0x1c: {  	_ =	swait.ge [sflag:s14], $0x2800  }
0x1d: {  	[sflag:s14] =	ssyncset.done $0x0  }
0x1e: {  	s5 =	simm.s32 $0x2800;
	[sflag:s14] =	ssyncadd.s32 $0xFFFFD800  }
0x1f: {  	[tilespmem:s5], [sflag:$0x3] =	stream.linear.gather [hbm4b:s6+s15], $0x2800, $0x38;
	[tilespmem:$0x15C20] =	vst v63  }
0x20: {  	_ =	swait.ge [sflag:s14], $0x2800  }
0x21: {  	[sflag:s14] =	ssyncset.done $0x0  }
0x22: {  	[sflag:s14] =	ssyncadd.s32 $0xFFFFD800  }
0x23: {  	[spmem:s7] =	stream.linear.scatter [tilespmem:s16], [sflag:$0x3], $0x4F00, $0x38;
	[tilespmem:$0x15C20] =	vst v63  }
0x24: {  	_ =	swait.ge [sflag:s14], $0x4F00  }
0x25: {  	[sflag:s14] =	ssyncset.done $0x0  }
0x26: {  	s30 =	sshrl.u32 s8, $0x3;
	[sflag:s14] =	ssyncadd.s32 $0xFFFFB100  }
0x27: {  	[spmem:s30@s19], [sflag:s17] =	dma.strided [hbm:s9@s20], $0x9C4, s18, $0x4   }
0x28: {  	_ =	swait.ge [sflag:s14], $0x9C4  }
0x29: {  	[sflag:s14] =	ssyncset.done $0x0  }
0x2a: {  	[sflag:s14] =	ssyncadd.s32 $0xFFFFF63C  }
0x2b: {  	[bflag:$0x0] =	sbarrier.arrive $0xFFFF  }
0x2c: {  	[tilespmem:s22], [sflag:$0x1] =	stream.indirect.gather [spmem:s3], $0x20, s15, s21, $0xb8;
	[tilespmem:$0x15C20] =	vst v63  }
0x2d: {  	s15 =	simm.s32 $0x80  }
0x2e: {  	[tilespmem:s23], [sflag:$0x2] =	stream.indirect.gather [spmem:s3], $0x20, s15, s21, $0xb8;
	[tilespmem:$0x15C20] =	vst v63  }
0x2f: {  	_ =	swait.ge [sflag:s18], $0x1000  }
0x30: {  	[sflag:s18] =	ssyncset.done $0x0  }
0x31: {  	s1 =	simm.s32 $0x2800;
	[sflag:s18] =	ssyncadd.s32 $0xFFFFF000  }
0x32: {  	[spmem:s2] =	stream.indirect.scatter.add.f32 [tilespmem:s22], [sflag:$0x3], $0x20, s1, s21, $0xb8;
	[tilespmem:$0x15C20] =	vst v63  }
0x33: {  	_ =	swait.ge [sflag:s14], $0x1000  }
0x34: {  	[sflag:s14] =	ssyncset.done $0x0  }
0x35: {  	s5 =	simm.s32 $0x100;
	[sflag:s14] =	ssyncadd.s32 $0xFFFFF000  }
0x36: {  	[tilespmem:s22], [sflag:$0x1] =	stream.indirect.gather [spmem:s3], $0x20, s5, s21, $0xb8;
	[tilespmem:$0x15C20] =	vst v63  }
0x37: {  	_ =	swait.ge [sflag:s24], $0x1000  }
0x38: {  	[sflag:s24] =	ssyncset.done $0x0  }
0x39: {  	s15 =	simm.s32 $0x2880;
	[sflag:s24] =	ssyncadd.s32 $0xFFFFF000  }
0x3a: {  	[spmem:s2] =	stream.indirect.scatter.add.f32 [tilespmem:s23], [sflag:$0x3], $0x20, s15, s21, $0xb8;
	[tilespmem:$0x15C20] =	vst v63  }
0x3b: {  	_ =	swait.ge [sflag:s14], $0x1000  }
0x3c: {  	s0 =	simm.s32 $0x800;
	s31 =	simm.s32 $0x100;
	[sflag:s14] =	ssyncset.done $0x0  }
.LBB2_4:
0x3d: {  	s1 =	sadd.s32 $0x80, s31  }
0x3e: {  	[sflag:s14] =	ssyncadd.s32 $0xFFFFF000;
	s15 =	smov.u32 s0;
	s5 =	sadd.s32 $0x400, s0  }
0x3f: {  	[tilespmem:s23], [sflag:$0x2] =	stream.indirect.gather [spmem:s3], $0x20, s1, s21, $0xb8;
	[tilespmem:$0x15C20] =	vst v63  }
0x40: {  	p0 =	sne.s32 s0, $0x9800;
	_ =	swait.ge [sflag:s18], $0x1000  }
0x41: {  	[sflag:s18] =	ssyncset.done $0x0  }
0x42: {  	s0 =	sadd.s32 $0x2800, s31;
	[sflag:s18] =	ssyncadd.s32 $0xFFFFF000  }
0x43: {  	[spmem:s2] =	stream.indirect.scatter.add.f32 [tilespmem:s22], [sflag:$0x3], $0x20, s0, s21, $0xb8;
	[tilespmem:$0x15C20] =	vst v63  }
0x44: {  	_ =	swait.ge [sflag:s14], $0x1000  }
0x45: {  	[sflag:s14] =	ssyncset.done $0x0  }
0x46: {  	s0 =	sadd.s32 $0x100, s31;
	[sflag:s14] =	ssyncadd.s32 $0xFFFFF000  }
0x47: {  	[tilespmem:s22], [sflag:$0x1] =	stream.indirect.gather [spmem:s3], $0x20, s0, s21, $0xb8;
	[tilespmem:$0x15C20] =	vst v63  }
0x48: {  	_ =	swait.ge [sflag:s24], $0x1000  }
.Ltmp1:
0x49: {  	[sflag:s24] =	ssyncset.done $0x0;
	(pc) =	sbr.rel @p0 .LBB2_4-.Ltmp1, $4  }
0x4a: {  	s0 =	sadd.s32 $0x2880, s31;
	[sflag:s24] =	ssyncadd.s32 $0xFFFFF000  }
0x4b: {  	[spmem:s2] =	stream.indirect.scatter.add.f32 [tilespmem:s23], [sflag:$0x3], $0x20, s0, s21, $0xb8;
	[tilespmem:$0x15C20] =	vst v63  }
0x4c: {  	_ =	swait.ge [sflag:s14], $0x1000  }
0x4d: {  	s31 =	sshra.s32 s15, $0x2;
	s0 =	smov.u32 s5;
	[sflag:s14] =	ssyncset.done $0x0  }
0x4e: {  	s0 =	sadd.s32 $0x80, s31;
	[sflag:s14] =	ssyncadd.s32 $0xFFFFF000  }
0x4f: {  	[tilespmem:s23], [sflag:$0x2] =	stream.indirect.gather [spmem:s3], $0x20, s0, s21, $0xb8;
	[tilespmem:$0x15C20] =	vst v63  }
0x50: {  	_ =	swait.ge [sflag:s18], $0x1000  }
0x51: {  	[sflag:s18] =	ssyncset.done $0x0  }
0x52: {  	s1 =	sadd.s32 $0x2800, s31;
	[sflag:s18] =	ssyncadd.s32 $0xFFFFF000  }
0x53: {  	[spmem:s2] =	stream.indirect.scatter.add.f32 [tilespmem:s22], [sflag:$0x3], $0x20, s1, s21, $0xb8;
	[tilespmem:$0x15C20] =	vst v63  }
0x54: {  	_ =	swait.ge [sflag:s14], $0x1000  }
0x55: {  	[sflag:s14] =	ssyncset.done $0x0  }
0x56: {  	s5 =	sadd.s32 $0x100, s31;
	[sflag:s14] =	ssyncadd.s32 $0xFFFFF000  }
0x57: {  	[tilespmem:s22], [sflag:$0x1] =	stream.indirect.gather [spmem:s3], $0x20, s5, s21, $0xb8;
	[tilespmem:$0x15C20] =	vst v63  }
0x58: {  	_ =	swait.ge [sflag:s24], $0x1000  }
0x59: {  	[sflag:s24] =	ssyncset.done $0x0  }
0x5a: {  	s15 =	sadd.s32 $0x2880, s31;
	[sflag:s24] =	ssyncadd.s32 $0xFFFFF000  }
0x5b: {  	[spmem:s2] =	stream.indirect.scatter.add.f32 [tilespmem:s23], [sflag:$0x3], $0x20, s15, s21, $0xb8;
	[tilespmem:$0x15C20] =	vst v63  }
0x5c: {  	_ =	swait.ge [sflag:s14], $0x1000  }
0x5d: {  	[sflag:s14] =	ssyncset.done $0x0  }
0x5e: {  	[sflag:s14] =	ssyncadd.s32 $0xFFFFF000  }
0x5f: {  	[tilespmem:s23], [sflag:$0x2] =	stream.indirect.gather [spmem:s3], $0x20, s25, s21, $0xb8;
	[tilespmem:$0x15C20] =	vst v63  }
0x60: {  	_ =	swait.ge [sflag:s18], $0x1000  }
0x61: {  	[sflag:s18] =	ssyncset.done $0x0  }
0x62: {  	[sflag:s18] =	ssyncadd.s32 $0xFFFFF000  }
0x63: {  	[spmem:s2] =	stream.indirect.scatter.add.f32 [tilespmem:s22], [sflag:$0x3], $0x20, s26, s21, $0xb8;
	[tilespmem:$0x15C20] =	vst v63  }
0x64: {  	_ =	swait.ge [sflag:s14], $0x1000  }
0x65: {  	[sflag:s14] =	ssyncset.done $0x0  }
0x66: {  	[sflag:s14] =	ssyncadd.s32 $0xFFFFF000  }
0x67: {  	_ =	swait.ge [sflag:s24], $0x1000  }
0x68: {  	[sflag:s24] =	ssyncset.done $0x0  }
0x69: {  	[sflag:s24] =	ssyncadd.s32 $0xFFFFF000  }
0x6a: {  	[spmem:s2] =	stream.indirect.scatter.add.f32 [tilespmem:s23], [sflag:$0x3], $0x20, s28, s21, $0xb8;
	[tilespmem:$0x15C20] =	vst v63  }
0x6b: {  	_ =	swait.ge [sflag:s14], $0x1000  }
0x6c: {  	[sflag:s14] =	ssyncset.done $0x0  }
0x6d: {  	[sflag:s14] =	ssyncadd.s32 $0xFFFFF000  }
0x6e: {  	[bflag:$0x0] =	sbarrier.arrive $0xFFFF  }
0x6f: {  	[tilespmem:s16], [sflag:$0x3] =	stream.linear.gather [spmem:s7], $0x4F00, $0x38;
	[tilespmem:$0x15C20] =	vst v63  }
0x70: {  	_ =	swait.ge [sflag:s14], $0x4F00  }
0x71: {  	[sflag:s14] =	ssyncset.done $0x0  }
0x72: {  	[sflag:s14] =	ssyncadd.s32 $0xFFFFB100  }
0x73: {  	[hbm4b:s10+s29] =	stream.strided.scatter [tilespmem:s16], [sflag:$0x3], $0x4F00, s21, s29, $0x38;
	[tilespmem:$0x15C20] =	vst v63  }
0x74: {  	_ =	swait.ge [sflag:s14], $0x4F00  }
0x75: {  	[sflag:s14] =	ssyncset.done $0x0  }
0x76: {  	s31 =	simm.s32 $0x80;
	s0 =	simm.s32 $0x0;
	[sflag:s14] =	ssyncadd.s32 $0xFFFFB100  }
.LBB2_6:
0x77: {  	p0 =	sne.s32 s31, $0x13B80;
	[tilespmem:s0+$0x7000] =	vst v0;
	s1 =	smov.u32 s31;
	s31 =	sadd.s32 $0x80, s31  }
.Ltmp2:
0x78: {  	[tilespmem:s0+$0x7010] =	vst v0;
	(pc) =	sbr.rel @p0 .LBB2_6-.Ltmp2, $2  }
0x79: {  	_ =	sdelay $0x2  }
0x7a: {  	s0 =	sshra.s32 s1, $0x2  }
0x7b: {  	[tilespmem:s0+$0x7000] =	vst v0  }
0x7c: {  	[tilespmem:s0+$0x7010] =	vst v0  }
0x7d: {  	[spmem:s7] =	stream.linear.scatter [tilespmem:s16], [sflag:$0x3], $0x4F00, $0x38;
	[tilespmem:$0x15C20] =	vst v63  }
0x7e: {  	_ =	swait.ge [sflag:s14], $0x4F00  }
0x7f: {  	[sflag:s14] =	ssyncset.done $0x0  }
0x80: {  	[sflag:s14] =	ssyncadd.s32 $0xFFFFB100  }
0x81: {  	[spmem:s30@s19], [sflag:s17] =	dma.strided [hbm:s11@s20], $0x9C4, s18, $0x4   }
0x82: {  	_ =	swait.ge [sflag:s14], $0x9C4  }
0x83: {  	[sflag:s14] =	ssyncset.done $0x0  }
0x84: {  	[sflag:s14] =	ssyncadd.s32 $0xFFFFF63C  }
0x85: {  	s31 =	simm.s32 $0x0;
	[bflag:$0x0] =	sbarrier.arrive $0xFFFF  }
0x86: {  	[tilespmem:s22], [sflag:$0x1] =	stream.indirect.gather [spmem:s3], $0x20, s31, s21, $0xb8;
	[tilespmem:$0x15C20] =	vst v63  }
0x87: {  	s1 =	simm.s32 $0x80  }
0x88: {  	[tilespmem:s23], [sflag:$0x2] =	stream.indirect.gather [spmem:s3], $0x20, s1, s21, $0xb8;
	[tilespmem:$0x15C20] =	vst v63  }
0x89: {  	_ =	swait.ge [sflag:s18], $0x1000  }
0x8a: {  	[sflag:s18] =	ssyncset.done $0x0  }
0x8b: {  	s5 =	simm.s32 $0x2800;
	[sflag:s18] =	ssyncadd.s32 $0xFFFFF000  }
0x8c: {  	[spmem:s2] =	stream.indirect.scatter.add.f32 [tilespmem:s22], [sflag:$0x3], $0x20, s5, s21, $0xb8;
	[tilespmem:$0x15C20] =	vst v63  }
0x8d: {  	_ =	swait.ge [sflag:s14], $0x1000  }
0x8e: {  	[sflag:s14] =	ssyncset.done $0x0  }
0x8f: {  	s15 =	simm.s32 $0x100;
	[sflag:s14] =	ssyncadd.s32 $0xFFFFF000  }
0x90: {  	[tilespmem:s22], [sflag:$0x1] =	stream.indirect.gather [spmem:s3], $0x20, s15, s21, $0xb8;
	[tilespmem:$0x15C20] =	vst v63  }
0x91: {  	_ =	swait.ge [sflag:s24], $0x1000  }
0x92: {  	[sflag:s24] =	ssyncset.done $0x0  }
0x93: {  	s31 =	simm.s32 $0x2880;
	[sflag:s24] =	ssyncadd.s32 $0xFFFFF000  }
0x94: {  	[spmem:s2] =	stream.indirect.scatter.add.f32 [tilespmem:s23], [sflag:$0x3], $0x20, s31, s21, $0xb8;
	[tilespmem:$0x15C20] =	vst v63  }
0x95: {  	_ =	swait.ge [sflag:s14], $0x1000  }
0x96: {  	s0 =	simm.s32 $0x800;
	s30 =	simm.s32 $0x100;
	[sflag:s14] =	ssyncset.done $0x0  }
.LBB2_8:
0x97: {  	s1 =	sadd.s32 $0x80, s30  }
0x98: {  	[sflag:s14] =	ssyncadd.s32 $0xFFFFF000;
	s5 =	smov.u32 s0;
	s15 =	sadd.s32 $0x400, s0  }
0x99: {  	[tilespmem:s23], [sflag:$0x2] =	stream.indirect.gather [spmem:s3], $0x20, s1, s21, $0xb8;
	[tilespmem:$0x15C20] =	vst v63  }
0x9a: {  	p0 =	sne.s32 s0, $0x9800;
	_ =	swait.ge [sflag:s18], $0x1000  }
0x9b: {  	[sflag:s18] =	ssyncset.done $0x0  }
0x9c: {  	s0 =	sadd.s32 $0x2800, s30;
	[sflag:s18] =	ssyncadd.s32 $0xFFFFF000  }
0x9d: {  	[spmem:s2] =	stream.indirect.scatter.add.f32 [tilespmem:s22], [sflag:$0x3], $0x20, s0, s21, $0xb8;
	[tilespmem:$0x15C20] =	vst v63  }
0x9e: {  	_ =	swait.ge [sflag:s14], $0x1000  }
0x9f: {  	[sflag:s14] =	ssyncset.done $0x0  }
0xa0: {  	s0 =	sadd.s32 $0x100, s30;
	[sflag:s14] =	ssyncadd.s32 $0xFFFFF000  }
0xa1: {  	[tilespmem:s22], [sflag:$0x1] =	stream.indirect.gather [spmem:s3], $0x20, s0, s21, $0xb8;
	[tilespmem:$0x15C20] =	vst v63  }
0xa2: {  	_ =	swait.ge [sflag:s24], $0x1000  }
.Ltmp3:
0xa3: {  	[sflag:s24] =	ssyncset.done $0x0;
	(pc) =	sbr.rel @p0 .LBB2_8-.Ltmp3, $4  }
0xa4: {  	s0 =	sadd.s32 $0x2880, s30;
	[sflag:s24] =	ssyncadd.s32 $0xFFFFF000  }
0xa5: {  	[spmem:s2] =	stream.indirect.scatter.add.f32 [tilespmem:s23], [sflag:$0x3], $0x20, s0, s21, $0xb8;
	[tilespmem:$0x15C20] =	vst v63  }
0xa6: {  	_ =	swait.ge [sflag:s14], $0x1000  }
0xa7: {  	s30 =	sshra.s32 s5, $0x2;
	s0 =	smov.u32 s15;
	[sflag:s14] =	ssyncset.done $0x0  }
0xa8: {  	s0 =	sadd.s32 $0x80, s30;
	[sflag:s14] =	ssyncadd.s32 $0xFFFFF000  }
0xa9: {  	[tilespmem:s23], [sflag:$0x2] =	stream.indirect.gather [spmem:s3], $0x20, s0, s21, $0xb8;
	[tilespmem:$0x15C20] =	vst v63  }
0xaa: {  	_ =	swait.ge [sflag:s18], $0x1000  }
0xab: {  	[sflag:s18] =	ssyncset.done $0x0  }
0xac: {  	s1 =	sadd.s32 $0x2800, s30;
	[sflag:s18] =	ssyncadd.s32 $0xFFFFF000  }
0xad: {  	[spmem:s2] =	stream.indirect.scatter.add.f32 [tilespmem:s22], [sflag:$0x3], $0x20, s1, s21, $0xb8;
	[tilespmem:$0x15C20] =	vst v63  }
0xae: {  	_ =	swait.ge [sflag:s14], $0x1000  }
0xaf: {  	[sflag:s14] =	ssyncset.done $0x0  }
0xb0: {  	s5 =	sadd.s32 $0x100, s30;
	[sflag:s14] =	ssyncadd.s32 $0xFFFFF000  }
0xb1: {  	[tilespmem:s22], [sflag:$0x1] =	stream.indirect.gather [spmem:s3], $0x20, s5, s21, $0xb8;
	[tilespmem:$0x15C20] =	vst v63  }
0xb2: {  	_ =	swait.ge [sflag:s24], $0x1000  }
0xb3: {  	[sflag:s24] =	ssyncset.done $0x0  }
0xb4: {  	s15 =	sadd.s32 $0x2880, s30;
	[sflag:s24] =	ssyncadd.s32 $0xFFFFF000  }
0xb5: {  	[spmem:s2] =	stream.indirect.scatter.add.f32 [tilespmem:s23], [sflag:$0x3], $0x20, s15, s21, $0xb8;
	[tilespmem:$0x15C20] =	vst v63  }
0xb6: {  	_ =	swait.ge [sflag:s14], $0x1000  }
0xb7: {  	[sflag:s14] =	ssyncset.done $0x0  }
0xb8: {  	[sflag:s14] =	ssyncadd.s32 $0xFFFFF000  }
0xb9: {  	[tilespmem:s23], [sflag:$0x2] =	stream.indirect.gather [spmem:s3], $0x20, s25, s21, $0xb8;
	[tilespmem:$0x15C20] =	vst v63  }
0xba: {  	_ =	swait.ge [sflag:s18], $0x1000  }
0xbb: {  	[sflag:s18] =	ssyncset.done $0x0  }
0xbc: {  	[sflag:s18] =	ssyncadd.s32 $0xFFFFF000  }
0xbd: {  	[spmem:s2] =	stream.indirect.scatter.add.f32 [tilespmem:s22], [sflag:$0x3], $0x20, s26, s21, $0xb8;
	[tilespmem:$0x15C20] =	vst v63  }
0xbe: {  	_ =	swait.ge [sflag:s14], $0x1000  }
0xbf: {  	[sflag:s14] =	ssyncset.done $0x0  }
0xc0: {  	[sflag:s14] =	ssyncadd.s32 $0xFFFFF000  }
0xc1: {  	_ =	swait.ge [sflag:s24], $0x1000  }
0xc2: {  	[sflag:s24] =	ssyncset.done $0x0  }
0xc3: {  	[sflag:s24] =	ssyncadd.s32 $0xFFFFF000  }
0xc4: {  	[spmem:s2] =	stream.indirect.scatter.add.f32 [tilespmem:s23], [sflag:$0x3], $0x20, s28, s21, $0xb8;
	[tilespmem:$0x15C20] =	vst v63  }
0xc5: {  	_ =	swait.ge [sflag:s14], $0x1000  }
0xc6: {  	[sflag:s14] =	ssyncset.done $0x0  }
0xc7: {  	[sflag:s14] =	ssyncadd.s32 $0xFFFFF000  }
0xc8: {  	[bflag:$0x0] =	sbarrier.arrive $0xFFFF  }
0xc9: {  	[tilespmem:s16], [sflag:$0x3] =	stream.linear.gather [spmem:s7], $0x4F00, $0x38;
	[tilespmem:$0x15C20] =	vst v63  }
0xca: {  	_ =	swait.ge [sflag:s14], $0x4F00  }
0xcb: {  	[sflag:s14] =	ssyncset.done $0x0  }
0xcc: {  	[sflag:s14] =	ssyncadd.s32 $0xFFFFB100  }
0xcd: {  	[hbm4b:s12+s29] =	stream.strided.scatter [tilespmem:s16], [sflag:$0x3], $0x4F00, s21, s29, $0x38;
	[tilespmem:$0x15C20] =	vst v63  }
0xce: {  	_ =	swait.ge [sflag:s14], $0x4F00  }
0xcf: {  	[sflag:s14] =	ssyncset.done $0x0  }
0xd0: {  	s30 =	simm.s32 $0x80;
	s31 =	simm.s32 $0x0;
	[sflag:s14] =	ssyncadd.s32 $0xFFFFB100  }
.LBB2_10:
0xd1: {  	p0 =	sne.s32 s30, $0x13B80;
	[tilespmem:s31+$0x7000] =	vst v0;
	s0 =	smov.u32 s30;
	s30 =	sadd.s32 $0x80, s30  }
.Ltmp4:
0xd2: {  	[tilespmem:s31+$0x7010] =	vst v0;
	(pc) =	sbr.rel @p0 .LBB2_10-.Ltmp4, $2  }
0xd3: {  	_ =	sdelay $0x2  }
0xd4: {  	s31 =	sshra.s32 s0, $0x2  }
0xd5: {  	s4 =	sadd.s32 $0x1, s4  }
0xd6: {  	p0 =	sne.s32 s4, s13  }
.Ltmp5:
0xd7: {  	_ = 	snop;
	(pc) =	sbr.rel @p0 .LBB2_1-.Ltmp5, $3  }
0xd8: {  	_ =	sdelay $0x1  }
0xd9: {  	[tilespmem:s31+$0x7000] =	vst v0  }
0xda: {  	[tilespmem:s31+$0x7010] =	vst v0  }
0xdb: {  	_ =	sfence.sel $0x180000  }
0xdc: {  	[bflag:$0x0] =	sbarrier.arrive $0xFFFF  }
0xdd: {  	_ =	strace $0x9000004A  }
0xde: {  	s0 =	stileid.u32;
	[bflag:$0x2] =	sbarrier.arrive $0xFFFF  }
0xdf: {  	p0 =	sne.s32 s0, $0x0;
	s0 =	rddreg [dreg:$0x3]  }
0xe0: {  	s0 =	sadd.s32 @!p0 $0x100000, s0  }
0xe1: {  	[sflag:s0] =	ssyncadd.tile.s32 @!p0 $0x1;
	_ =	shalt  }
.Lfunc_end2:
_tile_overlayer_lowered:
.L_overlay_start_2:
0xe2: {  	(tag) =	ssettag $0x2  }
0xe3: {  	s0 =	rddreg [dreg:$0x0];
	s2 =	stileid.u32  }
0xe4: {  	s1 =	rddreg [dreg:$0x1];
	p0 =	sne.s32 s2, $0x0  }
0xe5: {  	s3 =	rddreg [dreg:$0x2];
	[bflag:$0x3] =	sbarrier.arrive $0xFFFF;
	s2 =	simm.s32 @!p0 $0x1C03  }
0xe6: {  	[timem:s3], [sflag:s2] =	dma.local @!p0 [hbm:s0], s1  }
0xe7: {  	s0 =	simm.s32 @!p0 $0x3  }
0xe8: {  	_ =	swait.ge @!p0 [sflag:s0], s1  }
0xe9: {  	s1 =	ssub.s32 @!p0 $0x0, s1;
	[sflag:s0] =	ssyncset.done @!p0 $0x0  }
0xea: {  	[sflag:s0] =	ssyncadd.s32 @!p0 s1  }
0xeb: {  	[bflag:$0x3] =	sbarrier.arrive $0xFFFF  }
0xec: {  	_ =	shalt  }

// kernel: kernel.20.cloned.1.call-start
scs
__scs_entry_jumppad:
0x0: {  	(pc) =	sbr.rel $0x88, $3  }
0x1: {  	(tag) =	ssettag $0x0;
	lr =	simm.s32 $0x1  }
0x2: {  	[smem:$0x3F7C] =	sst lr;
	_ =	strace $0xD0000000  }
0x3: {  	_ = 	snop  }
0x4: {  	_ = 	snop  }
0x5: {  	_ = 	snop  }
0x6: {  	_ = 	snop  }
0x7: {  	_ = 	snop  }
__scs_overlays_trampoline_lowered:
0x8: {  	[smem:$0x3F8B] =	sst s0  }
0x9: {  	[smem:$0x3F8C] =	sst s1  }
0xa: {  	[smem:$0x3F8D] =	sst s2  }
0xb: {  	[smem:$0x3F8E] =	sst s3  }
0xc: {  	[smem:$0x3F8F] =	sst s4  }
0xd: {  	[smem:$0x3F90] =	sst s5  }
0xe: {  	[smem:$0x3F91] =	sst s6  }
0xf: {  	[smem:$0x3F92] =	sst s7  }
0x10: {  	[smem:$0x3F93] =	sst s8  }
0x11: {  	[smem:$0x3F94] =	sst s9;
	s0 =	simm.s32 @!p0 $0x0  }
0x12: {  	s1 =	sld [smem:$0x3F7A];
	s0 =	simm.s32 @p0 $0x1  }
0x13: {  	[smem:$0x3F95] =	sst s0;
	s0 =	simm.s32 @!p1 $0x0  }
0x14: {  	s2 =	sld [smem:$0x3F79];
	s0 =	simm.s32 @p1 $0x1  }
0x15: {  	[smem:$0x3F96] =	sst s0;
	s0 =	simm.s32 @!p2 $0x0  }
0x16: {  	s3 =	sld [smem:$0x3FDB];
	s0 =	simm.s32 @p2 $0x1  }
0x17: {  	s4 =	simm.s32 $0x1BF5;
	[smem:$0x3F98] =	sst s0  }
0x18: {  	s0 =	sld [smem:$0x3F7B];
	_ =	swait.ge [sflag:s4], $0x0  }
0x19: {  	s7 =	sld [smem:$0x3F7C]  }
0x1a: {  	s8 =	sadd.s32 $0xFFFFE003, lr  }
0x1b: {  	s9 =	sadd.s32 $0xFFFFFEF7, lr;
	s5 =	simm.s32 $0xFFFFFFFF;
	p2 =	slt.u32 s8, $0xFFFFF086  }
0x1c: {  	p1 =	slt.u32 s9, $0xF7A;
	s5 =	simm.s32 @!p2 $0x0  }
0x1d: {  	s5 =	simm.s32 @p1 $0x1;
	p0 =	seq.s32 s7, s2  }
0x1e: {  	s7 =	smul.u32 @!p0 $0xF7A, s2;
	p2 =	seq.s32 @!p0 s5, $0x0  }
0x1f: {  	s9 =	smul.u32 $0xF7A, s1;
	s8 =	simm.s32 @!p0 $0x1BF5;
	p2 =	por !p2, p0  }
0x20: {  	[sflag:s8] =	ssyncset.s32 @!p0 $0xFFFFF086;
	s6 =	sadd.s32 @!p0 s3, s7;
	s7 =	simm.s32 @!p0 $0x108  }
0x21: {  	s3 =	sadd.s32 s3, s9;
	s6 =	sadd.s32 @!p0 $0x88, s6;
	s7 =	simm.s32 @p2 $0x1082  }
0x22: {  	[simem:s7], [sflag:s8] =	dma.local @!p0 [hbm:s6], $0xF7A  }
0x23: {  	s9 =	sor.u32 $0xD0000000, s2;
	s6 =	simm.s32 $0x108;
	_ =	swait.ge @!p0 [sflag:s8], $0x0  }
0x24: {  	s3 =	sadd.s32 $0x88, s3;
	s6 =	simm.s32 @!p1 $0x1082;
	[sflag:s4] =	ssyncset.s32 $0xFFFFF086  }
0x25: {  	[simem:s6], [sflag:s4] =	dma.local [hbm:s3], $0xF7A  }
0x26: {  	[smem:$0x3F7C] =	sst s1;
	(tag) =	ssettag s2;
	_ =	strace s9  }
0x27: {  	s1 =	sld [smem:$0x3F8C]  }
0x28: {  	s2 =	sld [smem:$0x3F8D]  }
0x29: {  	s4 =	sld [smem:$0x3F8F]  }
0x2a: {  	p0 =	seq.s32 s5, $0x0;
	s5 =	sld [smem:$0x3F90]  }
0x2b: {  	s6 =	sld [smem:$0x3F91]  }
0x2c: {  	s7 =	sld [smem:$0x3F92]  }
0x2d: {  	s3 =	simm.s32 $0x108;
	s8 =	sld [smem:$0x3F93]  }
0x2e: {  	s3 =	simm.s32 @!p0 $0x1082;
	s9 =	sld [smem:$0x3F94]  }
0x2f: {  	lr =	sadd.s32 s0, s3;
	s0 =	sld [smem:$0x3F8B]  }
0x30: {  	s3 =	sld [smem:$0x3F8E]  }
0x31: {  	[smem:$0x3F97] =	sst s10  }
0x32: {  	s10 =	sld [smem:$0x3F95];
	_ =	sdelay $0x3  }
0x33: {  	p0 =	seq.s32 s10, $0x1;
	s10 =	sld [smem:$0x3F97];
	_ =	sdelay $0x3  }
0x34: {  	[smem:$0x3F97] =	sst s10  }
0x35: {  	s10 =	sld [smem:$0x3F96];
	_ =	sdelay $0x3  }
0x36: {  	p1 =	seq.s32 s10, $0x1;
	s10 =	sld [smem:$0x3F97];
	_ =	sdelay $0x3  }
0x37: {  	[smem:$0x3F97] =	sst s10  }
0x38: {  	s10 =	sld [smem:$0x3F98]  }
0x39: {  	_ = 	snop;
	(pc) =	sbr.ind lr, $3  }
0x3a: {  	_ = 	snop  }
0x3b: {  	_ = 	snop  }
0x3c: {  	p2 =	seq.s32 s10, $0x1;
	s10 =	sld [smem:$0x3F97]  }
0x3d: {  	_ =	shalt  }
0x3e: {  	_ =	shalt  }
0x3f: {  	_ =	shalt  }
0x40: {  	_ =	shalt  }
0x41: {  	_ =	shalt  }
0x42: {  	_ =	shalt  }
0x43: {  	_ =	shalt  }
0x44: {  	_ =	shalt  }
0x45: {  	_ =	shalt  }
0x46: {  	_ =	shalt  }
0x47: {  	_ =	shalt  }
0x48: {  	_ =	shalt  }
0x49: {  	_ =	shalt  }
0x4a: {  	_ =	shalt  }
0x4b: {  	_ =	shalt  }
0x4c: {  	_ =	shalt  }
0x4d: {  	_ =	shalt  }
0x4e: {  	_ =	shalt  }
0x4f: {  	_ =	shalt  }
0x50: {  	_ =	shalt  }
0x51: {  	_ =	shalt  }
0x52: {  	_ =	shalt  }
0x53: {  	_ =	shalt  }
0x54: {  	_ =	shalt  }
0x55: {  	_ =	shalt  }
0x56: {  	_ =	shalt  }
0x57: {  	_ =	shalt  }
0x58: {  	_ =	shalt  }
0x59: {  	_ =	shalt  }
0x5a: {  	_ =	shalt  }
0x5b: {  	_ =	shalt  }
0x5c: {  	_ =	shalt  }
0x5d: {  	_ =	shalt  }
0x5e: {  	_ =	shalt  }
0x5f: {  	_ =	shalt  }
0x60: {  	_ =	shalt  }
0x61: {  	_ =	shalt  }
0x62: {  	_ =	shalt  }
0x63: {  	_ =	shalt  }
0x64: {  	_ =	shalt  }
0x65: {  	_ =	shalt  }
0x66: {  	_ =	shalt  }
0x67: {  	_ =	shalt  }
0x68: {  	_ =	shalt  }
0x69: {  	_ =	shalt  }
0x6a: {  	_ =	shalt  }
0x6b: {  	_ =	shalt  }
0x6c: {  	_ =	shalt  }
0x6d: {  	_ =	shalt  }
0x6e: {  	_ =	shalt  }
0x6f: {  	_ =	shalt  }
0x70: {  	_ =	shalt  }
0x71: {  	_ =	shalt  }
0x72: {  	_ =	shalt  }
0x73: {  	_ =	shalt  }
0x74: {  	_ =	shalt  }
0x75: {  	_ =	shalt  }
0x76: {  	_ =	shalt  }
0x77: {  	_ =	shalt  }
0x78: {  	_ =	shalt  }
0x79: {  	_ =	shalt  }
0x7a: {  	_ =	shalt  }
0x7b: {  	_ =	shalt  }
0x7c: {  	_ =	shalt  }
0x7d: {  	_ =	shalt  }
0x7e: {  	_ =	shalt  }
0x7f: {  	_ =	shalt  }
0x80: {  	_ =	shalt  }
0x81: {  	_ =	shalt  }
0x82: {  	_ =	shalt  }
0x83: {  	_ =	shalt  }
0x84: {  	_ =	shalt  }
0x85: {  	_ =	shalt  }
0x86: {  	_ =	shalt  }
0x87: {  	_ =	shalt  }
.Lfunc_end0:
.L_simem_size_0:
called_computation.2_lowered:
.L_overlay_start_0:
0x88: {  	s2 =	sld [smem:$0x3FD9]  }
0x89: {  	s3 =	sld [smem:$0x3FFE];
	_ =	sdelay $0x1  }
0x8a: {  	s1 =	srdreg.scid  }
0x8b: {  	s0 =	sand.u32 $0x1, s1  }
0x8c: {  	s16 =	sshll.u32 s0, $0xA;
	s2 =	sadd.s32 s3, s2  }
0x8d: {  	s2 =	sadd.s32 s2, s16  }
0x8e: {  	[smem:$0x3FA3] =	sst s2  }
0x8f: {  	_ = 	snop  }
0x90: {  	(tm) =	ssettm $0x1  }
0x91: {  	s17 =	sld [smem:$0x3FFB];
	_ =	sdelay $0x3  }
0x92: {  	_ =	strace s17  }
0x93: {  	s2 =	sld [smem:$0x3FFC];
	_ =	sdelay $0x3  }
0x94: {  	_ =	strace s2  }
0x95: {  	s2 =	sld [smem:$0x3FFD];
	_ =	sdelay $0x3  }
0x96: {  	_ =	strace s2  }
0x97: {  	_ =	strace $0x8FFFFFFF  }
0x98: {  	s18 =	sld [smem:$0x3FDB];
	_ =	sdelay $0x1  }
0x99: {  	s19 =	simm.s32 $_scs_section_size  }
0x9a: {  	s4 =	simm.s32 $_size__tile_overlayer_lowered;
	s5 =	simm.s32 $_tile_overlayer_lowered  }
0x9b: {  	s22 =	simm.s32 $0x1BFF;
	s21 =	sshll.u32 s5, $0x1;
	s2 =	sadd.s32 s19, s18  }
0x9c: {  	s6 =	simm.s32 $0x0;
	s20 =	sshll.u32 s4, $0x1;
	s4 =	sadd.s32 s21, s2  }
0x9d: {  	[timem:s6], [sflag:s22] =	dma.local [hbm:s4], s20  }
0x9e: {  	_ =	swait.ge [sflag:s22], s20  }
0x9f: {  	s3 =	ssub.s32 $0x0, s20;
	[sflag:s22] =	ssyncset.done $0x0  }
0xa0: {  	[sflag:s22] =	ssyncadd.s32 s3;
	_ =	sdelay $0x1  }
0xa1: {  	s23 =	simm.s32 $0x1B8B  }
0xa2: {  	_ =	swait.ge [sflag:s23], $0x1  }
0xa3: {  	[sflag:s23] =	ssyncset.done $0x0  }
0xa4: {  	s25 =	simm.s32 $0x1B8E;
	s24 =	sld [smem:$0x3FFE];
	[sflag:s23] =	ssyncadd.s32 $0xFFFFFFFF  }
0xa5: {  	s26 =	simm.s32 $execute0_lowered;
	[smem:$0x3FD2] =	sst s25  }
0xa6: {  	s4 =	sshll.u32 s26, $0x1;
	_ =	strace $0x8000004C;
	[dreg:$0x1] =	wrdreg $0xFFFFFFFF  }
0xa7: {  	s28 =	simm.s32 $_size_execute0_lowered;
	s2 =	sadd.s32 s2, s4;
	[dreg:$0x0] =	wrdreg $0x0  }
0xa8: {  	s4 =	sshll.u32 s28, $0x1;
	[dreg:$0x2] =	wrdreg s2  }
0xa9: {  	[dreg:$0x3] =	wrdreg s4  }
0xaa: {  	[dreg:$0x4] =	wrdreg $0xC0  }
0xab: {  	_ =	task [dreg:s6], $0x5FFFF  }
0xac: {  	[dreg:$0x1] =	wrdreg $0xFFFFFFFF  }
0xad: {  	[dreg:$0x0] =	wrdreg $0x60  }
0xae: {  	[dreg:$0x2] =	wrdreg s24  }
0xaf: {  	[dreg:$0x3] =	wrdreg $0x10D200  }
0xb0: {  	[dreg:$0x4] =	wrdreg $0xBF000  }
0xb1: {  	[dreg:$0x5] =	wrdreg $0x9  }
0xb2: {  	_ =	task.clear_ibuf [dreg:s6], $0x6FFFF;
	_ =	strace $0x9000004C  }
0xb3: {  	s29 =	simm.s32 $0x9;
	_ =	strace $0x8000004E  }
0xb4: {  	_ =	swait.ge [sflag:s29], $0x1  }
0xb5: {  	[sflag:s29] =	ssyncadd.s32 $0xFFFFFFFF  }
0xb6: {  	_ =	strace $0x9000004E  }
0xb7: {  	_ =	sfence  }
0xb8: {  	s30 =	sld [smem:$0x0];
	_ =	sdelay $0x2  }
0xb9: {  	s31 =	sshll.u32 s1, $0xD;
	s1 =	sshrl.u32 s1, $0x2  }
0xba: {  	s3 =	sand.u32 $0x4000, s31;
	s1 =	sadd.s32 s1, s30  }
0xbb: {  	s0 =	sor.u32 s3, s0;
	s1 =	sshll.u32 s1, $0x11  }
0xbc: {  	s0 =	sor.u32 s1, s0  }
0xbd: {  	s0 =	sadd.s32 $0x8F2B, s0  }
0xbe: {  	[sflag:s0] =	ssyncadd.remote.s32 $0x1  }
0xbf: {  	_ =	sfence.sel $0xFFFF  }
0xc0: {  	[dreg:$0x0] =	wrdreg $0xFFFFFFFF;
	(pc) =	sbr.abs _section_cstart, $3  }
0xc1: {  	[dreg:$0x1] =	wrdreg $0xFFFFFFFF  }
0xc2: {  	_ =	task.clear_ibuf [dreg:s6], $0x2FFFF;
	_ =	strace $0x9FFFFFFF  }
0xc3: {  	(tm) =	ssettm $0x7FFFFFFF  }
tec
execute0_lowered:
.L_overlay_start_1:
0x0: {  	(tag) =	ssettag $0x1  }
0x1: {  	s0 =	rddreg [dreg:$0x0]  }
0x2: {  	s2 =	rddreg [dreg:$0x1]  }
0x3: {  	s3 =	rddreg [dreg:$0x2]  }
0x4: {  	s1 =	stileid.u32;
	s5 =	srdreg.scid;
	s4 =	simm.s32 $0x0  }
0x5: {  	s14 =	simm.s32 $0x3;
	s16 =	simm.s32 $0x7000;
	s18 =	simm.s32 $0x1  }
0x6: {  	s19 =	simm.s32 $0x4;
	s20 =	simm.s32 $0x10;
	s21 =	simm.s32 $0x80  }
0x7: {  	s22 =	simm.s32 $0x5000;
	s23 =	simm.s32 $0x6000;
	s24 =	simm.s32 $0x2  }
0x8: {  	s28 =	simm.s32 $0x4F80;
	s29 =	simm.s32 $0x20;
	s6 =	smul.u32 $0x13880, s1  }
0x9: {  	s5 =	sand.u32 $0x1, s5;
	s7 =	smul.u32 $0x13C00, s1;
	[smem:$0x7FF] =	sst s4  }
0xa: {  	s31 =	sshll.u32 s1, $0x6;
	s8 =	sshll.u32 s5, $0x4;
	s9 =	smul.u32 $0x278000, s5  }
0xb: {  	_ =	strace $0x8000004D;
	s5 =	ssub.s32 $0x2, s5;
	s17 =	sor.u32 $0x1C03, s31  }
0xc: {  	s10 =	sshrl.u32 s6, $0x3;
	s8 =	sor.u32 s1, s8;
	s25 =	sshrl.u32 s5, $0x1  }
0xd: {  	s30 =	sshrl.u32 s6, $0x2;
	s8 =	smul.u32 $0x500, s8;
	s9 =	sadd.s32 s7, s9  }
0xe: {  	s11 =	sadd.s32 s10, s0;
	s13 =	ssub.s32 s5, s25;
	s7 =	sshrl.u32 s7, $0x2  }
0xf: {  	s25 =	simm.s32 $0x2780;
	s9 =	sshrl.u32 s9, $0x3;
	s7 =	sadd.s32 s7, s2  }
0x10: {  	s13 =	smax.u32 s13, $0x1;
	s8 =	sadd.s32 s8, s0;
	s0 =	sadd.s32 s9, s0  }
0x11: {  	s9 =	sadd.s32 $0x1A800, s11;
	s11 =	sadd.s32 $0x1A804, s11;
	s26 =	sadd.s32 $0x10800, s8  }
0x12: {  	s6 =	sadd.s32 $0x6800, s8;
	s8 =	sadd.s32 s30, s3;
	s10 =	sadd.s32 $0x41A00, s0  }
0x13: {  	v0 =	vimm.f32 $0.0e+00;
	s12 =	sadd.s32 $0x69200, s0;
	[dreg:$0x4] =	wrdreg s26;
	s26 =	simm.s32 $0x4F00  }
.LBB2_1:
0x14: {  	s30 =	simm.s32 $0x80;
	s0 =	simm.s32 $0x0  }
.LBB2_2:
0x15: {  	p0 =	sne.s32 s30, $0x13B80;
	[tilespmem:s0+$0x7000] =	vst v0;
	s31 =	smov.u32 s30;
	s30 =	sadd.s32 $0x80, s30  }
.Ltmp0:
0x16: {  	[tilespmem:s0+$0x7010] =	vst v0;
	(pc) =	sbr.rel @p0 .LBB2_2-.Ltmp0, $2  }
0x17: {  	_ =	sdelay $0x2  }
0x18: {  	s0 =	sshra.s32 s31, $0x2  }
0x19: {  	[tilespmem:s0+$0x7000] =	vst v0  }
0x1a: {  	[tilespmem:s0+$0x7010] =	vst v0;
	s15 =	simm.s32 $0x0;
	s1 =	rddreg [dreg:$0x4]  }
0x1b: {  	[tilespmem:s15], [sflag:$0x3] =	stream.linear.gather [hbm4b:s1+s15], $0x2800, $0x38;
	[tilespmem:$0x15C20] =	vst v63  }
0x1c: {  	_ =	swait.ge [sflag:s14], $0x2800  }
0x1d: {  	[sflag:s14] =	ssyncset.done $0x0  }
0x1e: {  	s5 =	simm.s32 $0x2800;
	[sflag:s14] =	ssyncadd.s32 $0xFFFFD800  }
0x1f: {  	[tilespmem:s5], [sflag:$0x3] =	stream.linear.gather [hbm4b:s6+s15], $0x2800, $0x38;
	[tilespmem:$0x15C20] =	vst v63  }
0x20: {  	_ =	swait.ge [sflag:s14], $0x2800  }
0x21: {  	[sflag:s14] =	ssyncset.done $0x0  }
0x22: {  	[sflag:s14] =	ssyncadd.s32 $0xFFFFD800  }
0x23: {  	[spmem:s7] =	stream.linear.scatter [tilespmem:s16], [sflag:$0x3], $0x4F00, $0x38;
	[tilespmem:$0x15C20] =	vst v63  }
0x24: {  	_ =	swait.ge [sflag:s14], $0x4F00  }
0x25: {  	[sflag:s14] =	ssyncset.done $0x0  }
0x26: {  	s30 =	sshrl.u32 s8, $0x3;
	[sflag:s14] =	ssyncadd.s32 $0xFFFFB100  }
0x27: {  	[spmem:s30@s19], [sflag:s17] =	dma.strided [hbm:s9@s20], $0x9C4, s18, $0x4   }
0x28: {  	_ =	swait.ge [sflag:s14], $0x9C4  }
0x29: {  	[sflag:s14] =	ssyncset.done $0x0  }
0x2a: {  	[sflag:s14] =	ssyncadd.s32 $0xFFFFF63C  }
0x2b: {  	[bflag:$0x0] =	sbarrier.arrive $0xFFFF  }
0x2c: {  	[tilespmem:s22], [sflag:$0x1] =	stream.indirect.gather [spmem:s3], $0x20, s15, s21, $0xb8;
	[tilespmem:$0x15C20] =	vst v63  }
0x2d: {  	s15 =	simm.s32 $0x80  }
0x2e: {  	[tilespmem:s23], [sflag:$0x2] =	stream.indirect.gather [spmem:s3], $0x20, s15, s21, $0xb8;
	[tilespmem:$0x15C20] =	vst v63  }
0x2f: {  	_ =	swait.ge [sflag:s18], $0x1000  }
0x30: {  	[sflag:s18] =	ssyncset.done $0x0  }
0x31: {  	s1 =	simm.s32 $0x2800;
	[sflag:s18] =	ssyncadd.s32 $0xFFFFF000  }
0x32: {  	[spmem:s2] =	stream.indirect.scatter.add.f32 [tilespmem:s22], [sflag:$0x3], $0x20, s1, s21, $0xb8;
	[tilespmem:$0x15C20] =	vst v63  }
0x33: {  	_ =	swait.ge [sflag:s14], $0x1000  }
0x34: {  	[sflag:s14] =	ssyncset.done $0x0  }
0x35: {  	s5 =	simm.s32 $0x100;
	[sflag:s14] =	ssyncadd.s32 $0xFFFFF000  }
0x36: {  	[tilespmem:s22], [sflag:$0x1] =	stream.indirect.gather [spmem:s3], $0x20, s5, s21, $0xb8;
	[tilespmem:$0x15C20] =	vst v63  }
0x37: {  	_ =	swait.ge [sflag:s24], $0x1000  }
0x38: {  	[sflag:s24] =	ssyncset.done $0x0  }
0x39: {  	s15 =	simm.s32 $0x2880;
	[sflag:s24] =	ssyncadd.s32 $0xFFFFF000  }
0x3a: {  	[spmem:s2] =	stream.indirect.scatter.add.f32 [tilespmem:s23], [sflag:$0x3], $0x20, s15, s21, $0xb8;
	[tilespmem:$0x15C20] =	vst v63  }
0x3b: {  	_ =	swait.ge [sflag:s14], $0x1000  }
0x3c: {  	s0 =	simm.s32 $0x800;
	s31 =	simm.s32 $0x100;
	[sflag:s14] =	ssyncset.done $0x0  }
.LBB2_4:
0x3d: {  	s1 =	sadd.s32 $0x80, s31  }
0x3e: {  	[sflag:s14] =	ssyncadd.s32 $0xFFFFF000;
	s15 =	smov.u32 s0;
	s5 =	sadd.s32 $0x400, s0  }
0x3f: {  	[tilespmem:s23], [sflag:$0x2] =	stream.indirect.gather [spmem:s3], $0x20, s1, s21, $0xb8;
	[tilespmem:$0x15C20] =	vst v63  }
0x40: {  	p0 =	sne.s32 s0, $0x9800;
	_ =	swait.ge [sflag:s18], $0x1000  }
0x41: {  	[sflag:s18] =	ssyncset.done $0x0  }
0x42: {  	s0 =	sadd.s32 $0x2800, s31;
	[sflag:s18] =	ssyncadd.s32 $0xFFFFF000  }
0x43: {  	[spmem:s2] =	stream.indirect.scatter.add.f32 [tilespmem:s22], [sflag:$0x3], $0x20, s0, s21, $0xb8;
	[tilespmem:$0x15C20] =	vst v63  }
0x44: {  	_ =	swait.ge [sflag:s14], $0x1000  }
0x45: {  	[sflag:s14] =	ssyncset.done $0x0  }
0x46: {  	s0 =	sadd.s32 $0x100, s31;
	[sflag:s14] =	ssyncadd.s32 $0xFFFFF000  }
0x47: {  	[tilespmem:s22], [sflag:$0x1] =	stream.indirect.gather [spmem:s3], $0x20, s0, s21, $0xb8;
	[tilespmem:$0x15C20] =	vst v63  }
0x48: {  	_ =	swait.ge [sflag:s24], $0x1000  }
.Ltmp1:
0x49: {  	[sflag:s24] =	ssyncset.done $0x0;
	(pc) =	sbr.rel @p0 .LBB2_4-.Ltmp1, $4  }
0x4a: {  	s0 =	sadd.s32 $0x2880, s31;
	[sflag:s24] =	ssyncadd.s32 $0xFFFFF000  }
0x4b: {  	[spmem:s2] =	stream.indirect.scatter.add.f32 [tilespmem:s23], [sflag:$0x3], $0x20, s0, s21, $0xb8;
	[tilespmem:$0x15C20] =	vst v63  }
0x4c: {  	_ =	swait.ge [sflag:s14], $0x1000  }
0x4d: {  	s31 =	sshra.s32 s15, $0x2;
	s0 =	smov.u32 s5;
	[sflag:s14] =	ssyncset.done $0x0  }
0x4e: {  	s0 =	sadd.s32 $0x80, s31;
	[sflag:s14] =	ssyncadd.s32 $0xFFFFF000  }
0x4f: {  	[tilespmem:s23], [sflag:$0x2] =	stream.indirect.gather [spmem:s3], $0x20, s0, s21, $0xb8;
	[tilespmem:$0x15C20] =	vst v63  }
0x50: {  	_ =	swait.ge [sflag:s18], $0x1000  }
0x51: {  	[sflag:s18] =	ssyncset.done $0x0  }
0x52: {  	s1 =	sadd.s32 $0x2800, s31;
	[sflag:s18] =	ssyncadd.s32 $0xFFFFF000  }
0x53: {  	[spmem:s2] =	stream.indirect.scatter.add.f32 [tilespmem:s22], [sflag:$0x3], $0x20, s1, s21, $0xb8;
	[tilespmem:$0x15C20] =	vst v63  }
0x54: {  	_ =	swait.ge [sflag:s14], $0x1000  }
0x55: {  	[sflag:s14] =	ssyncset.done $0x0  }
0x56: {  	s5 =	sadd.s32 $0x100, s31;
	[sflag:s14] =	ssyncadd.s32 $0xFFFFF000  }
0x57: {  	[tilespmem:s22], [sflag:$0x1] =	stream.indirect.gather [spmem:s3], $0x20, s5, s21, $0xb8;
	[tilespmem:$0x15C20] =	vst v63  }
0x58: {  	_ =	swait.ge [sflag:s24], $0x1000  }
0x59: {  	[sflag:s24] =	ssyncset.done $0x0  }
0x5a: {  	s15 =	sadd.s32 $0x2880, s31;
	[sflag:s24] =	ssyncadd.s32 $0xFFFFF000  }
0x5b: {  	[spmem:s2] =	stream.indirect.scatter.add.f32 [tilespmem:s23], [sflag:$0x3], $0x20, s15, s21, $0xb8;
	[tilespmem:$0x15C20] =	vst v63  }
0x5c: {  	_ =	swait.ge [sflag:s14], $0x1000  }
0x5d: {  	[sflag:s14] =	ssyncset.done $0x0  }
0x5e: {  	[sflag:s14] =	ssyncadd.s32 $0xFFFFF000  }
0x5f: {  	[tilespmem:s23], [sflag:$0x2] =	stream.indirect.gather [spmem:s3], $0x20, s25, s21, $0xb8;
	[tilespmem:$0x15C20] =	vst v63  }
0x60: {  	_ =	swait.ge [sflag:s18], $0x1000  }
0x61: {  	[sflag:s18] =	ssyncset.done $0x0  }
0x62: {  	[sflag:s18] =	ssyncadd.s32 $0xFFFFF000  }
0x63: {  	[spmem:s2] =	stream.indirect.scatter.add.f32 [tilespmem:s22], [sflag:$0x3], $0x20, s26, s21, $0xb8;
	[tilespmem:$0x15C20] =	vst v63  }
0x64: {  	_ =	swait.ge [sflag:s14], $0x1000  }
0x65: {  	[sflag:s14] =	ssyncset.done $0x0  }
0x66: {  	[sflag:s14] =	ssyncadd.s32 $0xFFFFF000  }
0x67: {  	_ =	swait.ge [sflag:s24], $0x1000  }
0x68: {  	[sflag:s24] =	ssyncset.done $0x0  }
0x69: {  	[sflag:s24] =	ssyncadd.s32 $0xFFFFF000  }
0x6a: {  	[spmem:s2] =	stream.indirect.scatter.add.f32 [tilespmem:s23], [sflag:$0x3], $0x20, s28, s21, $0xb8;
	[tilespmem:$0x15C20] =	vst v63  }
0x6b: {  	_ =	swait.ge [sflag:s14], $0x1000  }
0x6c: {  	[sflag:s14] =	ssyncset.done $0x0  }
0x6d: {  	[sflag:s14] =	ssyncadd.s32 $0xFFFFF000  }
0x6e: {  	[bflag:$0x0] =	sbarrier.arrive $0xFFFF  }
0x6f: {  	[tilespmem:s16], [sflag:$0x3] =	stream.linear.gather [spmem:s7], $0x4F00, $0x38;
	[tilespmem:$0x15C20] =	vst v63  }
0x70: {  	_ =	swait.ge [sflag:s14], $0x4F00  }
0x71: {  	[sflag:s14] =	ssyncset.done $0x0  }
0x72: {  	[sflag:s14] =	ssyncadd.s32 $0xFFFFB100  }
0x73: {  	[hbm4b:s10+s29] =	stream.strided.scatter [tilespmem:s16], [sflag:$0x3], $0x4F00, s21, s29, $0x38;
	[tilespmem:$0x15C20] =	vst v63  }
0x74: {  	_ =	swait.ge [sflag:s14], $0x4F00  }
0x75: {  	[sflag:s14] =	ssyncset.done $0x0  }
0x76: {  	s31 =	simm.s32 $0x80;
	s0 =	simm.s32 $0x0;
	[sflag:s14] =	ssyncadd.s32 $0xFFFFB100  }
.LBB2_6:
0x77: {  	p0 =	sne.s32 s31, $0x13B80;
	[tilespmem:s0+$0x7000] =	vst v0;
	s1 =	smov.u32 s31;
	s31 =	sadd.s32 $0x80, s31  }
.Ltmp2:
0x78: {  	[tilespmem:s0+$0x7010] =	vst v0;
	(pc) =	sbr.rel @p0 .LBB2_6-.Ltmp2, $2  }
0x79: {  	_ =	sdelay $0x2  }
0x7a: {  	s0 =	sshra.s32 s1, $0x2  }
0x7b: {  	[tilespmem:s0+$0x7000] =	vst v0  }
0x7c: {  	[tilespmem:s0+$0x7010] =	vst v0  }
0x7d: {  	[spmem:s7] =	stream.linear.scatter [tilespmem:s16], [sflag:$0x3], $0x4F00, $0x38;
	[tilespmem:$0x15C20] =	vst v63  }
0x7e: {  	_ =	swait.ge [sflag:s14], $0x4F00  }
0x7f: {  	[sflag:s14] =	ssyncset.done $0x0  }
0x80: {  	[sflag:s14] =	ssyncadd.s32 $0xFFFFB100  }
0x81: {  	[spmem:s30@s19], [sflag:s17] =	dma.strided [hbm:s11@s20], $0x9C4, s18, $0x4   }
0x82: {  	_ =	swait.ge [sflag:s14], $0x9C4  }
0x83: {  	[sflag:s14] =	ssyncset.done $0x0  }
0x84: {  	[sflag:s14] =	ssyncadd.s32 $0xFFFFF63C  }
0x85: {  	s31 =	simm.s32 $0x0;
	[bflag:$0x0] =	sbarrier.arrive $0xFFFF  }
0x86: {  	[tilespmem:s22], [sflag:$0x1] =	stream.indirect.gather [spmem:s3], $0x20, s31, s21, $0xb8;
	[tilespmem:$0x15C20] =	vst v63  }
0x87: {  	s1 =	simm.s32 $0x80  }
0x88: {  	[tilespmem:s23], [sflag:$0x2] =	stream.indirect.gather [spmem:s3], $0x20, s1, s21, $0xb8;
	[tilespmem:$0x15C20] =	vst v63  }
0x89: {  	_ =	swait.ge [sflag:s18], $0x1000  }
0x8a: {  	[sflag:s18] =	ssyncset.done $0x0  }
0x8b: {  	s5 =	simm.s32 $0x2800;
	[sflag:s18] =	ssyncadd.s32 $0xFFFFF000  }
0x8c: {  	[spmem:s2] =	stream.indirect.scatter.add.f32 [tilespmem:s22], [sflag:$0x3], $0x20, s5, s21, $0xb8;
	[tilespmem:$0x15C20] =	vst v63  }
0x8d: {  	_ =	swait.ge [sflag:s14], $0x1000  }
0x8e: {  	[sflag:s14] =	ssyncset.done $0x0  }
0x8f: {  	s15 =	simm.s32 $0x100;
	[sflag:s14] =	ssyncadd.s32 $0xFFFFF000  }
0x90: {  	[tilespmem:s22], [sflag:$0x1] =	stream.indirect.gather [spmem:s3], $0x20, s15, s21, $0xb8;
	[tilespmem:$0x15C20] =	vst v63  }
0x91: {  	_ =	swait.ge [sflag:s24], $0x1000  }
0x92: {  	[sflag:s24] =	ssyncset.done $0x0  }
0x93: {  	s31 =	simm.s32 $0x2880;
	[sflag:s24] =	ssyncadd.s32 $0xFFFFF000  }
0x94: {  	[spmem:s2] =	stream.indirect.scatter.add.f32 [tilespmem:s23], [sflag:$0x3], $0x20, s31, s21, $0xb8;
	[tilespmem:$0x15C20] =	vst v63  }
0x95: {  	_ =	swait.ge [sflag:s14], $0x1000  }
0x96: {  	s0 =	simm.s32 $0x800;
	s30 =	simm.s32 $0x100;
	[sflag:s14] =	ssyncset.done $0x0  }
.LBB2_8:
0x97: {  	s1 =	sadd.s32 $0x80, s30  }
0x98: {  	[sflag:s14] =	ssyncadd.s32 $0xFFFFF000;
	s5 =	smov.u32 s0;
	s15 =	sadd.s32 $0x400, s0  }
0x99: {  	[tilespmem:s23], [sflag:$0x2] =	stream.indirect.gather [spmem:s3], $0x20, s1, s21, $0xb8;
	[tilespmem:$0x15C20] =	vst v63  }
0x9a: {  	p0 =	sne.s32 s0, $0x9800;
	_ =	swait.ge [sflag:s18], $0x1000  }
0x9b: {  	[sflag:s18] =	ssyncset.done $0x0  }
0x9c: {  	s0 =	sadd.s32 $0x2800, s30;
	[sflag:s18] =	ssyncadd.s32 $0xFFFFF000  }
0x9d: {  	[spmem:s2] =	stream.indirect.scatter.add.f32 [tilespmem:s22], [sflag:$0x3], $0x20, s0, s21, $0xb8;
	[tilespmem:$0x15C20] =	vst v63  }
0x9e: {  	_ =	swait.ge [sflag:s14], $0x1000  }
0x9f: {  	[sflag:s14] =	ssyncset.done $0x0  }
0xa0: {  	s0 =	sadd.s32 $0x100, s30;
	[sflag:s14] =	ssyncadd.s32 $0xFFFFF000  }
0xa1: {  	[tilespmem:s22], [sflag:$0x1] =	stream.indirect.gather [spmem:s3], $0x20, s0, s21, $0xb8;
	[tilespmem:$0x15C20] =	vst v63  }
0xa2: {  	_ =	swait.ge [sflag:s24], $0x1000  }
.Ltmp3:
0xa3: {  	[sflag:s24] =	ssyncset.done $0x0;
	(pc) =	sbr.rel @p0 .LBB2_8-.Ltmp3, $4  }
0xa4: {  	s0 =	sadd.s32 $0x2880, s30;
	[sflag:s24] =	ssyncadd.s32 $0xFFFFF000  }
0xa5: {  	[spmem:s2] =	stream.indirect.scatter.add.f32 [tilespmem:s23], [sflag:$0x3], $0x20, s0, s21, $0xb8;
	[tilespmem:$0x15C20] =	vst v63  }
0xa6: {  	_ =	swait.ge [sflag:s14], $0x1000  }
0xa7: {  	s30 =	sshra.s32 s5, $0x2;
	s0 =	smov.u32 s15;
	[sflag:s14] =	ssyncset.done $0x0  }
0xa8: {  	s0 =	sadd.s32 $0x80, s30;
	[sflag:s14] =	ssyncadd.s32 $0xFFFFF000  }
0xa9: {  	[tilespmem:s23], [sflag:$0x2] =	stream.indirect.gather [spmem:s3], $0x20, s0, s21, $0xb8;
	[tilespmem:$0x15C20] =	vst v63  }
0xaa: {  	_ =	swait.ge [sflag:s18], $0x1000  }
0xab: {  	[sflag:s18] =	ssyncset.done $0x0  }
0xac: {  	s1 =	sadd.s32 $0x2800, s30;
	[sflag:s18] =	ssyncadd.s32 $0xFFFFF000  }
0xad: {  	[spmem:s2] =	stream.indirect.scatter.add.f32 [tilespmem:s22], [sflag:$0x3], $0x20, s1, s21, $0xb8;
	[tilespmem:$0x15C20] =	vst v63  }
0xae: {  	_ =	swait.ge [sflag:s14], $0x1000  }
0xaf: {  	[sflag:s14] =	ssyncset.done $0x0  }
0xb0: {  	s5 =	sadd.s32 $0x100, s30;
	[sflag:s14] =	ssyncadd.s32 $0xFFFFF000  }
0xb1: {  	[tilespmem:s22], [sflag:$0x1] =	stream.indirect.gather [spmem:s3], $0x20, s5, s21, $0xb8;
	[tilespmem:$0x15C20] =	vst v63  }
0xb2: {  	_ =	swait.ge [sflag:s24], $0x1000  }
0xb3: {  	[sflag:s24] =	ssyncset.done $0x0  }
0xb4: {  	s15 =	sadd.s32 $0x2880, s30;
	[sflag:s24] =	ssyncadd.s32 $0xFFFFF000  }
0xb5: {  	[spmem:s2] =	stream.indirect.scatter.add.f32 [tilespmem:s23], [sflag:$0x3], $0x20, s15, s21, $0xb8;
	[tilespmem:$0x15C20] =	vst v63  }
0xb6: {  	_ =	swait.ge [sflag:s14], $0x1000  }
0xb7: {  	[sflag:s14] =	ssyncset.done $0x0  }
0xb8: {  	[sflag:s14] =	ssyncadd.s32 $0xFFFFF000  }
0xb9: {  	[tilespmem:s23], [sflag:$0x2] =	stream.indirect.gather [spmem:s3], $0x20, s25, s21, $0xb8;
	[tilespmem:$0x15C20] =	vst v63  }
0xba: {  	_ =	swait.ge [sflag:s18], $0x1000  }
0xbb: {  	[sflag:s18] =	ssyncset.done $0x0  }
0xbc: {  	[sflag:s18] =	ssyncadd.s32 $0xFFFFF000  }
0xbd: {  	[spmem:s2] =	stream.indirect.scatter.add.f32 [tilespmem:s22], [sflag:$0x3], $0x20, s26, s21, $0xb8;
	[tilespmem:$0x15C20] =	vst v63  }
0xbe: {  	_ =	swait.ge [sflag:s14], $0x1000  }
0xbf: {  	[sflag:s14] =	ssyncset.done $0x0  }
0xc0: {  	[sflag:s14] =	ssyncadd.s32 $0xFFFFF000  }
0xc1: {  	_ =	swait.ge [sflag:s24], $0x1000  }
0xc2: {  	[sflag:s24] =	ssyncset.done $0x0  }
0xc3: {  	[sflag:s24] =	ssyncadd.s32 $0xFFFFF000  }
0xc4: {  	[spmem:s2] =	stream.indirect.scatter.add.f32 [tilespmem:s23], [sflag:$0x3], $0x20, s28, s21, $0xb8;
	[tilespmem:$0x15C20] =	vst v63  }
0xc5: {  	_ =	swait.ge [sflag:s14], $0x1000  }
0xc6: {  	[sflag:s14] =	ssyncset.done $0x0  }
0xc7: {  	[sflag:s14] =	ssyncadd.s32 $0xFFFFF000  }
0xc8: {  	[bflag:$0x0] =	sbarrier.arrive $0xFFFF  }
0xc9: {  	[tilespmem:s16], [sflag:$0x3] =	stream.linear.gather [spmem:s7], $0x4F00, $0x38;
	[tilespmem:$0x15C20] =	vst v63  }
0xca: {  	_ =	swait.ge [sflag:s14], $0x4F00  }
0xcb: {  	[sflag:s14] =	ssyncset.done $0x0  }
0xcc: {  	[sflag:s14] =	ssyncadd.s32 $0xFFFFB100  }
0xcd: {  	[hbm4b:s12+s29] =	stream.strided.scatter [tilespmem:s16], [sflag:$0x3], $0x4F00, s21, s29, $0x38;
	[tilespmem:$0x15C20] =	vst v63  }
0xce: {  	_ =	swait.ge [sflag:s14], $0x4F00  }
0xcf: {  	[sflag:s14] =	ssyncset.done $0x0  }
0xd0: {  	s30 =	simm.s32 $0x80;
	s31 =	simm.s32 $0x0;
	[sflag:s14] =	ssyncadd.s32 $0xFFFFB100  }
.LBB2_10:
0xd1: {  	p0 =	sne.s32 s30, $0x13B80;
	[tilespmem:s31+$0x7000] =	vst v0;
	s0 =	smov.u32 s30;
	s30 =	sadd.s32 $0x80, s30  }
.Ltmp4:
0xd2: {  	[tilespmem:s31+$0x7010] =	vst v0;
	(pc) =	sbr.rel @p0 .LBB2_10-.Ltmp4, $2  }
0xd3: {  	_ =	sdelay $0x2  }
0xd4: {  	s31 =	sshra.s32 s0, $0x2  }
0xd5: {  	s4 =	sadd.s32 $0x1, s4  }
0xd6: {  	p0 =	sne.s32 s4, s13  }
.Ltmp5:
0xd7: {  	_ = 	snop;
	(pc) =	sbr.rel @p0 .LBB2_1-.Ltmp5, $3  }
0xd8: {  	_ =	sdelay $0x1  }
0xd9: {  	[tilespmem:s31+$0x7000] =	vst v0  }
0xda: {  	[tilespmem:s31+$0x7010] =	vst v0  }
0xdb: {  	_ =	sfence.sel $0x180000  }
0xdc: {  	[bflag:$0x0] =	sbarrier.arrive $0xFFFF  }
0xdd: {  	_ =	strace $0x9000004D  }
0xde: {  	s0 =	stileid.u32;
	[bflag:$0x2] =	sbarrier.arrive $0xFFFF  }
0xdf: {  	p0 =	sne.s32 s0, $0x0;
	s0 =	rddreg [dreg:$0x3]  }
0xe0: {  	s0 =	sadd.s32 @!p0 $0x100000, s0  }
0xe1: {  	[sflag:s0] =	ssyncadd.tile.s32 @!p0 $0x1;
	_ =	shalt  }
.Lfunc_end2:
_tile_overlayer_lowered:
.L_overlay_start_2:
0xe2: {  	(tag) =	ssettag $0x2  }
0xe3: {  	s0 =	rddreg [dreg:$0x0];
	s2 =	stileid.u32  }
0xe4: {  	s1 =	rddreg [dreg:$0x1];
	p0 =	sne.s32 s2, $0x0  }
0xe5: {  	s3 =	rddreg [dreg:$0x2];
	[bflag:$0x3] =	sbarrier.arrive $0xFFFF;
	s2 =	simm.s32 @!p0 $0x1C03  }
0xe6: {  	[timem:s3], [sflag:s2] =	dma.local @!p0 [hbm:s0], s1  }
0xe7: {  	s0 =	simm.s32 @!p0 $0x3  }
0xe8: {  	_ =	swait.ge @!p0 [sflag:s0], s1  }
0xe9: {  	s1 =	ssub.s32 @!p0 $0x0, s1;
	[sflag:s0] =	ssyncset.done @!p0 $0x0  }
0xea: {  	[sflag:s0] =	ssyncadd.s32 @!p0 s1  }
0xeb: {  	[bflag:$0x3] =	sbarrier.arrive $0xFFFF  }
0xec: {  	_ =	shalt  }

// kernel: kernel.23.cloned.1.call-start
scs
__scs_entry_jumppad:
0x0: {  	(pc) =	sbr.rel $0x88, $3  }
0x1: {  	(tag) =	ssettag $0x0;
	lr =	simm.s32 $0x1  }
0x2: {  	[smem:$0x3F7C] =	sst lr;
	_ =	strace $0xD0000000  }
0x3: {  	_ = 	snop  }
0x4: {  	_ = 	snop  }
0x5: {  	_ = 	snop  }
0x6: {  	_ = 	snop  }
0x7: {  	_ = 	snop  }
__scs_overlays_trampoline_lowered:
0x8: {  	[smem:$0x3F8B] =	sst s0  }
0x9: {  	[smem:$0x3F8C] =	sst s1  }
0xa: {  	[smem:$0x3F8D] =	sst s2  }
0xb: {  	[smem:$0x3F8E] =	sst s3  }
0xc: {  	[smem:$0x3F8F] =	sst s4  }
0xd: {  	[smem:$0x3F90] =	sst s5  }
0xe: {  	[smem:$0x3F91] =	sst s6  }
0xf: {  	[smem:$0x3F92] =	sst s7  }
0x10: {  	[smem:$0x3F93] =	sst s8  }
0x11: {  	[smem:$0x3F94] =	sst s9;
	s0 =	simm.s32 @!p0 $0x0  }
0x12: {  	s1 =	sld [smem:$0x3F7A];
	s0 =	simm.s32 @p0 $0x1  }
0x13: {  	[smem:$0x3F95] =	sst s0;
	s0 =	simm.s32 @!p1 $0x0  }
0x14: {  	s2 =	sld [smem:$0x3F79];
	s0 =	simm.s32 @p1 $0x1  }
0x15: {  	[smem:$0x3F96] =	sst s0;
	s0 =	simm.s32 @!p2 $0x0  }
0x16: {  	s3 =	sld [smem:$0x3FDB];
	s0 =	simm.s32 @p2 $0x1  }
0x17: {  	s4 =	simm.s32 $0x1BF5;
	[smem:$0x3F98] =	sst s0  }
0x18: {  	s0 =	sld [smem:$0x3F7B];
	_ =	swait.ge [sflag:s4], $0x0  }
0x19: {  	s7 =	sld [smem:$0x3F7C]  }
0x1a: {  	s8 =	sadd.s32 $0xFFFFE003, lr  }
0x1b: {  	s9 =	sadd.s32 $0xFFFFFEF7, lr;
	s5 =	simm.s32 $0xFFFFFFFF;
	p2 =	slt.u32 s8, $0xFFFFF086  }
0x1c: {  	p1 =	slt.u32 s9, $0xF7A;
	s5 =	simm.s32 @!p2 $0x0  }
0x1d: {  	s5 =	simm.s32 @p1 $0x1;
	p0 =	seq.s32 s7, s2  }
0x1e: {  	s7 =	smul.u32 @!p0 $0xF7A, s2;
	p2 =	seq.s32 @!p0 s5, $0x0  }
0x1f: {  	s9 =	smul.u32 $0xF7A, s1;
	s8 =	simm.s32 @!p0 $0x1BF5;
	p2 =	por !p2, p0  }
0x20: {  	[sflag:s8] =	ssyncset.s32 @!p0 $0xFFFFF086;
	s6 =	sadd.s32 @!p0 s3, s7;
	s7 =	simm.s32 @!p0 $0x108  }
0x21: {  	s3 =	sadd.s32 s3, s9;
	s6 =	sadd.s32 @!p0 $0x88, s6;
	s7 =	simm.s32 @p2 $0x1082  }
0x22: {  	[simem:s7], [sflag:s8] =	dma.local @!p0 [hbm:s6], $0xF7A  }
0x23: {  	s9 =	sor.u32 $0xD0000000, s2;
	s6 =	simm.s32 $0x108;
	_ =	swait.ge @!p0 [sflag:s8], $0x0  }
0x24: {  	s3 =	sadd.s32 $0x88, s3;
	s6 =	simm.s32 @!p1 $0x1082;
	[sflag:s4] =	ssyncset.s32 $0xFFFFF086  }
0x25: {  	[simem:s6], [sflag:s4] =	dma.local [hbm:s3], $0xF7A  }
0x26: {  	[smem:$0x3F7C] =	sst s1;
	(tag) =	ssettag s2;
	_ =	strace s9  }
0x27: {  	s1 =	sld [smem:$0x3F8C]  }
0x28: {  	s2 =	sld [smem:$0x3F8D]  }
0x29: {  	s4 =	sld [smem:$0x3F8F]  }
0x2a: {  	p0 =	seq.s32 s5, $0x0;
	s5 =	sld [smem:$0x3F90]  }
0x2b: {  	s6 =	sld [smem:$0x3F91]  }
0x2c: {  	s7 =	sld [smem:$0x3F92]  }
0x2d: {  	s3 =	simm.s32 $0x108;
	s8 =	sld [smem:$0x3F93]  }
0x2e: {  	s3 =	simm.s32 @!p0 $0x1082;
	s9 =	sld [smem:$0x3F94]  }
0x2f: {  	lr =	sadd.s32 s0, s3;
	s0 =	sld [smem:$0x3F8B]  }
0x30: {  	s3 =	sld [smem:$0x3F8E]  }
0x31: {  	[smem:$0x3F97] =	sst s10  }
0x32: {  	s10 =	sld [smem:$0x3F95];
	_ =	sdelay $0x3  }
0x33: {  	p0 =	seq.s32 s10, $0x1;
	s10 =	sld [smem:$0x3F97];
	_ =	sdelay $0x3  }
0x34: {  	[smem:$0x3F97] =	sst s10  }
0x35: {  	s10 =	sld [smem:$0x3F96];
	_ =	sdelay $0x3  }
0x36: {  	p1 =	seq.s32 s10, $0x1;
	s10 =	sld [smem:$0x3F97];
	_ =	sdelay $0x3  }
0x37: {  	[smem:$0x3F97] =	sst s10  }
0x38: {  	s10 =	sld [smem:$0x3F98]  }
0x39: {  	_ = 	snop;
	(pc) =	sbr.ind lr, $3  }
0x3a: {  	_ = 	snop  }
0x3b: {  	_ = 	snop  }
0x3c: {  	p2 =	seq.s32 s10, $0x1;
	s10 =	sld [smem:$0x3F97]  }
0x3d: {  	_ =	shalt  }
0x3e: {  	_ =	shalt  }
0x3f: {  	_ =	shalt  }
0x40: {  	_ =	shalt  }
0x41: {  	_ =	shalt  }
0x42: {  	_ =	shalt  }
0x43: {  	_ =	shalt  }
0x44: {  	_ =	shalt  }
0x45: {  	_ =	shalt  }
0x46: {  	_ =	shalt  }
0x47: {  	_ =	shalt  }
0x48: {  	_ =	shalt  }
0x49: {  	_ =	shalt  }
0x4a: {  	_ =	shalt  }
0x4b: {  	_ =	shalt  }
0x4c: {  	_ =	shalt  }
0x4d: {  	_ =	shalt  }
0x4e: {  	_ =	shalt  }
0x4f: {  	_ =	shalt  }
0x50: {  	_ =	shalt  }
0x51: {  	_ =	shalt  }
0x52: {  	_ =	shalt  }
0x53: {  	_ =	shalt  }
0x54: {  	_ =	shalt  }
0x55: {  	_ =	shalt  }
0x56: {  	_ =	shalt  }
0x57: {  	_ =	shalt  }
0x58: {  	_ =	shalt  }
0x59: {  	_ =	shalt  }
0x5a: {  	_ =	shalt  }
0x5b: {  	_ =	shalt  }
0x5c: {  	_ =	shalt  }
0x5d: {  	_ =	shalt  }
0x5e: {  	_ =	shalt  }
0x5f: {  	_ =	shalt  }
0x60: {  	_ =	shalt  }
0x61: {  	_ =	shalt  }
0x62: {  	_ =	shalt  }
0x63: {  	_ =	shalt  }
0x64: {  	_ =	shalt  }
0x65: {  	_ =	shalt  }
0x66: {  	_ =	shalt  }
0x67: {  	_ =	shalt  }
0x68: {  	_ =	shalt  }
0x69: {  	_ =	shalt  }
0x6a: {  	_ =	shalt  }
0x6b: {  	_ =	shalt  }
0x6c: {  	_ =	shalt  }
0x6d: {  	_ =	shalt  }
0x6e: {  	_ =	shalt  }
0x6f: {  	_ =	shalt  }
0x70: {  	_ =	shalt  }
0x71: {  	_ =	shalt  }
0x72: {  	_ =	shalt  }
0x73: {  	_ =	shalt  }
0x74: {  	_ =	shalt  }
0x75: {  	_ =	shalt  }
0x76: {  	_ =	shalt  }
0x77: {  	_ =	shalt  }
0x78: {  	_ =	shalt  }
0x79: {  	_ =	shalt  }
0x7a: {  	_ =	shalt  }
0x7b: {  	_ =	shalt  }
0x7c: {  	_ =	shalt  }
0x7d: {  	_ =	shalt  }
0x7e: {  	_ =	shalt  }
0x7f: {  	_ =	shalt  }
0x80: {  	_ =	shalt  }
0x81: {  	_ =	shalt  }
0x82: {  	_ =	shalt  }
0x83: {  	_ =	shalt  }
0x84: {  	_ =	shalt  }
0x85: {  	_ =	shalt  }
0x86: {  	_ =	shalt  }
0x87: {  	_ =	shalt  }
.Lfunc_end0:
.L_simem_size_0:
called_computation.3_lowered:
.L_overlay_start_0:
0x88: {  	s2 =	sld [smem:$0x3FD9]  }
0x89: {  	s3 =	sld [smem:$0x3FFE];
	_ =	sdelay $0x1  }
0x8a: {  	s1 =	srdreg.scid  }
0x8b: {  	s0 =	sand.u32 $0x1, s1  }
0x8c: {  	s16 =	sshll.u32 s0, $0xA;
	s2 =	sadd.s32 s3, s2  }
0x8d: {  	s2 =	sadd.s32 s2, s16  }
0x8e: {  	[smem:$0x3FA3] =	sst s2  }
0x8f: {  	_ = 	snop  }
0x90: {  	(tm) =	ssettm $0x1  }
0x91: {  	s17 =	sld [smem:$0x3FFB];
	_ =	sdelay $0x3  }
0x92: {  	_ =	strace s17  }
0x93: {  	s2 =	sld [smem:$0x3FFC];
	_ =	sdelay $0x3  }
0x94: {  	_ =	strace s2  }
0x95: {  	s2 =	sld [smem:$0x3FFD];
	_ =	sdelay $0x3  }
0x96: {  	_ =	strace s2  }
0x97: {  	_ =	strace $0x8FFFFFFF  }
0x98: {  	s18 =	sld [smem:$0x3FDB];
	_ =	sdelay $0x1  }
0x99: {  	s19 =	simm.s32 $_scs_section_size  }
0x9a: {  	s4 =	simm.s32 $_size__tile_overlayer_lowered;
	s5 =	simm.s32 $_tile_overlayer_lowered  }
0x9b: {  	s22 =	simm.s32 $0x1BFF;
	s21 =	sshll.u32 s5, $0x1;
	s2 =	sadd.s32 s19, s18  }
0x9c: {  	s6 =	simm.s32 $0x0;
	s20 =	sshll.u32 s4, $0x1;
	s4 =	sadd.s32 s21, s2  }
0x9d: {  	[timem:s6], [sflag:s22] =	dma.local [hbm:s4], s20  }
0x9e: {  	_ =	swait.ge [sflag:s22], s20  }
0x9f: {  	s3 =	ssub.s32 $0x0, s20;
	[sflag:s22] =	ssyncset.done $0x0  }
0xa0: {  	[sflag:s22] =	ssyncadd.s32 s3;
	_ =	sdelay $0x1  }
0xa1: {  	s23 =	simm.s32 $0x1B8B  }
0xa2: {  	_ =	swait.ge [sflag:s23], $0x1  }
0xa3: {  	[sflag:s23] =	ssyncset.done $0x0  }
0xa4: {  	s25 =	simm.s32 $0x1B8E;
	s24 =	sld [smem:$0x3FFE];
	[sflag:s23] =	ssyncadd.s32 $0xFFFFFFFF  }
0xa5: {  	s26 =	simm.s32 $execute0_lowered;
	[smem:$0x3FD2] =	sst s25  }
0xa6: {  	s4 =	sshll.u32 s26, $0x1;
	_ =	strace $0x8000004F;
	[dreg:$0x1] =	wrdreg $0xFFFFFFFF  }
0xa7: {  	s28 =	simm.s32 $_size_execute0_lowered;
	s2 =	sadd.s32 s2, s4;
	[dreg:$0x0] =	wrdreg $0x0  }
0xa8: {  	s4 =	sshll.u32 s28, $0x1;
	[dreg:$0x2] =	wrdreg s2  }
0xa9: {  	[dreg:$0x3] =	wrdreg s4  }
0xaa: {  	[dreg:$0x4] =	wrdreg $0xC0  }
0xab: {  	_ =	task [dreg:s6], $0x5FFFF  }
0xac: {  	[dreg:$0x1] =	wrdreg $0xFFFFFFFF  }
0xad: {  	[dreg:$0x0] =	wrdreg $0x60  }
0xae: {  	[dreg:$0x2] =	wrdreg s24  }
0xaf: {  	[dreg:$0x3] =	wrdreg $0x10D200  }
0xb0: {  	[dreg:$0x4] =	wrdreg $0xBF000  }
0xb1: {  	[dreg:$0x5] =	wrdreg $0x9  }
0xb2: {  	_ =	task.clear_ibuf [dreg:s6], $0x6FFFF;
	_ =	strace $0x9000004F  }
0xb3: {  	s29 =	simm.s32 $0x9;
	_ =	strace $0x80000051  }
0xb4: {  	_ =	swait.ge [sflag:s29], $0x1  }
0xb5: {  	[sflag:s29] =	ssyncadd.s32 $0xFFFFFFFF  }
0xb6: {  	_ =	strace $0x90000051  }
0xb7: {  	_ =	sfence  }
0xb8: {  	s30 =	sld [smem:$0x0];
	_ =	sdelay $0x2  }
0xb9: {  	s31 =	sshll.u32 s1, $0xD;
	s1 =	sshrl.u32 s1, $0x2  }
0xba: {  	s3 =	sand.u32 $0x4000, s31;
	s1 =	sadd.s32 s1, s30  }
0xbb: {  	s0 =	sor.u32 s3, s0;
	s1 =	sshll.u32 s1, $0x11  }
0xbc: {  	s0 =	sor.u32 s1, s0  }
0xbd: {  	s0 =	sadd.s32 $0x8F2B, s0  }
0xbe: {  	[sflag:s0] =	ssyncadd.remote.s32 $0x1  }
0xbf: {  	_ =	sfence.sel $0xFFFF  }
0xc0: {  	[dreg:$0x0] =	wrdreg $0xFFFFFFFF;
	(pc) =	sbr.abs _section_cstart, $3  }
0xc1: {  	[dreg:$0x1] =	wrdreg $0xFFFFFFFF  }
0xc2: {  	_ =	task.clear_ibuf [dreg:s6], $0x2FFFF;
	_ =	strace $0x9FFFFFFF  }
0xc3: {  	(tm) =	ssettm $0x7FFFFFFF  }
tec
execute0_lowered:
.L_overlay_start_1:
0x0: {  	(tag) =	ssettag $0x1  }
0x1: {  	s0 =	rddreg [dreg:$0x0]  }
0x2: {  	s2 =	rddreg [dreg:$0x1]  }
0x3: {  	s3 =	rddreg [dreg:$0x2]  }
0x4: {  	s1 =	stileid.u32;
	s5 =	srdreg.scid;
	s4 =	simm.s32 $0x0  }
0x5: {  	s14 =	simm.s32 $0x3;
	s16 =	simm.s32 $0x7000;
	s18 =	simm.s32 $0x1  }
0x6: {  	s19 =	simm.s32 $0x4;
	s20 =	simm.s32 $0x10;
	s21 =	simm.s32 $0x80  }
0x7: {  	s22 =	simm.s32 $0x5000;
	s23 =	simm.s32 $0x6000;
	s24 =	simm.s32 $0x2  }
0x8: {  	s28 =	simm.s32 $0x4F80;
	s29 =	simm.s32 $0x20;
	s6 =	smul.u32 $0x13880, s1  }
0x9: {  	s5 =	sand.u32 $0x1, s5;
	s7 =	smul.u32 $0x13C00, s1;
	[smem:$0x7FF] =	sst s4  }
0xa: {  	s31 =	sshll.u32 s1, $0x6;
	s8 =	sshll.u32 s5, $0x4;
	s9 =	smul.u32 $0x278000, s5  }
0xb: {  	_ =	strace $0x80000050;
	s5 =	ssub.s32 $0x2, s5;
	s17 =	sor.u32 $0x1C03, s31  }
0xc: {  	s10 =	sshrl.u32 s6, $0x3;
	s8 =	sor.u32 s1, s8;
	s25 =	sshrl.u32 s5, $0x1  }
0xd: {  	s30 =	sshrl.u32 s6, $0x2;
	s8 =	smul.u32 $0x500, s8;
	s9 =	sadd.s32 s7, s9  }
0xe: {  	s11 =	sadd.s32 s10, s0;
	s13 =	ssub.s32 s5, s25;
	s7 =	sshrl.u32 s7, $0x2  }
0xf: {  	s25 =	simm.s32 $0x2780;
	s9 =	sshrl.u32 s9, $0x3;
	s7 =	sadd.s32 s7, s2  }
0x10: {  	s13 =	smax.u32 s13, $0x1;
	s8 =	sadd.s32 s8, s0;
	s0 =	sadd.s32 s9, s0  }
0x11: {  	s9 =	sadd.s32 $0x1A800, s11;
	s11 =	sadd.s32 $0x1A804, s11;
	s26 =	sadd.s32 $0x10800, s8  }
0x12: {  	s6 =	sadd.s32 $0x6800, s8;
	s8 =	sadd.s32 s30, s3;
	s10 =	sadd.s32 $0x41A00, s0  }
0x13: {  	v0 =	vimm.f32 $0.0e+00;
	s12 =	sadd.s32 $0x69200, s0;
	[dreg:$0x4] =	wrdreg s26;
	s26 =	simm.s32 $0x4F00  }
.LBB2_1:
0x14: {  	s30 =	simm.s32 $0x80;
	s0 =	simm.s32 $0x0  }
.LBB2_2:
0x15: {  	p0 =	sne.s32 s30, $0x13B80;
	[tilespmem:s0+$0x7000] =	vst v0;
	s31 =	smov.u32 s30;
	s30 =	sadd.s32 $0x80, s30  }
.Ltmp0:
0x16: {  	[tilespmem:s0+$0x7010] =	vst v0;
	(pc) =	sbr.rel @p0 .LBB2_2-.Ltmp0, $2  }
0x17: {  	_ =	sdelay $0x2  }
0x18: {  	s0 =	sshra.s32 s31, $0x2  }
0x19: {  	[tilespmem:s0+$0x7000] =	vst v0  }
0x1a: {  	[tilespmem:s0+$0x7010] =	vst v0;
	s15 =	simm.s32 $0x0;
	s1 =	rddreg [dreg:$0x4]  }
0x1b: {  	[tilespmem:s15], [sflag:$0x3] =	stream.linear.gather [hbm4b:s1+s15], $0x2800, $0x38;
	[tilespmem:$0x15C20] =	vst v63  }
0x1c: {  	_ =	swait.ge [sflag:s14], $0x2800  }
0x1d: {  	[sflag:s14] =	ssyncset.done $0x0  }
0x1e: {  	s5 =	simm.s32 $0x2800;
	[sflag:s14] =	ssyncadd.s32 $0xFFFFD800  }
0x1f: {  	[tilespmem:s5], [sflag:$0x3] =	stream.linear.gather [hbm4b:s6+s15], $0x2800, $0x38;
	[tilespmem:$0x15C20] =	vst v63  }
0x20: {  	_ =	swait.ge [sflag:s14], $0x2800  }
0x21: {  	[sflag:s14] =	ssyncset.done $0x0  }
0x22: {  	[sflag:s14] =	ssyncadd.s32 $0xFFFFD800  }
0x23: {  	[spmem:s7] =	stream.linear.scatter [tilespmem:s16], [sflag:$0x3], $0x4F00, $0x38;
	[tilespmem:$0x15C20] =	vst v63  }
0x24: {  	_ =	swait.ge [sflag:s14], $0x4F00  }
0x25: {  	[sflag:s14] =	ssyncset.done $0x0  }
0x26: {  	s30 =	sshrl.u32 s8, $0x3;
	[sflag:s14] =	ssyncadd.s32 $0xFFFFB100  }
0x27: {  	[spmem:s30@s19], [sflag:s17] =	dma.strided [hbm:s9@s20], $0x9C4, s18, $0x4   }
0x28: {  	_ =	swait.ge [sflag:s14], $0x9C4  }
0x29: {  	[sflag:s14] =	ssyncset.done $0x0  }
0x2a: {  	[sflag:s14] =	ssyncadd.s32 $0xFFFFF63C  }
0x2b: {  	[bflag:$0x0] =	sbarrier.arrive $0xFFFF  }
0x2c: {  	[tilespmem:s22], [sflag:$0x1] =	stream.indirect.gather [spmem:s3], $0x20, s15, s21, $0xb8;
	[tilespmem:$0x15C20] =	vst v63  }
0x2d: {  	s15 =	simm.s32 $0x80  }
0x2e: {  	[tilespmem:s23], [sflag:$0x2] =	stream.indirect.gather [spmem:s3], $0x20, s15, s21, $0xb8;
	[tilespmem:$0x15C20] =	vst v63  }
0x2f: {  	_ =	swait.ge [sflag:s18], $0x1000  }
0x30: {  	[sflag:s18] =	ssyncset.done $0x0  }
0x31: {  	s1 =	simm.s32 $0x2800;
	[sflag:s18] =	ssyncadd.s32 $0xFFFFF000  }
0x32: {  	[spmem:s2] =	stream.indirect.scatter.add.f32 [tilespmem:s22], [sflag:$0x3], $0x20, s1, s21, $0xb8;
	[tilespmem:$0x15C20] =	vst v63  }
0x33: {  	_ =	swait.ge [sflag:s14], $0x1000  }
0x34: {  	[sflag:s14] =	ssyncset.done $0x0  }
0x35: {  	s5 =	simm.s32 $0x100;
	[sflag:s14] =	ssyncadd.s32 $0xFFFFF000  }
0x36: {  	[tilespmem:s22], [sflag:$0x1] =	stream.indirect.gather [spmem:s3], $0x20, s5, s21, $0xb8;
	[tilespmem:$0x15C20] =	vst v63  }
0x37: {  	_ =	swait.ge [sflag:s24], $0x1000  }
0x38: {  	[sflag:s24] =	ssyncset.done $0x0  }
0x39: {  	s15 =	simm.s32 $0x2880;
	[sflag:s24] =	ssyncadd.s32 $0xFFFFF000  }
0x3a: {  	[spmem:s2] =	stream.indirect.scatter.add.f32 [tilespmem:s23], [sflag:$0x3], $0x20, s15, s21, $0xb8;
	[tilespmem:$0x15C20] =	vst v63  }
0x3b: {  	_ =	swait.ge [sflag:s14], $0x1000  }
0x3c: {  	s0 =	simm.s32 $0x800;
	s31 =	simm.s32 $0x100;
	[sflag:s14] =	ssyncset.done $0x0  }
.LBB2_4:
0x3d: {  	s1 =	sadd.s32 $0x80, s31  }
0x3e: {  	[sflag:s14] =	ssyncadd.s32 $0xFFFFF000;
	s15 =	smov.u32 s0;
	s5 =	sadd.s32 $0x400, s0  }
0x3f: {  	[tilespmem:s23], [sflag:$0x2] =	stream.indirect.gather [spmem:s3], $0x20, s1, s21, $0xb8;
	[tilespmem:$0x15C20] =	vst v63  }
0x40: {  	p0 =	sne.s32 s0, $0x9800;
	_ =	swait.ge [sflag:s18], $0x1000  }
0x41: {  	[sflag:s18] =	ssyncset.done $0x0  }
0x42: {  	s0 =	sadd.s32 $0x2800, s31;
	[sflag:s18] =	ssyncadd.s32 $0xFFFFF000  }
0x43: {  	[spmem:s2] =	stream.indirect.scatter.add.f32 [tilespmem:s22], [sflag:$0x3], $0x20, s0, s21, $0xb8;
	[tilespmem:$0x15C20] =	vst v63  }
0x44: {  	_ =	swait.ge [sflag:s14], $0x1000  }
0x45: {  	[sflag:s14] =	ssyncset.done $0x0  }
0x46: {  	s0 =	sadd.s32 $0x100, s31;
	[sflag:s14] =	ssyncadd.s32 $0xFFFFF000  }
0x47: {  	[tilespmem:s22], [sflag:$0x1] =	stream.indirect.gather [spmem:s3], $0x20, s0, s21, $0xb8;
	[tilespmem:$0x15C20] =	vst v63  }
0x48: {  	_ =	swait.ge [sflag:s24], $0x1000  }
.Ltmp1:
0x49: {  	[sflag:s24] =	ssyncset.done $0x0;
	(pc) =	sbr.rel @p0 .LBB2_4-.Ltmp1, $4  }
0x4a: {  	s0 =	sadd.s32 $0x2880, s31;
	[sflag:s24] =	ssyncadd.s32 $0xFFFFF000  }
0x4b: {  	[spmem:s2] =	stream.indirect.scatter.add.f32 [tilespmem:s23], [sflag:$0x3], $0x20, s0, s21, $0xb8;
	[tilespmem:$0x15C20] =	vst v63  }
0x4c: {  	_ =	swait.ge [sflag:s14], $0x1000  }
0x4d: {  	s31 =	sshra.s32 s15, $0x2;
	s0 =	smov.u32 s5;
	[sflag:s14] =	ssyncset.done $0x0  }
0x4e: {  	s0 =	sadd.s32 $0x80, s31;
	[sflag:s14] =	ssyncadd.s32 $0xFFFFF000  }
0x4f: {  	[tilespmem:s23], [sflag:$0x2] =	stream.indirect.gather [spmem:s3], $0x20, s0, s21, $0xb8;
	[tilespmem:$0x15C20] =	vst v63  }
0x50: {  	_ =	swait.ge [sflag:s18], $0x1000  }
0x51: {  	[sflag:s18] =	ssyncset.done $0x0  }
0x52: {  	s1 =	sadd.s32 $0x2800, s31;
	[sflag:s18] =	ssyncadd.s32 $0xFFFFF000  }
0x53: {  	[spmem:s2] =	stream.indirect.scatter.add.f32 [tilespmem:s22], [sflag:$0x3], $0x20, s1, s21, $0xb8;
	[tilespmem:$0x15C20] =	vst v63  }
0x54: {  	_ =	swait.ge [sflag:s14], $0x1000  }
0x55: {  	[sflag:s14] =	ssyncset.done $0x0  }
0x56: {  	s5 =	sadd.s32 $0x100, s31;
	[sflag:s14] =	ssyncadd.s32 $0xFFFFF000  }
0x57: {  	[tilespmem:s22], [sflag:$0x1] =	stream.indirect.gather [spmem:s3], $0x20, s5, s21, $0xb8;
	[tilespmem:$0x15C20] =	vst v63  }
0x58: {  	_ =	swait.ge [sflag:s24], $0x1000  }
0x59: {  	[sflag:s24] =	ssyncset.done $0x0  }
0x5a: {  	s15 =	sadd.s32 $0x2880, s31;
	[sflag:s24] =	ssyncadd.s32 $0xFFFFF000  }
0x5b: {  	[spmem:s2] =	stream.indirect.scatter.add.f32 [tilespmem:s23], [sflag:$0x3], $0x20, s15, s21, $0xb8;
	[tilespmem:$0x15C20] =	vst v63  }
0x5c: {  	_ =	swait.ge [sflag:s14], $0x1000  }
0x5d: {  	[sflag:s14] =	ssyncset.done $0x0  }
0x5e: {  	[sflag:s14] =	ssyncadd.s32 $0xFFFFF000  }
0x5f: {  	[tilespmem:s23], [sflag:$0x2] =	stream.indirect.gather [spmem:s3], $0x20, s25, s21, $0xb8;
	[tilespmem:$0x15C20] =	vst v63  }
0x60: {  	_ =	swait.ge [sflag:s18], $0x1000  }
0x61: {  	[sflag:s18] =	ssyncset.done $0x0  }
0x62: {  	[sflag:s18] =	ssyncadd.s32 $0xFFFFF000  }
0x63: {  	[spmem:s2] =	stream.indirect.scatter.add.f32 [tilespmem:s22], [sflag:$0x3], $0x20, s26, s21, $0xb8;
	[tilespmem:$0x15C20] =	vst v63  }
0x64: {  	_ =	swait.ge [sflag:s14], $0x1000  }
0x65: {  	[sflag:s14] =	ssyncset.done $0x0  }
0x66: {  	[sflag:s14] =	ssyncadd.s32 $0xFFFFF000  }
0x67: {  	_ =	swait.ge [sflag:s24], $0x1000  }
0x68: {  	[sflag:s24] =	ssyncset.done $0x0  }
0x69: {  	[sflag:s24] =	ssyncadd.s32 $0xFFFFF000  }
0x6a: {  	[spmem:s2] =	stream.indirect.scatter.add.f32 [tilespmem:s23], [sflag:$0x3], $0x20, s28, s21, $0xb8;
	[tilespmem:$0x15C20] =	vst v63  }
0x6b: {  	_ =	swait.ge [sflag:s14], $0x1000  }
0x6c: {  	[sflag:s14] =	ssyncset.done $0x0  }
0x6d: {  	[sflag:s14] =	ssyncadd.s32 $0xFFFFF000  }
0x6e: {  	[bflag:$0x0] =	sbarrier.arrive $0xFFFF  }
0x6f: {  	[tilespmem:s16], [sflag:$0x3] =	stream.linear.gather [spmem:s7], $0x4F00, $0x38;
	[tilespmem:$0x15C20] =	vst v63  }
0x70: {  	_ =	swait.ge [sflag:s14], $0x4F00  }
0x71: {  	[sflag:s14] =	ssyncset.done $0x0  }
0x72: {  	[sflag:s14] =	ssyncadd.s32 $0xFFFFB100  }
0x73: {  	[hbm4b:s10+s29] =	stream.strided.scatter [tilespmem:s16], [sflag:$0x3], $0x4F00, s21, s29, $0x38;
	[tilespmem:$0x15C20] =	vst v63  }
0x74: {  	_ =	swait.ge [sflag:s14], $0x4F00  }
0x75: {  	[sflag:s14] =	ssyncset.done $0x0  }
0x76: {  	s31 =	simm.s32 $0x80;
	s0 =	simm.s32 $0x0;
	[sflag:s14] =	ssyncadd.s32 $0xFFFFB100  }
.LBB2_6:
0x77: {  	p0 =	sne.s32 s31, $0x13B80;
	[tilespmem:s0+$0x7000] =	vst v0;
	s1 =	smov.u32 s31;
	s31 =	sadd.s32 $0x80, s31  }
.Ltmp2:
0x78: {  	[tilespmem:s0+$0x7010] =	vst v0;
	(pc) =	sbr.rel @p0 .LBB2_6-.Ltmp2, $2  }
0x79: {  	_ =	sdelay $0x2  }
0x7a: {  	s0 =	sshra.s32 s1, $0x2  }
0x7b: {  	[tilespmem:s0+$0x7000] =	vst v0  }
0x7c: {  	[tilespmem:s0+$0x7010] =	vst v0  }
0x7d: {  	[spmem:s7] =	stream.linear.scatter [tilespmem:s16], [sflag:$0x3], $0x4F00, $0x38;
	[tilespmem:$0x15C20] =	vst v63  }
0x7e: {  	_ =	swait.ge [sflag:s14], $0x4F00  }
0x7f: {  	[sflag:s14] =	ssyncset.done $0x0  }
0x80: {  	[sflag:s14] =	ssyncadd.s32 $0xFFFFB100  }
0x81: {  	[spmem:s30@s19], [sflag:s17] =	dma.strided [hbm:s11@s20], $0x9C4, s18, $0x4   }
0x82: {  	_ =	swait.ge [sflag:s14], $0x9C4  }
0x83: {  	[sflag:s14] =	ssyncset.done $0x0  }
0x84: {  	[sflag:s14] =	ssyncadd.s32 $0xFFFFF63C  }
0x85: {  	s31 =	simm.s32 $0x0;
	[bflag:$0x0] =	sbarrier.arrive $0xFFFF  }
0x86: {  	[tilespmem:s22], [sflag:$0x1] =	stream.indirect.gather [spmem:s3], $0x20, s31, s21, $0xb8;
	[tilespmem:$0x15C20] =	vst v63  }
0x87: {  	s1 =	simm.s32 $0x80  }
0x88: {  	[tilespmem:s23], [sflag:$0x2] =	stream.indirect.gather [spmem:s3], $0x20, s1, s21, $0xb8;
	[tilespmem:$0x15C20] =	vst v63  }
0x89: {  	_ =	swait.ge [sflag:s18], $0x1000  }
0x8a: {  	[sflag:s18] =	ssyncset.done $0x0  }
0x8b: {  	s5 =	simm.s32 $0x2800;
	[sflag:s18] =	ssyncadd.s32 $0xFFFFF000  }
0x8c: {  	[spmem:s2] =	stream.indirect.scatter.add.f32 [tilespmem:s22], [sflag:$0x3], $0x20, s5, s21, $0xb8;
	[tilespmem:$0x15C20] =	vst v63  }
0x8d: {  	_ =	swait.ge [sflag:s14], $0x1000  }
0x8e: {  	[sflag:s14] =	ssyncset.done $0x0  }
0x8f: {  	s15 =	simm.s32 $0x100;
	[sflag:s14] =	ssyncadd.s32 $0xFFFFF000  }
0x90: {  	[tilespmem:s22], [sflag:$0x1] =	stream.indirect.gather [spmem:s3], $0x20, s15, s21, $0xb8;
	[tilespmem:$0x15C20] =	vst v63  }
0x91: {  	_ =	swait.ge [sflag:s24], $0x1000  }
0x92: {  	[sflag:s24] =	ssyncset.done $0x0  }
0x93: {  	s31 =	simm.s32 $0x2880;
	[sflag:s24] =	ssyncadd.s32 $0xFFFFF000  }
0x94: {  	[spmem:s2] =	stream.indirect.scatter.add.f32 [tilespmem:s23], [sflag:$0x3], $0x20, s31, s21, $0xb8;
	[tilespmem:$0x15C20] =	vst v63  }
0x95: {  	_ =	swait.ge [sflag:s14], $0x1000  }
0x96: {  	s0 =	simm.s32 $0x800;
	s30 =	simm.s32 $0x100;
	[sflag:s14] =	ssyncset.done $0x0  }
.LBB2_8:
0x97: {  	s1 =	sadd.s32 $0x80, s30  }
0x98: {  	[sflag:s14] =	ssyncadd.s32 $0xFFFFF000;
	s5 =	smov.u32 s0;
	s15 =	sadd.s32 $0x400, s0  }
0x99: {  	[tilespmem:s23], [sflag:$0x2] =	stream.indirect.gather [spmem:s3], $0x20, s1, s21, $0xb8;
	[tilespmem:$0x15C20] =	vst v63  }
0x9a: {  	p0 =	sne.s32 s0, $0x9800;
	_ =	swait.ge [sflag:s18], $0x1000  }
0x9b: {  	[sflag:s18] =	ssyncset.done $0x0  }
0x9c: {  	s0 =	sadd.s32 $0x2800, s30;
	[sflag:s18] =	ssyncadd.s32 $0xFFFFF000  }
0x9d: {  	[spmem:s2] =	stream.indirect.scatter.add.f32 [tilespmem:s22], [sflag:$0x3], $0x20, s0, s21, $0xb8;
	[tilespmem:$0x15C20] =	vst v63  }
0x9e: {  	_ =	swait.ge [sflag:s14], $0x1000  }
0x9f: {  	[sflag:s14] =	ssyncset.done $0x0  }
0xa0: {  	s0 =	sadd.s32 $0x100, s30;
	[sflag:s14] =	ssyncadd.s32 $0xFFFFF000  }
0xa1: {  	[tilespmem:s22], [sflag:$0x1] =	stream.indirect.gather [spmem:s3], $0x20, s0, s21, $0xb8;
	[tilespmem:$0x15C20] =	vst v63  }
0xa2: {  	_ =	swait.ge [sflag:s24], $0x1000  }
.Ltmp3:
0xa3: {  	[sflag:s24] =	ssyncset.done $0x0;
	(pc) =	sbr.rel @p0 .LBB2_8-.Ltmp3, $4  }
0xa4: {  	s0 =	sadd.s32 $0x2880, s30;
	[sflag:s24] =	ssyncadd.s32 $0xFFFFF000  }
0xa5: {  	[spmem:s2] =	stream.indirect.scatter.add.f32 [tilespmem:s23], [sflag:$0x3], $0x20, s0, s21, $0xb8;
	[tilespmem:$0x15C20] =	vst v63  }
0xa6: {  	_ =	swait.ge [sflag:s14], $0x1000  }
0xa7: {  	s30 =	sshra.s32 s5, $0x2;
	s0 =	smov.u32 s15;
	[sflag:s14] =	ssyncset.done $0x0  }
0xa8: {  	s0 =	sadd.s32 $0x80, s30;
	[sflag:s14] =	ssyncadd.s32 $0xFFFFF000  }
0xa9: {  	[tilespmem:s23], [sflag:$0x2] =	stream.indirect.gather [spmem:s3], $0x20, s0, s21, $0xb8;
	[tilespmem:$0x15C20] =	vst v63  }
0xaa: {  	_ =	swait.ge [sflag:s18], $0x1000  }
0xab: {  	[sflag:s18] =	ssyncset.done $0x0  }
0xac: {  	s1 =	sadd.s32 $0x2800, s30;
	[sflag:s18] =	ssyncadd.s32 $0xFFFFF000  }
0xad: {  	[spmem:s2] =	stream.indirect.scatter.add.f32 [tilespmem:s22], [sflag:$0x3], $0x20, s1, s21, $0xb8;
	[tilespmem:$0x15C20] =	vst v63  }
0xae: {  	_ =	swait.ge [sflag:s14], $0x1000  }
0xaf: {  	[sflag:s14] =	ssyncset.done $0x0  }
0xb0: {  	s5 =	sadd.s32 $0x100, s30;
	[sflag:s14] =	ssyncadd.s32 $0xFFFFF000  }
0xb1: {  	[tilespmem:s22], [sflag:$0x1] =	stream.indirect.gather [spmem:s3], $0x20, s5, s21, $0xb8;
	[tilespmem:$0x15C20] =	vst v63  }
0xb2: {  	_ =	swait.ge [sflag:s24], $0x1000  }
0xb3: {  	[sflag:s24] =	ssyncset.done $0x0  }
0xb4: {  	s15 =	sadd.s32 $0x2880, s30;
	[sflag:s24] =	ssyncadd.s32 $0xFFFFF000  }
0xb5: {  	[spmem:s2] =	stream.indirect.scatter.add.f32 [tilespmem:s23], [sflag:$0x3], $0x20, s15, s21, $0xb8;
	[tilespmem:$0x15C20] =	vst v63  }
0xb6: {  	_ =	swait.ge [sflag:s14], $0x1000  }
0xb7: {  	[sflag:s14] =	ssyncset.done $0x0  }
0xb8: {  	[sflag:s14] =	ssyncadd.s32 $0xFFFFF000  }
0xb9: {  	[tilespmem:s23], [sflag:$0x2] =	stream.indirect.gather [spmem:s3], $0x20, s25, s21, $0xb8;
	[tilespmem:$0x15C20] =	vst v63  }
0xba: {  	_ =	swait.ge [sflag:s18], $0x1000  }
0xbb: {  	[sflag:s18] =	ssyncset.done $0x0  }
0xbc: {  	[sflag:s18] =	ssyncadd.s32 $0xFFFFF000  }
0xbd: {  	[spmem:s2] =	stream.indirect.scatter.add.f32 [tilespmem:s22], [sflag:$0x3], $0x20, s26, s21, $0xb8;
	[tilespmem:$0x15C20] =	vst v63  }
0xbe: {  	_ =	swait.ge [sflag:s14], $0x1000  }
0xbf: {  	[sflag:s14] =	ssyncset.done $0x0  }
0xc0: {  	[sflag:s14] =	ssyncadd.s32 $0xFFFFF000  }
0xc1: {  	_ =	swait.ge [sflag:s24], $0x1000  }
0xc2: {  	[sflag:s24] =	ssyncset.done $0x0  }
0xc3: {  	[sflag:s24] =	ssyncadd.s32 $0xFFFFF000  }
0xc4: {  	[spmem:s2] =	stream.indirect.scatter.add.f32 [tilespmem:s23], [sflag:$0x3], $0x20, s28, s21, $0xb8;
	[tilespmem:$0x15C20] =	vst v63  }
0xc5: {  	_ =	swait.ge [sflag:s14], $0x1000  }
0xc6: {  	[sflag:s14] =	ssyncset.done $0x0  }
0xc7: {  	[sflag:s14] =	ssyncadd.s32 $0xFFFFF000  }
0xc8: {  	[bflag:$0x0] =	sbarrier.arrive $0xFFFF  }
0xc9: {  	[tilespmem:s16], [sflag:$0x3] =	stream.linear.gather [spmem:s7], $0x4F00, $0x38;
	[tilespmem:$0x15C20] =	vst v63  }
0xca: {  	_ =	swait.ge [sflag:s14], $0x4F00  }
0xcb: {  	[sflag:s14] =	ssyncset.done $0x0  }
0xcc: {  	[sflag:s14] =	ssyncadd.s32 $0xFFFFB100  }
0xcd: {  	[hbm4b:s12+s29] =	stream.strided.scatter [tilespmem:s16], [sflag:$0x3], $0x4F00, s21, s29, $0x38;
	[tilespmem:$0x15C20] =	vst v63  }
0xce: {  	_ =	swait.ge [sflag:s14], $0x4F00  }
0xcf: {  	[sflag:s14] =	ssyncset.done $0x0  }
0xd0: {  	s30 =	simm.s32 $0x80;
	s31 =	simm.s32 $0x0;
	[sflag:s14] =	ssyncadd.s32 $0xFFFFB100  }
.LBB2_10:
0xd1: {  	p0 =	sne.s32 s30, $0x13B80;
	[tilespmem:s31+$0x7000] =	vst v0;
	s0 =	smov.u32 s30;
	s30 =	sadd.s32 $0x80, s30  }
.Ltmp4:
0xd2: {  	[tilespmem:s31+$0x7010] =	vst v0;
	(pc) =	sbr.rel @p0 .LBB2_10-.Ltmp4, $2  }
0xd3: {  	_ =	sdelay $0x2  }
0xd4: {  	s31 =	sshra.s32 s0, $0x2  }
0xd5: {  	s4 =	sadd.s32 $0x1, s4  }
0xd6: {  	p0 =	sne.s32 s4, s13  }
.Ltmp5:
0xd7: {  	_ = 	snop;
	(pc) =	sbr.rel @p0 .LBB2_1-.Ltmp5, $3  }
0xd8: {  	_ =	sdelay $0x1  }
0xd9: {  	[tilespmem:s31+$0x7000] =	vst v0  }
0xda: {  	[tilespmem:s31+$0x7010] =	vst v0  }
0xdb: {  	_ =	sfence.sel $0x180000  }
0xdc: {  	[bflag:$0x0] =	sbarrier.arrive $0xFFFF  }
0xdd: {  	_ =	strace $0x90000050  }
0xde: {  	s0 =	stileid.u32;
	[bflag:$0x2] =	sbarrier.arrive $0xFFFF  }
0xdf: {  	p0 =	sne.s32 s0, $0x0;
	s0 =	rddreg [dreg:$0x3]  }
0xe0: {  	s0 =	sadd.s32 @!p0 $0x100000, s0  }
0xe1: {  	[sflag:s0] =	ssyncadd.tile.s32 @!p0 $0x1;
	_ =	shalt  }
.Lfunc_end2:
_tile_overlayer_lowered:
.L_overlay_start_2:
0xe2: {  	(tag) =	ssettag $0x2  }
0xe3: {  	s0 =	rddreg [dreg:$0x0];
	s2 =	stileid.u32  }
0xe4: {  	s1 =	rddreg [dreg:$0x1];
	p0 =	sne.s32 s2, $0x0  }
0xe5: {  	s3 =	rddreg [dreg:$0x2];
	[bflag:$0x3] =	sbarrier.arrive $0xFFFF;
	s2 =	simm.s32 @!p0 $0x1C03  }
0xe6: {  	[timem:s3], [sflag:s2] =	dma.local @!p0 [hbm:s0], s1  }
0xe7: {  	s0 =	simm.s32 @!p0 $0x3  }
0xe8: {  	_ =	swait.ge @!p0 [sflag:s0], s1  }
0xe9: {  	s1 =	ssub.s32 @!p0 $0x0, s1;
	[sflag:s0] =	ssyncset.done @!p0 $0x0  }
0xea: {  	[sflag:s0] =	ssyncadd.s32 @!p0 s1  }
0xeb: {  	[bflag:$0x3] =	sbarrier.arrive $0xFFFF  }
0xec: {  	_ =	shalt  }

// kernel: kernel.26.cloned.1.call-start
scs
__scs_entry_jumppad:
0x0: {  	(pc) =	sbr.rel $0x88, $3  }
0x1: {  	(tag) =	ssettag $0x0;
	lr =	simm.s32 $0x1  }
0x2: {  	[smem:$0x3F7C] =	sst lr;
	_ =	strace $0xD0000000  }
0x3: {  	_ = 	snop  }
0x4: {  	_ = 	snop  }
0x5: {  	_ = 	snop  }
0x6: {  	_ = 	snop  }
0x7: {  	_ = 	snop  }
__scs_overlays_trampoline_lowered:
0x8: {  	[smem:$0x3F8B] =	sst s0  }
0x9: {  	[smem:$0x3F8C] =	sst s1  }
0xa: {  	[smem:$0x3F8D] =	sst s2  }
0xb: {  	[smem:$0x3F8E] =	sst s3  }
0xc: {  	[smem:$0x3F8F] =	sst s4  }
0xd: {  	[smem:$0x3F90] =	sst s5  }
0xe: {  	[smem:$0x3F91] =	sst s6  }
0xf: {  	[smem:$0x3F92] =	sst s7  }
0x10: {  	[smem:$0x3F93] =	sst s8  }
0x11: {  	[smem:$0x3F94] =	sst s9;
	s0 =	simm.s32 @!p0 $0x0  }
0x12: {  	s1 =	sld [smem:$0x3F7A];
	s0 =	simm.s32 @p0 $0x1  }
0x13: {  	[smem:$0x3F95] =	sst s0;
	s0 =	simm.s32 @!p1 $0x0  }
0x14: {  	s2 =	sld [smem:$0x3F79];
	s0 =	simm.s32 @p1 $0x1  }
0x15: {  	[smem:$0x3F96] =	sst s0;
	s0 =	simm.s32 @!p2 $0x0  }
0x16: {  	s3 =	sld [smem:$0x3FDB];
	s0 =	simm.s32 @p2 $0x1  }
0x17: {  	s4 =	simm.s32 $0x1BF5;
	[smem:$0x3F98] =	sst s0  }
0x18: {  	s0 =	sld [smem:$0x3F7B];
	_ =	swait.ge [sflag:s4], $0x0  }
0x19: {  	s7 =	sld [smem:$0x3F7C]  }
0x1a: {  	s8 =	sadd.s32 $0xFFFFE003, lr  }
0x1b: {  	s9 =	sadd.s32 $0xFFFFFEF7, lr;
	s5 =	simm.s32 $0xFFFFFFFF;
	p2 =	slt.u32 s8, $0xFFFFF086  }
0x1c: {  	p1 =	slt.u32 s9, $0xF7A;
	s5 =	simm.s32 @!p2 $0x0  }
0x1d: {  	s5 =	simm.s32 @p1 $0x1;
	p0 =	seq.s32 s7, s2  }
0x1e: {  	s7 =	smul.u32 @!p0 $0xF7A, s2;
	p2 =	seq.s32 @!p0 s5, $0x0  }
0x1f: {  	s9 =	smul.u32 $0xF7A, s1;
	s8 =	simm.s32 @!p0 $0x1BF5;
	p2 =	por !p2, p0  }
0x20: {  	[sflag:s8] =	ssyncset.s32 @!p0 $0xFFFFF086;
	s6 =	sadd.s32 @!p0 s3, s7;
	s7 =	simm.s32 @!p0 $0x108  }
0x21: {  	s3 =	sadd.s32 s3, s9;
	s6 =	sadd.s32 @!p0 $0x88, s6;
	s7 =	simm.s32 @p2 $0x1082  }
0x22: {  	[simem:s7], [sflag:s8] =	dma.local @!p0 [hbm:s6], $0xF7A  }
0x23: {  	s9 =	sor.u32 $0xD0000000, s2;
	s6 =	simm.s32 $0x108;
	_ =	swait.ge @!p0 [sflag:s8], $0x0  }
0x24: {  	s3 =	sadd.s32 $0x88, s3;
	s6 =	simm.s32 @!p1 $0x1082;
	[sflag:s4] =	ssyncset.s32 $0xFFFFF086  }
0x25: {  	[simem:s6], [sflag:s4] =	dma.local [hbm:s3], $0xF7A  }
0x26: {  	[smem:$0x3F7C] =	sst s1;
	(tag) =	ssettag s2;
	_ =	strace s9  }
0x27: {  	s1 =	sld [smem:$0x3F8C]  }
0x28: {  	s2 =	sld [smem:$0x3F8D]  }
0x29: {  	s4 =	sld [smem:$0x3F8F]  }
0x2a: {  	p0 =	seq.s32 s5, $0x0;
	s5 =	sld [smem:$0x3F90]  }
0x2b: {  	s6 =	sld [smem:$0x3F91]  }
0x2c: {  	s7 =	sld [smem:$0x3F92]  }
0x2d: {  	s3 =	simm.s32 $0x108;
	s8 =	sld [smem:$0x3F93]  }
0x2e: {  	s3 =	simm.s32 @!p0 $0x1082;
	s9 =	sld [smem:$0x3F94]  }
0x2f: {  	lr =	sadd.s32 s0, s3;
	s0 =	sld [smem:$0x3F8B]  }
0x30: {  	s3 =	sld [smem:$0x3F8E]  }
0x31: {  	[smem:$0x3F97] =	sst s10  }
0x32: {  	s10 =	sld [smem:$0x3F95];
	_ =	sdelay $0x3  }
0x33: {  	p0 =	seq.s32 s10, $0x1;
	s10 =	sld [smem:$0x3F97];
	_ =	sdelay $0x3  }
0x34: {  	[smem:$0x3F97] =	sst s10  }
0x35: {  	s10 =	sld [smem:$0x3F96];
	_ =	sdelay $0x3  }
0x36: {  	p1 =	seq.s32 s10, $0x1;
	s10 =	sld [smem:$0x3F97];
	_ =	sdelay $0x3  }
0x37: {  	[smem:$0x3F97] =	sst s10  }
0x38: {  	s10 =	sld [smem:$0x3F98]  }
0x39: {  	_ = 	snop;
	(pc) =	sbr.ind lr, $3  }
0x3a: {  	_ = 	snop  }
0x3b: {  	_ = 	snop  }
0x3c: {  	p2 =	seq.s32 s10, $0x1;
	s10 =	sld [smem:$0x3F97]  }
0x3d: {  	_ =	shalt  }
0x3e: {  	_ =	shalt  }
0x3f: {  	_ =	shalt  }
0x40: {  	_ =	shalt  }
0x41: {  	_ =	shalt  }
0x42: {  	_ =	shalt  }
0x43: {  	_ =	shalt  }
0x44: {  	_ =	shalt  }
0x45: {  	_ =	shalt  }
0x46: {  	_ =	shalt  }
0x47: {  	_ =	shalt  }
0x48: {  	_ =	shalt  }
0x49: {  	_ =	shalt  }
0x4a: {  	_ =	shalt  }
0x4b: {  	_ =	shalt  }
0x4c: {  	_ =	shalt  }
0x4d: {  	_ =	shalt  }
0x4e: {  	_ =	shalt  }
0x4f: {  	_ =	shalt  }
0x50: {  	_ =	shalt  }
0x51: {  	_ =	shalt  }
0x52: {  	_ =	shalt  }
0x53: {  	_ =	shalt  }
0x54: {  	_ =	shalt  }
0x55: {  	_ =	shalt  }
0x56: {  	_ =	shalt  }
0x57: {  	_ =	shalt  }
0x58: {  	_ =	shalt  }
0x59: {  	_ =	shalt  }
0x5a: {  	_ =	shalt  }
0x5b: {  	_ =	shalt  }
0x5c: {  	_ =	shalt  }
0x5d: {  	_ =	shalt  }
0x5e: {  	_ =	shalt  }
0x5f: {  	_ =	shalt  }
0x60: {  	_ =	shalt  }
0x61: {  	_ =	shalt  }
0x62: {  	_ =	shalt  }
0x63: {  	_ =	shalt  }
0x64: {  	_ =	shalt  }
0x65: {  	_ =	shalt  }
0x66: {  	_ =	shalt  }
0x67: {  	_ =	shalt  }
0x68: {  	_ =	shalt  }
0x69: {  	_ =	shalt  }
0x6a: {  	_ =	shalt  }
0x6b: {  	_ =	shalt  }
0x6c: {  	_ =	shalt  }
0x6d: {  	_ =	shalt  }
0x6e: {  	_ =	shalt  }
0x6f: {  	_ =	shalt  }
0x70: {  	_ =	shalt  }
0x71: {  	_ =	shalt  }
0x72: {  	_ =	shalt  }
0x73: {  	_ =	shalt  }
0x74: {  	_ =	shalt  }
0x75: {  	_ =	shalt  }
0x76: {  	_ =	shalt  }
0x77: {  	_ =	shalt  }
0x78: {  	_ =	shalt  }
0x79: {  	_ =	shalt  }
0x7a: {  	_ =	shalt  }
0x7b: {  	_ =	shalt  }
0x7c: {  	_ =	shalt  }
0x7d: {  	_ =	shalt  }
0x7e: {  	_ =	shalt  }
0x7f: {  	_ =	shalt  }
0x80: {  	_ =	shalt  }
0x81: {  	_ =	shalt  }
0x82: {  	_ =	shalt  }
0x83: {  	_ =	shalt  }
0x84: {  	_ =	shalt  }
0x85: {  	_ =	shalt  }
0x86: {  	_ =	shalt  }
0x87: {  	_ =	shalt  }
.Lfunc_end0:
.L_simem_size_0:
called_computation.4_lowered:
.L_overlay_start_0:
0x88: {  	s2 =	sld [smem:$0x3FD9]  }
0x89: {  	s3 =	sld [smem:$0x3FFE];
	_ =	sdelay $0x1  }
0x8a: {  	s1 =	srdreg.scid  }
0x8b: {  	s0 =	sand.u32 $0x1, s1  }
0x8c: {  	s16 =	sshll.u32 s0, $0xA;
	s2 =	sadd.s32 s3, s2  }
0x8d: {  	s2 =	sadd.s32 s2, s16  }
0x8e: {  	[smem:$0x3FA3] =	sst s2  }
0x8f: {  	_ = 	snop  }
0x90: {  	(tm) =	ssettm $0x1  }
0x91: {  	s17 =	sld [smem:$0x3FFB];
	_ =	sdelay $0x3  }
0x92: {  	_ =	strace s17  }
0x93: {  	s2 =	sld [smem:$0x3FFC];
	_ =	sdelay $0x3  }
0x94: {  	_ =	strace s2  }
0x95: {  	s2 =	sld [smem:$0x3FFD];
	_ =	sdelay $0x3  }
0x96: {  	_ =	strace s2  }
0x97: {  	_ =	strace $0x8FFFFFFF  }
0x98: {  	s18 =	sld [smem:$0x3FDB];
	_ =	sdelay $0x1  }
0x99: {  	s19 =	simm.s32 $_scs_section_size  }
0x9a: {  	s4 =	simm.s32 $_size__tile_overlayer_lowered;
	s5 =	simm.s32 $_tile_overlayer_lowered  }
0x9b: {  	s22 =	simm.s32 $0x1BFF;
	s21 =	sshll.u32 s5, $0x1;
	s2 =	sadd.s32 s19, s18  }
0x9c: {  	s6 =	simm.s32 $0x0;
	s20 =	sshll.u32 s4, $0x1;
	s4 =	sadd.s32 s21, s2  }
0x9d: {  	[timem:s6], [sflag:s22] =	dma.local [hbm:s4], s20  }
0x9e: {  	_ =	swait.ge [sflag:s22], s20  }
0x9f: {  	s3 =	ssub.s32 $0x0, s20;
	[sflag:s22] =	ssyncset.done $0x0  }
0xa0: {  	[sflag:s22] =	ssyncadd.s32 s3;
	_ =	sdelay $0x1  }
0xa1: {  	s23 =	simm.s32 $0x1B8B  }
0xa2: {  	_ =	swait.ge [sflag:s23], $0x1  }
0xa3: {  	[sflag:s23] =	ssyncset.done $0x0  }
0xa4: {  	s25 =	simm.s32 $0x1B8E;
	s24 =	sld [smem:$0x3FFE];
	[sflag:s23] =	ssyncadd.s32 $0xFFFFFFFF  }
0xa5: {  	s26 =	simm.s32 $execute0_lowered;
	[smem:$0x3FD2] =	sst s25  }
0xa6: {  	s4 =	sshll.u32 s26, $0x1;
	_ =	strace $0x80000052;
	[dreg:$0x1] =	wrdreg $0xFFFFFFFF  }
0xa7: {  	s28 =	simm.s32 $_size_execute0_lowered;
	s2 =	sadd.s32 s2, s4;
	[dreg:$0x0] =	wrdreg $0x0  }
0xa8: {  	s4 =	sshll.u32 s28, $0x1;
	[dreg:$0x2] =	wrdreg s2  }
0xa9: {  	[dreg:$0x3] =	wrdreg s4  }
0xaa: {  	[dreg:$0x4] =	wrdreg $0xC0  }
0xab: {  	_ =	task [dreg:s6], $0x5FFFF  }
0xac: {  	[dreg:$0x1] =	wrdreg $0xFFFFFFFF  }
0xad: {  	[dreg:$0x0] =	wrdreg $0x60  }
0xae: {  	[dreg:$0x2] =	wrdreg s24  }
0xaf: {  	[dreg:$0x3] =	wrdreg $0x10D200  }
0xb0: {  	[dreg:$0x4] =	wrdreg $0xBF000  }
0xb1: {  	[dreg:$0x5] =	wrdreg $0x9  }
0xb2: {  	_ =	task.clear_ibuf [dreg:s6], $0x6FFFF;
	_ =	strace $0x90000052  }
0xb3: {  	s29 =	simm.s32 $0x9;
	_ =	strace $0x80000054  }
0xb4: {  	_ =	swait.ge [sflag:s29], $0x1  }
0xb5: {  	[sflag:s29] =	ssyncadd.s32 $0xFFFFFFFF  }
0xb6: {  	_ =	strace $0x90000054  }
0xb7: {  	_ =	sfence  }
0xb8: {  	s30 =	sld [smem:$0x0];
	_ =	sdelay $0x2  }
0xb9: {  	s31 =	sshll.u32 s1, $0xD;
	s1 =	sshrl.u32 s1, $0x2  }
0xba: {  	s3 =	sand.u32 $0x4000, s31;
	s1 =	sadd.s32 s1, s30  }
0xbb: {  	s0 =	sor.u32 s3, s0;
	s1 =	sshll.u32 s1, $0x11  }
0xbc: {  	s0 =	sor.u32 s1, s0  }
0xbd: {  	s0 =	sadd.s32 $0x8F2B, s0  }
0xbe: {  	[sflag:s0] =	ssyncadd.remote.s32 $0x1  }
0xbf: {  	_ =	sfence.sel $0xFFFF  }
0xc0: {  	[dreg:$0x0] =	wrdreg $0xFFFFFFFF;
	(pc) =	sbr.abs _section_cstart, $3  }
0xc1: {  	[dreg:$0x1] =	wrdreg $0xFFFFFFFF  }
0xc2: {  	_ =	task.clear_ibuf [dreg:s6], $0x2FFFF;
	_ =	strace $0x9FFFFFFF  }
0xc3: {  	(tm) =	ssettm $0x7FFFFFFF  }
tec
execute0_lowered:
.L_overlay_start_1:
0x0: {  	(tag) =	ssettag $0x1  }
0x1: {  	s0 =	rddreg [dreg:$0x0]  }
0x2: {  	s2 =	rddreg [dreg:$0x1]  }
0x3: {  	s3 =	rddreg [dreg:$0x2]  }
0x4: {  	s1 =	stileid.u32;
	s5 =	srdreg.scid;
	s4 =	simm.s32 $0x0  }
0x5: {  	s14 =	simm.s32 $0x3;
	s16 =	simm.s32 $0x7000;
	s18 =	simm.s32 $0x1  }
0x6: {  	s19 =	simm.s32 $0x4;
	s20 =	simm.s32 $0x10;
	s21 =	simm.s32 $0x80  }
0x7: {  	s22 =	simm.s32 $0x5000;
	s23 =	simm.s32 $0x6000;
	s24 =	simm.s32 $0x2  }
0x8: {  	s28 =	simm.s32 $0x4F80;
	s29 =	simm.s32 $0x20;
	s6 =	smul.u32 $0x13880, s1  }
0x9: {  	s5 =	sand.u32 $0x1, s5;
	s7 =	smul.u32 $0x13C00, s1;
	[smem:$0x7FF] =	sst s4  }
0xa: {  	s31 =	sshll.u32 s1, $0x6;
	s8 =	sshll.u32 s5, $0x4;
	s9 =	smul.u32 $0x278000, s5  }
0xb: {  	_ =	strace $0x80000053;
	s5 =	ssub.s32 $0x2, s5;
	s17 =	sor.u32 $0x1C03, s31  }
0xc: {  	s10 =	sshrl.u32 s6, $0x3;
	s8 =	sor.u32 s1, s8;
	s25 =	sshrl.u32 s5, $0x1  }
0xd: {  	s30 =	sshrl.u32 s6, $0x2;
	s8 =	smul.u32 $0x500, s8;
	s9 =	sadd.s32 s7, s9  }
0xe: {  	s11 =	sadd.s32 s10, s0;
	s13 =	ssub.s32 s5, s25;
	s7 =	sshrl.u32 s7, $0x2  }
0xf: {  	s25 =	simm.s32 $0x2780;
	s9 =	sshrl.u32 s9, $0x3;
	s7 =	sadd.s32 s7, s2  }
0x10: {  	s13 =	smax.u32 s13, $0x1;
	s8 =	sadd.s32 s8, s0;
	s0 =	sadd.s32 s9, s0  }
0x11: {  	s9 =	sadd.s32 $0x1A800, s11;
	s11 =	sadd.s32 $0x1A804, s11;
	s26 =	sadd.s32 $0x10800, s8  }
0x12: {  	s6 =	sadd.s32 $0x6800, s8;
	s8 =	sadd.s32 s30, s3;
	s10 =	sadd.s32 $0x41A00, s0  }
0x13: {  	v0 =	vimm.f32 $0.0e+00;
	s12 =	sadd.s32 $0x69200, s0;
	[dreg:$0x4] =	wrdreg s26;
	s26 =	simm.s32 $0x4F00  }
.LBB2_1:
0x14: {  	s30 =	simm.s32 $0x80;
	s0 =	simm.s32 $0x0  }
.LBB2_2:
0x15: {  	p0 =	sne.s32 s30, $0x13B80;
	[tilespmem:s0+$0x7000] =	vst v0;
	s31 =	smov.u32 s30;
	s30 =	sadd.s32 $0x80, s30  }
.Ltmp0:
0x16: {  	[tilespmem:s0+$0x7010] =	vst v0;
	(pc) =	sbr.rel @p0 .LBB2_2-.Ltmp0, $2  }
0x17: {  	_ =	sdelay $0x2  }
0x18: {  	s0 =	sshra.s32 s31, $0x2  }
0x19: {  	[tilespmem:s0+$0x7000] =	vst v0  }
0x1a: {  	[tilespmem:s0+$0x7010] =	vst v0;
	s15 =	simm.s32 $0x0;
	s1 =	rddreg [dreg:$0x4]  }
0x1b: {  	[tilespmem:s15], [sflag:$0x3] =	stream.linear.gather [hbm4b:s1+s15], $0x2800, $0x38;
	[tilespmem:$0x15C20] =	vst v63  }
0x1c: {  	_ =	swait.ge [sflag:s14], $0x2800  }
0x1d: {  	[sflag:s14] =	ssyncset.done $0x0  }
0x1e: {  	s5 =	simm.s32 $0x2800;
	[sflag:s14] =	ssyncadd.s32 $0xFFFFD800  }
0x1f: {  	[tilespmem:s5], [sflag:$0x3] =	stream.linear.gather [hbm4b:s6+s15], $0x2800, $0x38;
	[tilespmem:$0x15C20] =	vst v63  }
0x20: {  	_ =	swait.ge [sflag:s14], $0x2800  }
0x21: {  	[sflag:s14] =	ssyncset.done $0x0  }
0x22: {  	[sflag:s14] =	ssyncadd.s32 $0xFFFFD800  }
0x23: {  	[spmem:s7] =	stream.linear.scatter [tilespmem:s16], [sflag:$0x3], $0x4F00, $0x38;
	[tilespmem:$0x15C20] =	vst v63  }
0x24: {  	_ =	swait.ge [sflag:s14], $0x4F00  }
0x25: {  	[sflag:s14] =	ssyncset.done $0x0  }
0x26: {  	s30 =	sshrl.u32 s8, $0x3;
	[sflag:s14] =	ssyncadd.s32 $0xFFFFB100  }
0x27: {  	[spmem:s30@s19], [sflag:s17] =	dma.strided [hbm:s9@s20], $0x9C4, s18, $0x4   }
0x28: {  	_ =	swait.ge [sflag:s14], $0x9C4  }
0x29: {  	[sflag:s14] =	ssyncset.done $0x0  }
0x2a: {  	[sflag:s14] =	ssyncadd.s32 $0xFFFFF63C  }
0x2b: {  	[bflag:$0x0] =	sbarrier.arrive $0xFFFF  }
0x2c: {  	[tilespmem:s22], [sflag:$0x1] =	stream.indirect.gather [spmem:s3], $0x20, s15, s21, $0xb8;
	[tilespmem:$0x15C20] =	vst v63  }
0x2d: {  	s15 =	simm.s32 $0x80  }
0x2e: {  	[tilespmem:s23], [sflag:$0x2] =	stream.indirect.gather [spmem:s3], $0x20, s15, s21, $0xb8;
	[tilespmem:$0x15C20] =	vst v63  }
0x2f: {  	_ =	swait.ge [sflag:s18], $0x1000  }
0x30: {  	[sflag:s18] =	ssyncset.done $0x0  }
0x31: {  	s1 =	simm.s32 $0x2800;
	[sflag:s18] =	ssyncadd.s32 $0xFFFFF000  }
0x32: {  	[spmem:s2] =	stream.indirect.scatter.add.f32 [tilespmem:s22], [sflag:$0x3], $0x20, s1, s21, $0xb8;
	[tilespmem:$0x15C20] =	vst v63  }
0x33: {  	_ =	swait.ge [sflag:s14], $0x1000  }
0x34: {  	[sflag:s14] =	ssyncset.done $0x0  }
0x35: {  	s5 =	simm.s32 $0x100;
	[sflag:s14] =	ssyncadd.s32 $0xFFFFF000  }
0x36: {  	[tilespmem:s22], [sflag:$0x1] =	stream.indirect.gather [spmem:s3], $0x20, s5, s21, $0xb8;
	[tilespmem:$0x15C20] =	vst v63  }
0x37: {  	_ =	swait.ge [sflag:s24], $0x1000  }
0x38: {  	[sflag:s24] =	ssyncset.done $0x0  }
0x39: {  	s15 =	simm.s32 $0x2880;
	[sflag:s24] =	ssyncadd.s32 $0xFFFFF000  }
0x3a: {  	[spmem:s2] =	stream.indirect.scatter.add.f32 [tilespmem:s23], [sflag:$0x3], $0x20, s15, s21, $0xb8;
	[tilespmem:$0x15C20] =	vst v63  }
0x3b: {  	_ =	swait.ge [sflag:s14], $0x1000  }
0x3c: {  	s0 =	simm.s32 $0x800;
	s31 =	simm.s32 $0x100;
	[sflag:s14] =	ssyncset.done $0x0  }
.LBB2_4:
0x3d: {  	s1 =	sadd.s32 $0x80, s31  }
0x3e: {  	[sflag:s14] =	ssyncadd.s32 $0xFFFFF000;
	s15 =	smov.u32 s0;
	s5 =	sadd.s32 $0x400, s0  }
0x3f: {  	[tilespmem:s23], [sflag:$0x2] =	stream.indirect.gather [spmem:s3], $0x20, s1, s21, $0xb8;
	[tilespmem:$0x15C20] =	vst v63  }
0x40: {  	p0 =	sne.s32 s0, $0x9800;
	_ =	swait.ge [sflag:s18], $0x1000  }
0x41: {  	[sflag:s18] =	ssyncset.done $0x0  }
0x42: {  	s0 =	sadd.s32 $0x2800, s31;
	[sflag:s18] =	ssyncadd.s32 $0xFFFFF000  }
0x43: {  	[spmem:s2] =	stream.indirect.scatter.add.f32 [tilespmem:s22], [sflag:$0x3], $0x20, s0, s21, $0xb8;
	[tilespmem:$0x15C20] =	vst v63  }
0x44: {  	_ =	swait.ge [sflag:s14], $0x1000  }
0x45: {  	[sflag:s14] =	ssyncset.done $0x0  }
0x46: {  	s0 =	sadd.s32 $0x100, s31;
	[sflag:s14] =	ssyncadd.s32 $0xFFFFF000  }
0x47: {  	[tilespmem:s22], [sflag:$0x1] =	stream.indirect.gather [spmem:s3], $0x20, s0, s21, $0xb8;
	[tilespmem:$0x15C20] =	vst v63  }
0x48: {  	_ =	swait.ge [sflag:s24], $0x1000  }
.Ltmp1:
0x49: {  	[sflag:s24] =	ssyncset.done $0x0;
	(pc) =	sbr.rel @p0 .LBB2_4-.Ltmp1, $4  }
0x4a: {  	s0 =	sadd.s32 $0x2880, s31;
	[sflag:s24] =	ssyncadd.s32 $0xFFFFF000  }
0x4b: {  	[spmem:s2] =	stream.indirect.scatter.add.f32 [tilespmem:s23], [sflag:$0x3], $0x20, s0, s21, $0xb8;
	[tilespmem:$0x15C20] =	vst v63  }
0x4c: {  	_ =	swait.ge [sflag:s14], $0x1000  }
0x4d: {  	s31 =	sshra.s32 s15, $0x2;
	s0 =	smov.u32 s5;
	[sflag:s14] =	ssyncset.done $0x0  }
0x4e: {  	s0 =	sadd.s32 $0x80, s31;
	[sflag:s14] =	ssyncadd.s32 $0xFFFFF000  }
0x4f: {  	[tilespmem:s23], [sflag:$0x2] =	stream.indirect.gather [spmem:s3], $0x20, s0, s21, $0xb8;
	[tilespmem:$0x15C20] =	vst v63  }
0x50: {  	_ =	swait.ge [sflag:s18], $0x1000  }
0x51: {  	[sflag:s18] =	ssyncset.done $0x0  }
0x52: {  	s1 =	sadd.s32 $0x2800, s31;
	[sflag:s18] =	ssyncadd.s32 $0xFFFFF000  }
0x53: {  	[spmem:s2] =	stream.indirect.scatter.add.f32 [tilespmem:s22], [sflag:$0x3], $0x20, s1, s21, $0xb8;
	[tilespmem:$0x15C20] =	vst v63  }
0x54: {  	_ =	swait.ge [sflag:s14], $0x1000  }
0x55: {  	[sflag:s14] =	ssyncset.done $0x0  }
0x56: {  	s5 =	sadd.s32 $0x100, s31;
	[sflag:s14] =	ssyncadd.s32 $0xFFFFF000  }
0x57: {  	[tilespmem:s22], [sflag:$0x1] =	stream.indirect.gather [spmem:s3], $0x20, s5, s21, $0xb8;
	[tilespmem:$0x15C20] =	vst v63  }
0x58: {  	_ =	swait.ge [sflag:s24], $0x1000  }
0x59: {  	[sflag:s24] =	ssyncset.done $0x0  }
0x5a: {  	s15 =	sadd.s32 $0x2880, s31;
	[sflag:s24] =	ssyncadd.s32 $0xFFFFF000  }
0x5b: {  	[spmem:s2] =	stream.indirect.scatter.add.f32 [tilespmem:s23], [sflag:$0x3], $0x20, s15, s21, $0xb8;
	[tilespmem:$0x15C20] =	vst v63  }
0x5c: {  	_ =	swait.ge [sflag:s14], $0x1000  }
0x5d: {  	[sflag:s14] =	ssyncset.done $0x0  }
0x5e: {  	[sflag:s14] =	ssyncadd.s32 $0xFFFFF000  }
0x5f: {  	[tilespmem:s23], [sflag:$0x2] =	stream.indirect.gather [spmem:s3], $0x20, s25, s21, $0xb8;
	[tilespmem:$0x15C20] =	vst v63  }
0x60: {  	_ =	swait.ge [sflag:s18], $0x1000  }
0x61: {  	[sflag:s18] =	ssyncset.done $0x0  }
0x62: {  	[sflag:s18] =	ssyncadd.s32 $0xFFFFF000  }
0x63: {  	[spmem:s2] =	stream.indirect.scatter.add.f32 [tilespmem:s22], [sflag:$0x3], $0x20, s26, s21, $0xb8;
	[tilespmem:$0x15C20] =	vst v63  }
0x64: {  	_ =	swait.ge [sflag:s14], $0x1000  }
0x65: {  	[sflag:s14] =	ssyncset.done $0x0  }
0x66: {  	[sflag:s14] =	ssyncadd.s32 $0xFFFFF000  }
0x67: {  	_ =	swait.ge [sflag:s24], $0x1000  }
0x68: {  	[sflag:s24] =	ssyncset.done $0x0  }
0x69: {  	[sflag:s24] =	ssyncadd.s32 $0xFFFFF000  }
0x6a: {  	[spmem:s2] =	stream.indirect.scatter.add.f32 [tilespmem:s23], [sflag:$0x3], $0x20, s28, s21, $0xb8;
	[tilespmem:$0x15C20] =	vst v63  }
0x6b: {  	_ =	swait.ge [sflag:s14], $0x1000  }
0x6c: {  	[sflag:s14] =	ssyncset.done $0x0  }
0x6d: {  	[sflag:s14] =	ssyncadd.s32 $0xFFFFF000  }
0x6e: {  	[bflag:$0x0] =	sbarrier.arrive $0xFFFF  }
0x6f: {  	[tilespmem:s16], [sflag:$0x3] =	stream.linear.gather [spmem:s7], $0x4F00, $0x38;
	[tilespmem:$0x15C20] =	vst v63  }
0x70: {  	_ =	swait.ge [sflag:s14], $0x4F00  }
0x71: {  	[sflag:s14] =	ssyncset.done $0x0  }
0x72: {  	[sflag:s14] =	ssyncadd.s32 $0xFFFFB100  }
0x73: {  	[hbm4b:s10+s29] =	stream.strided.scatter [tilespmem:s16], [sflag:$0x3], $0x4F00, s21, s29, $0x38;
	[tilespmem:$0x15C20] =	vst v63  }
0x74: {  	_ =	swait.ge [sflag:s14], $0x4F00  }
0x75: {  	[sflag:s14] =	ssyncset.done $0x0  }
0x76: {  	s31 =	simm.s32 $0x80;
	s0 =	simm.s32 $0x0;
	[sflag:s14] =	ssyncadd.s32 $0xFFFFB100  }
.LBB2_6:
0x77: {  	p0 =	sne.s32 s31, $0x13B80;
	[tilespmem:s0+$0x7000] =	vst v0;
	s1 =	smov.u32 s31;
	s31 =	sadd.s32 $0x80, s31  }
.Ltmp2:
0x78: {  	[tilespmem:s0+$0x7010] =	vst v0;
	(pc) =	sbr.rel @p0 .LBB2_6-.Ltmp2, $2  }
0x79: {  	_ =	sdelay $0x2  }
0x7a: {  	s0 =	sshra.s32 s1, $0x2  }
0x7b: {  	[tilespmem:s0+$0x7000] =	vst v0  }
0x7c: {  	[tilespmem:s0+$0x7010] =	vst v0  }
0x7d: {  	[spmem:s7] =	stream.linear.scatter [tilespmem:s16], [sflag:$0x3], $0x4F00, $0x38;
	[tilespmem:$0x15C20] =	vst v63  }
0x7e: {  	_ =	swait.ge [sflag:s14], $0x4F00  }
0x7f: {  	[sflag:s14] =	ssyncset.done $0x0  }
0x80: {  	[sflag:s14] =	ssyncadd.s32 $0xFFFFB100  }
0x81: {  	[spmem:s30@s19], [sflag:s17] =	dma.strided [hbm:s11@s20], $0x9C4, s18, $0x4   }
0x82: {  	_ =	swait.ge [sflag:s14], $0x9C4  }
0x83: {  	[sflag:s14] =	ssyncset.done $0x0  }
0x84: {  	[sflag:s14] =	ssyncadd.s32 $0xFFFFF63C  }
0x85: {  	s31 =	simm.s32 $0x0;
	[bflag:$0x0] =	sbarrier.arrive $0xFFFF  }
0x86: {  	[tilespmem:s22], [sflag:$0x1] =	stream.indirect.gather [spmem:s3], $0x20, s31, s21, $0xb8;
	[tilespmem:$0x15C20] =	vst v63  }
0x87: {  	s1 =	simm.s32 $0x80  }
0x88: {  	[tilespmem:s23], [sflag:$0x2] =	stream.indirect.gather [spmem:s3], $0x20, s1, s21, $0xb8;
	[tilespmem:$0x15C20] =	vst v63  }
0x89: {  	_ =	swait.ge [sflag:s18], $0x1000  }
0x8a: {  	[sflag:s18] =	ssyncset.done $0x0  }
0x8b: {  	s5 =	simm.s32 $0x2800;
	[sflag:s18] =	ssyncadd.s32 $0xFFFFF000  }
0x8c: {  	[spmem:s2] =	stream.indirect.scatter.add.f32 [tilespmem:s22], [sflag:$0x3], $0x20, s5, s21, $0xb8;
	[tilespmem:$0x15C20] =	vst v63  }
0x8d: {  	_ =	swait.ge [sflag:s14], $0x1000  }
0x8e: {  	[sflag:s14] =	ssyncset.done $0x0  }
0x8f: {  	s15 =	simm.s32 $0x100;
	[sflag:s14] =	ssyncadd.s32 $0xFFFFF000  }
0x90: {  	[tilespmem:s22], [sflag:$0x1] =	stream.indirect.gather [spmem:s3], $0x20, s15, s21, $0xb8;
	[tilespmem:$0x15C20] =	vst v63  }
0x91: {  	_ =	swait.ge [sflag:s24], $0x1000  }
0x92: {  	[sflag:s24] =	ssyncset.done $0x0  }
0x93: {  	s31 =	simm.s32 $0x2880;
	[sflag:s24] =	ssyncadd.s32 $0xFFFFF000  }
0x94: {  	[spmem:s2] =	stream.indirect.scatter.add.f32 [tilespmem:s23], [sflag:$0x3], $0x20, s31, s21, $0xb8;
	[tilespmem:$0x15C20] =	vst v63  }
0x95: {  	_ =	swait.ge [sflag:s14], $0x1000  }
0x96: {  	s0 =	simm.s32 $0x800;
	s30 =	simm.s32 $0x100;
	[sflag:s14] =	ssyncset.done $0x0  }
.LBB2_8:
0x97: {  	s1 =	sadd.s32 $0x80, s30  }
0x98: {  	[sflag:s14] =	ssyncadd.s32 $0xFFFFF000;
	s5 =	smov.u32 s0;
	s15 =	sadd.s32 $0x400, s0  }
0x99: {  	[tilespmem:s23], [sflag:$0x2] =	stream.indirect.gather [spmem:s3], $0x20, s1, s21, $0xb8;
	[tilespmem:$0x15C20] =	vst v63  }
0x9a: {  	p0 =	sne.s32 s0, $0x9800;
	_ =	swait.ge [sflag:s18], $0x1000  }
0x9b: {  	[sflag:s18] =	ssyncset.done $0x0  }
0x9c: {  	s0 =	sadd.s32 $0x2800, s30;
	[sflag:s18] =	ssyncadd.s32 $0xFFFFF000  }
0x9d: {  	[spmem:s2] =	stream.indirect.scatter.add.f32 [tilespmem:s22], [sflag:$0x3], $0x20, s0, s21, $0xb8;
	[tilespmem:$0x15C20] =	vst v63  }
0x9e: {  	_ =	swait.ge [sflag:s14], $0x1000  }
0x9f: {  	[sflag:s14] =	ssyncset.done $0x0  }
0xa0: {  	s0 =	sadd.s32 $0x100, s30;
	[sflag:s14] =	ssyncadd.s32 $0xFFFFF000  }
0xa1: {  	[tilespmem:s22], [sflag:$0x1] =	stream.indirect.gather [spmem:s3], $0x20, s0, s21, $0xb8;
	[tilespmem:$0x15C20] =	vst v63  }
0xa2: {  	_ =	swait.ge [sflag:s24], $0x1000  }
.Ltmp3:
0xa3: {  	[sflag:s24] =	ssyncset.done $0x0;
	(pc) =	sbr.rel @p0 .LBB2_8-.Ltmp3, $4  }
0xa4: {  	s0 =	sadd.s32 $0x2880, s30;
	[sflag:s24] =	ssyncadd.s32 $0xFFFFF000  }
0xa5: {  	[spmem:s2] =	stream.indirect.scatter.add.f32 [tilespmem:s23], [sflag:$0x3], $0x20, s0, s21, $0xb8;
	[tilespmem:$0x15C20] =	vst v63  }
0xa6: {  	_ =	swait.ge [sflag:s14], $0x1000  }
0xa7: {  	s30 =	sshra.s32 s5, $0x2;
	s0 =	smov.u32 s15;
	[sflag:s14] =	ssyncset.done $0x0  }
0xa8: {  	s0 =	sadd.s32 $0x80, s30;
	[sflag:s14] =	ssyncadd.s32 $0xFFFFF000  }
0xa9: {  	[tilespmem:s23], [sflag:$0x2] =	stream.indirect.gather [spmem:s3], $0x20, s0, s21, $0xb8;
	[tilespmem:$0x15C20] =	vst v63  }
0xaa: {  	_ =	swait.ge [sflag:s18], $0x1000  }
0xab: {  	[sflag:s18] =	ssyncset.done $0x0  }
0xac: {  	s1 =	sadd.s32 $0x2800, s30;
	[sflag:s18] =	ssyncadd.s32 $0xFFFFF000  }
0xad: {  	[spmem:s2] =	stream.indirect.scatter.add.f32 [tilespmem:s22], [sflag:$0x3], $0x20, s1, s21, $0xb8;
	[tilespmem:$0x15C20] =	vst v63  }
0xae: {  	_ =	swait.ge [sflag:s14], $0x1000  }
0xaf: {  	[sflag:s14] =	ssyncset.done $0x0  }
0xb0: {  	s5 =	sadd.s32 $0x100, s30;
	[sflag:s14] =	ssyncadd.s32 $0xFFFFF000  }
0xb1: {  	[tilespmem:s22], [sflag:$0x1] =	stream.indirect.gather [spmem:s3], $0x20, s5, s21, $0xb8;
	[tilespmem:$0x15C20] =	vst v63  }
0xb2: {  	_ =	swait.ge [sflag:s24], $0x1000  }
0xb3: {  	[sflag:s24] =	ssyncset.done $0x0  }
0xb4: {  	s15 =	sadd.s32 $0x2880, s30;
	[sflag:s24] =	ssyncadd.s32 $0xFFFFF000  }
0xb5: {  	[spmem:s2] =	stream.indirect.scatter.add.f32 [tilespmem:s23], [sflag:$0x3], $0x20, s15, s21, $0xb8;
	[tilespmem:$0x15C20] =	vst v63  }
0xb6: {  	_ =	swait.ge [sflag:s14], $0x1000  }
0xb7: {  	[sflag:s14] =	ssyncset.done $0x0  }
0xb8: {  	[sflag:s14] =	ssyncadd.s32 $0xFFFFF000  }
0xb9: {  	[tilespmem:s23], [sflag:$0x2] =	stream.indirect.gather [spmem:s3], $0x20, s25, s21, $0xb8;
	[tilespmem:$0x15C20] =	vst v63  }
0xba: {  	_ =	swait.ge [sflag:s18], $0x1000  }
0xbb: {  	[sflag:s18] =	ssyncset.done $0x0  }
0xbc: {  	[sflag:s18] =	ssyncadd.s32 $0xFFFFF000  }
0xbd: {  	[spmem:s2] =	stream.indirect.scatter.add.f32 [tilespmem:s22], [sflag:$0x3], $0x20, s26, s21, $0xb8;
	[tilespmem:$0x15C20] =	vst v63  }
0xbe: {  	_ =	swait.ge [sflag:s14], $0x1000  }
0xbf: {  	[sflag:s14] =	ssyncset.done $0x0  }
0xc0: {  	[sflag:s14] =	ssyncadd.s32 $0xFFFFF000  }
0xc1: {  	_ =	swait.ge [sflag:s24], $0x1000  }
0xc2: {  	[sflag:s24] =	ssyncset.done $0x0  }
0xc3: {  	[sflag:s24] =	ssyncadd.s32 $0xFFFFF000  }
0xc4: {  	[spmem:s2] =	stream.indirect.scatter.add.f32 [tilespmem:s23], [sflag:$0x3], $0x20, s28, s21, $0xb8;
	[tilespmem:$0x15C20] =	vst v63  }
0xc5: {  	_ =	swait.ge [sflag:s14], $0x1000  }
0xc6: {  	[sflag:s14] =	ssyncset.done $0x0  }
0xc7: {  	[sflag:s14] =	ssyncadd.s32 $0xFFFFF000  }
0xc8: {  	[bflag:$0x0] =	sbarrier.arrive $0xFFFF  }
0xc9: {  	[tilespmem:s16], [sflag:$0x3] =	stream.linear.gather [spmem:s7], $0x4F00, $0x38;
	[tilespmem:$0x15C20] =	vst v63  }
0xca: {  	_ =	swait.ge [sflag:s14], $0x4F00  }
0xcb: {  	[sflag:s14] =	ssyncset.done $0x0  }
0xcc: {  	[sflag:s14] =	ssyncadd.s32 $0xFFFFB100  }
0xcd: {  	[hbm4b:s12+s29] =	stream.strided.scatter [tilespmem:s16], [sflag:$0x3], $0x4F00, s21, s29, $0x38;
	[tilespmem:$0x15C20] =	vst v63  }
0xce: {  	_ =	swait.ge [sflag:s14], $0x4F00  }
0xcf: {  	[sflag:s14] =	ssyncset.done $0x0  }
0xd0: {  	s30 =	simm.s32 $0x80;
	s31 =	simm.s32 $0x0;
	[sflag:s14] =	ssyncadd.s32 $0xFFFFB100  }
.LBB2_10:
0xd1: {  	p0 =	sne.s32 s30, $0x13B80;
	[tilespmem:s31+$0x7000] =	vst v0;
	s0 =	smov.u32 s30;
	s30 =	sadd.s32 $0x80, s30  }
.Ltmp4:
0xd2: {  	[tilespmem:s31+$0x7010] =	vst v0;
	(pc) =	sbr.rel @p0 .LBB2_10-.Ltmp4, $2  }
0xd3: {  	_ =	sdelay $0x2  }
0xd4: {  	s31 =	sshra.s32 s0, $0x2  }
0xd5: {  	s4 =	sadd.s32 $0x1, s4  }
0xd6: {  	p0 =	sne.s32 s4, s13  }
.Ltmp5:
0xd7: {  	_ = 	snop;
	(pc) =	sbr.rel @p0 .LBB2_1-.Ltmp5, $3  }
0xd8: {  	_ =	sdelay $0x1  }
0xd9: {  	[tilespmem:s31+$0x7000] =	vst v0  }
0xda: {  	[tilespmem:s31+$0x7010] =	vst v0  }
0xdb: {  	_ =	sfence.sel $0x180000  }
0xdc: {  	[bflag:$0x0] =	sbarrier.arrive $0xFFFF  }
0xdd: {  	_ =	strace $0x90000053  }
0xde: {  	s0 =	stileid.u32;
	[bflag:$0x2] =	sbarrier.arrive $0xFFFF  }
0xdf: {  	p0 =	sne.s32 s0, $0x0;
	s0 =	rddreg [dreg:$0x3]  }
0xe0: {  	s0 =	sadd.s32 @!p0 $0x100000, s0  }
0xe1: {  	[sflag:s0] =	ssyncadd.tile.s32 @!p0 $0x1;
	_ =	shalt  }
.Lfunc_end2:
_tile_overlayer_lowered:
.L_overlay_start_2:
0xe2: {  	(tag) =	ssettag $0x2  }
0xe3: {  	s0 =	rddreg [dreg:$0x0];
	s2 =	stileid.u32  }
0xe4: {  	s1 =	rddreg [dreg:$0x1];
	p0 =	sne.s32 s2, $0x0  }
0xe5: {  	s3 =	rddreg [dreg:$0x2];
	[bflag:$0x3] =	sbarrier.arrive $0xFFFF;
	s2 =	simm.s32 @!p0 $0x1C03  }
0xe6: {  	[timem:s3], [sflag:s2] =	dma.local @!p0 [hbm:s0], s1  }
0xe7: {  	s0 =	simm.s32 @!p0 $0x3  }
0xe8: {  	_ =	swait.ge @!p0 [sflag:s0], s1  }
0xe9: {  	s1 =	ssub.s32 @!p0 $0x0, s1;
	[sflag:s0] =	ssyncset.done @!p0 $0x0  }
0xea: {  	[sflag:s0] =	ssyncadd.s32 @!p0 s1  }
0xeb: {  	[bflag:$0x3] =	sbarrier.arrive $0xFFFF  }
0xec: {  	_ =	shalt  }

</sc_bundles>
